<compile_context>
chip_gen: v7x
topology: tpu7x:2x2x1
jax: 0.10.2.dev20260603
libtpu: 0.0.44.dev20260713+nightly
codegen_flags: <defaults>
</compile_context>

<pallas_src>
import functools

import jax
import jax.numpy as jnp
from jax import lax
from jax.experimental import pallas as pl
from jax.experimental.pallas import tpu as pltpu
from jax.experimental.pallas import tpu_sc as plsc

N = 2048
K = 16
BLK = 256
GRID = N // BLK
D1 = 640
DM = 256
EBLK = 128
EGRID = N // EBLK
FBIG = 3.0e38
IBIG = 2**30


def _b16(x):
    return x.astype(jnp.bfloat16)




def _front_body(cp_ref, f_ref, csp_ref, w1_ref, b1_ref, w2_ref, b2_ref, x_ref):
    h = jnp.dot(_b16(cp_ref[...]), _b16(w1_ref[...]),
                preferred_element_type=jnp.float32)
    h = jnp.maximum(h + b1_ref[...], 0.0)
    h = jnp.dot(_b16(h), _b16(w2_ref[...]), preferred_element_type=jnp.float32)
    h = jnp.maximum(h + b2_ref[...], 0.0)
    x_ref[...] = jnp.concatenate([h, f_ref[...], csp_ref[...]], axis=1)


def _front(Cp, F, CSp, W1p, b1r, W2, b2r):
    return pl.pallas_call(
        _front_body,
        grid=(GRID,),
        in_specs=[
            pl.BlockSpec((BLK, 128), lambda i: (i, 0)),
            pl.BlockSpec((BLK, 512), lambda i: (i, 0)),
            pl.BlockSpec((BLK, 64), lambda i: (i, 0)),
            pl.BlockSpec((128, 64), lambda i: (0, 0)),
            pl.BlockSpec((1, 64), lambda i: (0, 0)),
            pl.BlockSpec((64, 64), lambda i: (0, 0)),
            pl.BlockSpec((1, 64), lambda i: (0, 0)),
        ],
        out_specs=pl.BlockSpec((BLK, D1), lambda i: (i, 0)),
        out_shape=jax.ShapeDtypeStruct((N, D1), jnp.float32),
    )(Cp, F, CSp, W1p, b1r, W2, b2r)


def _amm_body(x_ref, wa_ref, a_ref):
    a_ref[...] = jnp.dot(_b16(x_ref[...]), _b16(wa_ref[...]),
                         preferred_element_type=jnp.float32)


def _amm(X, Wa, d):
    return pl.pallas_call(
        _amm_body,
        grid=(GRID,),
        in_specs=[
            pl.BlockSpec((BLK, d), lambda i: (i, 0)),
            pl.BlockSpec((d, DM), lambda i: (0, 0)),
        ],
        out_specs=pl.BlockSpec((BLK, DM), lambda i: (i, 0)),
        out_shape=jax.ShapeDtypeStruct((N, DM), jnp.float32),
    )(X, Wa)


def _knn_body(xq_ref, xt_ref, idx_ref):
    xq = xq_ref[...]
    xt = xt_ref[...]
    inner = jnp.dot(_b16(xq), _b16(xt), preferred_element_type=jnp.float32)
    sq_q = jnp.sum(xq * xq, axis=1, keepdims=True)
    sq_k = jnp.sum(xt * xt, axis=0, keepdims=True)
    dist = sq_q - 2.0 * inner + sq_k
    iota = lax.broadcasted_iota(jnp.int32, dist.shape, 1)
    cols = []
    for _ in range(K):
        m = jnp.min(dist, axis=1, keepdims=True)
        sel = jnp.where(dist == m, iota, IBIG)
        j = jnp.min(sel, axis=1, keepdims=True)
        cols.append(j)
        dist = jnp.where(iota == j, FBIG, dist)
    idx_ref[...] = jnp.concatenate(cols, axis=1)


def _knn(X, XT, d):
    return pl.pallas_call(
        _knn_body,
        grid=(GRID,),
        in_specs=[
            pl.BlockSpec((BLK, d), lambda i: (i, 0)),
            pl.BlockSpec((d, N), lambda i: (0, 0)),
        ],
        out_specs=pl.BlockSpec((BLK, K), lambda i: (i, 0)),
        out_shape=jax.ShapeDtypeStruct((N, K), jnp.int32),
    )(X, XT)


def _edge_body(nb_ref, x_ref, a_ref, wb_ref, b_ref, e_ref, *, d):
    nb = nb_ref[...]
    xi = x_ref[...]
    diff = nb.reshape(EBLK, K, d) - xi[:, None, :]
    bm = jnp.dot(_b16(diff.reshape(EBLK * K, d)), _b16(wb_ref[...]),
                 preferred_element_type=jnp.float32)
    bmax = jnp.max(bm.reshape(EBLK, K, DM), axis=1)
    e_ref[...] = jnp.maximum((a_ref[...] + bmax) + b_ref[...], 0.0)


def _edge_res_body(nb_ref, x_ref, a_ref, wb_ref, b_ref, r_ref,
                   e_ref, xn_ref, *, d):
    nb = nb_ref[...]
    xi = x_ref[...]
    diff = nb.reshape(EBLK, K, d) - xi[:, None, :]
    bm = jnp.dot(_b16(diff.reshape(EBLK * K, d)), _b16(wb_ref[...]),
                 preferred_element_type=jnp.float32)
    bmax = jnp.max(bm.reshape(EBLK, K, DM), axis=1)
    e = jnp.maximum((a_ref[...] + bmax) + b_ref[...], 0.0)
    e_ref[...] = e
    xn_ref[...] = e + r_ref[...]


def _edgemax(A, nb, X, Wb, br, d):
    return pl.pallas_call(
        functools.partial(_edge_body, d=d),
        grid=(EGRID,),
        in_specs=[
            pl.BlockSpec((EBLK * K, d), lambda i: (i, 0)),
            pl.BlockSpec((EBLK, d), lambda i: (i, 0)),
            pl.BlockSpec((EBLK, DM), lambda i: (i, 0)),
            pl.BlockSpec((d, DM), lambda i: (0, 0)),
            pl.BlockSpec((1, DM), lambda i: (0, 0)),
        ],
        out_specs=pl.BlockSpec((EBLK, DM), lambda i: (i, 0)),
        out_shape=jax.ShapeDtypeStruct((N, DM), jnp.float32),
    )(nb, X, A, Wb, br)


def _edgemax_res(A, nb, X, Wb, br, R, d):
    return pl.pallas_call(
        functools.partial(_edge_res_body, d=d),
        grid=(EGRID,),
        in_specs=[
            pl.BlockSpec((EBLK * K, d), lambda i: (i, 0)),
            pl.BlockSpec((EBLK, d), lambda i: (i, 0)),
            pl.BlockSpec((EBLK, DM), lambda i: (i, 0)),
            pl.BlockSpec((d, DM), lambda i: (0, 0)),
            pl.BlockSpec((1, DM), lambda i: (0, 0)),
            pl.BlockSpec((EBLK, DM), lambda i: (i, 0)),
        ],
        out_specs=[
            pl.BlockSpec((EBLK, DM), lambda i: (i, 0)),
            pl.BlockSpec((EBLK, DM), lambda i: (i, 0)),
        ],
        out_shape=[
            jax.ShapeDtypeStruct((N, DM), jnp.float32),
            jax.ShapeDtypeStruct((N, DM), jnp.float32),
        ],
    )(nb, X, A, Wb, br, R)


def _head_body(x_ref, w6_ref, b6_ref, wot_ref, bo_ref, o_ref):
    h = jnp.dot(_b16(x_ref[...]), _b16(w6_ref[...]),
                preferred_element_type=jnp.float32)
    h = jnp.maximum(h + b6_ref[...], 0.0)
    hb = _b16(h).astype(jnp.float32)
    wb = _b16(wot_ref[...]).astype(jnp.float32)
    o = jnp.sum(hb * wb, axis=1, keepdims=True) + bo_ref[...]
    o_ref[...] = jnp.maximum(o, 0.0)


def _head(X4, W6, b6r, WoT, bor):
    return pl.pallas_call(
        _head_body,
        grid=(GRID,),
        in_specs=[
            pl.BlockSpec((BLK, DM), lambda i: (i, 0)),
            pl.BlockSpec((DM, 64), lambda i: (0, 0)),
            pl.BlockSpec((1, 64), lambda i: (0, 0)),
            pl.BlockSpec((1, 64), lambda i: (0, 0)),
            pl.BlockSpec((1, 1), lambda i: (0, 0)),
        ],
        out_specs=pl.BlockSpec((BLK, 1), lambda i: (i, 0)),
        out_shape=jax.ShapeDtypeStruct((N, 1), jnp.float32),
    )(X4, W6, b6r, WoT, bor)



_NC = 2
_NS = 16
_NW = _NC * _NS
_PPW = N // _NW
_RPW = _PPW * K


def _make_scgather(d, rc):
    nch = _RPW // rc

    def body(x_hbm, idxf_hbm, out_hbm, idx_v, rows_a, rows_b, sem_a, sem_b):
        wid = lax.axis_index("s") * _NC + lax.axis_index("c")
        r0 = pl.multiple_of(wid * _RPW, _RPW)
        pltpu.sync_copy(idxf_hbm.at[pl.ds(r0, _RPW)], idx_v)

        bufs = (rows_a, rows_b)
        sems = (sem_a, sem_b)

        def start(ch):
            return pltpu.async_copy(
                x_hbm.at[idx_v.at[pl.ds(ch * rc, rc)]],
                bufs[ch % 2],
                sems[ch % 2],
            )

        cp = start(0)
        for ch in range(nch):
            cp.wait()
            if ch + 1 < nch:
                cp = start(ch + 1)
            pltpu.sync_copy(bufs[ch % 2],
                            out_hbm.at[pl.ds(r0 + ch * rc, rc)])

    return pl.kernel(
        body,
        mesh=plsc.VectorSubcoreMesh(core_axis_name="c", subcore_axis_name="s"),
        out_type=jax.ShapeDtypeStruct((N * K, d), jnp.float32),
        scratch_types=[
            pltpu.VMEM((_RPW,), jnp.int32),
            pltpu.VMEM((rc, d), jnp.float32),
            pltpu.VMEM((rc, d), jnp.float32),
            pltpu.SemaphoreType.DMA,
            pltpu.SemaphoreType.DMA,
        ],
    )


@functools.cache
def _scgather_call(d):
    return _make_scgather(d, 64 if d == D1 else 128)


def _scgather(X, idxf):
    return _scgather_call(X.shape[1])(X, idxf)




def kernel(Coordinate3D, Feature512D, CenterScore, W1, b1, W2, b2, W3, b3,
           W4, b4, W5, b5, W6, b6, Wo, bo):
    C = Coordinate3D[0]
    F = Feature512D[0]
    CS = CenterScore[0]

    Cp = jnp.pad(C, ((0, 0), (0, 128 - 3)))
    CSp = jnp.pad(CS, ((0, 0), (0, 64 - 1)))
    W1p = jnp.pad(W1, ((0, 128 - 3), (0, 0)))

    d_cat = 577
    Wa1 = jnp.pad(W3[:d_cat], ((0, D1 - d_cat), (0, 0)))
    Wb1 = jnp.pad(W3[d_cat:], ((0, D1 - d_cat), (0, 0)))
    Wa2, Wb2 = W4[:DM], W4[DM:]
    Wa3, Wb3 = W5[:DM], W5[DM:]

    b1r = b1.reshape(1, -1)
    b2r = b2.reshape(1, -1)
    b3r = b3.reshape(1, -1)
    b4r = b4.reshape(1, -1)
    b5r = b5.reshape(1, -1)
    b6r = b6.reshape(1, -1)
    WoT = Wo.reshape(1, -1)
    bor = bo.reshape(1, 1)

    X1 = _front(Cp, F, CSp, W1p, b1r, W2, b2r)

    A1 = _amm(X1, Wa1, D1)
    idx1 = _knn(X1, X1.T, D1)
    nb1 = _scgather(X1, idx1.reshape(-1))
    E1 = _edgemax(A1, nb1, X1, Wb1, b3r, D1)

    A2 = _amm(E1, Wa2, DM)
    idx2 = _knn(E1, E1.T, DM)
    nb2 = _scgather(E1, idx2.reshape(-1))
    E2, X3 = _edgemax_res(A2, nb2, E1, Wb2, b4r, E1, DM)

    A3 = _amm(X3, Wa3, DM)
    idx3 = _knn(X3, X3.T, DM)
    nb3 = _scgather(X3, idx3.reshape(-1))
    _, X4 = _edgemax_res(A3, nb3, X3, Wb3, b5r, E2, DM)

    return _head(X4, W6, b6r, WoT, bor).reshape(1, N, 1)

# --- scband reference (transcript-rebuilt; emitter-appended) ---
"""Pipeline reference for scband-crg-3487513444515 (READ-ONLY COPY).

The authoritative reference and input builder live on the scoring server;
editing this copy changes nothing except your own understanding.
"""

import jax, jax.numpy as jnp
import numpy as np

K = 16

def dense_relu(x, W, b):
    return jax.nn.relu(jnp.matmul(x, W) + b)

def knn_idx(x, k):
    # x: [B, N, d] -> [B, N, k] indices of k nearest neighbors (incl. self)
    inner = jnp.einsum('bnd,bmd->bnm', x, x)
    sq = jnp.sum(x * x, axis=-1)
    dist = sq[:, :, None] - 2.0 * inner + sq[:, None, :]
    _, idx = jax.lax.top_k(-dist, k)
    return idx

def edge_conv(x, W, b, k=K):
    # DGCNN-style EdgeConv: dynamic kNN graph on current features,
    # edge feature [x_i, x_j - x_i], shared MLP (Dense+ReLU), max over neighbors.
    idx = knn_idx(x, k)
    nb = jax.vmap(lambda xi, ii: xi[ii])(x, idx)           # gather neighbors [B,N,k,d]
    xc = jnp.broadcast_to(x[:, :, None, :], nb.shape)
    edge = jnp.concatenate([xc, nb - xc], axis=-1)          # [B,N,k,2d]
    h = jax.nn.relu(jnp.matmul(edge, W) + b)                # [B,N,k,m]
    return jnp.max(h, axis=2)                               # [B,N,m]

def forward(Coordinate3D, Feature512D, CenterScore, W1, b1, W2, b2, W3, b3, W4, b4, W5, b5, W6, b6, Wo, bo):
    x = dense_relu(Coordinate3D, W1, b1)
    x = dense_relu(x, W2, b2)
    x = jnp.concatenate([x, Feature512D, CenterScore], axis=-1)
    x = edge_conv(x, W3, b3)
    e1 = x
    x = edge_conv(x, W4, b4)
    e2 = x
    x = x + e1
    x = edge_conv(x, W5, b5)
    x = x + e2
    x = dense_relu(x, W6, b6)
    x = dense_relu(x, Wo, bo)
    return x

def setup_inputs(seed: int = 0):
    key = jax.random.key(seed)
    ks = jax.random.split(key, 12)
    B, N = 1, 2048
    hidden, m0, m1, out_dim = 64, 256, 256, 1
    d_cat = hidden + 512 + 1  # 577
    def w(k, fi, fo):
        return jax.random.normal(k, (fi, fo), dtype=jnp.float32) * (1.0 / np.sqrt(fi))
    return {
        "Coordinate3D": jax.random.normal(ks[0], (B, N, 3), dtype=jnp.float32),
        "Feature512D": jax.random.normal(ks[1], (B, N, 512), dtype=jnp.float32),
        "CenterScore": jax.random.uniform(ks[2], (B, N, 1), dtype=jnp.float32),
        "W1": w(ks[3], 3, hidden), "b1": jnp.zeros((hidden,), jnp.float32),
        "W2": w(ks[4], hidden, hidden), "b2": jnp.zeros((hidden,), jnp.float32),
        "W3": w(ks[5], 2 * d_cat, m0), "b3": jnp.zeros((m0,), jnp.float32),
        "W4": w(ks[6], 2 * m0, m1), "b4": jnp.zeros((m1,), jnp.float32),
        "W5": w(ks[7], 2 * m1, m1), "b5": jnp.zeros((m1,), jnp.float32),
        "W6": w(ks[8], m1, hidden), "b6": jnp.zeros((hidden,), jnp.float32),
        "Wo": w(ks[9], hidden, out_dim), "bo": jnp.zeros((out_dim,), jnp.float32),
    }

def reference(Coordinate3D, Feature512D, CenterScore, W1, b1, W2, b2, W3, b3,
              W4, b4, W5, b5, W6, b6, Wo, bo):
    return forward(Coordinate3D, Feature512D, CenterScore,
                   W1, b1, W2, b2, W3, b3,
                   W4, b4, W5, b5, W6, b6,
                   Wo, bo)

if __name__ == "__main__":
    import jax
    _d = setup_inputs()
    print(jax.jit(kernel)(*tuple(_d.values())))

</pallas_src>

<mosaic_0001>
#map = affine_map<(d0, d1) -> (0, 0)>
#map1 = affine_map<(d0, d1) -> (0)>
module attributes {stable_mosaic.version = 14 : i64} {
  func.func @body(%arg0: i32, %arg1: i32, %arg2: memref<2048x256xf32, #tpu.memory_space<hbm>>, %arg3: memref<32768xi32, #tpu.memory_space<hbm>>, %arg4: memref<32768x256xf32, #tpu.memory_space<hbm>>, %arg5: memref<1024xi32, #tpu.memory_space<vmem>>, %arg6: memref<128x256xf32, #tpu.memory_space<vmem>>, %arg7: memref<128x256xf32, #tpu.memory_space<vmem>>, %arg8: memref<!tpu.dma_semaphore, #tpu.memory_space<semaphore_mem>>, %arg9: memref<!tpu.dma_semaphore, #tpu.memory_space<semaphore_mem>>) attributes {dimension_semantics = [#tpu.dimension_semantics<core_parallel>, #tpu.dimension_semantics<subcore_parallel>], iteration_bounds = array<i64: 2, 16>, scalar_prefetch = 0 : i64, scratch_operands = 5 : i64, tpu.core_type = #tpu.core_type<sc_vector_subcore>, window_params = [{transform_indices = #map}, {transform_indices = #map1}, {transform_indices = #map}]} {
    %mul3A = arith.constant 2 : i32
    %mul3A_0 = arith.muli %arg1, %mul3A : i32
    %add3A = arith.addi %mul3A_0, %arg0 : i32
    %mul3A_1 = arith.constant 1024 : i32
    %mul3A_2 = arith.muli %add3A, %mul3A_1 : i32
    %multiple_of3A = tpu.assume_multiple %mul3A_2, 1024 : i32
    "tpu.region"() ({
      %run_scoped3A = tpu.sem_alloc : memref<!tpu.dma_semaphore, #tpu.memory_space<semaphore_mem>>
      %dma_start3A_97 = tpu.memref_slice %arg3[%multiple_of3A] : memref<32768xi32, #tpu.memory_space<hbm>> -> memref<1024xi32, #tpu.memory_space<hbm>>
      %dma_start3A_98 = tpu.memref_slice %arg3[%multiple_of3A] : memref<32768xi32, #tpu.memory_space<hbm>> -> memref<1024xi32, #tpu.memory_space<hbm>>
      tpu.enqueue_dma source(%dma_start3A_98 : memref<1024xi32, #tpu.memory_space<hbm>>) target(%arg5 : memref<1024xi32, #tpu.memory_space<vmem>>) target_semaphore(%run_scoped3A : memref<!tpu.dma_semaphore, #tpu.memory_space<semaphore_mem>>)
      %dma_wait3A_99 = tpu.memref_slice %arg3[%multiple_of3A] : memref<32768xi32, #tpu.memory_space<hbm>> -> memref<1024xi32, #tpu.memory_space<hbm>>
      %dma_wait3A_100 = tpu.memref_slice %arg3[%multiple_of3A] : memref<32768xi32, #tpu.memory_space<hbm>> -> memref<1024xi32, #tpu.memory_space<hbm>>
      tpu.wait_dma2 semaphore(%run_scoped3A : memref<!tpu.dma_semaphore, #tpu.memory_space<semaphore_mem>>) src(%dma_wait3A_100 : memref<1024xi32, #tpu.memory_space<hbm>>) dst(%arg5 : memref<1024xi32, #tpu.memory_space<vmem>>)
      tpu.yield
    }) : () -> ()
    %dma_start3A = arith.constant 0 : i32
    %dma_start3A_3 = tpu.memref_slice %arg5[%dma_start3A] : memref<1024xi32, #tpu.memory_space<vmem>> -> memref<128xi32, #tpu.memory_space<vmem>>
    %dma_start3A_4 = arith.constant 0 : i32
    %dma_start3A_5 = arith.constant 0 : i32
    %dma_start3A_6 = tpu.memref_slice %arg2[%dma_start3A_4, %dma_start3A_5] : memref<2048x256xf32, #tpu.memory_space<hbm>> -> memref<2048x256xf32, #tpu.memory_space<hbm>>
    tpu.enqueue_indirect_dma source(%dma_start3A_6 : memref<2048x256xf32, #tpu.memory_space<hbm>>) target(%arg6 : memref<128x256xf32, #tpu.memory_space<vmem>>) offsets(%dma_start3A_3 : memref<128xi32, #tpu.memory_space<vmem>>) semaphore(%arg8 : memref<!tpu.dma_semaphore, #tpu.memory_space<semaphore_mem>>)
    %dma_wait3A = arith.constant 0 : i32
    %dma_wait3A_7 = tpu.memref_slice %arg5[%dma_wait3A] : memref<1024xi32, #tpu.memory_space<vmem>> -> memref<128xi32, #tpu.memory_space<vmem>>
    %dma_wait3A_8 = arith.constant 0 : i32
    %dma_wait3A_9 = arith.constant 0 : i32
    %dma_wait3A_10 = tpu.memref_slice %arg2[%dma_wait3A_8, %dma_wait3A_9] : memref<2048x256xf32, #tpu.memory_space<hbm>> -> memref<2048x256xf32, #tpu.memory_space<hbm>>
    tpu.wait_indirect_dma semaphore(%arg8 : memref<!tpu.dma_semaphore, #tpu.memory_space<semaphore_mem>>) src(%dma_wait3A_10 : memref<2048x256xf32, #tpu.memory_space<hbm>>) dst(%arg6 : memref<128x256xf32, #tpu.memory_space<vmem>>)
    %dma_start3A_11 = arith.constant 128 : i32
    %dma_start3A_12 = tpu.memref_slice %arg5[%dma_start3A_11] : memref<1024xi32, #tpu.memory_space<vmem>> -> memref<128xi32, #tpu.memory_space<vmem>>
    %dma_start3A_13 = arith.constant 0 : i32
    %dma_start3A_14 = arith.constant 0 : i32
    %dma_start3A_15 = tpu.memref_slice %arg2[%dma_start3A_13, %dma_start3A_14] : memref<2048x256xf32, #tpu.memory_space<hbm>> -> memref<2048x256xf32, #tpu.memory_space<hbm>>
    tpu.enqueue_indirect_dma source(%dma_start3A_15 : memref<2048x256xf32, #tpu.memory_space<hbm>>) target(%arg7 : memref<128x256xf32, #tpu.memory_space<vmem>>) offsets(%dma_start3A_12 : memref<128xi32, #tpu.memory_space<vmem>>) semaphore(%arg9 : memref<!tpu.dma_semaphore, #tpu.memory_space<semaphore_mem>>)
    %add3A_16 = arith.constant 0 : i32
    %add3A_17 = arith.addi %multiple_of3A, %add3A_16 : i32
    "tpu.region"() ({
      %run_scoped3A = tpu.sem_alloc : memref<!tpu.dma_semaphore, #tpu.memory_space<semaphore_mem>>
      %dma_start3A_97 = arith.constant 0 : i32
      %dma_start3A_98 = tpu.memref_slice %arg4[%add3A_17, %dma_start3A_97] : memref<32768x256xf32, #tpu.memory_space<hbm>> -> memref<128x256xf32, #tpu.memory_space<hbm>>
      %dma_start3A_99 = arith.constant 0 : i32
      %dma_start3A_100 = tpu.memref_slice %arg4[%add3A_17, %dma_start3A_99] : memref<32768x256xf32, #tpu.memory_space<hbm>> -> memref<128x256xf32, #tpu.memory_space<hbm>>
      tpu.enqueue_dma source(%arg6 : memref<128x256xf32, #tpu.memory_space<vmem>>) target(%dma_start3A_100 : memref<128x256xf32, #tpu.memory_space<hbm>>) target_semaphore(%run_scoped3A : memref<!tpu.dma_semaphore, #tpu.memory_space<semaphore_mem>>)
      %dma_wait3A_101 = arith.constant 0 : i32
      %dma_wait3A_102 = tpu.memref_slice %arg4[%add3A_17, %dma_wait3A_101] : memref<32768x256xf32, #tpu.memory_space<hbm>> -> memref<128x256xf32, #tpu.memory_space<hbm>>
      %dma_wait3A_103 = arith.constant 0 : i32
      %dma_wait3A_104 = tpu.memref_slice %arg4[%add3A_17, %dma_wait3A_103] : memref<32768x256xf32, #tpu.memory_space<hbm>> -> memref<128x256xf32, #tpu.memory_space<hbm>>
      tpu.wait_dma2 semaphore(%run_scoped3A : memref<!tpu.dma_semaphore, #tpu.memory_space<semaphore_mem>>) src(%arg6 : memref<128x256xf32, #tpu.memory_space<vmem>>) dst(%dma_wait3A_104 : memref<128x256xf32, #tpu.memory_space<hbm>>)
      tpu.yield
    }) : () -> ()
    %dma_wait3A_18 = arith.constant 128 : i32
    %dma_wait3A_19 = tpu.memref_slice %arg5[%dma_wait3A_18] : memref<1024xi32, #tpu.memory_space<vmem>> -> memref<128xi32, #tpu.memory_space<vmem>>
    %dma_wait3A_20 = arith.constant 0 : i32
    %dma_wait3A_21 = arith.constant 0 : i32
    %dma_wait3A_22 = tpu.memref_slice %arg2[%dma_wait3A_20, %dma_wait3A_21] : memref<2048x256xf32, #tpu.memory_space<hbm>> -> memref<2048x256xf32, #tpu.memory_space<hbm>>
    tpu.wait_indirect_dma semaphore(%arg9 : memref<!tpu.dma_semaphore, #tpu.memory_space<semaphore_mem>>) src(%dma_wait3A_22 : memref<2048x256xf32, #tpu.memory_space<hbm>>) dst(%arg7 : memref<128x256xf32, #tpu.memory_space<vmem>>)
    %dma_start3A_23 = arith.constant 256 : i32
    %dma_start3A_24 = tpu.memref_slice %arg5[%dma_start3A_23] : memref<1024xi32, #tpu.memory_space<vmem>> -> memref<128xi32, #tpu.memory_space<vmem>>
    %dma_start3A_25 = arith.constant 0 : i32
    %dma_start3A_26 = arith.constant 0 : i32
    %dma_start3A_27 = tpu.memref_slice %arg2[%dma_start3A_25, %dma_start3A_26] : memref<2048x256xf32, #tpu.memory_space<hbm>> -> memref<2048x256xf32, #tpu.memory_space<hbm>>
    tpu.enqueue_indirect_dma source(%dma_start3A_27 : memref<2048x256xf32, #tpu.memory_space<hbm>>) target(%arg6 : memref<128x256xf32, #tpu.memory_space<vmem>>) offsets(%dma_start3A_24 : memref<128xi32, #tpu.memory_space<vmem>>) semaphore(%arg8 : memref<!tpu.dma_semaphore, #tpu.memory_space<semaphore_mem>>)
    %add3A_28 = arith.constant 128 : i32
    %add3A_29 = arith.addi %multiple_of3A, %add3A_28 : i32
    "tpu.region"() ({
      %run_scoped3A = tpu.sem_alloc : memref<!tpu.dma_semaphore, #tpu.memory_space<semaphore_mem>>
      %dma_start3A_97 = arith.constant 0 : i32
      %dma_start3A_98 = tpu.memref_slice %arg4[%add3A_29, %dma_start3A_97] : memref<32768x256xf32, #tpu.memory_space<hbm>> -> memref<128x256xf32, #tpu.memory_space<hbm>>
      %dma_start3A_99 = arith.constant 0 : i32
      %dma_start3A_100 = tpu.memref_slice %arg4[%add3A_29, %dma_start3A_99] : memref<32768x256xf32, #tpu.memory_space<hbm>> -> memref<128x256xf32, #tpu.memory_space<hbm>>
      tpu.enqueue_dma source(%arg7 : memref<128x256xf32, #tpu.memory_space<vmem>>) target(%dma_start3A_100 : memref<128x256xf32, #tpu.memory_space<hbm>>) target_semaphore(%run_scoped3A : memref<!tpu.dma_semaphore, #tpu.memory_space<semaphore_mem>>)
      %dma_wait3A_101 = arith.constant 0 : i32
      %dma_wait3A_102 = tpu.memref_slice %arg4[%add3A_29, %dma_wait3A_101] : memref<32768x256xf32, #tpu.memory_space<hbm>> -> memref<128x256xf32, #tpu.memory_space<hbm>>
      %dma_wait3A_103 = arith.constant 0 : i32
      %dma_wait3A_104 = tpu.memref_slice %arg4[%add3A_29, %dma_wait3A_103] : memref<32768x256xf32, #tpu.memory_space<hbm>> -> memref<128x256xf32, #tpu.memory_space<hbm>>
      tpu.wait_dma2 semaphore(%run_scoped3A : memref<!tpu.dma_semaphore, #tpu.memory_space<semaphore_mem>>) src(%arg7 : memref<128x256xf32, #tpu.memory_space<vmem>>) dst(%dma_wait3A_104 : memref<128x256xf32, #tpu.memory_space<hbm>>)
      tpu.yield
    }) : () -> ()
    %dma_wait3A_30 = arith.constant 256 : i32
    %dma_wait3A_31 = tpu.memref_slice %arg5[%dma_wait3A_30] : memref<1024xi32, #tpu.memory_space<vmem>> -> memref<128xi32, #tpu.memory_space<vmem>>
    %dma_wait3A_32 = arith.constant 0 : i32
    %dma_wait3A_33 = arith.constant 0 : i32
    %dma_wait3A_34 = tpu.memref_slice %arg2[%dma_wait3A_32, %dma_wait3A_33] : memref<2048x256xf32, #tpu.memory_space<hbm>> -> memref<2048x256xf32, #tpu.memory_space<hbm>>
    tpu.wait_indirect_dma semaphore(%arg8 : memref<!tpu.dma_semaphore, #tpu.memory_space<semaphore_mem>>) src(%dma_wait3A_34 : memref<2048x256xf32, #tpu.memory_space<hbm>>) dst(%arg6 : memref<128x256xf32, #tpu.memory_space<vmem>>)
    %dma_start3A_35 = arith.constant 384 : i32
    %dma_start3A_36 = tpu.memref_slice %arg5[%dma_start3A_35] : memref<1024xi32, #tpu.memory_space<vmem>> -> memref<128xi32, #tpu.memory_space<vmem>>
    %dma_start3A_37 = arith.constant 0 : i32
    %dma_start3A_38 = arith.constant 0 : i32
    %dma_start3A_39 = tpu.memref_slice %arg2[%dma_start3A_37, %dma_start3A_38] : memref<2048x256xf32, #tpu.memory_space<hbm>> -> memref<2048x256xf32, #tpu.memory_space<hbm>>
    tpu.enqueue_indirect_dma source(%dma_start3A_39 : memref<2048x256xf32, #tpu.memory_space<hbm>>) target(%arg7 : memref<128x256xf32, #tpu.memory_space<vmem>>) offsets(%dma_start3A_36 : memref<128xi32, #tpu.memory_space<vmem>>) semaphore(%arg9 : memref<!tpu.dma_semaphore, #tpu.memory_space<semaphore_mem>>)
    %add3A_40 = arith.constant 256 : i32
    %add3A_41 = arith.addi %multiple_of3A, %add3A_40 : i32
    "tpu.region"() ({
      %run_scoped3A = tpu.sem_alloc : memref<!tpu.dma_semaphore, #tpu.memory_space<semaphore_mem>>
      %dma_start3A_97 = arith.constant 0 : i32
      %dma_start3A_98 = tpu.memref_slice %arg4[%add3A_41, %dma_start3A_97] : memref<32768x256xf32, #tpu.memory_space<hbm>> -> memref<128x256xf32, #tpu.memory_space<hbm>>
      %dma_start3A_99 = arith.constant 0 : i32
      %dma_start3A_100 = tpu.memref_slice %arg4[%add3A_41, %dma_start3A_99] : memref<32768x256xf32, #tpu.memory_space<hbm>> -> memref<128x256xf32, #tpu.memory_space<hbm>>
      tpu.enqueue_dma source(%arg6 : memref<128x256xf32, #tpu.memory_space<vmem>>) target(%dma_start3A_100 : memref<128x256xf32, #tpu.memory_space<hbm>>) target_semaphore(%run_scoped3A : memref<!tpu.dma_semaphore, #tpu.memory_space<semaphore_mem>>)
      %dma_wait3A_101 = arith.constant 0 : i32
      %dma_wait3A_102 = tpu.memref_slice %arg4[%add3A_41, %dma_wait3A_101] : memref<32768x256xf32, #tpu.memory_space<hbm>> -> memref<128x256xf32, #tpu.memory_space<hbm>>
      %dma_wait3A_103 = arith.constant 0 : i32
      %dma_wait3A_104 = tpu.memref_slice %arg4[%add3A_41, %dma_wait3A_103] : memref<32768x256xf32, #tpu.memory_space<hbm>> -> memref<128x256xf32, #tpu.memory_space<hbm>>
      tpu.wait_dma2 semaphore(%run_scoped3A : memref<!tpu.dma_semaphore, #tpu.memory_space<semaphore_mem>>) src(%arg6 : memref<128x256xf32, #tpu.memory_space<vmem>>) dst(%dma_wait3A_104 : memref<128x256xf32, #tpu.memory_space<hbm>>)
      tpu.yield
    }) : () -> ()
    %dma_wait3A_42 = arith.constant 384 : i32
    %dma_wait3A_43 = tpu.memref_slice %arg5[%dma_wait3A_42] : memref<1024xi32, #tpu.memory_space<vmem>> -> memref<128xi32, #tpu.memory_space<vmem>>
    %dma_wait3A_44 = arith.constant 0 : i32
    %dma_wait3A_45 = arith.constant 0 : i32
    %dma_wait3A_46 = tpu.memref_slice %arg2[%dma_wait3A_44, %dma_wait3A_45] : memref<2048x256xf32, #tpu.memory_space<hbm>> -> memref<2048x256xf32, #tpu.memory_space<hbm>>
    tpu.wait_indirect_dma semaphore(%arg9 : memref<!tpu.dma_semaphore, #tpu.memory_space<semaphore_mem>>) src(%dma_wait3A_46 : memref<2048x256xf32, #tpu.memory_space<hbm>>) dst(%arg7 : memref<128x256xf32, #tpu.memory_space<vmem>>)
    %dma_start3A_47 = arith.constant 512 : i32
    %dma_start3A_48 = tpu.memref_slice %arg5[%dma_start3A_47] : memref<1024xi32, #tpu.memory_space<vmem>> -> memref<128xi32, #tpu.memory_space<vmem>>
    %dma_start3A_49 = arith.constant 0 : i32
    %dma_start3A_50 = arith.constant 0 : i32
    %dma_start3A_51 = tpu.memref_slice %arg2[%dma_start3A_49, %dma_start3A_50] : memref<2048x256xf32, #tpu.memory_space<hbm>> -> memref<2048x256xf32, #tpu.memory_space<hbm>>
    tpu.enqueue_indirect_dma source(%dma_start3A_51 : memref<2048x256xf32, #tpu.memory_space<hbm>>) target(%arg6 : memref<128x256xf32, #tpu.memory_space<vmem>>) offsets(%dma_start3A_48 : memref<128xi32, #tpu.memory_space<vmem>>) semaphore(%arg8 : memref<!tpu.dma_semaphore, #tpu.memory_space<semaphore_mem>>)
    %add3A_52 = arith.constant 384 : i32
    %add3A_53 = arith.addi %multiple_of3A, %add3A_52 : i32
    "tpu.region"() ({
      %run_scoped3A = tpu.sem_alloc : memref<!tpu.dma_semaphore, #tpu.memory_space<semaphore_mem>>
      %dma_start3A_97 = arith.constant 0 : i32
      %dma_start3A_98 = tpu.memref_slice %arg4[%add3A_53, %dma_start3A_97] : memref<32768x256xf32, #tpu.memory_space<hbm>> -> memref<128x256xf32, #tpu.memory_space<hbm>>
      %dma_start3A_99 = arith.constant 0 : i32
      %dma_start3A_100 = tpu.memref_slice %arg4[%add3A_53, %dma_start3A_99] : memref<32768x256xf32, #tpu.memory_space<hbm>> -> memref<128x256xf32, #tpu.memory_space<hbm>>
      tpu.enqueue_dma source(%arg7 : memref<128x256xf32, #tpu.memory_space<vmem>>) target(%dma_start3A_100 : memref<128x256xf32, #tpu.memory_space<hbm>>) target_semaphore(%run_scoped3A : memref<!tpu.dma_semaphore, #tpu.memory_space<semaphore_mem>>)
      %dma_wait3A_101 = arith.constant 0 : i32
      %dma_wait3A_102 = tpu.memref_slice %arg4[%add3A_53, %dma_wait3A_101] : memref<32768x256xf32, #tpu.memory_space<hbm>> -> memref<128x256xf32, #tpu.memory_space<hbm>>
      %dma_wait3A_103 = arith.constant 0 : i32
      %dma_wait3A_104 = tpu.memref_slice %arg4[%add3A_53, %dma_wait3A_103] : memref<32768x256xf32, #tpu.memory_space<hbm>> -> memref<128x256xf32, #tpu.memory_space<hbm>>
      tpu.wait_dma2 semaphore(%run_scoped3A : memref<!tpu.dma_semaphore, #tpu.memory_space<semaphore_mem>>) src(%arg7 : memref<128x256xf32, #tpu.memory_space<vmem>>) dst(%dma_wait3A_104 : memref<128x256xf32, #tpu.memory_space<hbm>>)
      tpu.yield
    }) : () -> ()
    %dma_wait3A_54 = arith.constant 512 : i32
    %dma_wait3A_55 = tpu.memref_slice %arg5[%dma_wait3A_54] : memref<1024xi32, #tpu.memory_space<vmem>> -> memref<128xi32, #tpu.memory_space<vmem>>
    %dma_wait3A_56 = arith.constant 0 : i32
    %dma_wait3A_57 = arith.constant 0 : i32
    %dma_wait3A_58 = tpu.memref_slice %arg2[%dma_wait3A_56, %dma_wait3A_57] : memref<2048x256xf32, #tpu.memory_space<hbm>> -> memref<2048x256xf32, #tpu.memory_space<hbm>>
    tpu.wait_indirect_dma semaphore(%arg8 : memref<!tpu.dma_semaphore, #tpu.memory_space<semaphore_mem>>) src(%dma_wait3A_58 : memref<2048x256xf32, #tpu.memory_space<hbm>>) dst(%arg6 : memref<128x256xf32, #tpu.memory_space<vmem>>)
    %dma_start3A_59 = arith.constant 640 : i32
    %dma_start3A_60 = tpu.memref_slice %arg5[%dma_start3A_59] : memref<1024xi32, #tpu.memory_space<vmem>> -> memref<128xi32, #tpu.memory_space<vmem>>
    %dma_start3A_61 = arith.constant 0 : i32
    %dma_start3A_62 = arith.constant 0 : i32
    %dma_start3A_63 = tpu.memref_slice %arg2[%dma_start3A_61, %dma_start3A_62] : memref<2048x256xf32, #tpu.memory_space<hbm>> -> memref<2048x256xf32, #tpu.memory_space<hbm>>
    tpu.enqueue_indirect_dma source(%dma_start3A_63 : memref<2048x256xf32, #tpu.memory_space<hbm>>) target(%arg7 : memref<128x256xf32, #tpu.memory_space<vmem>>) offsets(%dma_start3A_60 : memref<128xi32, #tpu.memory_space<vmem>>) semaphore(%arg9 : memref<!tpu.dma_semaphore, #tpu.memory_space<semaphore_mem>>)
    %add3A_64 = arith.constant 512 : i32
    %add3A_65 = arith.addi %multiple_of3A, %add3A_64 : i32
    "tpu.region"() ({
      %run_scoped3A = tpu.sem_alloc : memref<!tpu.dma_semaphore, #tpu.memory_space<semaphore_mem>>
      %dma_start3A_97 = arith.constant 0 : i32
      %dma_start3A_98 = tpu.memref_slice %arg4[%add3A_65, %dma_start3A_97] : memref<32768x256xf32, #tpu.memory_space<hbm>> -> memref<128x256xf32, #tpu.memory_space<hbm>>
      %dma_start3A_99 = arith.constant 0 : i32
      %dma_start3A_100 = tpu.memref_slice %arg4[%add3A_65, %dma_start3A_99] : memref<32768x256xf32, #tpu.memory_space<hbm>> -> memref<128x256xf32, #tpu.memory_space<hbm>>
      tpu.enqueue_dma source(%arg6 : memref<128x256xf32, #tpu.memory_space<vmem>>) target(%dma_start3A_100 : memref<128x256xf32, #tpu.memory_space<hbm>>) target_semaphore(%run_scoped3A : memref<!tpu.dma_semaphore, #tpu.memory_space<semaphore_mem>>)
      %dma_wait3A_101 = arith.constant 0 : i32
      %dma_wait3A_102 = tpu.memref_slice %arg4[%add3A_65, %dma_wait3A_101] : memref<32768x256xf32, #tpu.memory_space<hbm>> -> memref<128x256xf32, #tpu.memory_space<hbm>>
      %dma_wait3A_103 = arith.constant 0 : i32
      %dma_wait3A_104 = tpu.memref_slice %arg4[%add3A_65, %dma_wait3A_103] : memref<32768x256xf32, #tpu.memory_space<hbm>> -> memref<128x256xf32, #tpu.memory_space<hbm>>
      tpu.wait_dma2 semaphore(%run_scoped3A : memref<!tpu.dma_semaphore, #tpu.memory_space<semaphore_mem>>) src(%arg6 : memref<128x256xf32, #tpu.memory_space<vmem>>) dst(%dma_wait3A_104 : memref<128x256xf32, #tpu.memory_space<hbm>>)
      tpu.yield
    }) : () -> ()
    %dma_wait3A_66 = arith.constant 640 : i32
    %dma_wait3A_67 = tpu.memref_slice %arg5[%dma_wait3A_66] : memref<1024xi32, #tpu.memory_space<vmem>> -> memref<128xi32, #tpu.memory_space<vmem>>
    %dma_wait3A_68 = arith.constant 0 : i32
    %dma_wait3A_69 = arith.constant 0 : i32
    %dma_wait3A_70 = tpu.memref_slice %arg2[%dma_wait3A_68, %dma_wait3A_69] : memref<2048x256xf32, #tpu.memory_space<hbm>> -> memref<2048x256xf32, #tpu.memory_space<hbm>>
    tpu.wait_indirect_dma semaphore(%arg9 : memref<!tpu.dma_semaphore, #tpu.memory_space<semaphore_mem>>) src(%dma_wait3A_70 : memref<2048x256xf32, #tpu.memory_space<hbm>>) dst(%arg7 : memref<128x256xf32, #tpu.memory_space<vmem>>)
    %dma_start3A_71 = arith.constant 768 : i32
    %dma_start3A_72 = tpu.memref_slice %arg5[%dma_start3A_71] : memref<1024xi32, #tpu.memory_space<vmem>> -> memref<128xi32, #tpu.memory_space<vmem>>
    %dma_start3A_73 = arith.constant 0 : i32
    %dma_start3A_74 = arith.constant 0 : i32
    %dma_start3A_75 = tpu.memref_slice %arg2[%dma_start3A_73, %dma_start3A_74] : memref<2048x256xf32, #tpu.memory_space<hbm>> -> memref<2048x256xf32, #tpu.memory_space<hbm>>
    tpu.enqueue_indirect_dma source(%dma_start3A_75 : memref<2048x256xf32, #tpu.memory_space<hbm>>) target(%arg6 : memref<128x256xf32, #tpu.memory_space<vmem>>) offsets(%dma_start3A_72 : memref<128xi32, #tpu.memory_space<vmem>>) semaphore(%arg8 : memref<!tpu.dma_semaphore, #tpu.memory_space<semaphore_mem>>)
    %add3A_76 = arith.constant 640 : i32
    %add3A_77 = arith.addi %multiple_of3A, %add3A_76 : i32
    "tpu.region"() ({
      %run_scoped3A = tpu.sem_alloc : memref<!tpu.dma_semaphore, #tpu.memory_space<semaphore_mem>>
      %dma_start3A_97 = arith.constant 0 : i32
      %dma_start3A_98 = tpu.memref_slice %arg4[%add3A_77, %dma_start3A_97] : memref<32768x256xf32, #tpu.memory_space<hbm>> -> memref<128x256xf32, #tpu.memory_space<hbm>>
      %dma_start3A_99 = arith.constant 0 : i32
      %dma_start3A_100 = tpu.memref_slice %arg4[%add3A_77, %dma_start3A_99] : memref<32768x256xf32, #tpu.memory_space<hbm>> -> memref<128x256xf32, #tpu.memory_space<hbm>>
      tpu.enqueue_dma source(%arg7 : memref<128x256xf32, #tpu.memory_space<vmem>>) target(%dma_start3A_100 : memref<128x256xf32, #tpu.memory_space<hbm>>) target_semaphore(%run_scoped3A : memref<!tpu.dma_semaphore, #tpu.memory_space<semaphore_mem>>)
      %dma_wait3A_101 = arith.constant 0 : i32
      %dma_wait3A_102 = tpu.memref_slice %arg4[%add3A_77, %dma_wait3A_101] : memref<32768x256xf32, #tpu.memory_space<hbm>> -> memref<128x256xf32, #tpu.memory_space<hbm>>
      %dma_wait3A_103 = arith.constant 0 : i32
      %dma_wait3A_104 = tpu.memref_slice %arg4[%add3A_77, %dma_wait3A_103] : memref<32768x256xf32, #tpu.memory_space<hbm>> -> memref<128x256xf32, #tpu.memory_space<hbm>>
      tpu.wait_dma2 semaphore(%run_scoped3A : memref<!tpu.dma_semaphore, #tpu.memory_space<semaphore_mem>>) src(%arg7 : memref<128x256xf32, #tpu.memory_space<vmem>>) dst(%dma_wait3A_104 : memref<128x256xf32, #tpu.memory_space<hbm>>)
      tpu.yield
    }) : () -> ()
    %dma_wait3A_78 = arith.constant 768 : i32
    %dma_wait3A_79 = tpu.memref_slice %arg5[%dma_wait3A_78] : memref<1024xi32, #tpu.memory_space<vmem>> -> memref<128xi32, #tpu.memory_space<vmem>>
    %dma_wait3A_80 = arith.constant 0 : i32
    %dma_wait3A_81 = arith.constant 0 : i32
    %dma_wait3A_82 = tpu.memref_slice %arg2[%dma_wait3A_80, %dma_wait3A_81] : memref<2048x256xf32, #tpu.memory_space<hbm>> -> memref<2048x256xf32, #tpu.memory_space<hbm>>
    tpu.wait_indirect_dma semaphore(%arg8 : memref<!tpu.dma_semaphore, #tpu.memory_space<semaphore_mem>>) src(%dma_wait3A_82 : memref<2048x256xf32, #tpu.memory_space<hbm>>) dst(%arg6 : memref<128x256xf32, #tpu.memory_space<vmem>>)
    %dma_start3A_83 = arith.constant 896 : i32
    %dma_start3A_84 = tpu.memref_slice %arg5[%dma_start3A_83] : memref<1024xi32, #tpu.memory_space<vmem>> -> memref<128xi32, #tpu.memory_space<vmem>>
    %dma_start3A_85 = arith.constant 0 : i32
    %dma_start3A_86 = arith.constant 0 : i32
    %dma_start3A_87 = tpu.memref_slice %arg2[%dma_start3A_85, %dma_start3A_86] : memref<2048x256xf32, #tpu.memory_space<hbm>> -> memref<2048x256xf32, #tpu.memory_space<hbm>>
    tpu.enqueue_indirect_dma source(%dma_start3A_87 : memref<2048x256xf32, #tpu.memory_space<hbm>>) target(%arg7 : memref<128x256xf32, #tpu.memory_space<vmem>>) offsets(%dma_start3A_84 : memref<128xi32, #tpu.memory_space<vmem>>) semaphore(%arg9 : memref<!tpu.dma_semaphore, #tpu.memory_space<semaphore_mem>>)
    %add3A_88 = arith.constant 768 : i32
    %add3A_89 = arith.addi %multiple_of3A, %add3A_88 : i32
    "tpu.region"() ({
      %run_scoped3A = tpu.sem_alloc : memref<!tpu.dma_semaphore, #tpu.memory_space<semaphore_mem>>
      %dma_start3A_97 = arith.constant 0 : i32
      %dma_start3A_98 = tpu.memref_slice %arg4[%add3A_89, %dma_start3A_97] : memref<32768x256xf32, #tpu.memory_space<hbm>> -> memref<128x256xf32, #tpu.memory_space<hbm>>
      %dma_start3A_99 = arith.constant 0 : i32
      %dma_start3A_100 = tpu.memref_slice %arg4[%add3A_89, %dma_start3A_99] : memref<32768x256xf32, #tpu.memory_space<hbm>> -> memref<128x256xf32, #tpu.memory_space<hbm>>
      tpu.enqueue_dma source(%arg6 : memref<128x256xf32, #tpu.memory_space<vmem>>) target(%dma_start3A_100 : memref<128x256xf32, #tpu.memory_space<hbm>>) target_semaphore(%run_scoped3A : memref<!tpu.dma_semaphore, #tpu.memory_space<semaphore_mem>>)
      %dma_wait3A_101 = arith.constant 0 : i32
      %dma_wait3A_102 = tpu.memref_slice %arg4[%add3A_89, %dma_wait3A_101] : memref<32768x256xf32, #tpu.memory_space<hbm>> -> memref<128x256xf32, #tpu.memory_space<hbm>>
      %dma_wait3A_103 = arith.constant 0 : i32
      %dma_wait3A_104 = tpu.memref_slice %arg4[%add3A_89, %dma_wait3A_103] : memref<32768x256xf32, #tpu.memory_space<hbm>> -> memref<128x256xf32, #tpu.memory_space<hbm>>
      tpu.wait_dma2 semaphore(%run_scoped3A : memref<!tpu.dma_semaphore, #tpu.memory_space<semaphore_mem>>) src(%arg6 : memref<128x256xf32, #tpu.memory_space<vmem>>) dst(%dma_wait3A_104 : memref<128x256xf32, #tpu.memory_space<hbm>>)
      tpu.yield
    }) : () -> ()
    %dma_wait3A_90 = arith.constant 896 : i32
    %dma_wait3A_91 = tpu.memref_slice %arg5[%dma_wait3A_90] : memref<1024xi32, #tpu.memory_space<vmem>> -> memref<128xi32, #tpu.memory_space<vmem>>
    %dma_wait3A_92 = arith.constant 0 : i32
    %dma_wait3A_93 = arith.constant 0 : i32
    %dma_wait3A_94 = tpu.memref_slice %arg2[%dma_wait3A_92, %dma_wait3A_93] : memref<2048x256xf32, #tpu.memory_space<hbm>> -> memref<2048x256xf32, #tpu.memory_space<hbm>>
    tpu.wait_indirect_dma semaphore(%arg9 : memref<!tpu.dma_semaphore, #tpu.memory_space<semaphore_mem>>) src(%dma_wait3A_94 : memref<2048x256xf32, #tpu.memory_space<hbm>>) dst(%arg7 : memref<128x256xf32, #tpu.memory_space<vmem>>)
    %add3A_95 = arith.constant 896 : i32
    %add3A_96 = arith.addi %multiple_of3A, %add3A_95 : i32
    "tpu.region"() ({
      %run_scoped3A = tpu.sem_alloc : memref<!tpu.dma_semaphore, #tpu.memory_space<semaphore_mem>>
      %dma_start3A_97 = arith.constant 0 : i32
      %dma_start3A_98 = tpu.memref_slice %arg4[%add3A_96, %dma_start3A_97] : memref<32768x256xf32, #tpu.memory_space<hbm>> -> memref<128x256xf32, #tpu.memory_space<hbm>>
      %dma_start3A_99 = arith.constant 0 : i32
      %dma_start3A_100 = tpu.memref_slice %arg4[%add3A_96, %dma_start3A_99] : memref<32768x256xf32, #tpu.memory_space<hbm>> -> memref<128x256xf32, #tpu.memory_space<hbm>>
      tpu.enqueue_dma source(%arg7 : memref<128x256xf32, #tpu.memory_space<vmem>>) target(%dma_start3A_100 : memref<128x256xf32, #tpu.memory_space<hbm>>) target_semaphore(%run_scoped3A : memref<!tpu.dma_semaphore, #tpu.memory_space<semaphore_mem>>)
      %dma_wait3A_101 = arith.constant 0 : i32
      %dma_wait3A_102 = tpu.memref_slice %arg4[%add3A_96, %dma_wait3A_101] : memref<32768x256xf32, #tpu.memory_space<hbm>> -> memref<128x256xf32, #tpu.memory_space<hbm>>
      %dma_wait3A_103 = arith.constant 0 : i32
      %dma_wait3A_104 = tpu.memref_slice %arg4[%add3A_96, %dma_wait3A_103] : memref<32768x256xf32, #tpu.memory_space<hbm>> -> memref<128x256xf32, #tpu.memory_space<hbm>>
      tpu.wait_dma2 semaphore(%run_scoped3A : memref<!tpu.dma_semaphore, #tpu.memory_space<semaphore_mem>>) src(%arg7 : memref<128x256xf32, #tpu.memory_space<vmem>>) dst(%dma_wait3A_104 : memref<128x256xf32, #tpu.memory_space<hbm>>)
      tpu.yield
    }) : () -> ()
    return
  }
}

#map = affine_map<(d0, d1) -> (0, 0)>
#map1 = affine_map<(d0, d1) -> (0)>
module attributes {stable_mosaic.version = 14 : i64} {
  func.func @body(%arg0: i32, %arg1: i32, %arg2: memref<2048x640xf32, #tpu.memory_space<hbm>>, %arg3: memref<32768xi32, #tpu.memory_space<hbm>>, %arg4: memref<32768x640xf32, #tpu.memory_space<hbm>>, %arg5: memref<1024xi32, #tpu.memory_space<vmem>>, %arg6: memref<64x640xf32, #tpu.memory_space<vmem>>, %arg7: memref<64x640xf32, #tpu.memory_space<vmem>>, %arg8: memref<!tpu.dma_semaphore, #tpu.memory_space<semaphore_mem>>, %arg9: memref<!tpu.dma_semaphore, #tpu.memory_space<semaphore_mem>>) attributes {dimension_semantics = [#tpu.dimension_semantics<core_parallel>, #tpu.dimension_semantics<subcore_parallel>], iteration_bounds = array<i64: 2, 16>, scalar_prefetch = 0 : i64, scratch_operands = 5 : i64, tpu.core_type = #tpu.core_type<sc_vector_subcore>, window_params = [{transform_indices = #map}, {transform_indices = #map1}, {transform_indices = #map}]} {
    %mul3A = arith.constant 2 : i32
    %mul3A_0 = arith.muli %arg1, %mul3A : i32
    %add3A = arith.addi %mul3A_0, %arg0 : i32
    %mul3A_1 = arith.constant 1024 : i32
    %mul3A_2 = arith.muli %add3A, %mul3A_1 : i32
    %multiple_of3A = tpu.assume_multiple %mul3A_2, 1024 : i32
    "tpu.region"() ({
      %run_scoped3A = tpu.sem_alloc : memref<!tpu.dma_semaphore, #tpu.memory_space<semaphore_mem>>
      %dma_start3A_193 = tpu.memref_slice %arg3[%multiple_of3A] : memref<32768xi32, #tpu.memory_space<hbm>> -> memref<1024xi32, #tpu.memory_space<hbm>>
      %dma_start3A_194 = tpu.memref_slice %arg3[%multiple_of3A] : memref<32768xi32, #tpu.memory_space<hbm>> -> memref<1024xi32, #tpu.memory_space<hbm>>
      tpu.enqueue_dma source(%dma_start3A_194 : memref<1024xi32, #tpu.memory_space<hbm>>) target(%arg5 : memref<1024xi32, #tpu.memory_space<vmem>>) target_semaphore(%run_scoped3A : memref<!tpu.dma_semaphore, #tpu.memory_space<semaphore_mem>>)
      %dma_wait3A_195 = tpu.memref_slice %arg3[%multiple_of3A] : memref<32768xi32, #tpu.memory_space<hbm>> -> memref<1024xi32, #tpu.memory_space<hbm>>
      %dma_wait3A_196 = tpu.memref_slice %arg3[%multiple_of3A] : memref<32768xi32, #tpu.memory_space<hbm>> -> memref<1024xi32, #tpu.memory_space<hbm>>
      tpu.wait_dma2 semaphore(%run_scoped3A : memref<!tpu.dma_semaphore, #tpu.memory_space<semaphore_mem>>) src(%dma_wait3A_196 : memref<1024xi32, #tpu.memory_space<hbm>>) dst(%arg5 : memref<1024xi32, #tpu.memory_space<vmem>>)
      tpu.yield
    }) : () -> ()
    %dma_start3A = arith.constant 0 : i32
    %dma_start3A_3 = tpu.memref_slice %arg5[%dma_start3A] : memref<1024xi32, #tpu.memory_space<vmem>> -> memref<64xi32, #tpu.memory_space<vmem>>
    %dma_start3A_4 = arith.constant 0 : i32
    %dma_start3A_5 = arith.constant 0 : i32
    %dma_start3A_6 = tpu.memref_slice %arg2[%dma_start3A_4, %dma_start3A_5] : memref<2048x640xf32, #tpu.memory_space<hbm>> -> memref<2048x640xf32, #tpu.memory_space<hbm>>
    tpu.enqueue_indirect_dma source(%dma_start3A_6 : memref<2048x640xf32, #tpu.memory_space<hbm>>) target(%arg6 : memref<64x640xf32, #tpu.memory_space<vmem>>) offsets(%dma_start3A_3 : memref<64xi32, #tpu.memory_space<vmem>>) semaphore(%arg8 : memref<!tpu.dma_semaphore, #tpu.memory_space<semaphore_mem>>)
    %dma_wait3A = arith.constant 0 : i32
    %dma_wait3A_7 = tpu.memref_slice %arg5[%dma_wait3A] : memref<1024xi32, #tpu.memory_space<vmem>> -> memref<64xi32, #tpu.memory_space<vmem>>
    %dma_wait3A_8 = arith.constant 0 : i32
    %dma_wait3A_9 = arith.constant 0 : i32
    %dma_wait3A_10 = tpu.memref_slice %arg2[%dma_wait3A_8, %dma_wait3A_9] : memref<2048x640xf32, #tpu.memory_space<hbm>> -> memref<2048x640xf32, #tpu.memory_space<hbm>>
    tpu.wait_indirect_dma semaphore(%arg8 : memref<!tpu.dma_semaphore, #tpu.memory_space<semaphore_mem>>) src(%dma_wait3A_10 : memref<2048x640xf32, #tpu.memory_space<hbm>>) dst(%arg6 : memref<64x640xf32, #tpu.memory_space<vmem>>)
    %dma_start3A_11 = arith.constant 64 : i32
    %dma_start3A_12 = tpu.memref_slice %arg5[%dma_start3A_11] : memref<1024xi32, #tpu.memory_space<vmem>> -> memref<64xi32, #tpu.memory_space<vmem>>
    %dma_start3A_13 = arith.constant 0 : i32
    %dma_start3A_14 = arith.constant 0 : i32
    %dma_start3A_15 = tpu.memref_slice %arg2[%dma_start3A_13, %dma_start3A_14] : memref<2048x640xf32, #tpu.memory_space<hbm>> -> memref<2048x640xf32, #tpu.memory_space<hbm>>
    tpu.enqueue_indirect_dma source(%dma_start3A_15 : memref<2048x640xf32, #tpu.memory_space<hbm>>) target(%arg7 : memref<64x640xf32, #tpu.memory_space<vmem>>) offsets(%dma_start3A_12 : memref<64xi32, #tpu.memory_space<vmem>>) semaphore(%arg9 : memref<!tpu.dma_semaphore, #tpu.memory_space<semaphore_mem>>)
    %add3A_16 = arith.constant 0 : i32
    %add3A_17 = arith.addi %multiple_of3A, %add3A_16 : i32
    "tpu.region"() ({
      %run_scoped3A = tpu.sem_alloc : memref<!tpu.dma_semaphore, #tpu.memory_space<semaphore_mem>>
      %dma_start3A_193 = arith.constant 0 : i32
      %dma_start3A_194 = tpu.memref_slice %arg4[%add3A_17, %dma_start3A_193] : memref<32768x640xf32, #tpu.memory_space<hbm>> -> memref<64x640xf32, #tpu.memory_space<hbm>>
      %dma_start3A_195 = arith.constant 0 : i32
      %dma_start3A_196 = tpu.memref_slice %arg4[%add3A_17, %dma_start3A_195] : memref<32768x640xf32, #tpu.memory_space<hbm>> -> memref<64x640xf32, #tpu.memory_space<hbm>>
      tpu.enqueue_dma source(%arg6 : memref<64x640xf32, #tpu.memory_space<vmem>>) target(%dma_start3A_196 : memref<64x640xf32, #tpu.memory_space<hbm>>) target_semaphore(%run_scoped3A : memref<!tpu.dma_semaphore, #tpu.memory_space<semaphore_mem>>)
      %dma_wait3A_197 = arith.constant 0 : i32
      %dma_wait3A_198 = tpu.memref_slice %arg4[%add3A_17, %dma_wait3A_197] : memref<32768x640xf32, #tpu.memory_space<hbm>> -> memref<64x640xf32, #tpu.memory_space<hbm>>
      %dma_wait3A_199 = arith.constant 0 : i32
      %dma_wait3A_200 = tpu.memref_slice %arg4[%add3A_17, %dma_wait3A_199] : memref<32768x640xf32, #tpu.memory_space<hbm>> -> memref<64x640xf32, #tpu.memory_space<hbm>>
      tpu.wait_dma2 semaphore(%run_scoped3A : memref<!tpu.dma_semaphore, #tpu.memory_space<semaphore_mem>>) src(%arg6 : memref<64x640xf32, #tpu.memory_space<vmem>>) dst(%dma_wait3A_200 : memref<64x640xf32, #tpu.memory_space<hbm>>)
      tpu.yield
    }) : () -> ()
    %dma_wait3A_18 = arith.constant 64 : i32
    %dma_wait3A_19 = tpu.memref_slice %arg5[%dma_wait3A_18] : memref<1024xi32, #tpu.memory_space<vmem>> -> memref<64xi32, #tpu.memory_space<vmem>>
    %dma_wait3A_20 = arith.constant 0 : i32
    %dma_wait3A_21 = arith.constant 0 : i32
    %dma_wait3A_22 = tpu.memref_slice %arg2[%dma_wait3A_20, %dma_wait3A_21] : memref<2048x640xf32, #tpu.memory_space<hbm>> -> memref<2048x640xf32, #tpu.memory_space<hbm>>
    tpu.wait_indirect_dma semaphore(%arg9 : memref<!tpu.dma_semaphore, #tpu.memory_space<semaphore_mem>>) src(%dma_wait3A_22 : memref<2048x640xf32, #tpu.memory_space<hbm>>) dst(%arg7 : memref<64x640xf32, #tpu.memory_space<vmem>>)
    %dma_start3A_23 = arith.constant 128 : i32
    %dma_start3A_24 = tpu.memref_slice %arg5[%dma_start3A_23] : memref<1024xi32, #tpu.memory_space<vmem>> -> memref<64xi32, #tpu.memory_space<vmem>>
    %dma_start3A_25 = arith.constant 0 : i32
    %dma_start3A_26 = arith.constant 0 : i32
    %dma_start3A_27 = tpu.memref_slice %arg2[%dma_start3A_25, %dma_start3A_26] : memref<2048x640xf32, #tpu.memory_space<hbm>> -> memref<2048x640xf32, #tpu.memory_space<hbm>>
    tpu.enqueue_indirect_dma source(%dma_start3A_27 : memref<2048x640xf32, #tpu.memory_space<hbm>>) target(%arg6 : memref<64x640xf32, #tpu.memory_space<vmem>>) offsets(%dma_start3A_24 : memref<64xi32, #tpu.memory_space<vmem>>) semaphore(%arg8 : memref<!tpu.dma_semaphore, #tpu.memory_space<semaphore_mem>>)
    %add3A_28 = arith.constant 64 : i32
    %add3A_29 = arith.addi %multiple_of3A, %add3A_28 : i32
    "tpu.region"() ({
      %run_scoped3A = tpu.sem_alloc : memref<!tpu.dma_semaphore, #tpu.memory_space<semaphore_mem>>
      %dma_start3A_193 = arith.constant 0 : i32
      %dma_start3A_194 = tpu.memref_slice %arg4[%add3A_29, %dma_start3A_193] : memref<32768x640xf32, #tpu.memory_space<hbm>> -> memref<64x640xf32, #tpu.memory_space<hbm>>
      %dma_start3A_195 = arith.constant 0 : i32
      %dma_start3A_196 = tpu.memref_slice %arg4[%add3A_29, %dma_start3A_195] : memref<32768x640xf32, #tpu.memory_space<hbm>> -> memref<64x640xf32, #tpu.memory_space<hbm>>
      tpu.enqueue_dma source(%arg7 : memref<64x640xf32, #tpu.memory_space<vmem>>) target(%dma_start3A_196 : memref<64x640xf32, #tpu.memory_space<hbm>>) target_semaphore(%run_scoped3A : memref<!tpu.dma_semaphore, #tpu.memory_space<semaphore_mem>>)
      %dma_wait3A_197 = arith.constant 0 : i32
      %dma_wait3A_198 = tpu.memref_slice %arg4[%add3A_29, %dma_wait3A_197] : memref<32768x640xf32, #tpu.memory_space<hbm>> -> memref<64x640xf32, #tpu.memory_space<hbm>>
      %dma_wait3A_199 = arith.constant 0 : i32
      %dma_wait3A_200 = tpu.memref_slice %arg4[%add3A_29, %dma_wait3A_199] : memref<32768x640xf32, #tpu.memory_space<hbm>> -> memref<64x640xf32, #tpu.memory_space<hbm>>
      tpu.wait_dma2 semaphore(%run_scoped3A : memref<!tpu.dma_semaphore, #tpu.memory_space<semaphore_mem>>) src(%arg7 : memref<64x640xf32, #tpu.memory_space<vmem>>) dst(%dma_wait3A_200 : memref<64x640xf32, #tpu.memory_space<hbm>>)
      tpu.yield
    }) : () -> ()
    %dma_wait3A_30 = arith.constant 128 : i32
    %dma_wait3A_31 = tpu.memref_slice %arg5[%dma_wait3A_30] : memref<1024xi32, #tpu.memory_space<vmem>> -> memref<64xi32, #tpu.memory_space<vmem>>
    %dma_wait3A_32 = arith.constant 0 : i32
    %dma_wait3A_33 = arith.constant 0 : i32
    %dma_wait3A_34 = tpu.memref_slice %arg2[%dma_wait3A_32, %dma_wait3A_33] : memref<2048x640xf32, #tpu.memory_space<hbm>> -> memref<2048x640xf32, #tpu.memory_space<hbm>>
    tpu.wait_indirect_dma semaphore(%arg8 : memref<!tpu.dma_semaphore, #tpu.memory_space<semaphore_mem>>) src(%dma_wait3A_34 : memref<2048x640xf32, #tpu.memory_space<hbm>>) dst(%arg6 : memref<64x640xf32, #tpu.memory_space<vmem>>)
    %dma_start3A_35 = arith.constant 192 : i32
    %dma_start3A_36 = tpu.memref_slice %arg5[%dma_start3A_35] : memref<1024xi32, #tpu.memory_space<vmem>> -> memref<64xi32, #tpu.memory_space<vmem>>
    %dma_start3A_37 = arith.constant 0 : i32
    %dma_start3A_38 = arith.constant 0 : i32
    %dma_start3A_39 = tpu.memref_slice %arg2[%dma_start3A_37, %dma_start3A_38] : memref<2048x640xf32, #tpu.memory_space<hbm>> -> memref<2048x640xf32, #tpu.memory_space<hbm>>
    tpu.enqueue_indirect_dma source(%dma_start3A_39 : memref<2048x640xf32, #tpu.memory_space<hbm>>) target(%arg7 : memref<64x640xf32, #tpu.memory_space<vmem>>) offsets(%dma_start3A_36 : memref<64xi32, #tpu.memory_space<vmem>>) semaphore(%arg9 : memref<!tpu.dma_semaphore, #tpu.memory_space<semaphore_mem>>)
    %add3A_40 = arith.constant 128 : i32
    %add3A_41 = arith.addi %multiple_of3A, %add3A_40 : i32
    "tpu.region"() ({
      %run_scoped3A = tpu.sem_alloc : memref<!tpu.dma_semaphore, #tpu.memory_space<semaphore_mem>>
      %dma_start3A_193 = arith.constant 0 : i32
      %dma_start3A_194 = tpu.memref_slice %arg4[%add3A_41, %dma_start3A_193] : memref<32768x640xf32, #tpu.memory_space<hbm>> -> memref<64x640xf32, #tpu.memory_space<hbm>>
      %dma_start3A_195 = arith.constant 0 : i32
      %dma_start3A_196 = tpu.memref_slice %arg4[%add3A_41, %dma_start3A_195] : memref<32768x640xf32, #tpu.memory_space<hbm>> -> memref<64x640xf32, #tpu.memory_space<hbm>>
      tpu.enqueue_dma source(%arg6 : memref<64x640xf32, #tpu.memory_space<vmem>>) target(%dma_start3A_196 : memref<64x640xf32, #tpu.memory_space<hbm>>) target_semaphore(%run_scoped3A : memref<!tpu.dma_semaphore, #tpu.memory_space<semaphore_mem>>)
      %dma_wait3A_197 = arith.constant 0 : i32
      %dma_wait3A_198 = tpu.memref_slice %arg4[%add3A_41, %dma_wait3A_197] : memref<32768x640xf32, #tpu.memory_space<hbm>> -> memref<64x640xf32, #tpu.memory_space<hbm>>
      %dma_wait3A_199 = arith.constant 0 : i32
      %dma_wait3A_200 = tpu.memref_slice %arg4[%add3A_41, %dma_wait3A_199] : memref<32768x640xf32, #tpu.memory_space<hbm>> -> memref<64x640xf32, #tpu.memory_space<hbm>>
      tpu.wait_dma2 semaphore(%run_scoped3A : memref<!tpu.dma_semaphore, #tpu.memory_space<semaphore_mem>>) src(%arg6 : memref<64x640xf32, #tpu.memory_space<vmem>>) dst(%dma_wait3A_200 : memref<64x640xf32, #tpu.memory_space<hbm>>)
      tpu.yield
    }) : () -> ()
    %dma_wait3A_42 = arith.constant 192 : i32
    %dma_wait3A_43 = tpu.memref_slice %arg5[%dma_wait3A_42] : memref<1024xi32, #tpu.memory_space<vmem>> -> memref<64xi32, #tpu.memory_space<vmem>>
    %dma_wait3A_44 = arith.constant 0 : i32
    %dma_wait3A_45 = arith.constant 0 : i32
    %dma_wait3A_46 = tpu.memref_slice %arg2[%dma_wait3A_44, %dma_wait3A_45] : memref<2048x640xf32, #tpu.memory_space<hbm>> -> memref<2048x640xf32, #tpu.memory_space<hbm>>
    tpu.wait_indirect_dma semaphore(%arg9 : memref<!tpu.dma_semaphore, #tpu.memory_space<semaphore_mem>>) src(%dma_wait3A_46 : memref<2048x640xf32, #tpu.memory_space<hbm>>) dst(%arg7 : memref<64x640xf32, #tpu.memory_space<vmem>>)
    %dma_start3A_47 = arith.constant 256 : i32
    %dma_start3A_48 = tpu.memref_slice %arg5[%dma_start3A_47] : memref<1024xi32, #tpu.memory_space<vmem>> -> memref<64xi32, #tpu.memory_space<vmem>>
    %dma_start3A_49 = arith.constant 0 : i32
    %dma_start3A_50 = arith.constant 0 : i32
    %dma_start3A_51 = tpu.memref_slice %arg2[%dma_start3A_49, %dma_start3A_50] : memref<2048x640xf32, #tpu.memory_space<hbm>> -> memref<2048x640xf32, #tpu.memory_space<hbm>>
    tpu.enqueue_indirect_dma source(%dma_start3A_51 : memref<2048x640xf32, #tpu.memory_space<hbm>>) target(%arg6 : memref<64x640xf32, #tpu.memory_space<vmem>>) offsets(%dma_start3A_48 : memref<64xi32, #tpu.memory_space<vmem>>) semaphore(%arg8 : memref<!tpu.dma_semaphore, #tpu.memory_space<semaphore_mem>>)
    %add3A_52 = arith.constant 192 : i32
    %add3A_53 = arith.addi %multiple_of3A, %add3A_52 : i32
    "tpu.region"() ({
      %run_scoped3A = tpu.sem_alloc : memref<!tpu.dma_semaphore, #tpu.memory_space<semaphore_mem>>
      %dma_start3A_193 = arith.constant 0 : i32
      %dma_start3A_194 = tpu.memref_slice %arg4[%add3A_53, %dma_start3A_193] : memref<32768x640xf32, #tpu.memory_space<hbm>> -> memref<64x640xf32, #tpu.memory_space<hbm>>
      %dma_start3A_195 = arith.constant 0 : i32
      %dma_start3A_196 = tpu.memref_slice %arg4[%add3A_53, %dma_start3A_195] : memref<32768x640xf32, #tpu.memory_space<hbm>> -> memref<64x640xf32, #tpu.memory_space<hbm>>
      tpu.enqueue_dma source(%arg7 : memref<64x640xf32, #tpu.memory_space<vmem>>) target(%dma_start3A_196 : memref<64x640xf32, #tpu.memory_space<hbm>>) target_semaphore(%run_scoped3A : memref<!tpu.dma_semaphore, #tpu.memory_space<semaphore_mem>>)
      %dma_wait3A_197 = arith.constant 0 : i32
      %dma_wait3A_198 = tpu.memref_slice %arg4[%add3A_53, %dma_wait3A_197] : memref<32768x640xf32, #tpu.memory_space<hbm>> -> memref<64x640xf32, #tpu.memory_space<hbm>>
      %dma_wait3A_199 = arith.constant 0 : i32
      %dma_wait3A_200 = tpu.memref_slice %arg4[%add3A_53, %dma_wait3A_199] : memref<32768x640xf32, #tpu.memory_space<hbm>> -> memref<64x640xf32, #tpu.memory_space<hbm>>
      tpu.wait_dma2 semaphore(%run_scoped3A : memref<!tpu.dma_semaphore, #tpu.memory_space<semaphore_mem>>) src(%arg7 : memref<64x640xf32, #tpu.memory_space<vmem>>) dst(%dma_wait3A_200 : memref<64x640xf32, #tpu.memory_space<hbm>>)
      tpu.yield
    }) : () -> ()
    %dma_wait3A_54 = arith.constant 256 : i32
    %dma_wait3A_55 = tpu.memref_slice %arg5[%dma_wait3A_54] : memref<1024xi32, #tpu.memory_space<vmem>> -> memref<64xi32, #tpu.memory_space<vmem>>
    %dma_wait3A_56 = arith.constant 0 : i32
    %dma_wait3A_57 = arith.constant 0 : i32
    %dma_wait3A_58 = tpu.memref_slice %arg2[%dma_wait3A_56, %dma_wait3A_57] : memref<2048x640xf32, #tpu.memory_space<hbm>> -> memref<2048x640xf32, #tpu.memory_space<hbm>>
    tpu.wait_indirect_dma semaphore(%arg8 : memref<!tpu.dma_semaphore, #tpu.memory_space<semaphore_mem>>) src(%dma_wait3A_58 : memref<2048x640xf32, #tpu.memory_space<hbm>>) dst(%arg6 : memref<64x640xf32, #tpu.memory_space<vmem>>)
    %dma_start3A_59 = arith.constant 320 : i32
    %dma_start3A_60 = tpu.memref_slice %arg5[%dma_start3A_59] : memref<1024xi32, #tpu.memory_space<vmem>> -> memref<64xi32, #tpu.memory_space<vmem>>
    %dma_start3A_61 = arith.constant 0 : i32
    %dma_start3A_62 = arith.constant 0 : i32
    %dma_start3A_63 = tpu.memref_slice %arg2[%dma_start3A_61, %dma_start3A_62] : memref<2048x640xf32, #tpu.memory_space<hbm>> -> memref<2048x640xf32, #tpu.memory_space<hbm>>
    tpu.enqueue_indirect_dma source(%dma_start3A_63 : memref<2048x640xf32, #tpu.memory_space<hbm>>) target(%arg7 : memref<64x640xf32, #tpu.memory_space<vmem>>) offsets(%dma_start3A_60 : memref<64xi32, #tpu.memory_space<vmem>>) semaphore(%arg9 : memref<!tpu.dma_semaphore, #tpu.memory_space<semaphore_mem>>)
    %add3A_64 = arith.constant 256 : i32
    %add3A_65 = arith.addi %multiple_of3A, %add3A_64 : i32
    "tpu.region"() ({
      %run_scoped3A = tpu.sem_alloc : memref<!tpu.dma_semaphore, #tpu.memory_space<semaphore_mem>>
      %dma_start3A_193 = arith.constant 0 : i32
      %dma_start3A_194 = tpu.memref_slice %arg4[%add3A_65, %dma_start3A_193] : memref<32768x640xf32, #tpu.memory_space<hbm>> -> memref<64x640xf32, #tpu.memory_space<hbm>>
      %dma_start3A_195 = arith.constant 0 : i32
      %dma_start3A_196 = tpu.memref_slice %arg4[%add3A_65, %dma_start3A_195] : memref<32768x640xf32, #tpu.memory_space<hbm>> -> memref<64x640xf32, #tpu.memory_space<hbm>>
      tpu.enqueue_dma source(%arg6 : memref<64x640xf32, #tpu.memory_space<vmem>>) target(%dma_start3A_196 : memref<64x640xf32, #tpu.memory_space<hbm>>) target_semaphore(%run_scoped3A : memref<!tpu.dma_semaphore, #tpu.memory_space<semaphore_mem>>)
      %dma_wait3A_197 = arith.constant 0 : i32
      %dma_wait3A_198 = tpu.memref_slice %arg4[%add3A_65, %dma_wait3A_197] : memref<32768x640xf32, #tpu.memory_space<hbm>> -> memref<64x640xf32, #tpu.memory_space<hbm>>
      %dma_wait3A_199 = arith.constant 0 : i32
      %dma_wait3A_200 = tpu.memref_slice %arg4[%add3A_65, %dma_wait3A_199] : memref<32768x640xf32, #tpu.memory_space<hbm>> -> memref<64x640xf32, #tpu.memory_space<hbm>>
      tpu.wait_dma2 semaphore(%run_scoped3A : memref<!tpu.dma_semaphore, #tpu.memory_space<semaphore_mem>>) src(%arg6 : memref<64x640xf32, #tpu.memory_space<vmem>>) dst(%dma_wait3A_200 : memref<64x640xf32, #tpu.memory_space<hbm>>)
      tpu.yield
    }) : () -> ()
    %dma_wait3A_66 = arith.constant 320 : i32
    %dma_wait3A_67 = tpu.memref_slice %arg5[%dma_wait3A_66] : memref<1024xi32, #tpu.memory_space<vmem>> -> memref<64xi32, #tpu.memory_space<vmem>>
    %dma_wait3A_68 = arith.constant 0 : i32
    %dma_wait3A_69 = arith.constant 0 : i32
    %dma_wait3A_70 = tpu.memref_slice %arg2[%dma_wait3A_68, %dma_wait3A_69] : memref<2048x640xf32, #tpu.memory_space<hbm>> -> memref<2048x640xf32, #tpu.memory_space<hbm>>
    tpu.wait_indirect_dma semaphore(%arg9 : memref<!tpu.dma_semaphore, #tpu.memory_space<semaphore_mem>>) src(%dma_wait3A_70 : memref<2048x640xf32, #tpu.memory_space<hbm>>) dst(%arg7 : memref<64x640xf32, #tpu.memory_space<vmem>>)
    %dma_start3A_71 = arith.constant 384 : i32
    %dma_start3A_72 = tpu.memref_slice %arg5[%dma_start3A_71] : memref<1024xi32, #tpu.memory_space<vmem>> -> memref<64xi32, #tpu.memory_space<vmem>>
    %dma_start3A_73 = arith.constant 0 : i32
    %dma_start3A_74 = arith.constant 0 : i32
    %dma_start3A_75 = tpu.memref_slice %arg2[%dma_start3A_73, %dma_start3A_74] : memref<2048x640xf32, #tpu.memory_space<hbm>> -> memref<2048x640xf32, #tpu.memory_space<hbm>>
    tpu.enqueue_indirect_dma source(%dma_start3A_75 : memref<2048x640xf32, #tpu.memory_space<hbm>>) target(%arg6 : memref<64x640xf32, #tpu.memory_space<vmem>>) offsets(%dma_start3A_72 : memref<64xi32, #tpu.memory_space<vmem>>) semaphore(%arg8 : memref<!tpu.dma_semaphore, #tpu.memory_space<semaphore_mem>>)
    %add3A_76 = arith.constant 320 : i32
    %add3A_77 = arith.addi %multiple_of3A, %add3A_76 : i32
    "tpu.region"() ({
      %run_scoped3A = tpu.sem_alloc : memref<!tpu.dma_semaphore, #tpu.memory_space<semaphore_mem>>
      %dma_start3A_193 = arith.constant 0 : i32
      %dma_start3A_194 = tpu.memref_slice %arg4[%add3A_77, %dma_start3A_193] : memref<32768x640xf32, #tpu.memory_space<hbm>> -> memref<64x640xf32, #tpu.memory_space<hbm>>
      %dma_start3A_195 = arith.constant 0 : i32
      %dma_start3A_196 = tpu.memref_slice %arg4[%add3A_77, %dma_start3A_195] : memref<32768x640xf32, #tpu.memory_space<hbm>> -> memref<64x640xf32, #tpu.memory_space<hbm>>
      tpu.enqueue_dma source(%arg7 : memref<64x640xf32, #tpu.memory_space<vmem>>) target(%dma_start3A_196 : memref<64x640xf32, #tpu.memory_space<hbm>>) target_semaphore(%run_scoped3A : memref<!tpu.dma_semaphore, #tpu.memory_space<semaphore_mem>>)
      %dma_wait3A_197 = arith.constant 0 : i32
      %dma_wait3A_198 = tpu.memref_slice %arg4[%add3A_77, %dma_wait3A_197] : memref<32768x640xf32, #tpu.memory_space<hbm>> -> memref<64x640xf32, #tpu.memory_space<hbm>>
      %dma_wait3A_199 = arith.constant 0 : i32
      %dma_wait3A_200 = tpu.memref_slice %arg4[%add3A_77, %dma_wait3A_199] : memref<32768x640xf32, #tpu.memory_space<hbm>> -> memref<64x640xf32, #tpu.memory_space<hbm>>
      tpu.wait_dma2 semaphore(%run_scoped3A : memref<!tpu.dma_semaphore, #tpu.memory_space<semaphore_mem>>) src(%arg7 : memref<64x640xf32, #tpu.memory_space<vmem>>) dst(%dma_wait3A_200 : memref<64x640xf32, #tpu.memory_space<hbm>>)
      tpu.yield
    }) : () -> ()
    %dma_wait3A_78 = arith.constant 384 : i32
    %dma_wait3A_79 = tpu.memref_slice %arg5[%dma_wait3A_78] : memref<1024xi32, #tpu.memory_space<vmem>> -> memref<64xi32, #tpu.memory_space<vmem>>
    %dma_wait3A_80 = arith.constant 0 : i32
    %dma_wait3A_81 = arith.constant 0 : i32
    %dma_wait3A_82 = tpu.memref_slice %arg2[%dma_wait3A_80, %dma_wait3A_81] : memref<2048x640xf32, #tpu.memory_space<hbm>> -> memref<2048x640xf32, #tpu.memory_space<hbm>>
    tpu.wait_indirect_dma semaphore(%arg8 : memref<!tpu.dma_semaphore, #tpu.memory_space<semaphore_mem>>) src(%dma_wait3A_82 : memref<2048x640xf32, #tpu.memory_space<hbm>>) dst(%arg6 : memref<64x640xf32, #tpu.memory_space<vmem>>)
    %dma_start3A_83 = arith.constant 448 : i32
    %dma_start3A_84 = tpu.memref_slice %arg5[%dma_start3A_83] : memref<1024xi32, #tpu.memory_space<vmem>> -> memref<64xi32, #tpu.memory_space<vmem>>
    %dma_start3A_85 = arith.constant 0 : i32
    %dma_start3A_86 = arith.constant 0 : i32
    %dma_start3A_87 = tpu.memref_slice %arg2[%dma_start3A_85, %dma_start3A_86] : memref<2048x640xf32, #tpu.memory_space<hbm>> -> memref<2048x640xf32, #tpu.memory_space<hbm>>
    tpu.enqueue_indirect_dma source(%dma_start3A_87 : memref<2048x640xf32, #tpu.memory_space<hbm>>) target(%arg7 : memref<64x640xf32, #tpu.memory_space<vmem>>) offsets(%dma_start3A_84 : memref<64xi32, #tpu.memory_space<vmem>>) semaphore(%arg9 : memref<!tpu.dma_semaphore, #tpu.memory_space<semaphore_mem>>)
    %add3A_88 = arith.constant 384 : i32
    %add3A_89 = arith.addi %multiple_of3A, %add3A_88 : i32
    "tpu.region"() ({
      %run_scoped3A = tpu.sem_alloc : memref<!tpu.dma_semaphore, #tpu.memory_space<semaphore_mem>>
      %dma_start3A_193 = arith.constant 0 : i32
      %dma_start3A_194 = tpu.memref_slice %arg4[%add3A_89, %dma_start3A_193] : memref<32768x640xf32, #tpu.memory_space<hbm>> -> memref<64x640xf32, #tpu.memory_space<hbm>>
      %dma_start3A_195 = arith.constant 0 : i32
      %dma_start3A_196 = tpu.memref_slice %arg4[%add3A_89, %dma_start3A_195] : memref<32768x640xf32, #tpu.memory_space<hbm>> -> memref<64x640xf32, #tpu.memory_space<hbm>>
      tpu.enqueue_dma source(%arg6 : memref<64x640xf32, #tpu.memory_space<vmem>>) target(%dma_start3A_196 : memref<64x640xf32, #tpu.memory_space<hbm>>) target_semaphore(%run_scoped3A : memref<!tpu.dma_semaphore, #tpu.memory_space<semaphore_mem>>)
      %dma_wait3A_197 = arith.constant 0 : i32
      %dma_wait3A_198 = tpu.memref_slice %arg4[%add3A_89, %dma_wait3A_197] : memref<32768x640xf32, #tpu.memory_space<hbm>> -> memref<64x640xf32, #tpu.memory_space<hbm>>
      %dma_wait3A_199 = arith.constant 0 : i32
      %dma_wait3A_200 = tpu.memref_slice %arg4[%add3A_89, %dma_wait3A_199] : memref<32768x640xf32, #tpu.memory_space<hbm>> -> memref<64x640xf32, #tpu.memory_space<hbm>>
      tpu.wait_dma2 semaphore(%run_scoped3A : memref<!tpu.dma_semaphore, #tpu.memory_space<semaphore_mem>>) src(%arg6 : memref<64x640xf32, #tpu.memory_space<vmem>>) dst(%dma_wait3A_200 : memref<64x640xf32, #tpu.memory_space<hbm>>)
      tpu.yield
    }) : () -> ()
    %dma_wait3A_90 = arith.constant 448 : i32
    %dma_wait3A_91 = tpu.memref_slice %arg5[%dma_wait3A_90] : memref<1024xi32, #tpu.memory_space<vmem>> -> memref<64xi32, #tpu.memory_space<vmem>>
    %dma_wait3A_92 = arith.constant 0 : i32
    %dma_wait3A_93 = arith.constant 0 : i32
    %dma_wait3A_94 = tpu.memref_slice %arg2[%dma_wait3A_92, %dma_wait3A_93] : memref<2048x640xf32, #tpu.memory_space<hbm>> -> memref<2048x640xf32, #tpu.memory_space<hbm>>
    tpu.wait_indirect_dma semaphore(%arg9 : memref<!tpu.dma_semaphore, #tpu.memory_space<semaphore_mem>>) src(%dma_wait3A_94 : memref<2048x640xf32, #tpu.memory_space<hbm>>) dst(%arg7 : memref<64x640xf32, #tpu.memory_space<vmem>>)
    %dma_start3A_95 = arith.constant 512 : i32
    %dma_start3A_96 = tpu.memref_slice %arg5[%dma_start3A_95] : memref<1024xi32, #tpu.memory_space<vmem>> -> memref<64xi32, #tpu.memory_space<vmem>>
    %dma_start3A_97 = arith.constant 0 : i32
    %dma_start3A_98 = arith.constant 0 : i32
    %dma_start3A_99 = tpu.memref_slice %arg2[%dma_start3A_97, %dma_start3A_98] : memref<2048x640xf32, #tpu.memory_space<hbm>> -> memref<2048x640xf32, #tpu.memory_space<hbm>>
    tpu.enqueue_indirect_dma source(%dma_start3A_99 : memref<2048x640xf32, #tpu.memory_space<hbm>>) target(%arg6 : memref<64x640xf32, #tpu.memory_space<vmem>>) offsets(%dma_start3A_96 : memref<64xi32, #tpu.memory_space<vmem>>) semaphore(%arg8 : memref<!tpu.dma_semaphore, #tpu.memory_space<semaphore_mem>>)
    %add3A_100 = arith.constant 448 : i32
    %add3A_101 = arith.addi %multiple_of3A, %add3A_100 : i32
    "tpu.region"() ({
      %run_scoped3A = tpu.sem_alloc : memref<!tpu.dma_semaphore, #tpu.memory_space<semaphore_mem>>
      %dma_start3A_193 = arith.constant 0 : i32
      %dma_start3A_194 = tpu.memref_slice %arg4[%add3A_101, %dma_start3A_193] : memref<32768x640xf32, #tpu.memory_space<hbm>> -> memref<64x640xf32, #tpu.memory_space<hbm>>
      %dma_start3A_195 = arith.constant 0 : i32
      %dma_start3A_196 = tpu.memref_slice %arg4[%add3A_101, %dma_start3A_195] : memref<32768x640xf32, #tpu.memory_space<hbm>> -> memref<64x640xf32, #tpu.memory_space<hbm>>
      tpu.enqueue_dma source(%arg7 : memref<64x640xf32, #tpu.memory_space<vmem>>) target(%dma_start3A_196 : memref<64x640xf32, #tpu.memory_space<hbm>>) target_semaphore(%run_scoped3A : memref<!tpu.dma_semaphore, #tpu.memory_space<semaphore_mem>>)
      %dma_wait3A_197 = arith.constant 0 : i32
      %dma_wait3A_198 = tpu.memref_slice %arg4[%add3A_101, %dma_wait3A_197] : memref<32768x640xf32, #tpu.memory_space<hbm>> -> memref<64x640xf32, #tpu.memory_space<hbm>>
      %dma_wait3A_199 = arith.constant 0 : i32
      %dma_wait3A_200 = tpu.memref_slice %arg4[%add3A_101, %dma_wait3A_199] : memref<32768x640xf32, #tpu.memory_space<hbm>> -> memref<64x640xf32, #tpu.memory_space<hbm>>
      tpu.wait_dma2 semaphore(%run_scoped3A : memref<!tpu.dma_semaphore, #tpu.memory_space<semaphore_mem>>) src(%arg7 : memref<64x640xf32, #tpu.memory_space<vmem>>) dst(%dma_wait3A_200 : memref<64x640xf32, #tpu.memory_space<hbm>>)
      tpu.yield
    }) : () -> ()
    %dma_wait3A_102 = arith.constant 512 : i32
    %dma_wait3A_103 = tpu.memref_slice %arg5[%dma_wait3A_102] : memref<1024xi32, #tpu.memory_space<vmem>> -> memref<64xi32, #tpu.memory_space<vmem>>
    %dma_wait3A_104 = arith.constant 0 : i32
    %dma_wait3A_105 = arith.constant 0 : i32
    %dma_wait3A_106 = tpu.memref_slice %arg2[%dma_wait3A_104, %dma_wait3A_105] : memref<2048x640xf32, #tpu.memory_space<hbm>> -> memref<2048x640xf32, #tpu.memory_space<hbm>>
    tpu.wait_indirect_dma semaphore(%arg8 : memref<!tpu.dma_semaphore, #tpu.memory_space<semaphore_mem>>) src(%dma_wait3A_106 : memref<2048x640xf32, #tpu.memory_space<hbm>>) dst(%arg6 : memref<64x640xf32, #tpu.memory_space<vmem>>)
    %dma_start3A_107 = arith.constant 576 : i32
    %dma_start3A_108 = tpu.memref_slice %arg5[%dma_start3A_107] : memref<1024xi32, #tpu.memory_space<vmem>> -> memref<64xi32, #tpu.memory_space<vmem>>
    %dma_start3A_109 = arith.constant 0 : i32
    %dma_start3A_110 = arith.constant 0 : i32
    %dma_start3A_111 = tpu.memref_slice %arg2[%dma_start3A_109, %dma_start3A_110] : memref<2048x640xf32, #tpu.memory_space<hbm>> -> memref<2048x640xf32, #tpu.memory_space<hbm>>
    tpu.enqueue_indirect_dma source(%dma_start3A_111 : memref<2048x640xf32, #tpu.memory_space<hbm>>) target(%arg7 : memref<64x640xf32, #tpu.memory_space<vmem>>) offsets(%dma_start3A_108 : memref<64xi32, #tpu.memory_space<vmem>>) semaphore(%arg9 : memref<!tpu.dma_semaphore, #tpu.memory_space<semaphore_mem>>)
    %add3A_112 = arith.constant 512 : i32
    %add3A_113 = arith.addi %multiple_of3A, %add3A_112 : i32
    "tpu.region"() ({
      %run_scoped3A = tpu.sem_alloc : memref<!tpu.dma_semaphore, #tpu.memory_space<semaphore_mem>>
      %dma_start3A_193 = arith.constant 0 : i32
      %dma_start3A_194 = tpu.memref_slice %arg4[%add3A_113, %dma_start3A_193] : memref<32768x640xf32, #tpu.memory_space<hbm>> -> memref<64x640xf32, #tpu.memory_space<hbm>>
      %dma_start3A_195 = arith.constant 0 : i32
      %dma_start3A_196 = tpu.memref_slice %arg4[%add3A_113, %dma_start3A_195] : memref<32768x640xf32, #tpu.memory_space<hbm>> -> memref<64x640xf32, #tpu.memory_space<hbm>>
      tpu.enqueue_dma source(%arg6 : memref<64x640xf32, #tpu.memory_space<vmem>>) target(%dma_start3A_196 : memref<64x640xf32, #tpu.memory_space<hbm>>) target_semaphore(%run_scoped3A : memref<!tpu.dma_semaphore, #tpu.memory_space<semaphore_mem>>)
      %dma_wait3A_197 = arith.constant 0 : i32
      %dma_wait3A_198 = tpu.memref_slice %arg4[%add3A_113, %dma_wait3A_197] : memref<32768x640xf32, #tpu.memory_space<hbm>> -> memref<64x640xf32, #tpu.memory_space<hbm>>
      %dma_wait3A_199 = arith.constant 0 : i32
      %dma_wait3A_200 = tpu.memref_slice %arg4[%add3A_113, %dma_wait3A_199] : memref<32768x640xf32, #tpu.memory_space<hbm>> -> memref<64x640xf32, #tpu.memory_space<hbm>>
      tpu.wait_dma2 semaphore(%run_scoped3A : memref<!tpu.dma_semaphore, #tpu.memory_space<semaphore_mem>>) src(%arg6 : memref<64x640xf32, #tpu.memory_space<vmem>>) dst(%dma_wait3A_200 : memref<64x640xf32, #tpu.memory_space<hbm>>)
      tpu.yield
    }) : () -> ()
    %dma_wait3A_114 = arith.constant 576 : i32
    %dma_wait3A_115 = tpu.memref_slice %arg5[%dma_wait3A_114] : memref<1024xi32, #tpu.memory_space<vmem>> -> memref<64xi32, #tpu.memory_space<vmem>>
    %dma_wait3A_116 = arith.constant 0 : i32
    %dma_wait3A_117 = arith.constant 0 : i32
    %dma_wait3A_118 = tpu.memref_slice %arg2[%dma_wait3A_116, %dma_wait3A_117] : memref<2048x640xf32, #tpu.memory_space<hbm>> -> memref<2048x640xf32, #tpu.memory_space<hbm>>
    tpu.wait_indirect_dma semaphore(%arg9 : memref<!tpu.dma_semaphore, #tpu.memory_space<semaphore_mem>>) src(%dma_wait3A_118 : memref<2048x640xf32, #tpu.memory_space<hbm>>) dst(%arg7 : memref<64x640xf32, #tpu.memory_space<vmem>>)
    %dma_start3A_119 = arith.constant 640 : i32
    %dma_start3A_120 = tpu.memref_slice %arg5[%dma_start3A_119] : memref<1024xi32, #tpu.memory_space<vmem>> -> memref<64xi32, #tpu.memory_space<vmem>>
    %dma_start3A_121 = arith.constant 0 : i32
    %dma_start3A_122 = arith.constant 0 : i32
    %dma_start3A_123 = tpu.memref_slice %arg2[%dma_start3A_121, %dma_start3A_122] : memref<2048x640xf32, #tpu.memory_space<hbm>> -> memref<2048x640xf32, #tpu.memory_space<hbm>>
    tpu.enqueue_indirect_dma source(%dma_start3A_123 : memref<2048x640xf32, #tpu.memory_space<hbm>>) target(%arg6 : memref<64x640xf32, #tpu.memory_space<vmem>>) offsets(%dma_start3A_120 : memref<64xi32, #tpu.memory_space<vmem>>) semaphore(%arg8 : memref<!tpu.dma_semaphore, #tpu.memory_space<semaphore_mem>>)
    %add3A_124 = arith.constant 576 : i32
    %add3A_125 = arith.addi %multiple_of3A, %add3A_124 : i32
    "tpu.region"() ({
      %run_scoped3A = tpu.sem_alloc : memref<!tpu.dma_semaphore, #tpu.memory_space<semaphore_mem>>
      %dma_start3A_193 = arith.constant 0 : i32
      %dma_start3A_194 = tpu.memref_slice %arg4[%add3A_125, %dma_start3A_193] : memref<32768x640xf32, #tpu.memory_space<hbm>> -> memref<64x640xf32, #tpu.memory_space<hbm>>
      %dma_start3A_195 = arith.constant 0 : i32
      %dma_start3A_196 = tpu.memref_slice %arg4[%add3A_125, %dma_start3A_195] : memref<32768x640xf32, #tpu.memory_space<hbm>> -> memref<64x640xf32, #tpu.memory_space<hbm>>
      tpu.enqueue_dma source(%arg7 : memref<64x640xf32, #tpu.memory_space<vmem>>) target(%dma_start3A_196 : memref<64x640xf32, #tpu.memory_space<hbm>>) target_semaphore(%run_scoped3A : memref<!tpu.dma_semaphore, #tpu.memory_space<semaphore_mem>>)
      %dma_wait3A_197 = arith.constant 0 : i32
      %dma_wait3A_198 = tpu.memref_slice %arg4[%add3A_125, %dma_wait3A_197] : memref<32768x640xf32, #tpu.memory_space<hbm>> -> memref<64x640xf32, #tpu.memory_space<hbm>>
      %dma_wait3A_199 = arith.constant 0 : i32
      %dma_wait3A_200 = tpu.memref_slice %arg4[%add3A_125, %dma_wait3A_199] : memref<32768x640xf32, #tpu.memory_space<hbm>> -> memref<64x640xf32, #tpu.memory_space<hbm>>
      tpu.wait_dma2 semaphore(%run_scoped3A : memref<!tpu.dma_semaphore, #tpu.memory_space<semaphore_mem>>) src(%arg7 : memref<64x640xf32, #tpu.memory_space<vmem>>) dst(%dma_wait3A_200 : memref<64x640xf32, #tpu.memory_space<hbm>>)
      tpu.yield
    }) : () -> ()
    %dma_wait3A_126 = arith.constant 640 : i32
    %dma_wait3A_127 = tpu.memref_slice %arg5[%dma_wait3A_126] : memref<1024xi32, #tpu.memory_space<vmem>> -> memref<64xi32, #tpu.memory_space<vmem>>
    %dma_wait3A_128 = arith.constant 0 : i32
    %dma_wait3A_129 = arith.constant 0 : i32
    %dma_wait3A_130 = tpu.memref_slice %arg2[%dma_wait3A_128, %dma_wait3A_129] : memref<2048x640xf32, #tpu.memory_space<hbm>> -> memref<2048x640xf32, #tpu.memory_space<hbm>>
    tpu.wait_indirect_dma semaphore(%arg8 : memref<!tpu.dma_semaphore, #tpu.memory_space<semaphore_mem>>) src(%dma_wait3A_130 : memref<2048x640xf32, #tpu.memory_space<hbm>>) dst(%arg6 : memref<64x640xf32, #tpu.memory_space<vmem>>)
    %dma_start3A_131 = arith.constant 704 : i32
    %dma_start3A_132 = tpu.memref_slice %arg5[%dma_start3A_131] : memref<1024xi32, #tpu.memory_space<vmem>> -> memref<64xi32, #tpu.memory_space<vmem>>
    %dma_start3A_133 = arith.constant 0 : i32
    %dma_start3A_134 = arith.constant 0 : i32
    %dma_start3A_135 = tpu.memref_slice %arg2[%dma_start3A_133, %dma_start3A_134] : memref<2048x640xf32, #tpu.memory_space<hbm>> -> memref<2048x640xf32, #tpu.memory_space<hbm>>
    tpu.enqueue_indirect_dma source(%dma_start3A_135 : memref<2048x640xf32, #tpu.memory_space<hbm>>) target(%arg7 : memref<64x640xf32, #tpu.memory_space<vmem>>) offsets(%dma_start3A_132 : memref<64xi32, #tpu.memory_space<vmem>>) semaphore(%arg9 : memref<!tpu.dma_semaphore, #tpu.memory_space<semaphore_mem>>)
    %add3A_136 = arith.constant 640 : i32
    %add3A_137 = arith.addi %multiple_of3A, %add3A_136 : i32
    "tpu.region"() ({
      %run_scoped3A = tpu.sem_alloc : memref<!tpu.dma_semaphore, #tpu.memory_space<semaphore_mem>>
      %dma_start3A_193 = arith.constant 0 : i32
      %dma_start3A_194 = tpu.memref_slice %arg4[%add3A_137, %dma_start3A_193] : memref<32768x640xf32, #tpu.memory_space<hbm>> -> memref<64x640xf32, #tpu.memory_space<hbm>>
      %dma_start3A_195 = arith.constant 0 : i32
      %dma_start3A_196 = tpu.memref_slice %arg4[%add3A_137, %dma_start3A_195] : memref<32768x640xf32, #tpu.memory_space<hbm>> -> memref<64x640xf32, #tpu.memory_space<hbm>>
      tpu.enqueue_dma source(%arg6 : memref<64x640xf32, #tpu.memory_space<vmem>>) target(%dma_start3A_196 : memref<64x640xf32, #tpu.memory_space<hbm>>) target_semaphore(%run_scoped3A : memref<!tpu.dma_semaphore, #tpu.memory_space<semaphore_mem>>)
      %dma_wait3A_197 = arith.constant 0 : i32
      %dma_wait3A_198 = tpu.memref_slice %arg4[%add3A_137, %dma_wait3A_197] : memref<32768x640xf32, #tpu.memory_space<hbm>> -> memref<64x640xf32, #tpu.memory_space<hbm>>
      %dma_wait3A_199 = arith.constant 0 : i32
      %dma_wait3A_200 = tpu.memref_slice %arg4[%add3A_137, %dma_wait3A_199] : memref<32768x640xf32, #tpu.memory_space<hbm>> -> memref<64x640xf32, #tpu.memory_space<hbm>>
      tpu.wait_dma2 semaphore(%run_scoped3A : memref<!tpu.dma_semaphore, #tpu.memory_space<semaphore_mem>>) src(%arg6 : memref<64x640xf32, #tpu.memory_space<vmem>>) dst(%dma_wait3A_200 : memref<64x640xf32, #tpu.memory_space<hbm>>)
      tpu.yield
    }) : () -> ()
    %dma_wait3A_138 = arith.constant 704 : i32
    %dma_wait3A_139 = tpu.memref_slice %arg5[%dma_wait3A_138] : memref<1024xi32, #tpu.memory_space<vmem>> -> memref<64xi32, #tpu.memory_space<vmem>>
    %dma_wait3A_140 = arith.constant 0 : i32
    %dma_wait3A_141 = arith.constant 0 : i32
    %dma_wait3A_142 = tpu.memref_slice %arg2[%dma_wait3A_140, %dma_wait3A_141] : memref<2048x640xf32, #tpu.memory_space<hbm>> -> memref<2048x640xf32, #tpu.memory_space<hbm>>
    tpu.wait_indirect_dma semaphore(%arg9 : memref<!tpu.dma_semaphore, #tpu.memory_space<semaphore_mem>>) src(%dma_wait3A_142 : memref<2048x640xf32, #tpu.memory_space<hbm>>) dst(%arg7 : memref<64x640xf32, #tpu.memory_space<vmem>>)
    %dma_start3A_143 = arith.constant 768 : i32
    %dma_start3A_144 = tpu.memref_slice %arg5[%dma_start3A_143] : memref<1024xi32, #tpu.memory_space<vmem>> -> memref<64xi32, #tpu.memory_space<vmem>>
    %dma_start3A_145 = arith.constant 0 : i32
    %dma_start3A_146 = arith.constant 0 : i32
    %dma_start3A_147 = tpu.memref_slice %arg2[%dma_start3A_145, %dma_start3A_146] : memref<2048x640xf32, #tpu.memory_space<hbm>> -> memref<2048x640xf32, #tpu.memory_space<hbm>>
    tpu.enqueue_indirect_dma source(%dma_start3A_147 : memref<2048x640xf32, #tpu.memory_space<hbm>>) target(%arg6 : memref<64x640xf32, #tpu.memory_space<vmem>>) offsets(%dma_start3A_144 : memref<64xi32, #tpu.memory_space<vmem>>) semaphore(%arg8 : memref<!tpu.dma_semaphore, #tpu.memory_space<semaphore_mem>>)
    %add3A_148 = arith.constant 704 : i32
    %add3A_149 = arith.addi %multiple_of3A, %add3A_148 : i32
    "tpu.region"() ({
      %run_scoped3A = tpu.sem_alloc : memref<!tpu.dma_semaphore, #tpu.memory_space<semaphore_mem>>
      %dma_start3A_193 = arith.constant 0 : i32
      %dma_start3A_194 = tpu.memref_slice %arg4[%add3A_149, %dma_start3A_193] : memref<32768x640xf32, #tpu.memory_space<hbm>> -> memref<64x640xf32, #tpu.memory_space<hbm>>
      %dma_start3A_195 = arith.constant 0 : i32
      %dma_start3A_196 = tpu.memref_slice %arg4[%add3A_149, %dma_start3A_195] : memref<32768x640xf32, #tpu.memory_space<hbm>> -> memref<64x640xf32, #tpu.memory_space<hbm>>
      tpu.enqueue_dma source(%arg7 : memref<64x640xf32, #tpu.memory_space<vmem>>) target(%dma_start3A_196 : memref<64x640xf32, #tpu.memory_space<hbm>>) target_semaphore(%run_scoped3A : memref<!tpu.dma_semaphore, #tpu.memory_space<semaphore_mem>>)
      %dma_wait3A_197 = arith.constant 0 : i32
      %dma_wait3A_198 = tpu.memref_slice %arg4[%add3A_149, %dma_wait3A_197] : memref<32768x640xf32, #tpu.memory_space<hbm>> -> memref<64x640xf32, #tpu.memory_space<hbm>>
      %dma_wait3A_199 = arith.constant 0 : i32
      %dma_wait3A_200 = tpu.memref_slice %arg4[%add3A_149, %dma_wait3A_199] : memref<32768x640xf32, #tpu.memory_space<hbm>> -> memref<64x640xf32, #tpu.memory_space<hbm>>
      tpu.wait_dma2 semaphore(%run_scoped3A : memref<!tpu.dma_semaphore, #tpu.memory_space<semaphore_mem>>) src(%arg7 : memref<64x640xf32, #tpu.memory_space<vmem>>) dst(%dma_wait3A_200 : memref<64x640xf32, #tpu.memory_space<hbm>>)
      tpu.yield
    }) : () -> ()
    %dma_wait3A_150 = arith.constant 768 : i32
    %dma_wait3A_151 = tpu.memref_slice %arg5[%dma_wait3A_150] : memref<1024xi32, #tpu.memory_space<vmem>> -> memref<64xi32, #tpu.memory_space<vmem>>
    %dma_wait3A_152 = arith.constant 0 : i32
    %dma_wait3A_153 = arith.constant 0 : i32
    %dma_wait3A_154 = tpu.memref_slice %arg2[%dma_wait3A_152, %dma_wait3A_153] : memref<2048x640xf32, #tpu.memory_space<hbm>> -> memref<2048x640xf32, #tpu.memory_space<hbm>>
    tpu.wait_indirect_dma semaphore(%arg8 : memref<!tpu.dma_semaphore, #tpu.memory_space<semaphore_mem>>) src(%dma_wait3A_154 : memref<2048x640xf32, #tpu.memory_space<hbm>>) dst(%arg6 : memref<64x640xf32, #tpu.memory_space<vmem>>)
    %dma_start3A_155 = arith.constant 832 : i32
    %dma_start3A_156 = tpu.memref_slice %arg5[%dma_start3A_155] : memref<1024xi32, #tpu.memory_space<vmem>> -> memref<64xi32, #tpu.memory_space<vmem>>
    %dma_start3A_157 = arith.constant 0 : i32
    %dma_start3A_158 = arith.constant 0 : i32
    %dma_start3A_159 = tpu.memref_slice %arg2[%dma_start3A_157, %dma_start3A_158] : memref<2048x640xf32, #tpu.memory_space<hbm>> -> memref<2048x640xf32, #tpu.memory_space<hbm>>
    tpu.enqueue_indirect_dma source(%dma_start3A_159 : memref<2048x640xf32, #tpu.memory_space<hbm>>) target(%arg7 : memref<64x640xf32, #tpu.memory_space<vmem>>) offsets(%dma_start3A_156 : memref<64xi32, #tpu.memory_space<vmem>>) semaphore(%arg9 : memref<!tpu.dma_semaphore, #tpu.memory_space<semaphore_mem>>)
    %add3A_160 = arith.constant 768 : i32
    %add3A_161 = arith.addi %multiple_of3A, %add3A_160 : i32
    "tpu.region"() ({
      %run_scoped3A = tpu.sem_alloc : memref<!tpu.dma_semaphore, #tpu.memory_space<semaphore_mem>>
      %dma_start3A_193 = arith.constant 0 : i32
      %dma_start3A_194 = tpu.memref_slice %arg4[%add3A_161, %dma_start3A_193] : memref<32768x640xf32, #tpu.memory_space<hbm>> -> memref<64x640xf32, #tpu.memory_space<hbm>>
      %dma_start3A_195 = arith.constant 0 : i32
      %dma_start3A_196 = tpu.memref_slice %arg4[%add3A_161, %dma_start3A_195] : memref<32768x640xf32, #tpu.memory_space<hbm>> -> memref<64x640xf32, #tpu.memory_space<hbm>>
      tpu.enqueue_dma source(%arg6 : memref<64x640xf32, #tpu.memory_space<vmem>>) target(%dma_start3A_196 : memref<64x640xf32, #tpu.memory_space<hbm>>) target_semaphore(%run_scoped3A : memref<!tpu.dma_semaphore, #tpu.memory_space<semaphore_mem>>)
      %dma_wait3A_197 = arith.constant 0 : i32
      %dma_wait3A_198 = tpu.memref_slice %arg4[%add3A_161, %dma_wait3A_197] : memref<32768x640xf32, #tpu.memory_space<hbm>> -> memref<64x640xf32, #tpu.memory_space<hbm>>
      %dma_wait3A_199 = arith.constant 0 : i32
      %dma_wait3A_200 = tpu.memref_slice %arg4[%add3A_161, %dma_wait3A_199] : memref<32768x640xf32, #tpu.memory_space<hbm>> -> memref<64x640xf32, #tpu.memory_space<hbm>>
      tpu.wait_dma2 semaphore(%run_scoped3A : memref<!tpu.dma_semaphore, #tpu.memory_space<semaphore_mem>>) src(%arg6 : memref<64x640xf32, #tpu.memory_space<vmem>>) dst(%dma_wait3A_200 : memref<64x640xf32, #tpu.memory_space<hbm>>)
      tpu.yield
    }) : () -> ()
    %dma_wait3A_162 = arith.constant 832 : i32
    %dma_wait3A_163 = tpu.memref_slice %arg5[%dma_wait3A_162] : memref<1024xi32, #tpu.memory_space<vmem>> -> memref<64xi32, #tpu.memory_space<vmem>>
    %dma_wait3A_164 = arith.constant 0 : i32
    %dma_wait3A_165 = arith.constant 0 : i32
    %dma_wait3A_166 = tpu.memref_slice %arg2[%dma_wait3A_164, %dma_wait3A_165] : memref<2048x640xf32, #tpu.memory_space<hbm>> -> memref<2048x640xf32, #tpu.memory_space<hbm>>
    tpu.wait_indirect_dma semaphore(%arg9 : memref<!tpu.dma_semaphore, #tpu.memory_space<semaphore_mem>>) src(%dma_wait3A_166 : memref<2048x640xf32, #tpu.memory_space<hbm>>) dst(%arg7 : memref<64x640xf32, #tpu.memory_space<vmem>>)
    %dma_start3A_167 = arith.constant 896 : i32
    %dma_start3A_168 = tpu.memref_slice %arg5[%dma_start3A_167] : memref<1024xi32, #tpu.memory_space<vmem>> -> memref<64xi32, #tpu.memory_space<vmem>>
    %dma_start3A_169 = arith.constant 0 : i32
    %dma_start3A_170 = arith.constant 0 : i32
    %dma_start3A_171 = tpu.memref_slice %arg2[%dma_start3A_169, %dma_start3A_170] : memref<2048x640xf32, #tpu.memory_space<hbm>> -> memref<2048x640xf32, #tpu.memory_space<hbm>>
    tpu.enqueue_indirect_dma source(%dma_start3A_171 : memref<2048x640xf32, #tpu.memory_space<hbm>>) target(%arg6 : memref<64x640xf32, #tpu.memory_space<vmem>>) offsets(%dma_start3A_168 : memref<64xi32, #tpu.memory_space<vmem>>) semaphore(%arg8 : memref<!tpu.dma_semaphore, #tpu.memory_space<semaphore_mem>>)
    %add3A_172 = arith.constant 832 : i32
    %add3A_173 = arith.addi %multiple_of3A, %add3A_172 : i32
    "tpu.region"() ({
      %run_scoped3A = tpu.sem_alloc : memref<!tpu.dma_semaphore, #tpu.memory_space<semaphore_mem>>
      %dma_start3A_193 = arith.constant 0 : i32
      %dma_start3A_194 = tpu.memref_slice %arg4[%add3A_173, %dma_start3A_193] : memref<32768x640xf32, #tpu.memory_space<hbm>> -> memref<64x640xf32, #tpu.memory_space<hbm>>
      %dma_start3A_195 = arith.constant 0 : i32
      %dma_start3A_196 = tpu.memref_slice %arg4[%add3A_173, %dma_start3A_195] : memref<32768x640xf32, #tpu.memory_space<hbm>> -> memref<64x640xf32, #tpu.memory_space<hbm>>
      tpu.enqueue_dma source(%arg7 : memref<64x640xf32, #tpu.memory_space<vmem>>) target(%dma_start3A_196 : memref<64x640xf32, #tpu.memory_space<hbm>>) target_semaphore(%run_scoped3A : memref<!tpu.dma_semaphore, #tpu.memory_space<semaphore_mem>>)
      %dma_wait3A_197 = arith.constant 0 : i32
      %dma_wait3A_198 = tpu.memref_slice %arg4[%add3A_173, %dma_wait3A_197] : memref<32768x640xf32, #tpu.memory_space<hbm>> -> memref<64x640xf32, #tpu.memory_space<hbm>>
      %dma_wait3A_199 = arith.constant 0 : i32
      %dma_wait3A_200 = tpu.memref_slice %arg4[%add3A_173, %dma_wait3A_199] : memref<32768x640xf32, #tpu.memory_space<hbm>> -> memref<64x640xf32, #tpu.memory_space<hbm>>
      tpu.wait_dma2 semaphore(%run_scoped3A : memref<!tpu.dma_semaphore, #tpu.memory_space<semaphore_mem>>) src(%arg7 : memref<64x640xf32, #tpu.memory_space<vmem>>) dst(%dma_wait3A_200 : memref<64x640xf32, #tpu.memory_space<hbm>>)
      tpu.yield
    }) : () -> ()
    %dma_wait3A_174 = arith.constant 896 : i32
    %dma_wait3A_175 = tpu.memref_slice %arg5[%dma_wait3A_174] : memref<1024xi32, #tpu.memory_space<vmem>> -> memref<64xi32, #tpu.memory_space<vmem>>
    %dma_wait3A_176 = arith.constant 0 : i32
    %dma_wait3A_177 = arith.constant 0 : i32
    %dma_wait3A_178 = tpu.memref_slice %arg2[%dma_wait3A_176, %dma_wait3A_177] : memref<2048x640xf32, #tpu.memory_space<hbm>> -> memref<2048x640xf32, #tpu.memory_space<hbm>>
    tpu.wait_indirect_dma semaphore(%arg8 : memref<!tpu.dma_semaphore, #tpu.memory_space<semaphore_mem>>) src(%dma_wait3A_178 : memref<2048x640xf32, #tpu.memory_space<hbm>>) dst(%arg6 : memref<64x640xf32, #tpu.memory_space<vmem>>)
    %dma_start3A_179 = arith.constant 960 : i32
    %dma_start3A_180 = tpu.memref_slice %arg5[%dma_start3A_179] : memref<1024xi32, #tpu.memory_space<vmem>> -> memref<64xi32, #tpu.memory_space<vmem>>
    %dma_start3A_181 = arith.constant 0 : i32
    %dma_start3A_182 = arith.constant 0 : i32
    %dma_start3A_183 = tpu.memref_slice %arg2[%dma_start3A_181, %dma_start3A_182] : memref<2048x640xf32, #tpu.memory_space<hbm>> -> memref<2048x640xf32, #tpu.memory_space<hbm>>
    tpu.enqueue_indirect_dma source(%dma_start3A_183 : memref<2048x640xf32, #tpu.memory_space<hbm>>) target(%arg7 : memref<64x640xf32, #tpu.memory_space<vmem>>) offsets(%dma_start3A_180 : memref<64xi32, #tpu.memory_space<vmem>>) semaphore(%arg9 : memref<!tpu.dma_semaphore, #tpu.memory_space<semaphore_mem>>)
    %add3A_184 = arith.constant 896 : i32
    %add3A_185 = arith.addi %multiple_of3A, %add3A_184 : i32
    "tpu.region"() ({
      %run_scoped3A = tpu.sem_alloc : memref<!tpu.dma_semaphore, #tpu.memory_space<semaphore_mem>>
      %dma_start3A_193 = arith.constant 0 : i32
      %dma_start3A_194 = tpu.memref_slice %arg4[%add3A_185, %dma_start3A_193] : memref<32768x640xf32, #tpu.memory_space<hbm>> -> memref<64x640xf32, #tpu.memory_space<hbm>>
      %dma_start3A_195 = arith.constant 0 : i32
      %dma_start3A_196 = tpu.memref_slice %arg4[%add3A_185, %dma_start3A_195] : memref<32768x640xf32, #tpu.memory_space<hbm>> -> memref<64x640xf32, #tpu.memory_space<hbm>>
      tpu.enqueue_dma source(%arg6 : memref<64x640xf32, #tpu.memory_space<vmem>>) target(%dma_start3A_196 : memref<64x640xf32, #tpu.memory_space<hbm>>) target_semaphore(%run_scoped3A : memref<!tpu.dma_semaphore, #tpu.memory_space<semaphore_mem>>)
      %dma_wait3A_197 = arith.constant 0 : i32
      %dma_wait3A_198 = tpu.memref_slice %arg4[%add3A_185, %dma_wait3A_197] : memref<32768x640xf32, #tpu.memory_space<hbm>> -> memref<64x640xf32, #tpu.memory_space<hbm>>
      %dma_wait3A_199 = arith.constant 0 : i32
      %dma_wait3A_200 = tpu.memref_slice %arg4[%add3A_185, %dma_wait3A_199] : memref<32768x640xf32, #tpu.memory_space<hbm>> -> memref<64x640xf32, #tpu.memory_space<hbm>>
      tpu.wait_dma2 semaphore(%run_scoped3A : memref<!tpu.dma_semaphore, #tpu.memory_space<semaphore_mem>>) src(%arg6 : memref<64x640xf32, #tpu.memory_space<vmem>>) dst(%dma_wait3A_200 : memref<64x640xf32, #tpu.memory_space<hbm>>)
      tpu.yield
    }) : () -> ()
    %dma_wait3A_186 = arith.constant 960 : i32
    %dma_wait3A_187 = tpu.memref_slice %arg5[%dma_wait3A_186] : memref<1024xi32, #tpu.memory_space<vmem>> -> memref<64xi32, #tpu.memory_space<vmem>>
    %dma_wait3A_188 = arith.constant 0 : i32
    %dma_wait3A_189 = arith.constant 0 : i32
    %dma_wait3A_190 = tpu.memref_slice %arg2[%dma_wait3A_188, %dma_wait3A_189] : memref<2048x640xf32, #tpu.memory_space<hbm>> -> memref<2048x640xf32, #tpu.memory_space<hbm>>
    tpu.wait_indirect_dma semaphore(%arg9 : memref<!tpu.dma_semaphore, #tpu.memory_space<semaphore_mem>>) src(%dma_wait3A_190 : memref<2048x640xf32, #tpu.memory_space<hbm>>) dst(%arg7 : memref<64x640xf32, #tpu.memory_space<vmem>>)
    %add3A_191 = arith.constant 960 : i32
    %add3A_192 = arith.addi %multiple_of3A, %add3A_191 : i32
    "tpu.region"() ({
      %run_scoped3A = tpu.sem_alloc : memref<!tpu.dma_semaphore, #tpu.memory_space<semaphore_mem>>
      %dma_start3A_193 = arith.constant 0 : i32
      %dma_start3A_194 = tpu.memref_slice %arg4[%add3A_192, %dma_start3A_193] : memref<32768x640xf32, #tpu.memory_space<hbm>> -> memref<64x640xf32, #tpu.memory_space<hbm>>
      %dma_start3A_195 = arith.constant 0 : i32
      %dma_start3A_196 = tpu.memref_slice %arg4[%add3A_192, %dma_start3A_195] : memref<32768x640xf32, #tpu.memory_space<hbm>> -> memref<64x640xf32, #tpu.memory_space<hbm>>
      tpu.enqueue_dma source(%arg7 : memref<64x640xf32, #tpu.memory_space<vmem>>) target(%dma_start3A_196 : memref<64x640xf32, #tpu.memory_space<hbm>>) target_semaphore(%run_scoped3A : memref<!tpu.dma_semaphore, #tpu.memory_space<semaphore_mem>>)
      %dma_wait3A_197 = arith.constant 0 : i32
      %dma_wait3A_198 = tpu.memref_slice %arg4[%add3A_192, %dma_wait3A_197] : memref<32768x640xf32, #tpu.memory_space<hbm>> -> memref<64x640xf32, #tpu.memory_space<hbm>>
      %dma_wait3A_199 = arith.constant 0 : i32
      %dma_wait3A_200 = tpu.memref_slice %arg4[%add3A_192, %dma_wait3A_199] : memref<32768x640xf32, #tpu.memory_space<hbm>> -> memref<64x640xf32, #tpu.memory_space<hbm>>
      tpu.wait_dma2 semaphore(%run_scoped3A : memref<!tpu.dma_semaphore, #tpu.memory_space<semaphore_mem>>) src(%arg7 : memref<64x640xf32, #tpu.memory_space<vmem>>) dst(%dma_wait3A_200 : memref<64x640xf32, #tpu.memory_space<hbm>>)
      tpu.yield
    }) : () -> ()
    return
  }
}

#map = affine_map<(d0, d1) -> (0, 0)>
#map1 = affine_map<(d0, d1) -> (0)>
module attributes {stable_mosaic.version = 14 : i64} {
  func.func @body(%arg0: i32, %arg1: i32, %arg2: memref<2048x256xf32, #tpu.memory_space<hbm>>, %arg3: memref<32768xi32, #tpu.memory_space<hbm>>, %arg4: memref<32768x256xf32, #tpu.memory_space<hbm>>, %arg5: memref<1024xi32, #tpu.memory_space<vmem>>, %arg6: memref<128x256xf32, #tpu.memory_space<vmem>>, %arg7: memref<128x256xf32, #tpu.memory_space<vmem>>, %arg8: memref<!tpu.dma_semaphore, #tpu.memory_space<semaphore_mem>>, %arg9: memref<!tpu.dma_semaphore, #tpu.memory_space<semaphore_mem>>) attributes {dimension_semantics = [#tpu.dimension_semantics<core_parallel>, #tpu.dimension_semantics<subcore_parallel>], iteration_bounds = array<i64: 2, 16>, scalar_prefetch = 0 : i64, scratch_operands = 5 : i64, tpu.core_type = #tpu.core_type<sc_vector_subcore>, window_params = [{transform_indices = #map}, {transform_indices = #map1}, {transform_indices = #map}]} {
    %mul3A = arith.constant 2 : i32
    %mul3A_0 = arith.muli %arg1, %mul3A : i32
    %add3A = arith.addi %mul3A_0, %arg0 : i32
    %mul3A_1 = arith.constant 1024 : i32
    %mul3A_2 = arith.muli %add3A, %mul3A_1 : i32
    %multiple_of3A = tpu.assume_multiple %mul3A_2, 1024 : i32
    "tpu.region"() ({
      %run_scoped3A = tpu.sem_alloc : memref<!tpu.dma_semaphore, #tpu.memory_space<semaphore_mem>>
      %dma_start3A_97 = tpu.memref_slice %arg3[%multiple_of3A] : memref<32768xi32, #tpu.memory_space<hbm>> -> memref<1024xi32, #tpu.memory_space<hbm>>
      %dma_start3A_98 = tpu.memref_slice %arg3[%multiple_of3A] : memref<32768xi32, #tpu.memory_space<hbm>> -> memref<1024xi32, #tpu.memory_space<hbm>>
      tpu.enqueue_dma source(%dma_start3A_98 : memref<1024xi32, #tpu.memory_space<hbm>>) target(%arg5 : memref<1024xi32, #tpu.memory_space<vmem>>) target_semaphore(%run_scoped3A : memref<!tpu.dma_semaphore, #tpu.memory_space<semaphore_mem>>)
      %dma_wait3A_99 = tpu.memref_slice %arg3[%multiple_of3A] : memref<32768xi32, #tpu.memory_space<hbm>> -> memref<1024xi32, #tpu.memory_space<hbm>>
      %dma_wait3A_100 = tpu.memref_slice %arg3[%multiple_of3A] : memref<32768xi32, #tpu.memory_space<hbm>> -> memref<1024xi32, #tpu.memory_space<hbm>>
      tpu.wait_dma2 semaphore(%run_scoped3A : memref<!tpu.dma_semaphore, #tpu.memory_space<semaphore_mem>>) src(%dma_wait3A_100 : memref<1024xi32, #tpu.memory_space<hbm>>) dst(%arg5 : memref<1024xi32, #tpu.memory_space<vmem>>)
      tpu.yield
    }) : () -> ()
    %dma_start3A = arith.constant 0 : i32
    %dma_start3A_3 = tpu.memref_slice %arg5[%dma_start3A] : memref<1024xi32, #tpu.memory_space<vmem>> -> memref<128xi32, #tpu.memory_space<vmem>>
    %dma_start3A_4 = arith.constant 0 : i32
    %dma_start3A_5 = arith.constant 0 : i32
    %dma_start3A_6 = tpu.memref_slice %arg2[%dma_start3A_4, %dma_start3A_5] : memref<2048x256xf32, #tpu.memory_space<hbm>> -> memref<2048x256xf32, #tpu.memory_space<hbm>>
    tpu.enqueue_indirect_dma source(%dma_start3A_6 : memref<2048x256xf32, #tpu.memory_space<hbm>>) target(%arg6 : memref<128x256xf32, #tpu.memory_space<vmem>>) offsets(%dma_start3A_3 : memref<128xi32, #tpu.memory_space<vmem>>) semaphore(%arg8 : memref<!tpu.dma_semaphore, #tpu.memory_space<semaphore_mem>>)
    %dma_wait3A = arith.constant 0 : i32
    %dma_wait3A_7 = tpu.memref_slice %arg5[%dma_wait3A] : memref<1024xi32, #tpu.memory_space<vmem>> -> memref<128xi32, #tpu.memory_space<vmem>>
    %dma_wait3A_8 = arith.constant 0 : i32
    %dma_wait3A_9 = arith.constant 0 : i32
    %dma_wait3A_10 = tpu.memref_slice %arg2[%dma_wait3A_8, %dma_wait3A_9] : memref<2048x256xf32, #tpu.memory_space<hbm>> -> memref<2048x256xf32, #tpu.memory_space<hbm>>
    tpu.wait_indirect_dma semaphore(%arg8 : memref<!tpu.dma_semaphore, #tpu.memory_space<semaphore_mem>>) src(%dma_wait3A_10 : memref<2048x256xf32, #tpu.memory_space<hbm>>) dst(%arg6 : memref<128x256xf32, #tpu.memory_space<vmem>>)
    %dma_start3A_11 = arith.constant 128 : i32
    %dma_start3A_12 = tpu.memref_slice %arg5[%dma_start3A_11] : memref<1024xi32, #tpu.memory_space<vmem>> -> memref<128xi32, #tpu.memory_space<vmem>>
    %dma_start3A_13 = arith.constant 0 : i32
    %dma_start3A_14 = arith.constant 0 : i32
    %dma_start3A_15 = tpu.memref_slice %arg2[%dma_start3A_13, %dma_start3A_14] : memref<2048x256xf32, #tpu.memory_space<hbm>> -> memref<2048x256xf32, #tpu.memory_space<hbm>>
    tpu.enqueue_indirect_dma source(%dma_start3A_15 : memref<2048x256xf32, #tpu.memory_space<hbm>>) target(%arg7 : memref<128x256xf32, #tpu.memory_space<vmem>>) offsets(%dma_start3A_12 : memref<128xi32, #tpu.memory_space<vmem>>) semaphore(%arg9 : memref<!tpu.dma_semaphore, #tpu.memory_space<semaphore_mem>>)
    %add3A_16 = arith.constant 0 : i32
    %add3A_17 = arith.addi %multiple_of3A, %add3A_16 : i32
    "tpu.region"() ({
      %run_scoped3A = tpu.sem_alloc : memref<!tpu.dma_semaphore, #tpu.memory_space<semaphore_mem>>
      %dma_start3A_97 = arith.constant 0 : i32
      %dma_start3A_98 = tpu.memref_slice %arg4[%add3A_17, %dma_start3A_97] : memref<32768x256xf32, #tpu.memory_space<hbm>> -> memref<128x256xf32, #tpu.memory_space<hbm>>
      %dma_start3A_99 = arith.constant 0 : i32
      %dma_start3A_100 = tpu.memref_slice %arg4[%add3A_17, %dma_start3A_99] : memref<32768x256xf32, #tpu.memory_space<hbm>> -> memref<128x256xf32, #tpu.memory_space<hbm>>
      tpu.enqueue_dma source(%arg6 : memref<128x256xf32, #tpu.memory_space<vmem>>) target(%dma_start3A_100 : memref<128x256xf32, #tpu.memory_space<hbm>>) target_semaphore(%run_scoped3A : memref<!tpu.dma_semaphore, #tpu.memory_space<semaphore_mem>>)
      %dma_wait3A_101 = arith.constant 0 : i32
      %dma_wait3A_102 = tpu.memref_slice %arg4[%add3A_17, %dma_wait3A_101] : memref<32768x256xf32, #tpu.memory_space<hbm>> -> memref<128x256xf32, #tpu.memory_space<hbm>>
      %dma_wait3A_103 = arith.constant 0 : i32
      %dma_wait3A_104 = tpu.memref_slice %arg4[%add3A_17, %dma_wait3A_103] : memref<32768x256xf32, #tpu.memory_space<hbm>> -> memref<128x256xf32, #tpu.memory_space<hbm>>
      tpu.wait_dma2 semaphore(%run_scoped3A : memref<!tpu.dma_semaphore, #tpu.memory_space<semaphore_mem>>) src(%arg6 : memref<128x256xf32, #tpu.memory_space<vmem>>) dst(%dma_wait3A_104 : memref<128x256xf32, #tpu.memory_space<hbm>>)
      tpu.yield
    }) : () -> ()
    %dma_wait3A_18 = arith.constant 128 : i32
    %dma_wait3A_19 = tpu.memref_slice %arg5[%dma_wait3A_18] : memref<1024xi32, #tpu.memory_space<vmem>> -> memref<128xi32, #tpu.memory_space<vmem>>
    %dma_wait3A_20 = arith.constant 0 : i32
    %dma_wait3A_21 = arith.constant 0 : i32
    %dma_wait3A_22 = tpu.memref_slice %arg2[%dma_wait3A_20, %dma_wait3A_21] : memref<2048x256xf32, #tpu.memory_space<hbm>> -> memref<2048x256xf32, #tpu.memory_space<hbm>>
    tpu.wait_indirect_dma semaphore(%arg9 : memref<!tpu.dma_semaphore, #tpu.memory_space<semaphore_mem>>) src(%dma_wait3A_22 : memref<2048x256xf32, #tpu.memory_space<hbm>>) dst(%arg7 : memref<128x256xf32, #tpu.memory_space<vmem>>)
    %dma_start3A_23 = arith.constant 256 : i32
    %dma_start3A_24 = tpu.memref_slice %arg5[%dma_start3A_23] : memref<1024xi32, #tpu.memory_space<vmem>> -> memref<128xi32, #tpu.memory_space<vmem>>
    %dma_start3A_25 = arith.constant 0 : i32
    %dma_start3A_26 = arith.constant 0 : i32
    %dma_start3A_27 = tpu.memref_slice %arg2[%dma_start3A_25, %dma_start3A_26] : memref<2048x256xf32, #tpu.memory_space<hbm>> -> memref<2048x256xf32, #tpu.memory_space<hbm>>
    tpu.enqueue_indirect_dma source(%dma_start3A_27 : memref<2048x256xf32, #tpu.memory_space<hbm>>) target(%arg6 : memref<128x256xf32, #tpu.memory_space<vmem>>) offsets(%dma_start3A_24 : memref<128xi32, #tpu.memory_space<vmem>>) semaphore(%arg8 : memref<!tpu.dma_semaphore, #tpu.memory_space<semaphore_mem>>)
    %add3A_28 = arith.constant 128 : i32
    %add3A_29 = arith.addi %multiple_of3A, %add3A_28 : i32
    "tpu.region"() ({
      %run_scoped3A = tpu.sem_alloc : memref<!tpu.dma_semaphore, #tpu.memory_space<semaphore_mem>>
      %dma_start3A_97 = arith.constant 0 : i32
      %dma_start3A_98 = tpu.memref_slice %arg4[%add3A_29, %dma_start3A_97] : memref<32768x256xf32, #tpu.memory_space<hbm>> -> memref<128x256xf32, #tpu.memory_space<hbm>>
      %dma_start3A_99 = arith.constant 0 : i32
      %dma_start3A_100 = tpu.memref_slice %arg4[%add3A_29, %dma_start3A_99] : memref<32768x256xf32, #tpu.memory_space<hbm>> -> memref<128x256xf32, #tpu.memory_space<hbm>>
      tpu.enqueue_dma source(%arg7 : memref<128x256xf32, #tpu.memory_space<vmem>>) target(%dma_start3A_100 : memref<128x256xf32, #tpu.memory_space<hbm>>) target_semaphore(%run_scoped3A : memref<!tpu.dma_semaphore, #tpu.memory_space<semaphore_mem>>)
      %dma_wait3A_101 = arith.constant 0 : i32
      %dma_wait3A_102 = tpu.memref_slice %arg4[%add3A_29, %dma_wait3A_101] : memref<32768x256xf32, #tpu.memory_space<hbm>> -> memref<128x256xf32, #tpu.memory_space<hbm>>
      %dma_wait3A_103 = arith.constant 0 : i32
      %dma_wait3A_104 = tpu.memref_slice %arg4[%add3A_29, %dma_wait3A_103] : memref<32768x256xf32, #tpu.memory_space<hbm>> -> memref<128x256xf32, #tpu.memory_space<hbm>>
      tpu.wait_dma2 semaphore(%run_scoped3A : memref<!tpu.dma_semaphore, #tpu.memory_space<semaphore_mem>>) src(%arg7 : memref<128x256xf32, #tpu.memory_space<vmem>>) dst(%dma_wait3A_104 : memref<128x256xf32, #tpu.memory_space<hbm>>)
      tpu.yield
    }) : () -> ()
    %dma_wait3A_30 = arith.constant 256 : i32
    %dma_wait3A_31 = tpu.memref_slice %arg5[%dma_wait3A_30] : memref<1024xi32, #tpu.memory_space<vmem>> -> memref<128xi32, #tpu.memory_space<vmem>>
    %dma_wait3A_32 = arith.constant 0 : i32
    %dma_wait3A_33 = arith.constant 0 : i32
    %dma_wait3A_34 = tpu.memref_slice %arg2[%dma_wait3A_32, %dma_wait3A_33] : memref<2048x256xf32, #tpu.memory_space<hbm>> -> memref<2048x256xf32, #tpu.memory_space<hbm>>
    tpu.wait_indirect_dma semaphore(%arg8 : memref<!tpu.dma_semaphore, #tpu.memory_space<semaphore_mem>>) src(%dma_wait3A_34 : memref<2048x256xf32, #tpu.memory_space<hbm>>) dst(%arg6 : memref<128x256xf32, #tpu.memory_space<vmem>>)
    %dma_start3A_35 = arith.constant 384 : i32
    %dma_start3A_36 = tpu.memref_slice %arg5[%dma_start3A_35] : memref<1024xi32, #tpu.memory_space<vmem>> -> memref<128xi32, #tpu.memory_space<vmem>>
    %dma_start3A_37 = arith.constant 0 : i32
    %dma_start3A_38 = arith.constant 0 : i32
    %dma_start3A_39 = tpu.memref_slice %arg2[%dma_start3A_37, %dma_start3A_38] : memref<2048x256xf32, #tpu.memory_space<hbm>> -> memref<2048x256xf32, #tpu.memory_space<hbm>>
    tpu.enqueue_indirect_dma source(%dma_start3A_39 : memref<2048x256xf32, #tpu.memory_space<hbm>>) target(%arg7 : memref<128x256xf32, #tpu.memory_space<vmem>>) offsets(%dma_start3A_36 : memref<128xi32, #tpu.memory_space<vmem>>) semaphore(%arg9 : memref<!tpu.dma_semaphore, #tpu.memory_space<semaphore_mem>>)
    %add3A_40 = arith.constant 256 : i32
    %add3A_41 = arith.addi %multiple_of3A, %add3A_40 : i32
    "tpu.region"() ({
      %run_scoped3A = tpu.sem_alloc : memref<!tpu.dma_semaphore, #tpu.memory_space<semaphore_mem>>
      %dma_start3A_97 = arith.constant 0 : i32
      %dma_start3A_98 = tpu.memref_slice %arg4[%add3A_41, %dma_start3A_97] : memref<32768x256xf32, #tpu.memory_space<hbm>> -> memref<128x256xf32, #tpu.memory_space<hbm>>
      %dma_start3A_99 = arith.constant 0 : i32
      %dma_start3A_100 = tpu.memref_slice %arg4[%add3A_41, %dma_start3A_99] : memref<32768x256xf32, #tpu.memory_space<hbm>> -> memref<128x256xf32, #tpu.memory_space<hbm>>
      tpu.enqueue_dma source(%arg6 : memref<128x256xf32, #tpu.memory_space<vmem>>) target(%dma_start3A_100 : memref<128x256xf32, #tpu.memory_space<hbm>>) target_semaphore(%run_scoped3A : memref<!tpu.dma_semaphore, #tpu.memory_space<semaphore_mem>>)
      %dma_wait3A_101 = arith.constant 0 : i32
      %dma_wait3A_102 = tpu.memref_slice %arg4[%add3A_41, %dma_wait3A_101] : memref<32768x256xf32, #tpu.memory_space<hbm>> -> memref<128x256xf32, #tpu.memory_space<hbm>>
      %dma_wait3A_103 = arith.constant 0 : i32
      %dma_wait3A_104 = tpu.memref_slice %arg4[%add3A_41, %dma_wait3A_103] : memref<32768x256xf32, #tpu.memory_space<hbm>> -> memref<128x256xf32, #tpu.memory_space<hbm>>
      tpu.wait_dma2 semaphore(%run_scoped3A : memref<!tpu.dma_semaphore, #tpu.memory_space<semaphore_mem>>) src(%arg6 : memref<128x256xf32, #tpu.memory_space<vmem>>) dst(%dma_wait3A_104 : memref<128x256xf32, #tpu.memory_space<hbm>>)
      tpu.yield
    }) : () -> ()
    %dma_wait3A_42 = arith.constant 384 : i32
    %dma_wait3A_43 = tpu.memref_slice %arg5[%dma_wait3A_42] : memref<1024xi32, #tpu.memory_space<vmem>> -> memref<128xi32, #tpu.memory_space<vmem>>
    %dma_wait3A_44 = arith.constant 0 : i32
    %dma_wait3A_45 = arith.constant 0 : i32
    %dma_wait3A_46 = tpu.memref_slice %arg2[%dma_wait3A_44, %dma_wait3A_45] : memref<2048x256xf32, #tpu.memory_space<hbm>> -> memref<2048x256xf32, #tpu.memory_space<hbm>>
    tpu.wait_indirect_dma semaphore(%arg9 : memref<!tpu.dma_semaphore, #tpu.memory_space<semaphore_mem>>) src(%dma_wait3A_46 : memref<2048x256xf32, #tpu.memory_space<hbm>>) dst(%arg7 : memref<128x256xf32, #tpu.memory_space<vmem>>)
    %dma_start3A_47 = arith.constant 512 : i32
    %dma_start3A_48 = tpu.memref_slice %arg5[%dma_start3A_47] : memref<1024xi32, #tpu.memory_space<vmem>> -> memref<128xi32, #tpu.memory_space<vmem>>
    %dma_start3A_49 = arith.constant 0 : i32
    %dma_start3A_50 = arith.constant 0 : i32
    %dma_start3A_51 = tpu.memref_slice %arg2[%dma_start3A_49, %dma_start3A_50] : memref<2048x256xf32, #tpu.memory_space<hbm>> -> memref<2048x256xf32, #tpu.memory_space<hbm>>
    tpu.enqueue_indirect_dma source(%dma_start3A_51 : memref<2048x256xf32, #tpu.memory_space<hbm>>) target(%arg6 : memref<128x256xf32, #tpu.memory_space<vmem>>) offsets(%dma_start3A_48 : memref<128xi32, #tpu.memory_space<vmem>>) semaphore(%arg8 : memref<!tpu.dma_semaphore, #tpu.memory_space<semaphore_mem>>)
    %add3A_52 = arith.constant 384 : i32
    %add3A_53 = arith.addi %multiple_of3A, %add3A_52 : i32
    "tpu.region"() ({
      %run_scoped3A = tpu.sem_alloc : memref<!tpu.dma_semaphore, #tpu.memory_space<semaphore_mem>>
      %dma_start3A_97 = arith.constant 0 : i32
      %dma_start3A_98 = tpu.memref_slice %arg4[%add3A_53, %dma_start3A_97] : memref<32768x256xf32, #tpu.memory_space<hbm>> -> memref<128x256xf32, #tpu.memory_space<hbm>>
      %dma_start3A_99 = arith.constant 0 : i32
      %dma_start3A_100 = tpu.memref_slice %arg4[%add3A_53, %dma_start3A_99] : memref<32768x256xf32, #tpu.memory_space<hbm>> -> memref<128x256xf32, #tpu.memory_space<hbm>>
      tpu.enqueue_dma source(%arg7 : memref<128x256xf32, #tpu.memory_space<vmem>>) target(%dma_start3A_100 : memref<128x256xf32, #tpu.memory_space<hbm>>) target_semaphore(%run_scoped3A : memref<!tpu.dma_semaphore, #tpu.memory_space<semaphore_mem>>)
      %dma_wait3A_101 = arith.constant 0 : i32
      %dma_wait3A_102 = tpu.memref_slice %arg4[%add3A_53, %dma_wait3A_101] : memref<32768x256xf32, #tpu.memory_space<hbm>> -> memref<128x256xf32, #tpu.memory_space<hbm>>
      %dma_wait3A_103 = arith.constant 0 : i32
      %dma_wait3A_104 = tpu.memref_slice %arg4[%add3A_53, %dma_wait3A_103] : memref<32768x256xf32, #tpu.memory_space<hbm>> -> memref<128x256xf32, #tpu.memory_space<hbm>>
      tpu.wait_dma2 semaphore(%run_scoped3A : memref<!tpu.dma_semaphore, #tpu.memory_space<semaphore_mem>>) src(%arg7 : memref<128x256xf32, #tpu.memory_space<vmem>>) dst(%dma_wait3A_104 : memref<128x256xf32, #tpu.memory_space<hbm>>)
      tpu.yield
    }) : () -> ()
    %dma_wait3A_54 = arith.constant 512 : i32
    %dma_wait3A_55 = tpu.memref_slice %arg5[%dma_wait3A_54] : memref<1024xi32, #tpu.memory_space<vmem>> -> memref<128xi32, #tpu.memory_space<vmem>>
    %dma_wait3A_56 = arith.constant 0 : i32
    %dma_wait3A_57 = arith.constant 0 : i32
    %dma_wait3A_58 = tpu.memref_slice %arg2[%dma_wait3A_56, %dma_wait3A_57] : memref<2048x256xf32, #tpu.memory_space<hbm>> -> memref<2048x256xf32, #tpu.memory_space<hbm>>
    tpu.wait_indirect_dma semaphore(%arg8 : memref<!tpu.dma_semaphore, #tpu.memory_space<semaphore_mem>>) src(%dma_wait3A_58 : memref<2048x256xf32, #tpu.memory_space<hbm>>) dst(%arg6 : memref<128x256xf32, #tpu.memory_space<vmem>>)
    %dma_start3A_59 = arith.constant 640 : i32
    %dma_start3A_60 = tpu.memref_slice %arg5[%dma_start3A_59] : memref<1024xi32, #tpu.memory_space<vmem>> -> memref<128xi32, #tpu.memory_space<vmem>>
    %dma_start3A_61 = arith.constant 0 : i32
    %dma_start3A_62 = arith.constant 0 : i32
    %dma_start3A_63 = tpu.memref_slice %arg2[%dma_start3A_61, %dma_start3A_62] : memref<2048x256xf32, #tpu.memory_space<hbm>> -> memref<2048x256xf32, #tpu.memory_space<hbm>>
    tpu.enqueue_indirect_dma source(%dma_start3A_63 : memref<2048x256xf32, #tpu.memory_space<hbm>>) target(%arg7 : memref<128x256xf32, #tpu.memory_space<vmem>>) offsets(%dma_start3A_60 : memref<128xi32, #tpu.memory_space<vmem>>) semaphore(%arg9 : memref<!tpu.dma_semaphore, #tpu.memory_space<semaphore_mem>>)
    %add3A_64 = arith.constant 512 : i32
    %add3A_65 = arith.addi %multiple_of3A, %add3A_64 : i32
    "tpu.region"() ({
      %run_scoped3A = tpu.sem_alloc : memref<!tpu.dma_semaphore, #tpu.memory_space<semaphore_mem>>
      %dma_start3A_97 = arith.constant 0 : i32
      %dma_start3A_98 = tpu.memref_slice %arg4[%add3A_65, %dma_start3A_97] : memref<32768x256xf32, #tpu.memory_space<hbm>> -> memref<128x256xf32, #tpu.memory_space<hbm>>
      %dma_start3A_99 = arith.constant 0 : i32
      %dma_start3A_100 = tpu.memref_slice %arg4[%add3A_65, %dma_start3A_99] : memref<32768x256xf32, #tpu.memory_space<hbm>> -> memref<128x256xf32, #tpu.memory_space<hbm>>
      tpu.enqueue_dma source(%arg6 : memref<128x256xf32, #tpu.memory_space<vmem>>) target(%dma_start3A_100 : memref<128x256xf32, #tpu.memory_space<hbm>>) target_semaphore(%run_scoped3A : memref<!tpu.dma_semaphore, #tpu.memory_space<semaphore_mem>>)
      %dma_wait3A_101 = arith.constant 0 : i32
      %dma_wait3A_102 = tpu.memref_slice %arg4[%add3A_65, %dma_wait3A_101] : memref<32768x256xf32, #tpu.memory_space<hbm>> -> memref<128x256xf32, #tpu.memory_space<hbm>>
      %dma_wait3A_103 = arith.constant 0 : i32
      %dma_wait3A_104 = tpu.memref_slice %arg4[%add3A_65, %dma_wait3A_103] : memref<32768x256xf32, #tpu.memory_space<hbm>> -> memref<128x256xf32, #tpu.memory_space<hbm>>
      tpu.wait_dma2 semaphore(%run_scoped3A : memref<!tpu.dma_semaphore, #tpu.memory_space<semaphore_mem>>) src(%arg6 : memref<128x256xf32, #tpu.memory_space<vmem>>) dst(%dma_wait3A_104 : memref<128x256xf32, #tpu.memory_space<hbm>>)
      tpu.yield
    }) : () -> ()
    %dma_wait3A_66 = arith.constant 640 : i32
    %dma_wait3A_67 = tpu.memref_slice %arg5[%dma_wait3A_66] : memref<1024xi32, #tpu.memory_space<vmem>> -> memref<128xi32, #tpu.memory_space<vmem>>
    %dma_wait3A_68 = arith.constant 0 : i32
    %dma_wait3A_69 = arith.constant 0 : i32
    %dma_wait3A_70 = tpu.memref_slice %arg2[%dma_wait3A_68, %dma_wait3A_69] : memref<2048x256xf32, #tpu.memory_space<hbm>> -> memref<2048x256xf32, #tpu.memory_space<hbm>>
    tpu.wait_indirect_dma semaphore(%arg9 : memref<!tpu.dma_semaphore, #tpu.memory_space<semaphore_mem>>) src(%dma_wait3A_70 : memref<2048x256xf32, #tpu.memory_space<hbm>>) dst(%arg7 : memref<128x256xf32, #tpu.memory_space<vmem>>)
    %dma_start3A_71 = arith.constant 768 : i32
    %dma_start3A_72 = tpu.memref_slice %arg5[%dma_start3A_71] : memref<1024xi32, #tpu.memory_space<vmem>> -> memref<128xi32, #tpu.memory_space<vmem>>
    %dma_start3A_73 = arith.constant 0 : i32
    %dma_start3A_74 = arith.constant 0 : i32
    %dma_start3A_75 = tpu.memref_slice %arg2[%dma_start3A_73, %dma_start3A_74] : memref<2048x256xf32, #tpu.memory_space<hbm>> -> memref<2048x256xf32, #tpu.memory_space<hbm>>
    tpu.enqueue_indirect_dma source(%dma_start3A_75 : memref<2048x256xf32, #tpu.memory_space<hbm>>) target(%arg6 : memref<128x256xf32, #tpu.memory_space<vmem>>) offsets(%dma_start3A_72 : memref<128xi32, #tpu.memory_space<vmem>>) semaphore(%arg8 : memref<!tpu.dma_semaphore, #tpu.memory_space<semaphore_mem>>)
    %add3A_76 = arith.constant 640 : i32
    %add3A_77 = arith.addi %multiple_of3A, %add3A_76 : i32
    "tpu.region"() ({
      %run_scoped3A = tpu.sem_alloc : memref<!tpu.dma_semaphore, #tpu.memory_space<semaphore_mem>>
      %dma_start3A_97 = arith.constant 0 : i32
      %dma_start3A_98 = tpu.memref_slice %arg4[%add3A_77, %dma_start3A_97] : memref<32768x256xf32, #tpu.memory_space<hbm>> -> memref<128x256xf32, #tpu.memory_space<hbm>>
      %dma_start3A_99 = arith.constant 0 : i32
      %dma_start3A_100 = tpu.memref_slice %arg4[%add3A_77, %dma_start3A_99] : memref<32768x256xf32, #tpu.memory_space<hbm>> -> memref<128x256xf32, #tpu.memory_space<hbm>>
      tpu.enqueue_dma source(%arg7 : memref<128x256xf32, #tpu.memory_space<vmem>>) target(%dma_start3A_100 : memref<128x256xf32, #tpu.memory_space<hbm>>) target_semaphore(%run_scoped3A : memref<!tpu.dma_semaphore, #tpu.memory_space<semaphore_mem>>)
      %dma_wait3A_101 = arith.constant 0 : i32
      %dma_wait3A_102 = tpu.memref_slice %arg4[%add3A_77, %dma_wait3A_101] : memref<32768x256xf32, #tpu.memory_space<hbm>> -> memref<128x256xf32, #tpu.memory_space<hbm>>
      %dma_wait3A_103 = arith.constant 0 : i32
      %dma_wait3A_104 = tpu.memref_slice %arg4[%add3A_77, %dma_wait3A_103] : memref<32768x256xf32, #tpu.memory_space<hbm>> -> memref<128x256xf32, #tpu.memory_space<hbm>>
      tpu.wait_dma2 semaphore(%run_scoped3A : memref<!tpu.dma_semaphore, #tpu.memory_space<semaphore_mem>>) src(%arg7 : memref<128x256xf32, #tpu.memory_space<vmem>>) dst(%dma_wait3A_104 : memref<128x256xf32, #tpu.memory_space<hbm>>)
      tpu.yield
    }) : () -> ()
    %dma_wait3A_78 = arith.constant 768 : i32
    %dma_wait3A_79 = tpu.memref_slice %arg5[%dma_wait3A_78] : memref<1024xi32, #tpu.memory_space<vmem>> -> memref<128xi32, #tpu.memory_space<vmem>>
    %dma_wait3A_80 = arith.constant 0 : i32
    %dma_wait3A_81 = arith.constant 0 : i32
    %dma_wait3A_82 = tpu.memref_slice %arg2[%dma_wait3A_80, %dma_wait3A_81] : memref<2048x256xf32, #tpu.memory_space<hbm>> -> memref<2048x256xf32, #tpu.memory_space<hbm>>
    tpu.wait_indirect_dma semaphore(%arg8 : memref<!tpu.dma_semaphore, #tpu.memory_space<semaphore_mem>>) src(%dma_wait3A_82 : memref<2048x256xf32, #tpu.memory_space<hbm>>) dst(%arg6 : memref<128x256xf32, #tpu.memory_space<vmem>>)
    %dma_start3A_83 = arith.constant 896 : i32
    %dma_start3A_84 = tpu.memref_slice %arg5[%dma_start3A_83] : memref<1024xi32, #tpu.memory_space<vmem>> -> memref<128xi32, #tpu.memory_space<vmem>>
    %dma_start3A_85 = arith.constant 0 : i32
    %dma_start3A_86 = arith.constant 0 : i32
    %dma_start3A_87 = tpu.memref_slice %arg2[%dma_start3A_85, %dma_start3A_86] : memref<2048x256xf32, #tpu.memory_space<hbm>> -> memref<2048x256xf32, #tpu.memory_space<hbm>>
    tpu.enqueue_indirect_dma source(%dma_start3A_87 : memref<2048x256xf32, #tpu.memory_space<hbm>>) target(%arg7 : memref<128x256xf32, #tpu.memory_space<vmem>>) offsets(%dma_start3A_84 : memref<128xi32, #tpu.memory_space<vmem>>) semaphore(%arg9 : memref<!tpu.dma_semaphore, #tpu.memory_space<semaphore_mem>>)
    %add3A_88 = arith.constant 768 : i32
    %add3A_89 = arith.addi %multiple_of3A, %add3A_88 : i32
    "tpu.region"() ({
      %run_scoped3A = tpu.sem_alloc : memref<!tpu.dma_semaphore, #tpu.memory_space<semaphore_mem>>
      %dma_start3A_97 = arith.constant 0 : i32
      %dma_start3A_98 = tpu.memref_slice %arg4[%add3A_89, %dma_start3A_97] : memref<32768x256xf32, #tpu.memory_space<hbm>> -> memref<128x256xf32, #tpu.memory_space<hbm>>
      %dma_start3A_99 = arith.constant 0 : i32
      %dma_start3A_100 = tpu.memref_slice %arg4[%add3A_89, %dma_start3A_99] : memref<32768x256xf32, #tpu.memory_space<hbm>> -> memref<128x256xf32, #tpu.memory_space<hbm>>
      tpu.enqueue_dma source(%arg6 : memref<128x256xf32, #tpu.memory_space<vmem>>) target(%dma_start3A_100 : memref<128x256xf32, #tpu.memory_space<hbm>>) target_semaphore(%run_scoped3A : memref<!tpu.dma_semaphore, #tpu.memory_space<semaphore_mem>>)
      %dma_wait3A_101 = arith.constant 0 : i32
      %dma_wait3A_102 = tpu.memref_slice %arg4[%add3A_89, %dma_wait3A_101] : memref<32768x256xf32, #tpu.memory_space<hbm>> -> memref<128x256xf32, #tpu.memory_space<hbm>>
      %dma_wait3A_103 = arith.constant 0 : i32
      %dma_wait3A_104 = tpu.memref_slice %arg4[%add3A_89, %dma_wait3A_103] : memref<32768x256xf32, #tpu.memory_space<hbm>> -> memref<128x256xf32, #tpu.memory_space<hbm>>
      tpu.wait_dma2 semaphore(%run_scoped3A : memref<!tpu.dma_semaphore, #tpu.memory_space<semaphore_mem>>) src(%arg6 : memref<128x256xf32, #tpu.memory_space<vmem>>) dst(%dma_wait3A_104 : memref<128x256xf32, #tpu.memory_space<hbm>>)
      tpu.yield
    }) : () -> ()
    %dma_wait3A_90 = arith.constant 896 : i32
    %dma_wait3A_91 = tpu.memref_slice %arg5[%dma_wait3A_90] : memref<1024xi32, #tpu.memory_space<vmem>> -> memref<128xi32, #tpu.memory_space<vmem>>
    %dma_wait3A_92 = arith.constant 0 : i32
    %dma_wait3A_93 = arith.constant 0 : i32
    %dma_wait3A_94 = tpu.memref_slice %arg2[%dma_wait3A_92, %dma_wait3A_93] : memref<2048x256xf32, #tpu.memory_space<hbm>> -> memref<2048x256xf32, #tpu.memory_space<hbm>>
    tpu.wait_indirect_dma semaphore(%arg9 : memref<!tpu.dma_semaphore, #tpu.memory_space<semaphore_mem>>) src(%dma_wait3A_94 : memref<2048x256xf32, #tpu.memory_space<hbm>>) dst(%arg7 : memref<128x256xf32, #tpu.memory_space<vmem>>)
    %add3A_95 = arith.constant 896 : i32
    %add3A_96 = arith.addi %multiple_of3A, %add3A_95 : i32
    "tpu.region"() ({
      %run_scoped3A = tpu.sem_alloc : memref<!tpu.dma_semaphore, #tpu.memory_space<semaphore_mem>>
      %dma_start3A_97 = arith.constant 0 : i32
      %dma_start3A_98 = tpu.memref_slice %arg4[%add3A_96, %dma_start3A_97] : memref<32768x256xf32, #tpu.memory_space<hbm>> -> memref<128x256xf32, #tpu.memory_space<hbm>>
      %dma_start3A_99 = arith.constant 0 : i32
      %dma_start3A_100 = tpu.memref_slice %arg4[%add3A_96, %dma_start3A_99] : memref<32768x256xf32, #tpu.memory_space<hbm>> -> memref<128x256xf32, #tpu.memory_space<hbm>>
      tpu.enqueue_dma source(%arg7 : memref<128x256xf32, #tpu.memory_space<vmem>>) target(%dma_start3A_100 : memref<128x256xf32, #tpu.memory_space<hbm>>) target_semaphore(%run_scoped3A : memref<!tpu.dma_semaphore, #tpu.memory_space<semaphore_mem>>)
      %dma_wait3A_101 = arith.constant 0 : i32
      %dma_wait3A_102 = tpu.memref_slice %arg4[%add3A_96, %dma_wait3A_101] : memref<32768x256xf32, #tpu.memory_space<hbm>> -> memref<128x256xf32, #tpu.memory_space<hbm>>
      %dma_wait3A_103 = arith.constant 0 : i32
      %dma_wait3A_104 = tpu.memref_slice %arg4[%add3A_96, %dma_wait3A_103] : memref<32768x256xf32, #tpu.memory_space<hbm>> -> memref<128x256xf32, #tpu.memory_space<hbm>>
      tpu.wait_dma2 semaphore(%run_scoped3A : memref<!tpu.dma_semaphore, #tpu.memory_space<semaphore_mem>>) src(%arg7 : memref<128x256xf32, #tpu.memory_space<vmem>>) dst(%dma_wait3A_104 : memref<128x256xf32, #tpu.memory_space<hbm>>)
      tpu.yield
    }) : () -> ()
    return
  }
}

module attributes {stable_mosaic.version = 14 : i64} {
  func.func @_front_body(%arg0: i32, %arg1: memref<256x128xf32, #tpu.memory_space<vmem>>, %arg2: memref<256x512xf32, #tpu.memory_space<vmem>>, %arg3: memref<256x64xf32, #tpu.memory_space<vmem>>, %arg4: memref<128x64xf32, #tpu.memory_space<vmem>>, %arg5: memref<1x64xf32, #tpu.memory_space<vmem>>, %arg6: memref<64x64xf32, #tpu.memory_space<vmem>>, %arg7: memref<1x64xf32, #tpu.memory_space<vmem>>, %arg8: memref<256x640xf32, #tpu.memory_space<vmem>>) attributes {dimension_semantics = [#tpu.dimension_semantics<arbitrary>], iteration_bounds = array<i64: 8>, scalar_prefetch = 0 : i64, scratch_operands = 0 : i64, tpu.core_type = #tpu.core_type<tc>, window_params = [{transform_indices = @transform_0, window_bounds = array<i64: 256, 128>}, {transform_indices = @transform_1, window_bounds = array<i64: 256, 512>}, {transform_indices = @transform_2, window_bounds = array<i64: 256, 64>}, {pipeline_mode = #tpu.pipeline_mode<synchronous>, transform_indices = @transform_3, window_bounds = array<i64: 128, 64>}, {pipeline_mode = #tpu.pipeline_mode<synchronous>, transform_indices = @transform_4, window_bounds = array<i64: 1, 64>}, {pipeline_mode = #tpu.pipeline_mode<synchronous>, transform_indices = @transform_5, window_bounds = array<i64: 64, 64>}, {pipeline_mode = #tpu.pipeline_mode<synchronous>, transform_indices = @transform_6, window_bounds = array<i64: 1, 64>}, {transform_indices = @transform_7, window_bounds = array<i64: 256, 640>}]} {
    %get3A = arith.constant 0 : index
    %get3A_0 = arith.constant 0 : index
    %get3A_1 = vector.load %arg1[%get3A, %get3A_0] : memref<256x128xf32, #tpu.memory_space<vmem>>, vector<256x128xf32>
    %convert_element_type3A = arith.truncf %get3A_1 : vector<256x128xf32> to vector<256x128xbf16>
    %get3A_2 = arith.constant 0 : index
    %get3A_3 = arith.constant 0 : index
    %get3A_4 = vector.load %arg4[%get3A_2, %get3A_3] : memref<128x64xf32, #tpu.memory_space<vmem>>, vector<128x64xf32>
    %convert_element_type3A_5 = arith.truncf %get3A_4 : vector<128x64xf32> to vector<128x64xbf16>
    %dot_general3A = arith.constant dense<0.000000e+00> : vector<256x64xf32>
    %dot_general3A_6 = tpu.matmul %convert_element_type3A, %convert_element_type3A_5, %dot_general3A {dimension_numbers = #tpu.dot_dimension_numbers<[1], [0], [0], [1], [0, 0, 1, 1], [], []>, transpose_lhs_hint = false} : vector<256x128xbf16>, vector<128x64xbf16>, vector<256x64xf32> -> vector<256x64xf32>
    %get3A_7 = arith.constant 0 : index
    %get3A_8 = arith.constant 0 : index
    %get3A_9 = vector.load %arg5[%get3A_7, %get3A_8] : memref<1x64xf32, #tpu.memory_space<vmem>>, vector<1x64xf32>
    %add3A = vector.broadcast %get3A_9 : vector<1x64xf32> to vector<256x64xf32>
    %add3A_10 = arith.addf %dot_general3A_6, %add3A : vector<256x64xf32>
    %max3A = arith.constant 0.000000e+00 : f32
    %max3A_11 = vector.broadcast %max3A : f32 to vector<256x64xf32>
    %max3A_12 = arith.maximumf %add3A_10, %max3A_11 : vector<256x64xf32>
    %convert_element_type3A_13 = arith.truncf %max3A_12 : vector<256x64xf32> to vector<256x64xbf16>
    %get3A_14 = arith.constant 0 : index
    %get3A_15 = arith.constant 0 : index
    %get3A_16 = vector.load %arg6[%get3A_14, %get3A_15] : memref<64x64xf32, #tpu.memory_space<vmem>>, vector<64x64xf32>
    %convert_element_type3A_17 = arith.truncf %get3A_16 : vector<64x64xf32> to vector<64x64xbf16>
    %dot_general3A_18 = arith.constant dense<0.000000e+00> : vector<256x64xf32>
    %dot_general3A_19 = tpu.matmul %convert_element_type3A_13, %convert_element_type3A_17, %dot_general3A_18 {dimension_numbers = #tpu.dot_dimension_numbers<[1], [0], [0], [1], [0, 0, 1, 1], [], []>, transpose_lhs_hint = false} : vector<256x64xbf16>, vector<64x64xbf16>, vector<256x64xf32> -> vector<256x64xf32>
    %get3A_20 = arith.constant 0 : index
    %get3A_21 = arith.constant 0 : index
    %get3A_22 = vector.load %arg7[%get3A_20, %get3A_21] : memref<1x64xf32, #tpu.memory_space<vmem>>, vector<1x64xf32>
    %add3A_23 = vector.broadcast %get3A_22 : vector<1x64xf32> to vector<256x64xf32>
    %add3A_24 = arith.addf %dot_general3A_19, %add3A_23 : vector<256x64xf32>
    %max3A_25 = arith.constant 0.000000e+00 : f32
    %max3A_26 = vector.broadcast %max3A_25 : f32 to vector<256x64xf32>
    %max3A_27 = arith.maximumf %add3A_24, %max3A_26 : vector<256x64xf32>
    %get3A_28 = arith.constant 0 : index
    %get3A_29 = arith.constant 0 : index
    %get3A_30 = vector.load %arg2[%get3A_28, %get3A_29] : memref<256x512xf32, #tpu.memory_space<vmem>>, vector<256x512xf32>
    %get3A_31 = arith.constant 0 : index
    %get3A_32 = arith.constant 0 : index
    %get3A_33 = vector.load %arg3[%get3A_31, %get3A_32] : memref<256x64xf32, #tpu.memory_space<vmem>>, vector<256x64xf32>
    %concatenate3A = tpu.concatenate %max3A_27, %get3A_30, %get3A_33 in 1 : vector<256x64xf32>, vector<256x512xf32>, vector<256x64xf32> -> vector<256x640xf32>
    %swap3A = arith.constant 0 : index
    %swap3A_34 = arith.constant 0 : index
    %swap3A_35 = vector.load %arg8[%swap3A, %swap3A_34] : memref<256x640xf32, #tpu.memory_space<vmem>>, vector<256x640xf32>
    tpu.vector_store %arg8[%swap3A, %swap3A_34], %concatenate3A {strides = array<i32>} : memref<256x640xf32, #tpu.memory_space<vmem>>, vector<256x640xf32>,
    return
  }
  func.func @transform_0(%arg0: i32) -> (i32, i32) {
    %c0_i32 = arith.constant 0 : i32
    %c0_i32_0 = arith.constant 0 : i32
    return %arg0, %c0_i32 : i32, i32
  }
  func.func @transform_1(%arg0: i32) -> (i32, i32) {
    %c0_i32 = arith.constant 0 : i32
    %c0_i32_0 = arith.constant 0 : i32
    return %arg0, %c0_i32 : i32, i32
  }
  func.func @transform_2(%arg0: i32) -> (i32, i32) {
    %c0_i32 = arith.constant 0 : i32
    %c0_i32_0 = arith.constant 0 : i32
    return %arg0, %c0_i32 : i32, i32
  }
  func.func @transform_3(%arg0: i32) -> (i32, i32) {
    %c0_i32 = arith.constant 0 : i32
    %c0_i32_0 = arith.constant 0 : i32
    %c0_i32_1 = arith.constant 0 : i32
    return %c0_i32, %c0_i32_0 : i32, i32
  }
  func.func @transform_4(%arg0: i32) -> (i32, i32) {
    %c0_i32 = arith.constant 0 : i32
    %c0_i32_0 = arith.constant 0 : i32
    %c0_i32_1 = arith.constant 0 : i32
    return %c0_i32, %c0_i32_0 : i32, i32
  }
  func.func @transform_5(%arg0: i32) -> (i32, i32) {
    %c0_i32 = arith.constant 0 : i32
    %c0_i32_0 = arith.constant 0 : i32
    %c0_i32_1 = arith.constant 0 : i32
    return %c0_i32, %c0_i32_0 : i32, i32
  }
  func.func @transform_6(%arg0: i32) -> (i32, i32) {
    %c0_i32 = arith.constant 0 : i32
    %c0_i32_0 = arith.constant 0 : i32
    %c0_i32_1 = arith.constant 0 : i32
    return %c0_i32, %c0_i32_0 : i32, i32
  }
  func.func @transform_7(%arg0: i32) -> (i32, i32) {
    %c0_i32 = arith.constant 0 : i32
    %c0_i32_0 = arith.constant 0 : i32
    return %arg0, %c0_i32 : i32, i32
  }
}

module attributes {stable_mosaic.version = 14 : i64} {
  func.func @_knn_body(%arg0: i32, %arg1: memref<256x640xf32, #tpu.memory_space<vmem>>, %arg2: memref<640x2048xf32, #tpu.memory_space<vmem>>, %arg3: memref<256x16xi32, #tpu.memory_space<vmem>>) attributes {dimension_semantics = [#tpu.dimension_semantics<arbitrary>], iteration_bounds = array<i64: 8>, scalar_prefetch = 0 : i64, scratch_operands = 0 : i64, tpu.core_type = #tpu.core_type<tc>, window_params = [{transform_indices = @transform_0, window_bounds = array<i64: 256, 640>}, {pipeline_mode = #tpu.pipeline_mode<synchronous>, transform_indices = @transform_1, window_bounds = array<i64: 640, 2048>}, {transform_indices = @transform_2, window_bounds = array<i64: 256, 16>}]} {
    %get3A = arith.constant 0 : index
    %get3A_0 = arith.constant 0 : index
    %get3A_1 = vector.load %arg1[%get3A, %get3A_0] : memref<256x640xf32, #tpu.memory_space<vmem>>, vector<256x640xf32>
    %get3A_2 = arith.constant 0 : index
    %get3A_3 = arith.constant 0 : index
    %get3A_4 = vector.load %arg2[%get3A_2, %get3A_3] : memref<640x2048xf32, #tpu.memory_space<vmem>>, vector<640x2048xf32>
    %convert_element_type3A = arith.truncf %get3A_1 : vector<256x640xf32> to vector<256x640xbf16>
    %convert_element_type3A_5 = arith.truncf %get3A_4 : vector<640x2048xf32> to vector<640x2048xbf16>
    %dot_general3A = arith.constant dense<0.000000e+00> : vector<256x2048xf32>
    %dot_general3A_6 = tpu.matmul %convert_element_type3A, %convert_element_type3A_5, %dot_general3A {dimension_numbers = #tpu.dot_dimension_numbers<[1], [0], [0], [1], [0, 0, 1, 1], [], []>, transpose_lhs_hint = false} : vector<256x640xbf16>, vector<640x2048xbf16>, vector<256x2048xf32> -> vector<256x2048xf32>
    %mul3A = arith.mulf %get3A_1, %get3A_1 : vector<256x640xf32>
    %reduce_sum3A = arith.constant dense<0.000000e+00> : vector<256xf32>
    %reduce_sum3A_7 = vector.multi_reduction <add>, %mul3A, %reduce_sum3A [1] : vector<256x640xf32> to vector<256xf32>
    %broadcast_in_dim3A = vector.shape_cast %reduce_sum3A_7 : vector<256xf32> to vector<256x1xf32>
    %mul3A_8 = arith.mulf %get3A_4, %get3A_4 : vector<640x2048xf32>
    %reduce_sum3A_9 = arith.constant dense<0.000000e+00> : vector<2048xf32>
    %reduce_sum3A_10 = vector.multi_reduction <add>, %mul3A_8, %reduce_sum3A_9 [0] : vector<640x2048xf32> to vector<2048xf32>
    %broadcast_in_dim3A_11 = vector.shape_cast %reduce_sum3A_10 : vector<2048xf32> to vector<1x2048xf32>
    %mul3A_12 = arith.constant 2.000000e+00 : f32
    %mul3A_13 = vector.broadcast %mul3A_12 : f32 to vector<256x2048xf32>
    %mul3A_14 = arith.mulf %mul3A_13, %dot_general3A_6 : vector<256x2048xf32>
    %sub3A = vector.broadcast %broadcast_in_dim3A : vector<256x1xf32> to vector<256x2048xf32>
    %sub3A_15 = arith.subf %sub3A, %mul3A_14 : vector<256x2048xf32>
    %add3A = vector.broadcast %broadcast_in_dim3A_11 : vector<1x2048xf32> to vector<256x2048xf32>
    %add3A_16 = arith.addf %sub3A_15, %add3A : vector<256x2048xf32>
    %iota3A = tpu.iota {dimensions = array<i32: 1>} : vector<256x2048xi32>
    %reduce_min3A = arith.constant dense<0x7F800000> : vector<256xf32>
    %reduce_min3A_17 = vector.multi_reduction <minimumf>, %add3A_16, %reduce_min3A [1] : vector<256x2048xf32> to vector<256xf32>
    %broadcast_in_dim3A_18 = vector.shape_cast %reduce_min3A_17 : vector<256xf32> to vector<256x1xf32>
    %eq3A = vector.broadcast %broadcast_in_dim3A_18 : vector<256x1xf32> to vector<256x2048xf32>
    %eq3A_19 = arith.cmpf oeq, %add3A_16, %eq3A : vector<256x2048xf32>
    %jit3A = arith.constant 1073741824 : i32
    %broadcast_in_dim3A_20 = vector.broadcast %jit3A : i32 to vector<256x2048xi32>
    %select_n3A = arith.select %eq3A_19, %iota3A, %broadcast_in_dim3A_20 : vector<256x2048xi1>, vector<256x2048xi32>
    %reduce_min3A_21 = arith.constant dense<2147483647> : vector<256xi32>
    %reduce_min3A_22 = vector.multi_reduction <minsi>, %select_n3A, %reduce_min3A_21 [1] : vector<256x2048xi32> to vector<256xi32>
    %broadcast_in_dim3A_23 = vector.shape_cast %reduce_min3A_22 : vector<256xi32> to vector<256x1xi32>
    %eq3A_24 = vector.broadcast %broadcast_in_dim3A_23 : vector<256x1xi32> to vector<256x2048xi32>
    %eq3A_25 = arith.cmpi eq, %iota3A, %eq3A_24 : vector<256x2048xi32>
    %jit3A_26 = arith.constant 3.000000e+38 : f32
    %broadcast_in_dim3A_27 = vector.broadcast %jit3A_26 : f32 to vector<256x2048xf32>
    %select_n3A_28 = arith.select %eq3A_25, %broadcast_in_dim3A_27, %add3A_16 : vector<256x2048xi1>, vector<256x2048xf32>
    %reduce_min3A_29 = arith.constant dense<0x7F800000> : vector<256xf32>
    %reduce_min3A_30 = vector.multi_reduction <minimumf>, %select_n3A_28, %reduce_min3A_29 [1] : vector<256x2048xf32> to vector<256xf32>
    %broadcast_in_dim3A_31 = vector.shape_cast %reduce_min3A_30 : vector<256xf32> to vector<256x1xf32>
    %eq3A_32 = vector.broadcast %broadcast_in_dim3A_31 : vector<256x1xf32> to vector<256x2048xf32>
    %eq3A_33 = arith.cmpf oeq, %select_n3A_28, %eq3A_32 : vector<256x2048xf32>
    %jit3A_34 = arith.constant 1073741824 : i32
    %broadcast_in_dim3A_35 = vector.broadcast %jit3A_34 : i32 to vector<256x2048xi32>
    %select_n3A_36 = arith.select %eq3A_33, %iota3A, %broadcast_in_dim3A_35 : vector<256x2048xi1>, vector<256x2048xi32>
    %reduce_min3A_37 = arith.constant dense<2147483647> : vector<256xi32>
    %reduce_min3A_38 = vector.multi_reduction <minsi>, %select_n3A_36, %reduce_min3A_37 [1] : vector<256x2048xi32> to vector<256xi32>
    %broadcast_in_dim3A_39 = vector.shape_cast %reduce_min3A_38 : vector<256xi32> to vector<256x1xi32>
    %eq3A_40 = vector.broadcast %broadcast_in_dim3A_39 : vector<256x1xi32> to vector<256x2048xi32>
    %eq3A_41 = arith.cmpi eq, %iota3A, %eq3A_40 : vector<256x2048xi32>
    %jit3A_42 = arith.constant 3.000000e+38 : f32
    %broadcast_in_dim3A_43 = vector.broadcast %jit3A_42 : f32 to vector<256x2048xf32>
    %select_n3A_44 = arith.select %eq3A_41, %broadcast_in_dim3A_43, %select_n3A_28 : vector<256x2048xi1>, vector<256x2048xf32>
    %reduce_min3A_45 = arith.constant dense<0x7F800000> : vector<256xf32>
    %reduce_min3A_46 = vector.multi_reduction <minimumf>, %select_n3A_44, %reduce_min3A_45 [1] : vector<256x2048xf32> to vector<256xf32>
    %broadcast_in_dim3A_47 = vector.shape_cast %reduce_min3A_46 : vector<256xf32> to vector<256x1xf32>
    %eq3A_48 = vector.broadcast %broadcast_in_dim3A_47 : vector<256x1xf32> to vector<256x2048xf32>
    %eq3A_49 = arith.cmpf oeq, %select_n3A_44, %eq3A_48 : vector<256x2048xf32>
    %jit3A_50 = arith.constant 1073741824 : i32
    %broadcast_in_dim3A_51 = vector.broadcast %jit3A_50 : i32 to vector<256x2048xi32>
    %select_n3A_52 = arith.select %eq3A_49, %iota3A, %broadcast_in_dim3A_51 : vector<256x2048xi1>, vector<256x2048xi32>
    %reduce_min3A_53 = arith.constant dense<2147483647> : vector<256xi32>
    %reduce_min3A_54 = vector.multi_reduction <minsi>, %select_n3A_52, %reduce_min3A_53 [1] : vector<256x2048xi32> to vector<256xi32>
    %broadcast_in_dim3A_55 = vector.shape_cast %reduce_min3A_54 : vector<256xi32> to vector<256x1xi32>
    %eq3A_56 = vector.broadcast %broadcast_in_dim3A_55 : vector<256x1xi32> to vector<256x2048xi32>
    %eq3A_57 = arith.cmpi eq, %iota3A, %eq3A_56 : vector<256x2048xi32>
    %jit3A_58 = arith.constant 3.000000e+38 : f32
    %broadcast_in_dim3A_59 = vector.broadcast %jit3A_58 : f32 to vector<256x2048xf32>
    %select_n3A_60 = arith.select %eq3A_57, %broadcast_in_dim3A_59, %select_n3A_44 : vector<256x2048xi1>, vector<256x2048xf32>
    %reduce_min3A_61 = arith.constant dense<0x7F800000> : vector<256xf32>
    %reduce_min3A_62 = vector.multi_reduction <minimumf>, %select_n3A_60, %reduce_min3A_61 [1] : vector<256x2048xf32> to vector<256xf32>
    %broadcast_in_dim3A_63 = vector.shape_cast %reduce_min3A_62 : vector<256xf32> to vector<256x1xf32>
    %eq3A_64 = vector.broadcast %broadcast_in_dim3A_63 : vector<256x1xf32> to vector<256x2048xf32>
    %eq3A_65 = arith.cmpf oeq, %select_n3A_60, %eq3A_64 : vector<256x2048xf32>
    %jit3A_66 = arith.constant 1073741824 : i32
    %broadcast_in_dim3A_67 = vector.broadcast %jit3A_66 : i32 to vector<256x2048xi32>
    %select_n3A_68 = arith.select %eq3A_65, %iota3A, %broadcast_in_dim3A_67 : vector<256x2048xi1>, vector<256x2048xi32>
    %reduce_min3A_69 = arith.constant dense<2147483647> : vector<256xi32>
    %reduce_min3A_70 = vector.multi_reduction <minsi>, %select_n3A_68, %reduce_min3A_69 [1] : vector<256x2048xi32> to vector<256xi32>
    %broadcast_in_dim3A_71 = vector.shape_cast %reduce_min3A_70 : vector<256xi32> to vector<256x1xi32>
    %eq3A_72 = vector.broadcast %broadcast_in_dim3A_71 : vector<256x1xi32> to vector<256x2048xi32>
    %eq3A_73 = arith.cmpi eq, %iota3A, %eq3A_72 : vector<256x2048xi32>
    %jit3A_74 = arith.constant 3.000000e+38 : f32
    %broadcast_in_dim3A_75 = vector.broadcast %jit3A_74 : f32 to vector<256x2048xf32>
    %select_n3A_76 = arith.select %eq3A_73, %broadcast_in_dim3A_75, %select_n3A_60 : vector<256x2048xi1>, vector<256x2048xf32>
    %reduce_min3A_77 = arith.constant dense<0x7F800000> : vector<256xf32>
    %reduce_min3A_78 = vector.multi_reduction <minimumf>, %select_n3A_76, %reduce_min3A_77 [1] : vector<256x2048xf32> to vector<256xf32>
    %broadcast_in_dim3A_79 = vector.shape_cast %reduce_min3A_78 : vector<256xf32> to vector<256x1xf32>
    %eq3A_80 = vector.broadcast %broadcast_in_dim3A_79 : vector<256x1xf32> to vector<256x2048xf32>
    %eq3A_81 = arith.cmpf oeq, %select_n3A_76, %eq3A_80 : vector<256x2048xf32>
    %jit3A_82 = arith.constant 1073741824 : i32
    %broadcast_in_dim3A_83 = vector.broadcast %jit3A_82 : i32 to vector<256x2048xi32>
    %select_n3A_84 = arith.select %eq3A_81, %iota3A, %broadcast_in_dim3A_83 : vector<256x2048xi1>, vector<256x2048xi32>
    %reduce_min3A_85 = arith.constant dense<2147483647> : vector<256xi32>
    %reduce_min3A_86 = vector.multi_reduction <minsi>, %select_n3A_84, %reduce_min3A_85 [1] : vector<256x2048xi32> to vector<256xi32>
    %broadcast_in_dim3A_87 = vector.shape_cast %reduce_min3A_86 : vector<256xi32> to vector<256x1xi32>
    %eq3A_88 = vector.broadcast %broadcast_in_dim3A_87 : vector<256x1xi32> to vector<256x2048xi32>
    %eq3A_89 = arith.cmpi eq, %iota3A, %eq3A_88 : vector<256x2048xi32>
    %jit3A_90 = arith.constant 3.000000e+38 : f32
    %broadcast_in_dim3A_91 = vector.broadcast %jit3A_90 : f32 to vector<256x2048xf32>
    %select_n3A_92 = arith.select %eq3A_89, %broadcast_in_dim3A_91, %select_n3A_76 : vector<256x2048xi1>, vector<256x2048xf32>
    %reduce_min3A_93 = arith.constant dense<0x7F800000> : vector<256xf32>
    %reduce_min3A_94 = vector.multi_reduction <minimumf>, %select_n3A_92, %reduce_min3A_93 [1] : vector<256x2048xf32> to vector<256xf32>
    %broadcast_in_dim3A_95 = vector.shape_cast %reduce_min3A_94 : vector<256xf32> to vector<256x1xf32>
    %eq3A_96 = vector.broadcast %broadcast_in_dim3A_95 : vector<256x1xf32> to vector<256x2048xf32>
    %eq3A_97 = arith.cmpf oeq, %select_n3A_92, %eq3A_96 : vector<256x2048xf32>
    %jit3A_98 = arith.constant 1073741824 : i32
    %broadcast_in_dim3A_99 = vector.broadcast %jit3A_98 : i32 to vector<256x2048xi32>
    %select_n3A_100 = arith.select %eq3A_97, %iota3A, %broadcast_in_dim3A_99 : vector<256x2048xi1>, vector<256x2048xi32>
    %reduce_min3A_101 = arith.constant dense<2147483647> : vector<256xi32>
    %reduce_min3A_102 = vector.multi_reduction <minsi>, %select_n3A_100, %reduce_min3A_101 [1] : vector<256x2048xi32> to vector<256xi32>
    %broadcast_in_dim3A_103 = vector.shape_cast %reduce_min3A_102 : vector<256xi32> to vector<256x1xi32>
    %eq3A_104 = vector.broadcast %broadcast_in_dim3A_103 : vector<256x1xi32> to vector<256x2048xi32>
    %eq3A_105 = arith.cmpi eq, %iota3A, %eq3A_104 : vector<256x2048xi32>
    %jit3A_106 = arith.constant 3.000000e+38 : f32
    %broadcast_in_dim3A_107 = vector.broadcast %jit3A_106 : f32 to vector<256x2048xf32>
    %select_n3A_108 = arith.select %eq3A_105, %broadcast_in_dim3A_107, %select_n3A_92 : vector<256x2048xi1>, vector<256x2048xf32>
    %reduce_min3A_109 = arith.constant dense<0x7F800000> : vector<256xf32>
    %reduce_min3A_110 = vector.multi_reduction <minimumf>, %select_n3A_108, %reduce_min3A_109 [1] : vector<256x2048xf32> to vector<256xf32>
    %broadcast_in_dim3A_111 = vector.shape_cast %reduce_min3A_110 : vector<256xf32> to vector<256x1xf32>
    %eq3A_112 = vector.broadcast %broadcast_in_dim3A_111 : vector<256x1xf32> to vector<256x2048xf32>
    %eq3A_113 = arith.cmpf oeq, %select_n3A_108, %eq3A_112 : vector<256x2048xf32>
    %jit3A_114 = arith.constant 1073741824 : i32
    %broadcast_in_dim3A_115 = vector.broadcast %jit3A_114 : i32 to vector<256x2048xi32>
    %select_n3A_116 = arith.select %eq3A_113, %iota3A, %broadcast_in_dim3A_115 : vector<256x2048xi1>, vector<256x2048xi32>
    %reduce_min3A_117 = arith.constant dense<2147483647> : vector<256xi32>
    %reduce_min3A_118 = vector.multi_reduction <minsi>, %select_n3A_116, %reduce_min3A_117 [1] : vector<256x2048xi32> to vector<256xi32>
    %broadcast_in_dim3A_119 = vector.shape_cast %reduce_min3A_118 : vector<256xi32> to vector<256x1xi32>
    %eq3A_120 = vector.broadcast %broadcast_in_dim3A_119 : vector<256x1xi32> to vector<256x2048xi32>
    %eq3A_121 = arith.cmpi eq, %iota3A, %eq3A_120 : vector<256x2048xi32>
    %jit3A_122 = arith.constant 3.000000e+38 : f32
    %broadcast_in_dim3A_123 = vector.broadcast %jit3A_122 : f32 to vector<256x2048xf32>
    %select_n3A_124 = arith.select %eq3A_121, %broadcast_in_dim3A_123, %select_n3A_108 : vector<256x2048xi1>, vector<256x2048xf32>
    %reduce_min3A_125 = arith.constant dense<0x7F800000> : vector<256xf32>
    %reduce_min3A_126 = vector.multi_reduction <minimumf>, %select_n3A_124, %reduce_min3A_125 [1] : vector<256x2048xf32> to vector<256xf32>
    %broadcast_in_dim3A_127 = vector.shape_cast %reduce_min3A_126 : vector<256xf32> to vector<256x1xf32>
    %eq3A_128 = vector.broadcast %broadcast_in_dim3A_127 : vector<256x1xf32> to vector<256x2048xf32>
    %eq3A_129 = arith.cmpf oeq, %select_n3A_124, %eq3A_128 : vector<256x2048xf32>
    %jit3A_130 = arith.constant 1073741824 : i32
    %broadcast_in_dim3A_131 = vector.broadcast %jit3A_130 : i32 to vector<256x2048xi32>
    %select_n3A_132 = arith.select %eq3A_129, %iota3A, %broadcast_in_dim3A_131 : vector<256x2048xi1>, vector<256x2048xi32>
    %reduce_min3A_133 = arith.constant dense<2147483647> : vector<256xi32>
    %reduce_min3A_134 = vector.multi_reduction <minsi>, %select_n3A_132, %reduce_min3A_133 [1] : vector<256x2048xi32> to vector<256xi32>
    %broadcast_in_dim3A_135 = vector.shape_cast %reduce_min3A_134 : vector<256xi32> to vector<256x1xi32>
    %eq3A_136 = vector.broadcast %broadcast_in_dim3A_135 : vector<256x1xi32> to vector<256x2048xi32>
    %eq3A_137 = arith.cmpi eq, %iota3A, %eq3A_136 : vector<256x2048xi32>
    %jit3A_138 = arith.constant 3.000000e+38 : f32
    %broadcast_in_dim3A_139 = vector.broadcast %jit3A_138 : f32 to vector<256x2048xf32>
    %select_n3A_140 = arith.select %eq3A_137, %broadcast_in_dim3A_139, %select_n3A_124 : vector<256x2048xi1>, vector<256x2048xf32>
    %reduce_min3A_141 = arith.constant dense<0x7F800000> : vector<256xf32>
    %reduce_min3A_142 = vector.multi_reduction <minimumf>, %select_n3A_140, %reduce_min3A_141 [1] : vector<256x2048xf32> to vector<256xf32>
    %broadcast_in_dim3A_143 = vector.shape_cast %reduce_min3A_142 : vector<256xf32> to vector<256x1xf32>
    %eq3A_144 = vector.broadcast %broadcast_in_dim3A_143 : vector<256x1xf32> to vector<256x2048xf32>
    %eq3A_145 = arith.cmpf oeq, %select_n3A_140, %eq3A_144 : vector<256x2048xf32>
    %jit3A_146 = arith.constant 1073741824 : i32
    %broadcast_in_dim3A_147 = vector.broadcast %jit3A_146 : i32 to vector<256x2048xi32>
    %select_n3A_148 = arith.select %eq3A_145, %iota3A, %broadcast_in_dim3A_147 : vector<256x2048xi1>, vector<256x2048xi32>
    %reduce_min3A_149 = arith.constant dense<2147483647> : vector<256xi32>
    %reduce_min3A_150 = vector.multi_reduction <minsi>, %select_n3A_148, %reduce_min3A_149 [1] : vector<256x2048xi32> to vector<256xi32>
    %broadcast_in_dim3A_151 = vector.shape_cast %reduce_min3A_150 : vector<256xi32> to vector<256x1xi32>
    %eq3A_152 = vector.broadcast %broadcast_in_dim3A_151 : vector<256x1xi32> to vector<256x2048xi32>
    %eq3A_153 = arith.cmpi eq, %iota3A, %eq3A_152 : vector<256x2048xi32>
    %jit3A_154 = arith.constant 3.000000e+38 : f32
    %broadcast_in_dim3A_155 = vector.broadcast %jit3A_154 : f32 to vector<256x2048xf32>
    %select_n3A_156 = arith.select %eq3A_153, %broadcast_in_dim3A_155, %select_n3A_140 : vector<256x2048xi1>, vector<256x2048xf32>
    %reduce_min3A_157 = arith.constant dense<0x7F800000> : vector<256xf32>
    %reduce_min3A_158 = vector.multi_reduction <minimumf>, %select_n3A_156, %reduce_min3A_157 [1] : vector<256x2048xf32> to vector<256xf32>
    %broadcast_in_dim3A_159 = vector.shape_cast %reduce_min3A_158 : vector<256xf32> to vector<256x1xf32>
    %eq3A_160 = vector.broadcast %broadcast_in_dim3A_159 : vector<256x1xf32> to vector<256x2048xf32>
    %eq3A_161 = arith.cmpf oeq, %select_n3A_156, %eq3A_160 : vector<256x2048xf32>
    %jit3A_162 = arith.constant 1073741824 : i32
    %broadcast_in_dim3A_163 = vector.broadcast %jit3A_162 : i32 to vector<256x2048xi32>
    %select_n3A_164 = arith.select %eq3A_161, %iota3A, %broadcast_in_dim3A_163 : vector<256x2048xi1>, vector<256x2048xi32>
    %reduce_min3A_165 = arith.constant dense<2147483647> : vector<256xi32>
    %reduce_min3A_166 = vector.multi_reduction <minsi>, %select_n3A_164, %reduce_min3A_165 [1] : vector<256x2048xi32> to vector<256xi32>
    %broadcast_in_dim3A_167 = vector.shape_cast %reduce_min3A_166 : vector<256xi32> to vector<256x1xi32>
    %eq3A_168 = vector.broadcast %broadcast_in_dim3A_167 : vector<256x1xi32> to vector<256x2048xi32>
    %eq3A_169 = arith.cmpi eq, %iota3A, %eq3A_168 : vector<256x2048xi32>
    %jit3A_170 = arith.constant 3.000000e+38 : f32
    %broadcast_in_dim3A_171 = vector.broadcast %jit3A_170 : f32 to vector<256x2048xf32>
    %select_n3A_172 = arith.select %eq3A_169, %broadcast_in_dim3A_171, %select_n3A_156 : vector<256x2048xi1>, vector<256x2048xf32>
    %reduce_min3A_173 = arith.constant dense<0x7F800000> : vector<256xf32>
    %reduce_min3A_174 = vector.multi_reduction <minimumf>, %select_n3A_172, %reduce_min3A_173 [1] : vector<256x2048xf32> to vector<256xf32>
    %broadcast_in_dim3A_175 = vector.shape_cast %reduce_min3A_174 : vector<256xf32> to vector<256x1xf32>
    %eq3A_176 = vector.broadcast %broadcast_in_dim3A_175 : vector<256x1xf32> to vector<256x2048xf32>
    %eq3A_177 = arith.cmpf oeq, %select_n3A_172, %eq3A_176 : vector<256x2048xf32>
    %jit3A_178 = arith.constant 1073741824 : i32
    %broadcast_in_dim3A_179 = vector.broadcast %jit3A_178 : i32 to vector<256x2048xi32>
    %select_n3A_180 = arith.select %eq3A_177, %iota3A, %broadcast_in_dim3A_179 : vector<256x2048xi1>, vector<256x2048xi32>
    %reduce_min3A_181 = arith.constant dense<2147483647> : vector<256xi32>
    %reduce_min3A_182 = vector.multi_reduction <minsi>, %select_n3A_180, %reduce_min3A_181 [1] : vector<256x2048xi32> to vector<256xi32>
    %broadcast_in_dim3A_183 = vector.shape_cast %reduce_min3A_182 : vector<256xi32> to vector<256x1xi32>
    %eq3A_184 = vector.broadcast %broadcast_in_dim3A_183 : vector<256x1xi32> to vector<256x2048xi32>
    %eq3A_185 = arith.cmpi eq, %iota3A, %eq3A_184 : vector<256x2048xi32>
    %jit3A_186 = arith.constant 3.000000e+38 : f32
    %broadcast_in_dim3A_187 = vector.broadcast %jit3A_186 : f32 to vector<256x2048xf32>
    %select_n3A_188 = arith.select %eq3A_185, %broadcast_in_dim3A_187, %select_n3A_172 : vector<256x2048xi1>, vector<256x2048xf32>
    %reduce_min3A_189 = arith.constant dense<0x7F800000> : vector<256xf32>
    %reduce_min3A_190 = vector.multi_reduction <minimumf>, %select_n3A_188, %reduce_min3A_189 [1] : vector<256x2048xf32> to vector<256xf32>
    %broadcast_in_dim3A_191 = vector.shape_cast %reduce_min3A_190 : vector<256xf32> to vector<256x1xf32>
    %eq3A_192 = vector.broadcast %broadcast_in_dim3A_191 : vector<256x1xf32> to vector<256x2048xf32>
    %eq3A_193 = arith.cmpf oeq, %select_n3A_188, %eq3A_192 : vector<256x2048xf32>
    %jit3A_194 = arith.constant 1073741824 : i32
    %broadcast_in_dim3A_195 = vector.broadcast %jit3A_194 : i32 to vector<256x2048xi32>
    %select_n3A_196 = arith.select %eq3A_193, %iota3A, %broadcast_in_dim3A_195 : vector<256x2048xi1>, vector<256x2048xi32>
    %reduce_min3A_197 = arith.constant dense<2147483647> : vector<256xi32>
    %reduce_min3A_198 = vector.multi_reduction <minsi>, %select_n3A_196, %reduce_min3A_197 [1] : vector<256x2048xi32> to vector<256xi32>
    %broadcast_in_dim3A_199 = vector.shape_cast %reduce_min3A_198 : vector<256xi32> to vector<256x1xi32>
    %eq3A_200 = vector.broadcast %broadcast_in_dim3A_199 : vector<256x1xi32> to vector<256x2048xi32>
    %eq3A_201 = arith.cmpi eq, %iota3A, %eq3A_200 : vector<256x2048xi32>
    %jit3A_202 = arith.constant 3.000000e+38 : f32
    %broadcast_in_dim3A_203 = vector.broadcast %jit3A_202 : f32 to vector<256x2048xf32>
    %select_n3A_204 = arith.select %eq3A_201, %broadcast_in_dim3A_203, %select_n3A_188 : vector<256x2048xi1>, vector<256x2048xf32>
    %reduce_min3A_205 = arith.constant dense<0x7F800000> : vector<256xf32>
    %reduce_min3A_206 = vector.multi_reduction <minimumf>, %select_n3A_204, %reduce_min3A_205 [1] : vector<256x2048xf32> to vector<256xf32>
    %broadcast_in_dim3A_207 = vector.shape_cast %reduce_min3A_206 : vector<256xf32> to vector<256x1xf32>
    %eq3A_208 = vector.broadcast %broadcast_in_dim3A_207 : vector<256x1xf32> to vector<256x2048xf32>
    %eq3A_209 = arith.cmpf oeq, %select_n3A_204, %eq3A_208 : vector<256x2048xf32>
    %jit3A_210 = arith.constant 1073741824 : i32
    %broadcast_in_dim3A_211 = vector.broadcast %jit3A_210 : i32 to vector<256x2048xi32>
    %select_n3A_212 = arith.select %eq3A_209, %iota3A, %broadcast_in_dim3A_211 : vector<256x2048xi1>, vector<256x2048xi32>
    %reduce_min3A_213 = arith.constant dense<2147483647> : vector<256xi32>
    %reduce_min3A_214 = vector.multi_reduction <minsi>, %select_n3A_212, %reduce_min3A_213 [1] : vector<256x2048xi32> to vector<256xi32>
    %broadcast_in_dim3A_215 = vector.shape_cast %reduce_min3A_214 : vector<256xi32> to vector<256x1xi32>
    %eq3A_216 = vector.broadcast %broadcast_in_dim3A_215 : vector<256x1xi32> to vector<256x2048xi32>
    %eq3A_217 = arith.cmpi eq, %iota3A, %eq3A_216 : vector<256x2048xi32>
    %jit3A_218 = arith.constant 3.000000e+38 : f32
    %broadcast_in_dim3A_219 = vector.broadcast %jit3A_218 : f32 to vector<256x2048xf32>
    %select_n3A_220 = arith.select %eq3A_217, %broadcast_in_dim3A_219, %select_n3A_204 : vector<256x2048xi1>, vector<256x2048xf32>
    %reduce_min3A_221 = arith.constant dense<0x7F800000> : vector<256xf32>
    %reduce_min3A_222 = vector.multi_reduction <minimumf>, %select_n3A_220, %reduce_min3A_221 [1] : vector<256x2048xf32> to vector<256xf32>
    %broadcast_in_dim3A_223 = vector.shape_cast %reduce_min3A_222 : vector<256xf32> to vector<256x1xf32>
    %eq3A_224 = vector.broadcast %broadcast_in_dim3A_223 : vector<256x1xf32> to vector<256x2048xf32>
    %eq3A_225 = arith.cmpf oeq, %select_n3A_220, %eq3A_224 : vector<256x2048xf32>
    %jit3A_226 = arith.constant 1073741824 : i32
    %broadcast_in_dim3A_227 = vector.broadcast %jit3A_226 : i32 to vector<256x2048xi32>
    %select_n3A_228 = arith.select %eq3A_225, %iota3A, %broadcast_in_dim3A_227 : vector<256x2048xi1>, vector<256x2048xi32>
    %reduce_min3A_229 = arith.constant dense<2147483647> : vector<256xi32>
    %reduce_min3A_230 = vector.multi_reduction <minsi>, %select_n3A_228, %reduce_min3A_229 [1] : vector<256x2048xi32> to vector<256xi32>
    %broadcast_in_dim3A_231 = vector.shape_cast %reduce_min3A_230 : vector<256xi32> to vector<256x1xi32>
    %eq3A_232 = vector.broadcast %broadcast_in_dim3A_231 : vector<256x1xi32> to vector<256x2048xi32>
    %eq3A_233 = arith.cmpi eq, %iota3A, %eq3A_232 : vector<256x2048xi32>
    %jit3A_234 = arith.constant 3.000000e+38 : f32
    %broadcast_in_dim3A_235 = vector.broadcast %jit3A_234 : f32 to vector<256x2048xf32>
    %select_n3A_236 = arith.select %eq3A_233, %broadcast_in_dim3A_235, %select_n3A_220 : vector<256x2048xi1>, vector<256x2048xf32>
    %reduce_min3A_237 = arith.constant dense<0x7F800000> : vector<256xf32>
    %reduce_min3A_238 = vector.multi_reduction <minimumf>, %select_n3A_236, %reduce_min3A_237 [1] : vector<256x2048xf32> to vector<256xf32>
    %broadcast_in_dim3A_239 = vector.shape_cast %reduce_min3A_238 : vector<256xf32> to vector<256x1xf32>
    %eq3A_240 = vector.broadcast %broadcast_in_dim3A_239 : vector<256x1xf32> to vector<256x2048xf32>
    %eq3A_241 = arith.cmpf oeq, %select_n3A_236, %eq3A_240 : vector<256x2048xf32>
    %jit3A_242 = arith.constant 1073741824 : i32
    %broadcast_in_dim3A_243 = vector.broadcast %jit3A_242 : i32 to vector<256x2048xi32>
    %select_n3A_244 = arith.select %eq3A_241, %iota3A, %broadcast_in_dim3A_243 : vector<256x2048xi1>, vector<256x2048xi32>
    %reduce_min3A_245 = arith.constant dense<2147483647> : vector<256xi32>
    %reduce_min3A_246 = vector.multi_reduction <minsi>, %select_n3A_244, %reduce_min3A_245 [1] : vector<256x2048xi32> to vector<256xi32>
    %broadcast_in_dim3A_247 = vector.shape_cast %reduce_min3A_246 : vector<256xi32> to vector<256x1xi32>
    %eq3A_248 = vector.broadcast %broadcast_in_dim3A_247 : vector<256x1xi32> to vector<256x2048xi32>
    %eq3A_249 = arith.cmpi eq, %iota3A, %eq3A_248 : vector<256x2048xi32>
    %jit3A_250 = arith.constant 3.000000e+38 : f32
    %broadcast_in_dim3A_251 = vector.broadcast %jit3A_250 : f32 to vector<256x2048xf32>
    %select_n3A_252 = arith.select %eq3A_249, %broadcast_in_dim3A_251, %select_n3A_236 : vector<256x2048xi1>, vector<256x2048xf32>
    %reduce_min3A_253 = arith.constant dense<0x7F800000> : vector<256xf32>
    %reduce_min3A_254 = vector.multi_reduction <minimumf>, %select_n3A_252, %reduce_min3A_253 [1] : vector<256x2048xf32> to vector<256xf32>
    %broadcast_in_dim3A_255 = vector.shape_cast %reduce_min3A_254 : vector<256xf32> to vector<256x1xf32>
    %eq3A_256 = vector.broadcast %broadcast_in_dim3A_255 : vector<256x1xf32> to vector<256x2048xf32>
    %eq3A_257 = arith.cmpf oeq, %select_n3A_252, %eq3A_256 : vector<256x2048xf32>
    %jit3A_258 = arith.constant 1073741824 : i32
    %broadcast_in_dim3A_259 = vector.broadcast %jit3A_258 : i32 to vector<256x2048xi32>
    %select_n3A_260 = arith.select %eq3A_257, %iota3A, %broadcast_in_dim3A_259 : vector<256x2048xi1>, vector<256x2048xi32>
    %reduce_min3A_261 = arith.constant dense<2147483647> : vector<256xi32>
    %reduce_min3A_262 = vector.multi_reduction <minsi>, %select_n3A_260, %reduce_min3A_261 [1] : vector<256x2048xi32> to vector<256xi32>
    %broadcast_in_dim3A_263 = vector.shape_cast %reduce_min3A_262 : vector<256xi32> to vector<256x1xi32>
    %concatenate3A = tpu.concatenate %broadcast_in_dim3A_23, %broadcast_in_dim3A_39, %broadcast_in_dim3A_55, %broadcast_in_dim3A_71, %broadcast_in_dim3A_87, %broadcast_in_dim3A_103, %broadcast_in_dim3A_119, %broadcast_in_dim3A_135, %broadcast_in_dim3A_151, %broadcast_in_dim3A_167, %broadcast_in_dim3A_183, %broadcast_in_dim3A_199, %broadcast_in_dim3A_215, %broadcast_in_dim3A_231, %broadcast_in_dim3A_247, %broadcast_in_dim3A_263 in 1 : vector<256x1xi32>, vector<256x1xi32>, vector<256x1xi32>, vector<256x1xi32>, vector<256x1xi32>, vector<256x1xi32>, vector<256x1xi32>, vector<256x1xi32>, vector<256x1xi32>, vector<256x1xi32>, vector<256x1xi32>, vector<256x1xi32>, vector<256x1xi32>, vector<256x1xi32>, vector<256x1xi32>, vector<256x1xi32> -> vector<256x16xi32>
    %swap3A = arith.constant 0 : index
    %swap3A_264 = arith.constant 0 : index
    %swap3A_265 = vector.load %arg3[%swap3A, %swap3A_264] : memref<256x16xi32, #tpu.memory_space<vmem>>, vector<256x16xi32>
    tpu.vector_store %arg3[%swap3A, %swap3A_264], %concatenate3A {strides = array<i32>} : memref<256x16xi32, #tpu.memory_space<vmem>>, vector<256x16xi32>,
    return
  }
  func.func @transform_0(%arg0: i32) -> (i32, i32) {
    %c0_i32 = arith.constant 0 : i32
    %c0_i32_0 = arith.constant 0 : i32
    return %arg0, %c0_i32 : i32, i32
  }
  func.func @transform_1(%arg0: i32) -> (i32, i32) {
    %c0_i32 = arith.constant 0 : i32
    %c0_i32_0 = arith.constant 0 : i32
    %c0_i32_1 = arith.constant 0 : i32
    return %c0_i32, %c0_i32_0 : i32, i32
  }
  func.func @transform_2(%arg0: i32) -> (i32, i32) {
    %c0_i32 = arith.constant 0 : i32
    %c0_i32_0 = arith.constant 0 : i32
    return %arg0, %c0_i32 : i32, i32
  }
}

module attributes {stable_mosaic.version = 14 : i64} {
  func.func @_amm_body(%arg0: i32, %arg1: memref<256x640xf32, #tpu.memory_space<vmem>>, %arg2: memref<640x256xf32, #tpu.memory_space<vmem>>, %arg3: memref<256x256xf32, #tpu.memory_space<vmem>>) attributes {dimension_semantics = [#tpu.dimension_semantics<arbitrary>], iteration_bounds = array<i64: 8>, scalar_prefetch = 0 : i64, scratch_operands = 0 : i64, tpu.core_type = #tpu.core_type<tc>, window_params = [{transform_indices = @transform_0, window_bounds = array<i64: 256, 640>}, {pipeline_mode = #tpu.pipeline_mode<synchronous>, transform_indices = @transform_1, window_bounds = array<i64: 640, 256>}, {transform_indices = @transform_2, window_bounds = array<i64: 256, 256>}]} {
    %get3A = arith.constant 0 : index
    %get3A_0 = arith.constant 0 : index
    %get3A_1 = vector.load %arg1[%get3A, %get3A_0] : memref<256x640xf32, #tpu.memory_space<vmem>>, vector<256x640xf32>
    %convert_element_type3A = arith.truncf %get3A_1 : vector<256x640xf32> to vector<256x640xbf16>
    %get3A_2 = arith.constant 0 : index
    %get3A_3 = arith.constant 0 : index
    %get3A_4 = vector.load %arg2[%get3A_2, %get3A_3] : memref<640x256xf32, #tpu.memory_space<vmem>>, vector<640x256xf32>
    %convert_element_type3A_5 = arith.truncf %get3A_4 : vector<640x256xf32> to vector<640x256xbf16>
    %dot_general3A = arith.constant dense<0.000000e+00> : vector<256x256xf32>
    %dot_general3A_6 = tpu.matmul %convert_element_type3A, %convert_element_type3A_5, %dot_general3A {dimension_numbers = #tpu.dot_dimension_numbers<[1], [0], [0], [1], [0, 0, 1, 1], [], []>, transpose_lhs_hint = false} : vector<256x640xbf16>, vector<640x256xbf16>, vector<256x256xf32> -> vector<256x256xf32>
    %swap3A = arith.constant 0 : index
    %swap3A_7 = arith.constant 0 : index
    %swap3A_8 = vector.load %arg3[%swap3A, %swap3A_7] : memref<256x256xf32, #tpu.memory_space<vmem>>, vector<256x256xf32>
    tpu.vector_store %arg3[%swap3A, %swap3A_7], %dot_general3A_6 {strides = array<i32>} : memref<256x256xf32, #tpu.memory_space<vmem>>, vector<256x256xf32>,
    return
  }
  func.func @transform_0(%arg0: i32) -> (i32, i32) {
    %c0_i32 = arith.constant 0 : i32
    %c0_i32_0 = arith.constant 0 : i32
    return %arg0, %c0_i32 : i32, i32
  }
  func.func @transform_1(%arg0: i32) -> (i32, i32) {
    %c0_i32 = arith.constant 0 : i32
    %c0_i32_0 = arith.constant 0 : i32
    %c0_i32_1 = arith.constant 0 : i32
    return %c0_i32, %c0_i32_0 : i32, i32
  }
  func.func @transform_2(%arg0: i32) -> (i32, i32) {
    %c0_i32 = arith.constant 0 : i32
    %c0_i32_0 = arith.constant 0 : i32
    return %arg0, %c0_i32 : i32, i32
  }
}

module attributes {stable_mosaic.version = 14 : i64} {
  func.func @_edge_body(%arg0: i32, %arg1: memref<2048x640xf32, #tpu.memory_space<vmem>>, %arg2: memref<128x640xf32, #tpu.memory_space<vmem>>, %arg3: memref<128x256xf32, #tpu.memory_space<vmem>>, %arg4: memref<640x256xf32, #tpu.memory_space<vmem>>, %arg5: memref<1x256xf32, #tpu.memory_space<vmem>>, %arg6: memref<128x256xf32, #tpu.memory_space<vmem>>) attributes {dimension_semantics = [#tpu.dimension_semantics<arbitrary>], iteration_bounds = array<i64: 16>, scalar_prefetch = 0 : i64, scratch_operands = 0 : i64, tpu.core_type = #tpu.core_type<tc>, window_params = [{transform_indices = @transform_0, window_bounds = array<i64: 2048, 640>}, {transform_indices = @transform_1, window_bounds = array<i64: 128, 640>}, {transform_indices = @transform_2, window_bounds = array<i64: 128, 256>}, {pipeline_mode = #tpu.pipeline_mode<synchronous>, transform_indices = @transform_3, window_bounds = array<i64: 640, 256>}, {pipeline_mode = #tpu.pipeline_mode<synchronous>, transform_indices = @transform_4, window_bounds = array<i64: 1, 256>}, {transform_indices = @transform_5, window_bounds = array<i64: 128, 256>}]} {
    %get3A = arith.constant 0 : index
    %get3A_0 = arith.constant 0 : index
    %get3A_1 = vector.load %arg1[%get3A, %get3A_0] : memref<2048x640xf32, #tpu.memory_space<vmem>>, vector<2048x640xf32>
    %get3A_2 = arith.constant 0 : index
    %get3A_3 = arith.constant 0 : index
    %get3A_4 = vector.load %arg2[%get3A_2, %get3A_3] : memref<128x640xf32, #tpu.memory_space<vmem>>, vector<128x640xf32>
    %reshape3A = vector.shape_cast %get3A_1 : vector<2048x640xf32> to vector<128x16x640xf32>
    %broadcast_in_dim3A = vector.shape_cast %get3A_4 : vector<128x640xf32> to vector<128x1x640xf32>
    %sub3A = vector.broadcast %broadcast_in_dim3A : vector<128x1x640xf32> to vector<128x16x640xf32>
    %sub3A_5 = arith.subf %reshape3A, %sub3A : vector<128x16x640xf32>
    %reshape3A_6 = vector.shape_cast %sub3A_5 : vector<128x16x640xf32> to vector<2048x640xf32>
    %convert_element_type3A = arith.truncf %reshape3A_6 : vector<2048x640xf32> to vector<2048x640xbf16>
    %get3A_7 = arith.constant 0 : index
    %get3A_8 = arith.constant 0 : index
    %get3A_9 = vector.load %arg4[%get3A_7, %get3A_8] : memref<640x256xf32, #tpu.memory_space<vmem>>, vector<640x256xf32>
    %convert_element_type3A_10 = arith.truncf %get3A_9 : vector<640x256xf32> to vector<640x256xbf16>
    %dot_general3A = arith.constant dense<0.000000e+00> : vector<2048x256xf32>
    %dot_general3A_11 = tpu.matmul %convert_element_type3A, %convert_element_type3A_10, %dot_general3A {dimension_numbers = #tpu.dot_dimension_numbers<[1], [0], [0], [1], [0, 0, 1, 1], [], []>, transpose_lhs_hint = false} : vector<2048x640xbf16>, vector<640x256xbf16>, vector<2048x256xf32> -> vector<2048x256xf32>
    %reshape3A_12 = vector.shape_cast %dot_general3A_11 : vector<2048x256xf32> to vector<128x16x256xf32>
    %reduce_max3A = arith.constant dense<0xFF800000> : vector<128x256xf32>
    %reduce_max3A_13 = vector.multi_reduction <maximumf>, %reshape3A_12, %reduce_max3A [1] : vector<128x16x256xf32> to vector<128x256xf32>
    %get3A_14 = arith.constant 0 : index
    %get3A_15 = arith.constant 0 : index
    %get3A_16 = vector.load %arg3[%get3A_14, %get3A_15] : memref<128x256xf32, #tpu.memory_space<vmem>>, vector<128x256xf32>
    %add3A = arith.addf %get3A_16, %reduce_max3A_13 : vector<128x256xf32>
    %get3A_17 = arith.constant 0 : index
    %get3A_18 = arith.constant 0 : index
    %get3A_19 = vector.load %arg5[%get3A_17, %get3A_18] : memref<1x256xf32, #tpu.memory_space<vmem>>, vector<1x256xf32>
    %add3A_20 = vector.broadcast %get3A_19 : vector<1x256xf32> to vector<128x256xf32>
    %add3A_21 = arith.addf %add3A, %add3A_20 : vector<128x256xf32>
    %max3A = arith.constant 0.000000e+00 : f32
    %max3A_22 = vector.broadcast %max3A : f32 to vector<128x256xf32>
    %max3A_23 = arith.maximumf %add3A_21, %max3A_22 : vector<128x256xf32>
    %swap3A = arith.constant 0 : index
    %swap3A_24 = arith.constant 0 : index
    %swap3A_25 = vector.load %arg6[%swap3A, %swap3A_24] : memref<128x256xf32, #tpu.memory_space<vmem>>, vector<128x256xf32>
    tpu.vector_store %arg6[%swap3A, %swap3A_24], %max3A_23 {strides = array<i32>} : memref<128x256xf32, #tpu.memory_space<vmem>>, vector<128x256xf32>,
    return
  }
  func.func @transform_0(%arg0: i32) -> (i32, i32) {
    %c0_i32 = arith.constant 0 : i32
    %c0_i32_0 = arith.constant 0 : i32
    return %arg0, %c0_i32 : i32, i32
  }
  func.func @transform_1(%arg0: i32) -> (i32, i32) {
    %c0_i32 = arith.constant 0 : i32
    %c0_i32_0 = arith.constant 0 : i32
    return %arg0, %c0_i32 : i32, i32
  }
  func.func @transform_2(%arg0: i32) -> (i32, i32) {
    %c0_i32 = arith.constant 0 : i32
    %c0_i32_0 = arith.constant 0 : i32
    return %arg0, %c0_i32 : i32, i32
  }
  func.func @transform_3(%arg0: i32) -> (i32, i32) {
    %c0_i32 = arith.constant 0 : i32
    %c0_i32_0 = arith.constant 0 : i32
    %c0_i32_1 = arith.constant 0 : i32
    return %c0_i32, %c0_i32_0 : i32, i32
  }
  func.func @transform_4(%arg0: i32) -> (i32, i32) {
    %c0_i32 = arith.constant 0 : i32
    %c0_i32_0 = arith.constant 0 : i32
    %c0_i32_1 = arith.constant 0 : i32
    return %c0_i32, %c0_i32_0 : i32, i32
  }
  func.func @transform_5(%arg0: i32) -> (i32, i32) {
    %c0_i32 = arith.constant 0 : i32
    %c0_i32_0 = arith.constant 0 : i32
    return %arg0, %c0_i32 : i32, i32
  }
}

module attributes {stable_mosaic.version = 14 : i64} {
  func.func @_knn_body(%arg0: i32, %arg1: memref<256x256xf32, #tpu.memory_space<vmem>>, %arg2: memref<256x2048xf32, #tpu.memory_space<vmem>>, %arg3: memref<256x16xi32, #tpu.memory_space<vmem>>) attributes {dimension_semantics = [#tpu.dimension_semantics<arbitrary>], iteration_bounds = array<i64: 8>, scalar_prefetch = 0 : i64, scratch_operands = 0 : i64, tpu.core_type = #tpu.core_type<tc>, window_params = [{transform_indices = @transform_0, window_bounds = array<i64: 256, 256>}, {pipeline_mode = #tpu.pipeline_mode<synchronous>, transform_indices = @transform_1, window_bounds = array<i64: 256, 2048>}, {transform_indices = @transform_2, window_bounds = array<i64: 256, 16>}]} {
    %get3A = arith.constant 0 : index
    %get3A_0 = arith.constant 0 : index
    %get3A_1 = vector.load %arg1[%get3A, %get3A_0] : memref<256x256xf32, #tpu.memory_space<vmem>>, vector<256x256xf32>
    %get3A_2 = arith.constant 0 : index
    %get3A_3 = arith.constant 0 : index
    %get3A_4 = vector.load %arg2[%get3A_2, %get3A_3] : memref<256x2048xf32, #tpu.memory_space<vmem>>, vector<256x2048xf32>
    %convert_element_type3A = arith.truncf %get3A_1 : vector<256x256xf32> to vector<256x256xbf16>
    %convert_element_type3A_5 = arith.truncf %get3A_4 : vector<256x2048xf32> to vector<256x2048xbf16>
    %dot_general3A = arith.constant dense<0.000000e+00> : vector<256x2048xf32>
    %dot_general3A_6 = tpu.matmul %convert_element_type3A, %convert_element_type3A_5, %dot_general3A {dimension_numbers = #tpu.dot_dimension_numbers<[1], [0], [0], [1], [0, 0, 1, 1], [], []>, transpose_lhs_hint = false} : vector<256x256xbf16>, vector<256x2048xbf16>, vector<256x2048xf32> -> vector<256x2048xf32>
    %mul3A = arith.mulf %get3A_1, %get3A_1 : vector<256x256xf32>
    %reduce_sum3A = arith.constant dense<0.000000e+00> : vector<256xf32>
    %reduce_sum3A_7 = vector.multi_reduction <add>, %mul3A, %reduce_sum3A [1] : vector<256x256xf32> to vector<256xf32>
    %broadcast_in_dim3A = vector.shape_cast %reduce_sum3A_7 : vector<256xf32> to vector<256x1xf32>
    %mul3A_8 = arith.mulf %get3A_4, %get3A_4 : vector<256x2048xf32>
    %reduce_sum3A_9 = arith.constant dense<0.000000e+00> : vector<2048xf32>
    %reduce_sum3A_10 = vector.multi_reduction <add>, %mul3A_8, %reduce_sum3A_9 [0] : vector<256x2048xf32> to vector<2048xf32>
    %broadcast_in_dim3A_11 = vector.shape_cast %reduce_sum3A_10 : vector<2048xf32> to vector<1x2048xf32>
    %mul3A_12 = arith.constant 2.000000e+00 : f32
    %mul3A_13 = vector.broadcast %mul3A_12 : f32 to vector<256x2048xf32>
    %mul3A_14 = arith.mulf %mul3A_13, %dot_general3A_6 : vector<256x2048xf32>
    %sub3A = vector.broadcast %broadcast_in_dim3A : vector<256x1xf32> to vector<256x2048xf32>
    %sub3A_15 = arith.subf %sub3A, %mul3A_14 : vector<256x2048xf32>
    %add3A = vector.broadcast %broadcast_in_dim3A_11 : vector<1x2048xf32> to vector<256x2048xf32>
    %add3A_16 = arith.addf %sub3A_15, %add3A : vector<256x2048xf32>
    %iota3A = tpu.iota {dimensions = array<i32: 1>} : vector<256x2048xi32>
    %reduce_min3A = arith.constant dense<0x7F800000> : vector<256xf32>
    %reduce_min3A_17 = vector.multi_reduction <minimumf>, %add3A_16, %reduce_min3A [1] : vector<256x2048xf32> to vector<256xf32>
    %broadcast_in_dim3A_18 = vector.shape_cast %reduce_min3A_17 : vector<256xf32> to vector<256x1xf32>
    %eq3A = vector.broadcast %broadcast_in_dim3A_18 : vector<256x1xf32> to vector<256x2048xf32>
    %eq3A_19 = arith.cmpf oeq, %add3A_16, %eq3A : vector<256x2048xf32>
    %jit3A = arith.constant 1073741824 : i32
    %broadcast_in_dim3A_20 = vector.broadcast %jit3A : i32 to vector<256x2048xi32>
    %select_n3A = arith.select %eq3A_19, %iota3A, %broadcast_in_dim3A_20 : vector<256x2048xi1>, vector<256x2048xi32>
    %reduce_min3A_21 = arith.constant dense<2147483647> : vector<256xi32>
    %reduce_min3A_22 = vector.multi_reduction <minsi>, %select_n3A, %reduce_min3A_21 [1] : vector<256x2048xi32> to vector<256xi32>
    %broadcast_in_dim3A_23 = vector.shape_cast %reduce_min3A_22 : vector<256xi32> to vector<256x1xi32>
    %eq3A_24 = vector.broadcast %broadcast_in_dim3A_23 : vector<256x1xi32> to vector<256x2048xi32>
    %eq3A_25 = arith.cmpi eq, %iota3A, %eq3A_24 : vector<256x2048xi32>
    %jit3A_26 = arith.constant 3.000000e+38 : f32
    %broadcast_in_dim3A_27 = vector.broadcast %jit3A_26 : f32 to vector<256x2048xf32>
    %select_n3A_28 = arith.select %eq3A_25, %broadcast_in_dim3A_27, %add3A_16 : vector<256x2048xi1>, vector<256x2048xf32>
    %reduce_min3A_29 = arith.constant dense<0x7F800000> : vector<256xf32>
    %reduce_min3A_30 = vector.multi_reduction <minimumf>, %select_n3A_28, %reduce_min3A_29 [1] : vector<256x2048xf32> to vector<256xf32>
    %broadcast_in_dim3A_31 = vector.shape_cast %reduce_min3A_30 : vector<256xf32> to vector<256x1xf32>
    %eq3A_32 = vector.broadcast %broadcast_in_dim3A_31 : vector<256x1xf32> to vector<256x2048xf32>
    %eq3A_33 = arith.cmpf oeq, %select_n3A_28, %eq3A_32 : vector<256x2048xf32>
    %jit3A_34 = arith.constant 1073741824 : i32
    %broadcast_in_dim3A_35 = vector.broadcast %jit3A_34 : i32 to vector<256x2048xi32>
    %select_n3A_36 = arith.select %eq3A_33, %iota3A, %broadcast_in_dim3A_35 : vector<256x2048xi1>, vector<256x2048xi32>
    %reduce_min3A_37 = arith.constant dense<2147483647> : vector<256xi32>
    %reduce_min3A_38 = vector.multi_reduction <minsi>, %select_n3A_36, %reduce_min3A_37 [1] : vector<256x2048xi32> to vector<256xi32>
    %broadcast_in_dim3A_39 = vector.shape_cast %reduce_min3A_38 : vector<256xi32> to vector<256x1xi32>
    %eq3A_40 = vector.broadcast %broadcast_in_dim3A_39 : vector<256x1xi32> to vector<256x2048xi32>
    %eq3A_41 = arith.cmpi eq, %iota3A, %eq3A_40 : vector<256x2048xi32>
    %jit3A_42 = arith.constant 3.000000e+38 : f32
    %broadcast_in_dim3A_43 = vector.broadcast %jit3A_42 : f32 to vector<256x2048xf32>
    %select_n3A_44 = arith.select %eq3A_41, %broadcast_in_dim3A_43, %select_n3A_28 : vector<256x2048xi1>, vector<256x2048xf32>
    %reduce_min3A_45 = arith.constant dense<0x7F800000> : vector<256xf32>
    %reduce_min3A_46 = vector.multi_reduction <minimumf>, %select_n3A_44, %reduce_min3A_45 [1] : vector<256x2048xf32> to vector<256xf32>
    %broadcast_in_dim3A_47 = vector.shape_cast %reduce_min3A_46 : vector<256xf32> to vector<256x1xf32>
    %eq3A_48 = vector.broadcast %broadcast_in_dim3A_47 : vector<256x1xf32> to vector<256x2048xf32>
    %eq3A_49 = arith.cmpf oeq, %select_n3A_44, %eq3A_48 : vector<256x2048xf32>
    %jit3A_50 = arith.constant 1073741824 : i32
    %broadcast_in_dim3A_51 = vector.broadcast %jit3A_50 : i32 to vector<256x2048xi32>
    %select_n3A_52 = arith.select %eq3A_49, %iota3A, %broadcast_in_dim3A_51 : vector<256x2048xi1>, vector<256x2048xi32>
    %reduce_min3A_53 = arith.constant dense<2147483647> : vector<256xi32>
    %reduce_min3A_54 = vector.multi_reduction <minsi>, %select_n3A_52, %reduce_min3A_53 [1] : vector<256x2048xi32> to vector<256xi32>
    %broadcast_in_dim3A_55 = vector.shape_cast %reduce_min3A_54 : vector<256xi32> to vector<256x1xi32>
    %eq3A_56 = vector.broadcast %broadcast_in_dim3A_55 : vector<256x1xi32> to vector<256x2048xi32>
    %eq3A_57 = arith.cmpi eq, %iota3A, %eq3A_56 : vector<256x2048xi32>
    %jit3A_58 = arith.constant 3.000000e+38 : f32
    %broadcast_in_dim3A_59 = vector.broadcast %jit3A_58 : f32 to vector<256x2048xf32>
    %select_n3A_60 = arith.select %eq3A_57, %broadcast_in_dim3A_59, %select_n3A_44 : vector<256x2048xi1>, vector<256x2048xf32>
    %reduce_min3A_61 = arith.constant dense<0x7F800000> : vector<256xf32>
    %reduce_min3A_62 = vector.multi_reduction <minimumf>, %select_n3A_60, %reduce_min3A_61 [1] : vector<256x2048xf32> to vector<256xf32>
    %broadcast_in_dim3A_63 = vector.shape_cast %reduce_min3A_62 : vector<256xf32> to vector<256x1xf32>
    %eq3A_64 = vector.broadcast %broadcast_in_dim3A_63 : vector<256x1xf32> to vector<256x2048xf32>
    %eq3A_65 = arith.cmpf oeq, %select_n3A_60, %eq3A_64 : vector<256x2048xf32>
    %jit3A_66 = arith.constant 1073741824 : i32
    %broadcast_in_dim3A_67 = vector.broadcast %jit3A_66 : i32 to vector<256x2048xi32>
    %select_n3A_68 = arith.select %eq3A_65, %iota3A, %broadcast_in_dim3A_67 : vector<256x2048xi1>, vector<256x2048xi32>
    %reduce_min3A_69 = arith.constant dense<2147483647> : vector<256xi32>
    %reduce_min3A_70 = vector.multi_reduction <minsi>, %select_n3A_68, %reduce_min3A_69 [1] : vector<256x2048xi32> to vector<256xi32>
    %broadcast_in_dim3A_71 = vector.shape_cast %reduce_min3A_70 : vector<256xi32> to vector<256x1xi32>
    %eq3A_72 = vector.broadcast %broadcast_in_dim3A_71 : vector<256x1xi32> to vector<256x2048xi32>
    %eq3A_73 = arith.cmpi eq, %iota3A, %eq3A_72 : vector<256x2048xi32>
    %jit3A_74 = arith.constant 3.000000e+38 : f32
    %broadcast_in_dim3A_75 = vector.broadcast %jit3A_74 : f32 to vector<256x2048xf32>
    %select_n3A_76 = arith.select %eq3A_73, %broadcast_in_dim3A_75, %select_n3A_60 : vector<256x2048xi1>, vector<256x2048xf32>
    %reduce_min3A_77 = arith.constant dense<0x7F800000> : vector<256xf32>
    %reduce_min3A_78 = vector.multi_reduction <minimumf>, %select_n3A_76, %reduce_min3A_77 [1] : vector<256x2048xf32> to vector<256xf32>
    %broadcast_in_dim3A_79 = vector.shape_cast %reduce_min3A_78 : vector<256xf32> to vector<256x1xf32>
    %eq3A_80 = vector.broadcast %broadcast_in_dim3A_79 : vector<256x1xf32> to vector<256x2048xf32>
    %eq3A_81 = arith.cmpf oeq, %select_n3A_76, %eq3A_80 : vector<256x2048xf32>
    %jit3A_82 = arith.constant 1073741824 : i32
    %broadcast_in_dim3A_83 = vector.broadcast %jit3A_82 : i32 to vector<256x2048xi32>
    %select_n3A_84 = arith.select %eq3A_81, %iota3A, %broadcast_in_dim3A_83 : vector<256x2048xi1>, vector<256x2048xi32>
    %reduce_min3A_85 = arith.constant dense<2147483647> : vector<256xi32>
    %reduce_min3A_86 = vector.multi_reduction <minsi>, %select_n3A_84, %reduce_min3A_85 [1] : vector<256x2048xi32> to vector<256xi32>
    %broadcast_in_dim3A_87 = vector.shape_cast %reduce_min3A_86 : vector<256xi32> to vector<256x1xi32>
    %eq3A_88 = vector.broadcast %broadcast_in_dim3A_87 : vector<256x1xi32> to vector<256x2048xi32>
    %eq3A_89 = arith.cmpi eq, %iota3A, %eq3A_88 : vector<256x2048xi32>
    %jit3A_90 = arith.constant 3.000000e+38 : f32
    %broadcast_in_dim3A_91 = vector.broadcast %jit3A_90 : f32 to vector<256x2048xf32>
    %select_n3A_92 = arith.select %eq3A_89, %broadcast_in_dim3A_91, %select_n3A_76 : vector<256x2048xi1>, vector<256x2048xf32>
    %reduce_min3A_93 = arith.constant dense<0x7F800000> : vector<256xf32>
    %reduce_min3A_94 = vector.multi_reduction <minimumf>, %select_n3A_92, %reduce_min3A_93 [1] : vector<256x2048xf32> to vector<256xf32>
    %broadcast_in_dim3A_95 = vector.shape_cast %reduce_min3A_94 : vector<256xf32> to vector<256x1xf32>
    %eq3A_96 = vector.broadcast %broadcast_in_dim3A_95 : vector<256x1xf32> to vector<256x2048xf32>
    %eq3A_97 = arith.cmpf oeq, %select_n3A_92, %eq3A_96 : vector<256x2048xf32>
    %jit3A_98 = arith.constant 1073741824 : i32
    %broadcast_in_dim3A_99 = vector.broadcast %jit3A_98 : i32 to vector<256x2048xi32>
    %select_n3A_100 = arith.select %eq3A_97, %iota3A, %broadcast_in_dim3A_99 : vector<256x2048xi1>, vector<256x2048xi32>
    %reduce_min3A_101 = arith.constant dense<2147483647> : vector<256xi32>
    %reduce_min3A_102 = vector.multi_reduction <minsi>, %select_n3A_100, %reduce_min3A_101 [1] : vector<256x2048xi32> to vector<256xi32>
    %broadcast_in_dim3A_103 = vector.shape_cast %reduce_min3A_102 : vector<256xi32> to vector<256x1xi32>
    %eq3A_104 = vector.broadcast %broadcast_in_dim3A_103 : vector<256x1xi32> to vector<256x2048xi32>
    %eq3A_105 = arith.cmpi eq, %iota3A, %eq3A_104 : vector<256x2048xi32>
    %jit3A_106 = arith.constant 3.000000e+38 : f32
    %broadcast_in_dim3A_107 = vector.broadcast %jit3A_106 : f32 to vector<256x2048xf32>
    %select_n3A_108 = arith.select %eq3A_105, %broadcast_in_dim3A_107, %select_n3A_92 : vector<256x2048xi1>, vector<256x2048xf32>
    %reduce_min3A_109 = arith.constant dense<0x7F800000> : vector<256xf32>
    %reduce_min3A_110 = vector.multi_reduction <minimumf>, %select_n3A_108, %reduce_min3A_109 [1] : vector<256x2048xf32> to vector<256xf32>
    %broadcast_in_dim3A_111 = vector.shape_cast %reduce_min3A_110 : vector<256xf32> to vector<256x1xf32>
    %eq3A_112 = vector.broadcast %broadcast_in_dim3A_111 : vector<256x1xf32> to vector<256x2048xf32>
    %eq3A_113 = arith.cmpf oeq, %select_n3A_108, %eq3A_112 : vector<256x2048xf32>
    %jit3A_114 = arith.constant 1073741824 : i32
    %broadcast_in_dim3A_115 = vector.broadcast %jit3A_114 : i32 to vector<256x2048xi32>
    %select_n3A_116 = arith.select %eq3A_113, %iota3A, %broadcast_in_dim3A_115 : vector<256x2048xi1>, vector<256x2048xi32>
    %reduce_min3A_117 = arith.constant dense<2147483647> : vector<256xi32>
    %reduce_min3A_118 = vector.multi_reduction <minsi>, %select_n3A_116, %reduce_min3A_117 [1] : vector<256x2048xi32> to vector<256xi32>
    %broadcast_in_dim3A_119 = vector.shape_cast %reduce_min3A_118 : vector<256xi32> to vector<256x1xi32>
    %eq3A_120 = vector.broadcast %broadcast_in_dim3A_119 : vector<256x1xi32> to vector<256x2048xi32>
    %eq3A_121 = arith.cmpi eq, %iota3A, %eq3A_120 : vector<256x2048xi32>
    %jit3A_122 = arith.constant 3.000000e+38 : f32
    %broadcast_in_dim3A_123 = vector.broadcast %jit3A_122 : f32 to vector<256x2048xf32>
    %select_n3A_124 = arith.select %eq3A_121, %broadcast_in_dim3A_123, %select_n3A_108 : vector<256x2048xi1>, vector<256x2048xf32>
    %reduce_min3A_125 = arith.constant dense<0x7F800000> : vector<256xf32>
    %reduce_min3A_126 = vector.multi_reduction <minimumf>, %select_n3A_124, %reduce_min3A_125 [1] : vector<256x2048xf32> to vector<256xf32>
    %broadcast_in_dim3A_127 = vector.shape_cast %reduce_min3A_126 : vector<256xf32> to vector<256x1xf32>
    %eq3A_128 = vector.broadcast %broadcast_in_dim3A_127 : vector<256x1xf32> to vector<256x2048xf32>
    %eq3A_129 = arith.cmpf oeq, %select_n3A_124, %eq3A_128 : vector<256x2048xf32>
    %jit3A_130 = arith.constant 1073741824 : i32
    %broadcast_in_dim3A_131 = vector.broadcast %jit3A_130 : i32 to vector<256x2048xi32>
    %select_n3A_132 = arith.select %eq3A_129, %iota3A, %broadcast_in_dim3A_131 : vector<256x2048xi1>, vector<256x2048xi32>
    %reduce_min3A_133 = arith.constant dense<2147483647> : vector<256xi32>
    %reduce_min3A_134 = vector.multi_reduction <minsi>, %select_n3A_132, %reduce_min3A_133 [1] : vector<256x2048xi32> to vector<256xi32>
    %broadcast_in_dim3A_135 = vector.shape_cast %reduce_min3A_134 : vector<256xi32> to vector<256x1xi32>
    %eq3A_136 = vector.broadcast %broadcast_in_dim3A_135 : vector<256x1xi32> to vector<256x2048xi32>
    %eq3A_137 = arith.cmpi eq, %iota3A, %eq3A_136 : vector<256x2048xi32>
    %jit3A_138 = arith.constant 3.000000e+38 : f32
    %broadcast_in_dim3A_139 = vector.broadcast %jit3A_138 : f32 to vector<256x2048xf32>
    %select_n3A_140 = arith.select %eq3A_137, %broadcast_in_dim3A_139, %select_n3A_124 : vector<256x2048xi1>, vector<256x2048xf32>
    %reduce_min3A_141 = arith.constant dense<0x7F800000> : vector<256xf32>
    %reduce_min3A_142 = vector.multi_reduction <minimumf>, %select_n3A_140, %reduce_min3A_141 [1] : vector<256x2048xf32> to vector<256xf32>
    %broadcast_in_dim3A_143 = vector.shape_cast %reduce_min3A_142 : vector<256xf32> to vector<256x1xf32>
    %eq3A_144 = vector.broadcast %broadcast_in_dim3A_143 : vector<256x1xf32> to vector<256x2048xf32>
    %eq3A_145 = arith.cmpf oeq, %select_n3A_140, %eq3A_144 : vector<256x2048xf32>
    %jit3A_146 = arith.constant 1073741824 : i32
    %broadcast_in_dim3A_147 = vector.broadcast %jit3A_146 : i32 to vector<256x2048xi32>
    %select_n3A_148 = arith.select %eq3A_145, %iota3A, %broadcast_in_dim3A_147 : vector<256x2048xi1>, vector<256x2048xi32>
    %reduce_min3A_149 = arith.constant dense<2147483647> : vector<256xi32>
    %reduce_min3A_150 = vector.multi_reduction <minsi>, %select_n3A_148, %reduce_min3A_149 [1] : vector<256x2048xi32> to vector<256xi32>
    %broadcast_in_dim3A_151 = vector.shape_cast %reduce_min3A_150 : vector<256xi32> to vector<256x1xi32>
    %eq3A_152 = vector.broadcast %broadcast_in_dim3A_151 : vector<256x1xi32> to vector<256x2048xi32>
    %eq3A_153 = arith.cmpi eq, %iota3A, %eq3A_152 : vector<256x2048xi32>
    %jit3A_154 = arith.constant 3.000000e+38 : f32
    %broadcast_in_dim3A_155 = vector.broadcast %jit3A_154 : f32 to vector<256x2048xf32>
    %select_n3A_156 = arith.select %eq3A_153, %broadcast_in_dim3A_155, %select_n3A_140 : vector<256x2048xi1>, vector<256x2048xf32>
    %reduce_min3A_157 = arith.constant dense<0x7F800000> : vector<256xf32>
    %reduce_min3A_158 = vector.multi_reduction <minimumf>, %select_n3A_156, %reduce_min3A_157 [1] : vector<256x2048xf32> to vector<256xf32>
    %broadcast_in_dim3A_159 = vector.shape_cast %reduce_min3A_158 : vector<256xf32> to vector<256x1xf32>
    %eq3A_160 = vector.broadcast %broadcast_in_dim3A_159 : vector<256x1xf32> to vector<256x2048xf32>
    %eq3A_161 = arith.cmpf oeq, %select_n3A_156, %eq3A_160 : vector<256x2048xf32>
    %jit3A_162 = arith.constant 1073741824 : i32
    %broadcast_in_dim3A_163 = vector.broadcast %jit3A_162 : i32 to vector<256x2048xi32>
    %select_n3A_164 = arith.select %eq3A_161, %iota3A, %broadcast_in_dim3A_163 : vector<256x2048xi1>, vector<256x2048xi32>
    %reduce_min3A_165 = arith.constant dense<2147483647> : vector<256xi32>
    %reduce_min3A_166 = vector.multi_reduction <minsi>, %select_n3A_164, %reduce_min3A_165 [1] : vector<256x2048xi32> to vector<256xi32>
    %broadcast_in_dim3A_167 = vector.shape_cast %reduce_min3A_166 : vector<256xi32> to vector<256x1xi32>
    %eq3A_168 = vector.broadcast %broadcast_in_dim3A_167 : vector<256x1xi32> to vector<256x2048xi32>
    %eq3A_169 = arith.cmpi eq, %iota3A, %eq3A_168 : vector<256x2048xi32>
    %jit3A_170 = arith.constant 3.000000e+38 : f32
    %broadcast_in_dim3A_171 = vector.broadcast %jit3A_170 : f32 to vector<256x2048xf32>
    %select_n3A_172 = arith.select %eq3A_169, %broadcast_in_dim3A_171, %select_n3A_156 : vector<256x2048xi1>, vector<256x2048xf32>
    %reduce_min3A_173 = arith.constant dense<0x7F800000> : vector<256xf32>
    %reduce_min3A_174 = vector.multi_reduction <minimumf>, %select_n3A_172, %reduce_min3A_173 [1] : vector<256x2048xf32> to vector<256xf32>
    %broadcast_in_dim3A_175 = vector.shape_cast %reduce_min3A_174 : vector<256xf32> to vector<256x1xf32>
    %eq3A_176 = vector.broadcast %broadcast_in_dim3A_175 : vector<256x1xf32> to vector<256x2048xf32>
    %eq3A_177 = arith.cmpf oeq, %select_n3A_172, %eq3A_176 : vector<256x2048xf32>
    %jit3A_178 = arith.constant 1073741824 : i32
    %broadcast_in_dim3A_179 = vector.broadcast %jit3A_178 : i32 to vector<256x2048xi32>
    %select_n3A_180 = arith.select %eq3A_177, %iota3A, %broadcast_in_dim3A_179 : vector<256x2048xi1>, vector<256x2048xi32>
    %reduce_min3A_181 = arith.constant dense<2147483647> : vector<256xi32>
    %reduce_min3A_182 = vector.multi_reduction <minsi>, %select_n3A_180, %reduce_min3A_181 [1] : vector<256x2048xi32> to vector<256xi32>
    %broadcast_in_dim3A_183 = vector.shape_cast %reduce_min3A_182 : vector<256xi32> to vector<256x1xi32>
    %eq3A_184 = vector.broadcast %broadcast_in_dim3A_183 : vector<256x1xi32> to vector<256x2048xi32>
    %eq3A_185 = arith.cmpi eq, %iota3A, %eq3A_184 : vector<256x2048xi32>
    %jit3A_186 = arith.constant 3.000000e+38 : f32
    %broadcast_in_dim3A_187 = vector.broadcast %jit3A_186 : f32 to vector<256x2048xf32>
    %select_n3A_188 = arith.select %eq3A_185, %broadcast_in_dim3A_187, %select_n3A_172 : vector<256x2048xi1>, vector<256x2048xf32>
    %reduce_min3A_189 = arith.constant dense<0x7F800000> : vector<256xf32>
    %reduce_min3A_190 = vector.multi_reduction <minimumf>, %select_n3A_188, %reduce_min3A_189 [1] : vector<256x2048xf32> to vector<256xf32>
    %broadcast_in_dim3A_191 = vector.shape_cast %reduce_min3A_190 : vector<256xf32> to vector<256x1xf32>
    %eq3A_192 = vector.broadcast %broadcast_in_dim3A_191 : vector<256x1xf32> to vector<256x2048xf32>
    %eq3A_193 = arith.cmpf oeq, %select_n3A_188, %eq3A_192 : vector<256x2048xf32>
    %jit3A_194 = arith.constant 1073741824 : i32
    %broadcast_in_dim3A_195 = vector.broadcast %jit3A_194 : i32 to vector<256x2048xi32>
    %select_n3A_196 = arith.select %eq3A_193, %iota3A, %broadcast_in_dim3A_195 : vector<256x2048xi1>, vector<256x2048xi32>
    %reduce_min3A_197 = arith.constant dense<2147483647> : vector<256xi32>
    %reduce_min3A_198 = vector.multi_reduction <minsi>, %select_n3A_196, %reduce_min3A_197 [1] : vector<256x2048xi32> to vector<256xi32>
    %broadcast_in_dim3A_199 = vector.shape_cast %reduce_min3A_198 : vector<256xi32> to vector<256x1xi32>
    %eq3A_200 = vector.broadcast %broadcast_in_dim3A_199 : vector<256x1xi32> to vector<256x2048xi32>
    %eq3A_201 = arith.cmpi eq, %iota3A, %eq3A_200 : vector<256x2048xi32>
    %jit3A_202 = arith.constant 3.000000e+38 : f32
    %broadcast_in_dim3A_203 = vector.broadcast %jit3A_202 : f32 to vector<256x2048xf32>
    %select_n3A_204 = arith.select %eq3A_201, %broadcast_in_dim3A_203, %select_n3A_188 : vector<256x2048xi1>, vector<256x2048xf32>
    %reduce_min3A_205 = arith.constant dense<0x7F800000> : vector<256xf32>
    %reduce_min3A_206 = vector.multi_reduction <minimumf>, %select_n3A_204, %reduce_min3A_205 [1] : vector<256x2048xf32> to vector<256xf32>
    %broadcast_in_dim3A_207 = vector.shape_cast %reduce_min3A_206 : vector<256xf32> to vector<256x1xf32>
    %eq3A_208 = vector.broadcast %broadcast_in_dim3A_207 : vector<256x1xf32> to vector<256x2048xf32>
    %eq3A_209 = arith.cmpf oeq, %select_n3A_204, %eq3A_208 : vector<256x2048xf32>
    %jit3A_210 = arith.constant 1073741824 : i32
    %broadcast_in_dim3A_211 = vector.broadcast %jit3A_210 : i32 to vector<256x2048xi32>
    %select_n3A_212 = arith.select %eq3A_209, %iota3A, %broadcast_in_dim3A_211 : vector<256x2048xi1>, vector<256x2048xi32>
    %reduce_min3A_213 = arith.constant dense<2147483647> : vector<256xi32>
    %reduce_min3A_214 = vector.multi_reduction <minsi>, %select_n3A_212, %reduce_min3A_213 [1] : vector<256x2048xi32> to vector<256xi32>
    %broadcast_in_dim3A_215 = vector.shape_cast %reduce_min3A_214 : vector<256xi32> to vector<256x1xi32>
    %eq3A_216 = vector.broadcast %broadcast_in_dim3A_215 : vector<256x1xi32> to vector<256x2048xi32>
    %eq3A_217 = arith.cmpi eq, %iota3A, %eq3A_216 : vector<256x2048xi32>
    %jit3A_218 = arith.constant 3.000000e+38 : f32
    %broadcast_in_dim3A_219 = vector.broadcast %jit3A_218 : f32 to vector<256x2048xf32>
    %select_n3A_220 = arith.select %eq3A_217, %broadcast_in_dim3A_219, %select_n3A_204 : vector<256x2048xi1>, vector<256x2048xf32>
    %reduce_min3A_221 = arith.constant dense<0x7F800000> : vector<256xf32>
    %reduce_min3A_222 = vector.multi_reduction <minimumf>, %select_n3A_220, %reduce_min3A_221 [1] : vector<256x2048xf32> to vector<256xf32>
    %broadcast_in_dim3A_223 = vector.shape_cast %reduce_min3A_222 : vector<256xf32> to vector<256x1xf32>
    %eq3A_224 = vector.broadcast %broadcast_in_dim3A_223 : vector<256x1xf32> to vector<256x2048xf32>
    %eq3A_225 = arith.cmpf oeq, %select_n3A_220, %eq3A_224 : vector<256x2048xf32>
    %jit3A_226 = arith.constant 1073741824 : i32
    %broadcast_in_dim3A_227 = vector.broadcast %jit3A_226 : i32 to vector<256x2048xi32>
    %select_n3A_228 = arith.select %eq3A_225, %iota3A, %broadcast_in_dim3A_227 : vector<256x2048xi1>, vector<256x2048xi32>
    %reduce_min3A_229 = arith.constant dense<2147483647> : vector<256xi32>
    %reduce_min3A_230 = vector.multi_reduction <minsi>, %select_n3A_228, %reduce_min3A_229 [1] : vector<256x2048xi32> to vector<256xi32>
    %broadcast_in_dim3A_231 = vector.shape_cast %reduce_min3A_230 : vector<256xi32> to vector<256x1xi32>
    %eq3A_232 = vector.broadcast %broadcast_in_dim3A_231 : vector<256x1xi32> to vector<256x2048xi32>
    %eq3A_233 = arith.cmpi eq, %iota3A, %eq3A_232 : vector<256x2048xi32>
    %jit3A_234 = arith.constant 3.000000e+38 : f32
    %broadcast_in_dim3A_235 = vector.broadcast %jit3A_234 : f32 to vector<256x2048xf32>
    %select_n3A_236 = arith.select %eq3A_233, %broadcast_in_dim3A_235, %select_n3A_220 : vector<256x2048xi1>, vector<256x2048xf32>
    %reduce_min3A_237 = arith.constant dense<0x7F800000> : vector<256xf32>
    %reduce_min3A_238 = vector.multi_reduction <minimumf>, %select_n3A_236, %reduce_min3A_237 [1] : vector<256x2048xf32> to vector<256xf32>
    %broadcast_in_dim3A_239 = vector.shape_cast %reduce_min3A_238 : vector<256xf32> to vector<256x1xf32>
    %eq3A_240 = vector.broadcast %broadcast_in_dim3A_239 : vector<256x1xf32> to vector<256x2048xf32>
    %eq3A_241 = arith.cmpf oeq, %select_n3A_236, %eq3A_240 : vector<256x2048xf32>
    %jit3A_242 = arith.constant 1073741824 : i32
    %broadcast_in_dim3A_243 = vector.broadcast %jit3A_242 : i32 to vector<256x2048xi32>
    %select_n3A_244 = arith.select %eq3A_241, %iota3A, %broadcast_in_dim3A_243 : vector<256x2048xi1>, vector<256x2048xi32>
    %reduce_min3A_245 = arith.constant dense<2147483647> : vector<256xi32>
    %reduce_min3A_246 = vector.multi_reduction <minsi>, %select_n3A_244, %reduce_min3A_245 [1] : vector<256x2048xi32> to vector<256xi32>
    %broadcast_in_dim3A_247 = vector.shape_cast %reduce_min3A_246 : vector<256xi32> to vector<256x1xi32>
    %eq3A_248 = vector.broadcast %broadcast_in_dim3A_247 : vector<256x1xi32> to vector<256x2048xi32>
    %eq3A_249 = arith.cmpi eq, %iota3A, %eq3A_248 : vector<256x2048xi32>
    %jit3A_250 = arith.constant 3.000000e+38 : f32
    %broadcast_in_dim3A_251 = vector.broadcast %jit3A_250 : f32 to vector<256x2048xf32>
    %select_n3A_252 = arith.select %eq3A_249, %broadcast_in_dim3A_251, %select_n3A_236 : vector<256x2048xi1>, vector<256x2048xf32>
    %reduce_min3A_253 = arith.constant dense<0x7F800000> : vector<256xf32>
    %reduce_min3A_254 = vector.multi_reduction <minimumf>, %select_n3A_252, %reduce_min3A_253 [1] : vector<256x2048xf32> to vector<256xf32>
    %broadcast_in_dim3A_255 = vector.shape_cast %reduce_min3A_254 : vector<256xf32> to vector<256x1xf32>
    %eq3A_256 = vector.broadcast %broadcast_in_dim3A_255 : vector<256x1xf32> to vector<256x2048xf32>
    %eq3A_257 = arith.cmpf oeq, %select_n3A_252, %eq3A_256 : vector<256x2048xf32>
    %jit3A_258 = arith.constant 1073741824 : i32
    %broadcast_in_dim3A_259 = vector.broadcast %jit3A_258 : i32 to vector<256x2048xi32>
    %select_n3A_260 = arith.select %eq3A_257, %iota3A, %broadcast_in_dim3A_259 : vector<256x2048xi1>, vector<256x2048xi32>
    %reduce_min3A_261 = arith.constant dense<2147483647> : vector<256xi32>
    %reduce_min3A_262 = vector.multi_reduction <minsi>, %select_n3A_260, %reduce_min3A_261 [1] : vector<256x2048xi32> to vector<256xi32>
    %broadcast_in_dim3A_263 = vector.shape_cast %reduce_min3A_262 : vector<256xi32> to vector<256x1xi32>
    %concatenate3A = tpu.concatenate %broadcast_in_dim3A_23, %broadcast_in_dim3A_39, %broadcast_in_dim3A_55, %broadcast_in_dim3A_71, %broadcast_in_dim3A_87, %broadcast_in_dim3A_103, %broadcast_in_dim3A_119, %broadcast_in_dim3A_135, %broadcast_in_dim3A_151, %broadcast_in_dim3A_167, %broadcast_in_dim3A_183, %broadcast_in_dim3A_199, %broadcast_in_dim3A_215, %broadcast_in_dim3A_231, %broadcast_in_dim3A_247, %broadcast_in_dim3A_263 in 1 : vector<256x1xi32>, vector<256x1xi32>, vector<256x1xi32>, vector<256x1xi32>, vector<256x1xi32>, vector<256x1xi32>, vector<256x1xi32>, vector<256x1xi32>, vector<256x1xi32>, vector<256x1xi32>, vector<256x1xi32>, vector<256x1xi32>, vector<256x1xi32>, vector<256x1xi32>, vector<256x1xi32>, vector<256x1xi32> -> vector<256x16xi32>
    %swap3A = arith.constant 0 : index
    %swap3A_264 = arith.constant 0 : index
    %swap3A_265 = vector.load %arg3[%swap3A, %swap3A_264] : memref<256x16xi32, #tpu.memory_space<vmem>>, vector<256x16xi32>
    tpu.vector_store %arg3[%swap3A, %swap3A_264], %concatenate3A {strides = array<i32>} : memref<256x16xi32, #tpu.memory_space<vmem>>, vector<256x16xi32>,
    return
  }
  func.func @transform_0(%arg0: i32) -> (i32, i32) {
    %c0_i32 = arith.constant 0 : i32
    %c0_i32_0 = arith.constant 0 : i32
    return %arg0, %c0_i32 : i32, i32
  }
  func.func @transform_1(%arg0: i32) -> (i32, i32) {
    %c0_i32 = arith.constant 0 : i32
    %c0_i32_0 = arith.constant 0 : i32
    %c0_i32_1 = arith.constant 0 : i32
    return %c0_i32, %c0_i32_0 : i32, i32
  }
  func.func @transform_2(%arg0: i32) -> (i32, i32) {
    %c0_i32 = arith.constant 0 : i32
    %c0_i32_0 = arith.constant 0 : i32
    return %arg0, %c0_i32 : i32, i32
  }
}

module attributes {stable_mosaic.version = 14 : i64} {
  func.func @_amm_body(%arg0: i32, %arg1: memref<256x256xf32, #tpu.memory_space<vmem>>, %arg2: memref<256x256xf32, #tpu.memory_space<vmem>>, %arg3: memref<256x256xf32, #tpu.memory_space<vmem>>) attributes {dimension_semantics = [#tpu.dimension_semantics<arbitrary>], iteration_bounds = array<i64: 8>, scalar_prefetch = 0 : i64, scratch_operands = 0 : i64, tpu.core_type = #tpu.core_type<tc>, window_params = [{transform_indices = @transform_0, window_bounds = array<i64: 256, 256>}, {pipeline_mode = #tpu.pipeline_mode<synchronous>, transform_indices = @transform_1, window_bounds = array<i64: 256, 256>}, {transform_indices = @transform_2, window_bounds = array<i64: 256, 256>}]} {
    %get3A = arith.constant 0 : index
    %get3A_0 = arith.constant 0 : index
    %get3A_1 = vector.load %arg1[%get3A, %get3A_0] : memref<256x256xf32, #tpu.memory_space<vmem>>, vector<256x256xf32>
    %convert_element_type3A = arith.truncf %get3A_1 : vector<256x256xf32> to vector<256x256xbf16>
    %get3A_2 = arith.constant 0 : index
    %get3A_3 = arith.constant 0 : index
    %get3A_4 = vector.load %arg2[%get3A_2, %get3A_3] : memref<256x256xf32, #tpu.memory_space<vmem>>, vector<256x256xf32>
    %convert_element_type3A_5 = arith.truncf %get3A_4 : vector<256x256xf32> to vector<256x256xbf16>
    %dot_general3A = arith.constant dense<0.000000e+00> : vector<256x256xf32>
    %dot_general3A_6 = tpu.matmul %convert_element_type3A, %convert_element_type3A_5, %dot_general3A {dimension_numbers = #tpu.dot_dimension_numbers<[1], [0], [0], [1], [0, 0, 1, 1], [], []>, transpose_lhs_hint = false} : vector<256x256xbf16>, vector<256x256xbf16>, vector<256x256xf32> -> vector<256x256xf32>
    %swap3A = arith.constant 0 : index
    %swap3A_7 = arith.constant 0 : index
    %swap3A_8 = vector.load %arg3[%swap3A, %swap3A_7] : memref<256x256xf32, #tpu.memory_space<vmem>>, vector<256x256xf32>
    tpu.vector_store %arg3[%swap3A, %swap3A_7], %dot_general3A_6 {strides = array<i32>} : memref<256x256xf32, #tpu.memory_space<vmem>>, vector<256x256xf32>,
    return
  }
  func.func @transform_0(%arg0: i32) -> (i32, i32) {
    %c0_i32 = arith.constant 0 : i32
    %c0_i32_0 = arith.constant 0 : i32
    return %arg0, %c0_i32 : i32, i32
  }
  func.func @transform_1(%arg0: i32) -> (i32, i32) {
    %c0_i32 = arith.constant 0 : i32
    %c0_i32_0 = arith.constant 0 : i32
    %c0_i32_1 = arith.constant 0 : i32
    return %c0_i32, %c0_i32_0 : i32, i32
  }
  func.func @transform_2(%arg0: i32) -> (i32, i32) {
    %c0_i32 = arith.constant 0 : i32
    %c0_i32_0 = arith.constant 0 : i32
    return %arg0, %c0_i32 : i32, i32
  }
}

module attributes {stable_mosaic.version = 14 : i64} {
  func.func @_edge_res_body(%arg0: i32, %arg1: memref<2048x256xf32, #tpu.memory_space<vmem>>, %arg2: memref<128x256xf32, #tpu.memory_space<vmem>>, %arg3: memref<128x256xf32, #tpu.memory_space<vmem>>, %arg4: memref<256x256xf32, #tpu.memory_space<vmem>>, %arg5: memref<1x256xf32, #tpu.memory_space<vmem>>, %arg6: memref<128x256xf32, #tpu.memory_space<vmem>>, %arg7: memref<128x256xf32, #tpu.memory_space<vmem>>, %arg8: memref<128x256xf32, #tpu.memory_space<vmem>>) attributes {dimension_semantics = [#tpu.dimension_semantics<arbitrary>], iteration_bounds = array<i64: 16>, scalar_prefetch = 0 : i64, scratch_operands = 0 : i64, tpu.core_type = #tpu.core_type<tc>, window_params = [{transform_indices = @transform_0, window_bounds = array<i64: 2048, 256>}, {transform_indices = @transform_1, window_bounds = array<i64: 128, 256>}, {transform_indices = @transform_2, window_bounds = array<i64: 128, 256>}, {pipeline_mode = #tpu.pipeline_mode<synchronous>, transform_indices = @transform_3, window_bounds = array<i64: 256, 256>}, {pipeline_mode = #tpu.pipeline_mode<synchronous>, transform_indices = @transform_4, window_bounds = array<i64: 1, 256>}, {transform_indices = @transform_5, window_bounds = array<i64: 128, 256>}, {transform_indices = @transform_6, window_bounds = array<i64: 128, 256>}, {transform_indices = @transform_7, window_bounds = array<i64: 128, 256>}]} {
    %get3A = arith.constant 0 : index
    %get3A_0 = arith.constant 0 : index
    %get3A_1 = vector.load %arg1[%get3A, %get3A_0] : memref<2048x256xf32, #tpu.memory_space<vmem>>, vector<2048x256xf32>
    %get3A_2 = arith.constant 0 : index
    %get3A_3 = arith.constant 0 : index
    %get3A_4 = vector.load %arg2[%get3A_2, %get3A_3] : memref<128x256xf32, #tpu.memory_space<vmem>>, vector<128x256xf32>
    %reshape3A = vector.shape_cast %get3A_1 : vector<2048x256xf32> to vector<128x16x256xf32>
    %broadcast_in_dim3A = vector.shape_cast %get3A_4 : vector<128x256xf32> to vector<128x1x256xf32>
    %sub3A = vector.broadcast %broadcast_in_dim3A : vector<128x1x256xf32> to vector<128x16x256xf32>
    %sub3A_5 = arith.subf %reshape3A, %sub3A : vector<128x16x256xf32>
    %reshape3A_6 = vector.shape_cast %sub3A_5 : vector<128x16x256xf32> to vector<2048x256xf32>
    %convert_element_type3A = arith.truncf %reshape3A_6 : vector<2048x256xf32> to vector<2048x256xbf16>
    %get3A_7 = arith.constant 0 : index
    %get3A_8 = arith.constant 0 : index
    %get3A_9 = vector.load %arg4[%get3A_7, %get3A_8] : memref<256x256xf32, #tpu.memory_space<vmem>>, vector<256x256xf32>
    %convert_element_type3A_10 = arith.truncf %get3A_9 : vector<256x256xf32> to vector<256x256xbf16>
    %dot_general3A = arith.constant dense<0.000000e+00> : vector<2048x256xf32>
    %dot_general3A_11 = tpu.matmul %convert_element_type3A, %convert_element_type3A_10, %dot_general3A {dimension_numbers = #tpu.dot_dimension_numbers<[1], [0], [0], [1], [0, 0, 1, 1], [], []>, transpose_lhs_hint = false} : vector<2048x256xbf16>, vector<256x256xbf16>, vector<2048x256xf32> -> vector<2048x256xf32>
    %reshape3A_12 = vector.shape_cast %dot_general3A_11 : vector<2048x256xf32> to vector<128x16x256xf32>
    %reduce_max3A = arith.constant dense<0xFF800000> : vector<128x256xf32>
    %reduce_max3A_13 = vector.multi_reduction <maximumf>, %reshape3A_12, %reduce_max3A [1] : vector<128x16x256xf32> to vector<128x256xf32>
    %get3A_14 = arith.constant 0 : index
    %get3A_15 = arith.constant 0 : index
    %get3A_16 = vector.load %arg3[%get3A_14, %get3A_15] : memref<128x256xf32, #tpu.memory_space<vmem>>, vector<128x256xf32>
    %add3A = arith.addf %get3A_16, %reduce_max3A_13 : vector<128x256xf32>
    %get3A_17 = arith.constant 0 : index
    %get3A_18 = arith.constant 0 : index
    %get3A_19 = vector.load %arg5[%get3A_17, %get3A_18] : memref<1x256xf32, #tpu.memory_space<vmem>>, vector<1x256xf32>
    %add3A_20 = vector.broadcast %get3A_19 : vector<1x256xf32> to vector<128x256xf32>
    %add3A_21 = arith.addf %add3A, %add3A_20 : vector<128x256xf32>
    %max3A = arith.constant 0.000000e+00 : f32
    %max3A_22 = vector.broadcast %max3A : f32 to vector<128x256xf32>
    %max3A_23 = arith.maximumf %add3A_21, %max3A_22 : vector<128x256xf32>
    %swap3A = arith.constant 0 : index
    %swap3A_24 = arith.constant 0 : index
    %swap3A_25 = vector.load %arg7[%swap3A, %swap3A_24] : memref<128x256xf32, #tpu.memory_space<vmem>>, vector<128x256xf32>
    tpu.vector_store %arg7[%swap3A, %swap3A_24], %max3A_23 {strides = array<i32>} : memref<128x256xf32, #tpu.memory_space<vmem>>, vector<128x256xf32>,
    %get3A_26 = arith.constant 0 : index
    %get3A_27 = arith.constant 0 : index
    %get3A_28 = vector.load %arg6[%get3A_26, %get3A_27] : memref<128x256xf32, #tpu.memory_space<vmem>>, vector<128x256xf32>
    %add3A_29 = arith.addf %max3A_23, %get3A_28 : vector<128x256xf32>
    %swap3A_30 = arith.constant 0 : index
    %swap3A_31 = arith.constant 0 : index
    %swap3A_32 = vector.load %arg8[%swap3A_30, %swap3A_31] : memref<128x256xf32, #tpu.memory_space<vmem>>, vector<128x256xf32>
    tpu.vector_store %arg8[%swap3A_30, %swap3A_31], %add3A_29 {strides = array<i32>} : memref<128x256xf32, #tpu.memory_space<vmem>>, vector<128x256xf32>,
    return
  }
  func.func @transform_0(%arg0: i32) -> (i32, i32) {
    %c0_i32 = arith.constant 0 : i32
    %c0_i32_0 = arith.constant 0 : i32
    return %arg0, %c0_i32 : i32, i32
  }
  func.func @transform_1(%arg0: i32) -> (i32, i32) {
    %c0_i32 = arith.constant 0 : i32
    %c0_i32_0 = arith.constant 0 : i32
    return %arg0, %c0_i32 : i32, i32
  }
  func.func @transform_2(%arg0: i32) -> (i32, i32) {
    %c0_i32 = arith.constant 0 : i32
    %c0_i32_0 = arith.constant 0 : i32
    return %arg0, %c0_i32 : i32, i32
  }
  func.func @transform_3(%arg0: i32) -> (i32, i32) {
    %c0_i32 = arith.constant 0 : i32
    %c0_i32_0 = arith.constant 0 : i32
    %c0_i32_1 = arith.constant 0 : i32
    return %c0_i32, %c0_i32_0 : i32, i32
  }
  func.func @transform_4(%arg0: i32) -> (i32, i32) {
    %c0_i32 = arith.constant 0 : i32
    %c0_i32_0 = arith.constant 0 : i32
    %c0_i32_1 = arith.constant 0 : i32
    return %c0_i32, %c0_i32_0 : i32, i32
  }
  func.func @transform_5(%arg0: i32) -> (i32, i32) {
    %c0_i32 = arith.constant 0 : i32
    %c0_i32_0 = arith.constant 0 : i32
    return %arg0, %c0_i32 : i32, i32
  }
  func.func @transform_6(%arg0: i32) -> (i32, i32) {
    %c0_i32 = arith.constant 0 : i32
    %c0_i32_0 = arith.constant 0 : i32
    return %arg0, %c0_i32 : i32, i32
  }
  func.func @transform_7(%arg0: i32) -> (i32, i32) {
    %c0_i32 = arith.constant 0 : i32
    %c0_i32_0 = arith.constant 0 : i32
    return %arg0, %c0_i32 : i32, i32
  }
}

module attributes {stable_mosaic.version = 14 : i64} {
  func.func @_edge_res_body(%arg0: i32, %arg1: memref<2048x256xf32, #tpu.memory_space<vmem>>, %arg2: memref<128x256xf32, #tpu.memory_space<vmem>>, %arg3: memref<128x256xf32, #tpu.memory_space<vmem>>, %arg4: memref<256x256xf32, #tpu.memory_space<vmem>>, %arg5: memref<1x256xf32, #tpu.memory_space<vmem>>, %arg6: memref<128x256xf32, #tpu.memory_space<vmem>>, %arg7: memref<128x256xf32, #tpu.memory_space<vmem>>, %arg8: memref<128x256xf32, #tpu.memory_space<vmem>>) attributes {dimension_semantics = [#tpu.dimension_semantics<arbitrary>], iteration_bounds = array<i64: 16>, scalar_prefetch = 0 : i64, scratch_operands = 0 : i64, tpu.core_type = #tpu.core_type<tc>, window_params = [{transform_indices = @transform_0, window_bounds = array<i64: 2048, 256>}, {transform_indices = @transform_1, window_bounds = array<i64: 128, 256>}, {transform_indices = @transform_2, window_bounds = array<i64: 128, 256>}, {pipeline_mode = #tpu.pipeline_mode<synchronous>, transform_indices = @transform_3, window_bounds = array<i64: 256, 256>}, {pipeline_mode = #tpu.pipeline_mode<synchronous>, transform_indices = @transform_4, window_bounds = array<i64: 1, 256>}, {transform_indices = @transform_5, window_bounds = array<i64: 128, 256>}, {transform_indices = @transform_6, window_bounds = array<i64: 128, 256>}, {transform_indices = @transform_7, window_bounds = array<i64: 128, 256>}]} {
    %get3A = arith.constant 0 : index
    %get3A_0 = arith.constant 0 : index
    %get3A_1 = vector.load %arg1[%get3A, %get3A_0] : memref<2048x256xf32, #tpu.memory_space<vmem>>, vector<2048x256xf32>
    %get3A_2 = arith.constant 0 : index
    %get3A_3 = arith.constant 0 : index
    %get3A_4 = vector.load %arg2[%get3A_2, %get3A_3] : memref<128x256xf32, #tpu.memory_space<vmem>>, vector<128x256xf32>
    %reshape3A = vector.shape_cast %get3A_1 : vector<2048x256xf32> to vector<128x16x256xf32>
    %broadcast_in_dim3A = vector.shape_cast %get3A_4 : vector<128x256xf32> to vector<128x1x256xf32>
    %sub3A = vector.broadcast %broadcast_in_dim3A : vector<128x1x256xf32> to vector<128x16x256xf32>
    %sub3A_5 = arith.subf %reshape3A, %sub3A : vector<128x16x256xf32>
    %reshape3A_6 = vector.shape_cast %sub3A_5 : vector<128x16x256xf32> to vector<2048x256xf32>
    %convert_element_type3A = arith.truncf %reshape3A_6 : vector<2048x256xf32> to vector<2048x256xbf16>
    %get3A_7 = arith.constant 0 : index
    %get3A_8 = arith.constant 0 : index
    %get3A_9 = vector.load %arg4[%get3A_7, %get3A_8] : memref<256x256xf32, #tpu.memory_space<vmem>>, vector<256x256xf32>
    %convert_element_type3A_10 = arith.truncf %get3A_9 : vector<256x256xf32> to vector<256x256xbf16>
    %dot_general3A = arith.constant dense<0.000000e+00> : vector<2048x256xf32>
    %dot_general3A_11 = tpu.matmul %convert_element_type3A, %convert_element_type3A_10, %dot_general3A {dimension_numbers = #tpu.dot_dimension_numbers<[1], [0], [0], [1], [0, 0, 1, 1], [], []>, transpose_lhs_hint = false} : vector<2048x256xbf16>, vector<256x256xbf16>, vector<2048x256xf32> -> vector<2048x256xf32>
    %reshape3A_12 = vector.shape_cast %dot_general3A_11 : vector<2048x256xf32> to vector<128x16x256xf32>
    %reduce_max3A = arith.constant dense<0xFF800000> : vector<128x256xf32>
    %reduce_max3A_13 = vector.multi_reduction <maximumf>, %reshape3A_12, %reduce_max3A [1] : vector<128x16x256xf32> to vector<128x256xf32>
    %get3A_14 = arith.constant 0 : index
    %get3A_15 = arith.constant 0 : index
    %get3A_16 = vector.load %arg3[%get3A_14, %get3A_15] : memref<128x256xf32, #tpu.memory_space<vmem>>, vector<128x256xf32>
    %add3A = arith.addf %get3A_16, %reduce_max3A_13 : vector<128x256xf32>
    %get3A_17 = arith.constant 0 : index
    %get3A_18 = arith.constant 0 : index
    %get3A_19 = vector.load %arg5[%get3A_17, %get3A_18] : memref<1x256xf32, #tpu.memory_space<vmem>>, vector<1x256xf32>
    %add3A_20 = vector.broadcast %get3A_19 : vector<1x256xf32> to vector<128x256xf32>
    %add3A_21 = arith.addf %add3A, %add3A_20 : vector<128x256xf32>
    %max3A = arith.constant 0.000000e+00 : f32
    %max3A_22 = vector.broadcast %max3A : f32 to vector<128x256xf32>
    %max3A_23 = arith.maximumf %add3A_21, %max3A_22 : vector<128x256xf32>
    %swap3A = arith.constant 0 : index
    %swap3A_24 = arith.constant 0 : index
    %swap3A_25 = vector.load %arg7[%swap3A, %swap3A_24] : memref<128x256xf32, #tpu.memory_space<vmem>>, vector<128x256xf32>
    tpu.vector_store %arg7[%swap3A, %swap3A_24], %max3A_23 {strides = array<i32>} : memref<128x256xf32, #tpu.memory_space<vmem>>, vector<128x256xf32>,
    %get3A_26 = arith.constant 0 : index
    %get3A_27 = arith.constant 0 : index
    %get3A_28 = vector.load %arg6[%get3A_26, %get3A_27] : memref<128x256xf32, #tpu.memory_space<vmem>>, vector<128x256xf32>
    %add3A_29 = arith.addf %max3A_23, %get3A_28 : vector<128x256xf32>
    %swap3A_30 = arith.constant 0 : index
    %swap3A_31 = arith.constant 0 : index
    %swap3A_32 = vector.load %arg8[%swap3A_30, %swap3A_31] : memref<128x256xf32, #tpu.memory_space<vmem>>, vector<128x256xf32>
    tpu.vector_store %arg8[%swap3A_30, %swap3A_31], %add3A_29 {strides = array<i32>} : memref<128x256xf32, #tpu.memory_space<vmem>>, vector<128x256xf32>,
    return
  }
  func.func @transform_0(%arg0: i32) -> (i32, i32) {
    %c0_i32 = arith.constant 0 : i32
    %c0_i32_0 = arith.constant 0 : i32
    return %arg0, %c0_i32 : i32, i32
  }
  func.func @transform_1(%arg0: i32) -> (i32, i32) {
    %c0_i32 = arith.constant 0 : i32
    %c0_i32_0 = arith.constant 0 : i32
    return %arg0, %c0_i32 : i32, i32
  }
  func.func @transform_2(%arg0: i32) -> (i32, i32) {
    %c0_i32 = arith.constant 0 : i32
    %c0_i32_0 = arith.constant 0 : i32
    return %arg0, %c0_i32 : i32, i32
  }
  func.func @transform_3(%arg0: i32) -> (i32, i32) {
    %c0_i32 = arith.constant 0 : i32
    %c0_i32_0 = arith.constant 0 : i32
    %c0_i32_1 = arith.constant 0 : i32
    return %c0_i32, %c0_i32_0 : i32, i32
  }
  func.func @transform_4(%arg0: i32) -> (i32, i32) {
    %c0_i32 = arith.constant 0 : i32
    %c0_i32_0 = arith.constant 0 : i32
    %c0_i32_1 = arith.constant 0 : i32
    return %c0_i32, %c0_i32_0 : i32, i32
  }
  func.func @transform_5(%arg0: i32) -> (i32, i32) {
    %c0_i32 = arith.constant 0 : i32
    %c0_i32_0 = arith.constant 0 : i32
    return %arg0, %c0_i32 : i32, i32
  }
  func.func @transform_6(%arg0: i32) -> (i32, i32) {
    %c0_i32 = arith.constant 0 : i32
    %c0_i32_0 = arith.constant 0 : i32
    return %arg0, %c0_i32 : i32, i32
  }
  func.func @transform_7(%arg0: i32) -> (i32, i32) {
    %c0_i32 = arith.constant 0 : i32
    %c0_i32_0 = arith.constant 0 : i32
    return %arg0, %c0_i32 : i32, i32
  }
}

module attributes {stable_mosaic.version = 14 : i64} {
  func.func @_head_body(%arg0: i32, %arg1: memref<256x256xf32, #tpu.memory_space<vmem>>, %arg2: memref<256x64xf32, #tpu.memory_space<vmem>>, %arg3: memref<1x64xf32, #tpu.memory_space<vmem>>, %arg4: memref<1x64xf32, #tpu.memory_space<vmem>>, %arg5: memref<1x1xf32, #tpu.memory_space<vmem>>, %arg6: memref<256x1xf32, #tpu.memory_space<vmem>>) attributes {dimension_semantics = [#tpu.dimension_semantics<arbitrary>], iteration_bounds = array<i64: 8>, scalar_prefetch = 0 : i64, scratch_operands = 0 : i64, tpu.core_type = #tpu.core_type<tc>, window_params = [{transform_indices = @transform_0, window_bounds = array<i64: 256, 256>}, {pipeline_mode = #tpu.pipeline_mode<synchronous>, transform_indices = @transform_1, window_bounds = array<i64: 256, 64>}, {pipeline_mode = #tpu.pipeline_mode<synchronous>, transform_indices = @transform_2, window_bounds = array<i64: 1, 64>}, {pipeline_mode = #tpu.pipeline_mode<synchronous>, transform_indices = @transform_3, window_bounds = array<i64: 1, 64>}, {pipeline_mode = #tpu.pipeline_mode<synchronous>, transform_indices = @transform_4, window_bounds = array<i64: 1, 1>}, {transform_indices = @transform_5, window_bounds = array<i64: 256, 1>}]} {
    %get3A = arith.constant 0 : index
    %get3A_0 = arith.constant 0 : index
    %get3A_1 = vector.load %arg1[%get3A, %get3A_0] : memref<256x256xf32, #tpu.memory_space<vmem>>, vector<256x256xf32>
    %convert_element_type3A = arith.truncf %get3A_1 : vector<256x256xf32> to vector<256x256xbf16>
    %get3A_2 = arith.constant 0 : index
    %get3A_3 = arith.constant 0 : index
    %get3A_4 = vector.load %arg2[%get3A_2, %get3A_3] : memref<256x64xf32, #tpu.memory_space<vmem>>, vector<256x64xf32>
    %convert_element_type3A_5 = arith.truncf %get3A_4 : vector<256x64xf32> to vector<256x64xbf16>
    %dot_general3A = arith.constant dense<0.000000e+00> : vector<256x64xf32>
    %dot_general3A_6 = tpu.matmul %convert_element_type3A, %convert_element_type3A_5, %dot_general3A {dimension_numbers = #tpu.dot_dimension_numbers<[1], [0], [0], [1], [0, 0, 1, 1], [], []>, transpose_lhs_hint = false} : vector<256x256xbf16>, vector<256x64xbf16>, vector<256x64xf32> -> vector<256x64xf32>
    %get3A_7 = arith.constant 0 : index
    %get3A_8 = arith.constant 0 : index
    %get3A_9 = vector.load %arg3[%get3A_7, %get3A_8] : memref<1x64xf32, #tpu.memory_space<vmem>>, vector<1x64xf32>
    %add3A = vector.broadcast %get3A_9 : vector<1x64xf32> to vector<256x64xf32>
    %add3A_10 = arith.addf %dot_general3A_6, %add3A : vector<256x64xf32>
    %max3A = arith.constant 0.000000e+00 : f32
    %max3A_11 = vector.broadcast %max3A : f32 to vector<256x64xf32>
    %max3A_12 = arith.maximumf %add3A_10, %max3A_11 : vector<256x64xf32>
    %convert_element_type3A_13 = arith.truncf %max3A_12 : vector<256x64xf32> to vector<256x64xbf16>
    %convert_element_type3A_14 = arith.extf %convert_element_type3A_13 : vector<256x64xbf16> to vector<256x64xf32>
    %get3A_15 = arith.constant 0 : index
    %get3A_16 = arith.constant 0 : index
    %get3A_17 = vector.load %arg4[%get3A_15, %get3A_16] : memref<1x64xf32, #tpu.memory_space<vmem>>, vector<1x64xf32>
    %convert_element_type3A_18 = arith.truncf %get3A_17 : vector<1x64xf32> to vector<1x64xbf16>
    %convert_element_type3A_19 = arith.extf %convert_element_type3A_18 : vector<1x64xbf16> to vector<1x64xf32>
    %mul3A = vector.broadcast %convert_element_type3A_19 : vector<1x64xf32> to vector<256x64xf32>
    %mul3A_20 = arith.mulf %convert_element_type3A_14, %mul3A : vector<256x64xf32>
    %reduce_sum3A = arith.constant dense<0.000000e+00> : vector<256xf32>
    %reduce_sum3A_21 = vector.multi_reduction <add>, %mul3A_20, %reduce_sum3A [1] : vector<256x64xf32> to vector<256xf32>
    %broadcast_in_dim3A = vector.shape_cast %reduce_sum3A_21 : vector<256xf32> to vector<256x1xf32>
    %get3A_22 = arith.constant 0 : index
    %get3A_23 = arith.constant 0 : index
    %get3A_24 = vector.load %arg5[%get3A_22, %get3A_23] : memref<1x1xf32, #tpu.memory_space<vmem>>, vector<1x1xf32>
    %add3A_25 = vector.broadcast %get3A_24 : vector<1x1xf32> to vector<256x1xf32>
    %add3A_26 = arith.addf %broadcast_in_dim3A, %add3A_25 : vector<256x1xf32>
    %max3A_27 = arith.constant 0.000000e+00 : f32
    %max3A_28 = vector.broadcast %max3A_27 : f32 to vector<256x1xf32>
    %max3A_29 = arith.maximumf %add3A_26, %max3A_28 : vector<256x1xf32>
    %swap3A = arith.constant 0 : index
    %swap3A_30 = arith.constant 0 : index
    %swap3A_31 = vector.load %arg6[%swap3A, %swap3A_30] : memref<256x1xf32, #tpu.memory_space<vmem>>, vector<256x1xf32>
    tpu.vector_store %arg6[%swap3A, %swap3A_30], %max3A_29 {strides = array<i32>} : memref<256x1xf32, #tpu.memory_space<vmem>>, vector<256x1xf32>,
    return
  }
  func.func @transform_0(%arg0: i32) -> (i32, i32) {
    %c0_i32 = arith.constant 0 : i32
    %c0_i32_0 = arith.constant 0 : i32
    return %arg0, %c0_i32 : i32, i32
  }
  func.func @transform_1(%arg0: i32) -> (i32, i32) {
    %c0_i32 = arith.constant 0 : i32
    %c0_i32_0 = arith.constant 0 : i32
    %c0_i32_1 = arith.constant 0 : i32
    return %c0_i32, %c0_i32_0 : i32, i32
  }
  func.func @transform_2(%arg0: i32) -> (i32, i32) {
    %c0_i32 = arith.constant 0 : i32
    %c0_i32_0 = arith.constant 0 : i32
    %c0_i32_1 = arith.constant 0 : i32
    return %c0_i32, %c0_i32_0 : i32, i32
  }
  func.func @transform_3(%arg0: i32) -> (i32, i32) {
    %c0_i32 = arith.constant 0 : i32
    %c0_i32_0 = arith.constant 0 : i32
    %c0_i32_1 = arith.constant 0 : i32
    return %c0_i32, %c0_i32_0 : i32, i32
  }
  func.func @transform_4(%arg0: i32) -> (i32, i32) {
    %c0_i32 = arith.constant 0 : i32
    %c0_i32_0 = arith.constant 0 : i32
    %c0_i32_1 = arith.constant 0 : i32
    return %c0_i32, %c0_i32_0 : i32, i32
  }
  func.func @transform_5(%arg0: i32) -> (i32, i32) {
    %c0_i32 = arith.constant 0 : i32
    %c0_i32_0 = arith.constant 0 : i32
    return %arg0, %c0_i32 : i32, i32
  }
}

</mosaic_0001>

<sc_bundles>
// kernel: kernel.16.cloned.1.call-start
scs
__scs_entry_jumppad:
0x0: {  	(pc) =	sbr.rel $0x88, $3  }
0x1: {  	(tag) =	ssettag $0x0;
	lr =	simm.s32 $0x1  }
0x2: {  	[smem:$0x3F90] =	sst lr;
	_ =	strace $0xD0000000  }
0x3: {  	_ = 	snop  }
0x4: {  	_ = 	snop  }
0x5: {  	_ = 	snop  }
0x6: {  	_ = 	snop  }
0x7: {  	_ = 	snop  }
__scs_overlays_trampoline_lowered:
0x8: {  	[smem:$0x3F9F] =	sst s0  }
0x9: {  	[smem:$0x3FA0] =	sst s1  }
0xa: {  	[smem:$0x3FA1] =	sst s2  }
0xb: {  	[smem:$0x3FA2] =	sst s3  }
0xc: {  	[smem:$0x3FA3] =	sst s4  }
0xd: {  	[smem:$0x3FA4] =	sst s5  }
0xe: {  	[smem:$0x3FA5] =	sst s6  }
0xf: {  	[smem:$0x3FA6] =	sst s7  }
0x10: {  	[smem:$0x3FA7] =	sst s8  }
0x11: {  	[smem:$0x3FA8] =	sst s9;
	s0 =	simm.s32 @!p0 $0x0  }
0x12: {  	s1 =	sld [smem:$0x3F8E];
	s0 =	simm.s32 @p0 $0x1  }
0x13: {  	[smem:$0x3FA9] =	sst s0;
	s0 =	simm.s32 @!p1 $0x0  }
0x14: {  	s2 =	sld [smem:$0x3F8D];
	s0 =	simm.s32 @p1 $0x1  }
0x15: {  	[smem:$0x3FAA] =	sst s0;
	s0 =	simm.s32 @!p2 $0x0  }
0x16: {  	s3 =	sld [smem:$0x3FDB];
	s0 =	simm.s32 @p2 $0x1  }
0x17: {  	s4 =	simm.s32 $0x1BF5;
	[smem:$0x3FAC] =	sst s0  }
0x18: {  	s0 =	sld [smem:$0x3F8F];
	_ =	swait.ge [sflag:s4], $0x0  }
0x19: {  	s7 =	sld [smem:$0x3F90]  }
0x1a: {  	s8 =	sadd.s32 $0xFFFFE003, lr  }
0x1b: {  	s9 =	sadd.s32 $0xFFFFFEF7, lr;
	s5 =	simm.s32 $0xFFFFFFFF;
	p2 =	slt.u32 s8, $0xFFFFF086  }
0x1c: {  	p1 =	slt.u32 s9, $0xF7A;
	s5 =	simm.s32 @!p2 $0x0  }
0x1d: {  	s5 =	simm.s32 @p1 $0x1;
	p0 =	seq.s32 s7, s2  }
0x1e: {  	s7 =	smul.u32 @!p0 $0xF7A, s2;
	p2 =	seq.s32 @!p0 s5, $0x0  }
0x1f: {  	s9 =	smul.u32 $0xF7A, s1;
	s8 =	simm.s32 @!p0 $0x1BF5;
	p2 =	por !p2, p0  }
0x20: {  	[sflag:s8] =	ssyncset.s32 @!p0 $0xFFFFF086;
	s6 =	sadd.s32 @!p0 s3, s7;
	s7 =	simm.s32 @!p0 $0x108  }
0x21: {  	s3 =	sadd.s32 s3, s9;
	s6 =	sadd.s32 @!p0 $0x88, s6;
	s7 =	simm.s32 @p2 $0x1082  }
0x22: {  	[simem:s7], [sflag:s8] =	dma.local @!p0 [hbm:s6], $0xF7A  }
0x23: {  	s9 =	sor.u32 $0xD0000000, s2;
	s6 =	simm.s32 $0x108;
	_ =	swait.ge @!p0 [sflag:s8], $0x0  }
0x24: {  	s3 =	sadd.s32 $0x88, s3;
	s6 =	simm.s32 @!p1 $0x1082;
	[sflag:s4] =	ssyncset.s32 $0xFFFFF086  }
0x25: {  	[simem:s6], [sflag:s4] =	dma.local [hbm:s3], $0xF7A  }
0x26: {  	[smem:$0x3F90] =	sst s1;
	(tag) =	ssettag s2;
	_ =	strace s9  }
0x27: {  	s1 =	sld [smem:$0x3FA0]  }
0x28: {  	s2 =	sld [smem:$0x3FA1]  }
0x29: {  	s4 =	sld [smem:$0x3FA3]  }
0x2a: {  	p0 =	seq.s32 s5, $0x0;
	s5 =	sld [smem:$0x3FA4]  }
0x2b: {  	s6 =	sld [smem:$0x3FA5]  }
0x2c: {  	s7 =	sld [smem:$0x3FA6]  }
0x2d: {  	s3 =	simm.s32 $0x108;
	s8 =	sld [smem:$0x3FA7]  }
0x2e: {  	s3 =	simm.s32 @!p0 $0x1082;
	s9 =	sld [smem:$0x3FA8]  }
0x2f: {  	lr =	sadd.s32 s0, s3;
	s0 =	sld [smem:$0x3F9F]  }
0x30: {  	s3 =	sld [smem:$0x3FA2]  }
0x31: {  	[smem:$0x3FAB] =	sst s10  }
0x32: {  	s10 =	sld [smem:$0x3FA9];
	_ =	sdelay $0x3  }
0x33: {  	p0 =	seq.s32 s10, $0x1;
	s10 =	sld [smem:$0x3FAB];
	_ =	sdelay $0x3  }
0x34: {  	[smem:$0x3FAB] =	sst s10  }
0x35: {  	s10 =	sld [smem:$0x3FAA];
	_ =	sdelay $0x3  }
0x36: {  	p1 =	seq.s32 s10, $0x1;
	s10 =	sld [smem:$0x3FAB];
	_ =	sdelay $0x3  }
0x37: {  	[smem:$0x3FAB] =	sst s10  }
0x38: {  	s10 =	sld [smem:$0x3FAC]  }
0x39: {  	_ = 	snop;
	(pc) =	sbr.ind lr, $3  }
0x3a: {  	_ = 	snop  }
0x3b: {  	_ = 	snop  }
0x3c: {  	p2 =	seq.s32 s10, $0x1;
	s10 =	sld [smem:$0x3FAB]  }
0x3d: {  	_ =	shalt  }
0x3e: {  	_ =	shalt  }
0x3f: {  	_ =	shalt  }
0x40: {  	_ =	shalt  }
0x41: {  	_ =	shalt  }
0x42: {  	_ =	shalt  }
0x43: {  	_ =	shalt  }
0x44: {  	_ =	shalt  }
0x45: {  	_ =	shalt  }
0x46: {  	_ =	shalt  }
0x47: {  	_ =	shalt  }
0x48: {  	_ =	shalt  }
0x49: {  	_ =	shalt  }
0x4a: {  	_ =	shalt  }
0x4b: {  	_ =	shalt  }
0x4c: {  	_ =	shalt  }
0x4d: {  	_ =	shalt  }
0x4e: {  	_ =	shalt  }
0x4f: {  	_ =	shalt  }
0x50: {  	_ =	shalt  }
0x51: {  	_ =	shalt  }
0x52: {  	_ =	shalt  }
0x53: {  	_ =	shalt  }
0x54: {  	_ =	shalt  }
0x55: {  	_ =	shalt  }
0x56: {  	_ =	shalt  }
0x57: {  	_ =	shalt  }
0x58: {  	_ =	shalt  }
0x59: {  	_ =	shalt  }
0x5a: {  	_ =	shalt  }
0x5b: {  	_ =	shalt  }
0x5c: {  	_ =	shalt  }
0x5d: {  	_ =	shalt  }
0x5e: {  	_ =	shalt  }
0x5f: {  	_ =	shalt  }
0x60: {  	_ =	shalt  }
0x61: {  	_ =	shalt  }
0x62: {  	_ =	shalt  }
0x63: {  	_ =	shalt  }
0x64: {  	_ =	shalt  }
0x65: {  	_ =	shalt  }
0x66: {  	_ =	shalt  }
0x67: {  	_ =	shalt  }
0x68: {  	_ =	shalt  }
0x69: {  	_ =	shalt  }
0x6a: {  	_ =	shalt  }
0x6b: {  	_ =	shalt  }
0x6c: {  	_ =	shalt  }
0x6d: {  	_ =	shalt  }
0x6e: {  	_ =	shalt  }
0x6f: {  	_ =	shalt  }
0x70: {  	_ =	shalt  }
0x71: {  	_ =	shalt  }
0x72: {  	_ =	shalt  }
0x73: {  	_ =	shalt  }
0x74: {  	_ =	shalt  }
0x75: {  	_ =	shalt  }
0x76: {  	_ =	shalt  }
0x77: {  	_ =	shalt  }
0x78: {  	_ =	shalt  }
0x79: {  	_ =	shalt  }
0x7a: {  	_ =	shalt  }
0x7b: {  	_ =	shalt  }
0x7c: {  	_ =	shalt  }
0x7d: {  	_ =	shalt  }
0x7e: {  	_ =	shalt  }
0x7f: {  	_ =	shalt  }
0x80: {  	_ =	shalt  }
0x81: {  	_ =	shalt  }
0x82: {  	_ =	shalt  }
0x83: {  	_ =	shalt  }
0x84: {  	_ =	shalt  }
0x85: {  	_ =	shalt  }
0x86: {  	_ =	shalt  }
0x87: {  	_ =	shalt  }
.Lfunc_end0:
.L_simem_size_0:
called_computation_lowered:
.L_overlay_start_0:
0x88: {  	s2 =	sld [smem:$0x3FD9]  }
0x89: {  	s3 =	sld [smem:$0x3FFE];
	_ =	sdelay $0x1  }
0x8a: {  	s1 =	srdreg.scid  }
0x8b: {  	s0 =	sand.u32 $0x1, s1  }
0x8c: {  	s16 =	sshll.u32 s0, $0xA;
	s2 =	sadd.s32 s3, s2  }
0x8d: {  	s2 =	sadd.s32 s2, s16  }
0x8e: {  	[smem:$0x3FB7] =	sst s2  }
0x8f: {  	_ = 	snop  }
0x90: {  	(tm) =	ssettm $0x1  }
0x91: {  	s17 =	sld [smem:$0x3FFB];
	_ =	sdelay $0x3  }
0x92: {  	_ =	strace s17  }
0x93: {  	s2 =	sld [smem:$0x3FFC];
	_ =	sdelay $0x3  }
0x94: {  	_ =	strace s2  }
0x95: {  	s2 =	sld [smem:$0x3FFD];
	_ =	sdelay $0x3  }
0x96: {  	_ =	strace s2  }
0x97: {  	_ =	strace $0x8FFFFFFF  }
0x98: {  	s18 =	sld [smem:$0x3FDB];
	_ =	sdelay $0x1  }
0x99: {  	s19 =	simm.s32 $_scs_section_size  }
0x9a: {  	s4 =	simm.s32 $_size__tile_overlayer_lowered;
	s5 =	simm.s32 $_tile_overlayer_lowered  }
0x9b: {  	s22 =	simm.s32 $0x1BFF;
	s21 =	sshll.u32 s5, $0x1;
	s2 =	sadd.s32 s19, s18  }
0x9c: {  	s6 =	simm.s32 $0x0;
	s20 =	sshll.u32 s4, $0x1;
	s4 =	sadd.s32 s21, s2  }
0x9d: {  	[timem:s6], [sflag:s22] =	dma.local [hbm:s4], s20  }
0x9e: {  	_ =	swait.ge [sflag:s22], s20  }
0x9f: {  	s3 =	ssub.s32 $0x0, s20;
	[sflag:s22] =	ssyncset.done $0x0  }
0xa0: {  	[sflag:s22] =	ssyncadd.s32 s3;
	_ =	sdelay $0x1  }
0xa1: {  	s23 =	simm.s32 $0x1B8B  }
0xa2: {  	_ =	swait.ge [sflag:s23], $0x1  }
0xa3: {  	[sflag:s23] =	ssyncset.done $0x0  }
0xa4: {  	s25 =	simm.s32 $0x1B8E;
	s24 =	sld [smem:$0x3FFE];
	[sflag:s23] =	ssyncadd.s32 $0xFFFFFFFF  }
0xa5: {  	s26 =	simm.s32 $execute0_lowered;
	[smem:$0x3FD2] =	sst s25  }
0xa6: {  	s4 =	sshll.u32 s26, $0x1;
	_ =	strace $0x80000046;
	[dreg:$0x1] =	wrdreg $0xFFFFFFFF  }
0xa7: {  	s28 =	simm.s32 $_size_execute0_lowered;
	s2 =	sadd.s32 s2, s4;
	[dreg:$0x0] =	wrdreg $0x0  }
0xa8: {  	s4 =	sshll.u32 s28, $0x1;
	[dreg:$0x2] =	wrdreg s2  }
0xa9: {  	[dreg:$0x3] =	wrdreg s4  }
0xaa: {  	[dreg:$0x4] =	wrdreg $0xC0  }
0xab: {  	_ =	task [dreg:s6], $0x5FFFF  }
0xac: {  	[dreg:$0x1] =	wrdreg $0xFFFFFFFF  }
0xad: {  	[dreg:$0x0] =	wrdreg $0x60  }
0xae: {  	[dreg:$0x2] =	wrdreg s24  }
0xaf: {  	[dreg:$0x3] =	wrdreg $0x9  }
0xb0: {  	_ =	task.clear_ibuf [dreg:s6], $0x4FFFF;
	_ =	strace $0x90000046  }
0xb1: {  	s29 =	simm.s32 $0x9;
	_ =	strace $0x80000048  }
0xb2: {  	_ =	swait.ge [sflag:s29], $0x1  }
0xb3: {  	[sflag:s29] =	ssyncadd.s32 $0xFFFFFFFF  }
0xb4: {  	_ =	strace $0x90000048  }
0xb5: {  	_ =	sfence  }
0xb6: {  	s30 =	sld [smem:$0x0];
	_ =	sdelay $0x2  }
0xb7: {  	s31 =	sshll.u32 s1, $0xD;
	s1 =	sshrl.u32 s1, $0x2  }
0xb8: {  	s3 =	sand.u32 $0x4000, s31;
	s1 =	sadd.s32 s1, s30  }
0xb9: {  	s0 =	sor.u32 s3, s0;
	s1 =	sshll.u32 s1, $0x11  }
0xba: {  	s0 =	sor.u32 s1, s0  }
0xbb: {  	s0 =	sadd.s32 $0x8F2B, s0  }
0xbc: {  	[sflag:s0] =	ssyncadd.remote.s32 $0x1  }
0xbd: {  	_ =	sfence.sel $0xFFFF  }
0xbe: {  	[dreg:$0x0] =	wrdreg $0xFFFFFFFF;
	(pc) =	sbr.abs _section_cstart, $3  }
0xbf: {  	[dreg:$0x1] =	wrdreg $0xFFFFFFFF  }
0xc0: {  	_ =	task.clear_ibuf [dreg:s6], $0x2FFFF;
	_ =	strace $0x9FFFFFFF  }
0xc1: {  	(tm) =	ssettm $0x7FFFFFFF  }
tec
execute0_lowered:
.L_overlay_start_1:
0x0: {  	(tag) =	ssettag $0x1  }
0x1: {  	s0 =	srdreg.scid  }
0x2: {  	s2 =	stileid.u32;
	s0 =	sand.u32 $0x1, s0  }
0x3: {  	s3 =	sshll.u32 s2, $0x8;
	s4 =	sshll.u32 s0, $0x7  }
0x4: {  	s1 =	rddreg [dreg:$0x0];
	s2 =	simm.s32 $0x0;
	s3 =	sor.u32 s4, s3  }
0x5: {  	[smem:$0x7FF] =	sst s2;
	s4 =	smul.u32 $0x280, s3;
	s5 =	sadd.s32 s3, s1  }
0x6: {  	s6 =	sadd.s32 $0x2D000, s1;
	_ =	strace $0x80000047;
	s5 =	sadd.s32 $0x2C000, s5  }
0x7: {  	s3 =	smul.u32 $0x1400, s3;
	s7 =	sadd.s32 s6, s4;
	[dreg:$0x2] =	wrdreg s5  }
0x8: {  	s4 =	sadd.s32 $0x1400, s7;
	[dreg:$0x12] =	wrdreg s7  }
0x9: {  	s3 =	sshrl.u32 s3, $0x3;
	s17 =	sadd.s32 $0x2800, s7;
	[dreg:$0x3] =	wrdreg s4  }
0xa: {  	s18 =	sadd.s32 $0x3C00, s7;
	s3 =	sadd.s32 s6, s3;
	[dreg:$0x4] =	wrdreg s17  }
0xb: {  	[dreg:$0x5] =	wrdreg s18;
	s19 =	sadd.s32 $0x5000, s3  }
0xc: {  	s20 =	sadd.s32 $0x6400, s3;
	[dreg:$0x6] =	wrdreg s19  }
0xd: {  	s21 =	sadd.s32 $0x7800, s3;
	[dreg:$0x7] =	wrdreg s20  }
0xe: {  	s22 =	sadd.s32 $0x8C00, s3;
	[dreg:$0x8] =	wrdreg s21  }
0xf: {  	s8 =	simm.s32 $0x3;
	s23 =	sadd.s32 $0xA000, s3;
	[dreg:$0x9] =	wrdreg s22  }
0x10: {  	s12 =	simm.s32 $0x2;
	s24 =	sadd.s32 $0xB400, s3;
	[dreg:$0xa] =	wrdreg s23  }
0x11: {  	s0 =	ssub.s32 $0x2, s0;
	s25 =	sadd.s32 $0xC800, s3;
	[dreg:$0xb] =	wrdreg s24  }
0x12: {  	s29 =	sshrl.u32 s0, $0x1;
	s26 =	sadd.s32 $0xDC00, s3;
	[dreg:$0xc] =	wrdreg s25  }
0x13: {  	s0 =	ssub.s32 s0, s29;
	s28 =	sadd.s32 $0xF000, s3;
	[dreg:$0xd] =	wrdreg s26  }
0x14: {  	s0 =	smax.u32 s0, $0x1;
	s30 =	sadd.s32 $0x10400, s3;
	[dreg:$0xe] =	wrdreg s28  }
0x15: {  	v2 =	vlaneseq.u32;
	s5 =	sadd.s32 $0x4100, s1;
	s31 =	sadd.s32 $0x11800, s3;
	[dreg:$0xf] =	wrdreg s30  }
0x16: {  	vm0 =	vmmov $0xffff;
	vm1 =	vmmov $0xff;
	v1 =	vshrl.u32 v2, $0x3;
	s6 =	sadd.s32 $0x4200, s1;
	s3 =	sadd.s32 $0x12C00, s3;
	[dreg:$0x10] =	wrdreg s31  }
0x17: {  	v0 =	vand.u32 $0x7, v2;
	v2 =	vor.u32 $0x8, v2;
	v1 =	vmul.u32 $0x8, v1;
	s4 =	sadd.s32 $0x4000, s1;
	[dreg:$0x11] =	wrdreg s3;
	s3 =	simm.s32 $0x1  }
.LBB2_1:
0x18: {  	[dreg:$0x13] =	wrdreg s0  }
0x19: {  	s13 =	rddreg [dreg:$0x2]  }
0x1a: {  	[tilespmem:s2], [sflag:$0x3] =	stream.linear.gather [hbm4b:s13+s2], $0x400, $0x38;
	[tilespmem:$0x14400] =	vst v63  }
0x1b: {  	_ =	swait.ge [sflag:s8], $0x400  }
0x1c: {  	[sflag:s8] =	ssyncset.done $0x0  }
0x1d: {  	[sflag:s8] =	ssyncadd.s32 $0xFFFFFC00  }
0x1e: {  	v3 =	vld [tilespmem:$0x0];
	_ =	sdelay $0x4  }
0x1f: {  	v4 =	vshrl.u32 v3, $0x3  }
0x20: {  	v4 =	vmul.u32 $0x28, v4  }
0x21: {  	v3 =	vand.u32 $0x7, v3  }
0x22: {  	v3 =	vor.u32 v3, v4  }
0x23: {  	v4 =	vperm.xlane v3, v0;
	_ =	sdelay $0x1  }
0x24: {  	v4 =	vadd.s32 v1, v4;
	_ =	sdelay $0x3  }
0x25: {  	s28 =	simm.s32 $0x400;
	v3 =	vperm.xlane v3, v2  }
0x26: {  	[tilespmem:s28], [sflag:$0x1] =	stream.indirect_vreg.gather [hbm4b:s4+s2], $0x80, v4, vm0, $0xb8;
	[tilespmem:$0x14400] =	vst v63  }
0x27: {  	s29 =	simm.s32 $0xC00;
	v3 =	vadd.s32 v1, v3  }
0x28: {  	[tilespmem:s29], [sflag:$0x1] =	stream.indirect_vreg.gather [hbm4b:s5+s2], $0x80, v4, vm0, $0xb8;
	[tilespmem:$0x14400] =	vst v63  }
0x29: {  	s30 =	simm.s32 $0x1400  }
0x2a: {  	[tilespmem:s30], [sflag:$0x1] =	stream.indirect_vreg.gather [hbm4b:s6+s2], $0x80, v4, vm1, $0xb8;
	[tilespmem:$0x14400] =	vst v63  }
0x2b: {  	s31 =	simm.s32 $0x1800  }
0x2c: {  	[tilespmem:s31], [sflag:$0x1] =	stream.indirect_vreg.gather [hbm4b:s4+s2], $0x80, v3, vm0, $0xb8;
	[tilespmem:$0x14400] =	vst v63  }
0x2d: {  	s1 =	simm.s32 $0x2000  }
0x2e: {  	[tilespmem:s1], [sflag:$0x1] =	stream.indirect_vreg.gather [hbm4b:s5+s2], $0x80, v3, vm0, $0xb8;
	[tilespmem:$0x14400] =	vst v63  }
0x2f: {  	s9 =	simm.s32 $0x2800  }
0x30: {  	[tilespmem:s9], [sflag:$0x1] =	stream.indirect_vreg.gather [hbm4b:s6+s2], $0x80, v3, vm1, $0xb8;
	[tilespmem:$0x14400] =	vst v63  }
0x31: {  	v3 =	vld [tilespmem:$0x10];
	_ =	sdelay $0x4  }
0x32: {  	v57 =	vshrl.u32 v3, $0x3  }
0x33: {  	v4 =	vmul.u32 $0x28, v57  }
0x34: {  	v3 =	vand.u32 $0x7, v3  }
0x35: {  	v3 =	vor.u32 v3, v4  }
0x36: {  	v4 =	vperm.xlane v3, v0;
	_ =	sdelay $0x1  }
0x37: {  	v4 =	vadd.s32 v1, v4;
	_ =	sdelay $0x3  }
0x38: {  	s10 =	simm.s32 $0x2C00;
	v3 =	vperm.xlane v3, v2  }
0x39: {  	[tilespmem:s10], [sflag:$0x1] =	stream.indirect_vreg.gather [hbm4b:s4+s2], $0x80, v4, vm0, $0xb8;
	[tilespmem:$0x14400] =	vst v63  }
0x3a: {  	s13 =	simm.s32 $0x3400;
	v3 =	vadd.s32 v1, v3  }
0x3b: {  	[tilespmem:s13], [sflag:$0x1] =	stream.indirect_vreg.gather [hbm4b:s5+s2], $0x80, v4, vm0, $0xb8;
	[tilespmem:$0x14400] =	vst v63  }
0x3c: {  	s15 =	simm.s32 $0x3C00  }
0x3d: {  	[tilespmem:s15], [sflag:$0x1] =	stream.indirect_vreg.gather [hbm4b:s6+s2], $0x80, v4, vm1, $0xb8;
	[tilespmem:$0x14400] =	vst v63  }
0x3e: {  	s16 =	simm.s32 $0x4000  }
0x3f: {  	[tilespmem:s16], [sflag:$0x1] =	stream.indirect_vreg.gather [hbm4b:s4+s2], $0x80, v3, vm0, $0xb8;
	[tilespmem:$0x14400] =	vst v63  }
0x40: {  	s19 =	simm.s32 $0x4800  }
0x41: {  	[tilespmem:s19], [sflag:$0x1] =	stream.indirect_vreg.gather [hbm4b:s5+s2], $0x80, v3, vm0, $0xb8;
	[tilespmem:$0x14400] =	vst v63  }
0x42: {  	s20 =	simm.s32 $0x5000  }
0x43: {  	[tilespmem:s20], [sflag:$0x1] =	stream.indirect_vreg.gather [hbm4b:s6+s2], $0x80, v3, vm1, $0xb8;
	[tilespmem:$0x14400] =	vst v63  }
0x44: {  	v3 =	vld [tilespmem:$0x20];
	_ =	sdelay $0x4  }
0x45: {  	v58 =	vshrl.u32 v3, $0x3  }
0x46: {  	v4 =	vmul.u32 $0x28, v58  }
0x47: {  	v3 =	vand.u32 $0x7, v3  }
0x48: {  	v3 =	vor.u32 v3, v4  }
0x49: {  	v4 =	vperm.xlane v3, v0;
	_ =	sdelay $0x1  }
0x4a: {  	v4 =	vadd.s32 v1, v4;
	_ =	sdelay $0x3  }
0x4b: {  	s23 =	simm.s32 $0x5400;
	v3 =	vperm.xlane v3, v2  }
0x4c: {  	[tilespmem:s23], [sflag:$0x1] =	stream.indirect_vreg.gather [hbm4b:s4+s2], $0x80, v4, vm0, $0xb8;
	[tilespmem:$0x14400] =	vst v63  }
0x4d: {  	s24 =	simm.s32 $0x5C00;
	v3 =	vadd.s32 v1, v3  }
0x4e: {  	[tilespmem:s24], [sflag:$0x1] =	stream.indirect_vreg.gather [hbm4b:s5+s2], $0x80, v4, vm0, $0xb8;
	[tilespmem:$0x14400] =	vst v63  }
0x4f: {  	s26 =	simm.s32 $0x6400  }
0x50: {  	[tilespmem:s26], [sflag:$0x1] =	stream.indirect_vreg.gather [hbm4b:s6+s2], $0x80, v4, vm1, $0xb8;
	[tilespmem:$0x14400] =	vst v63  }
0x51: {  	s30 =	simm.s32 $0x6800  }
0x52: {  	[tilespmem:s30], [sflag:$0x1] =	stream.indirect_vreg.gather [hbm4b:s4+s2], $0x80, v3, vm0, $0xb8;
	[tilespmem:$0x14400] =	vst v63  }
0x53: {  	s1 =	simm.s32 $0x7000  }
0x54: {  	[tilespmem:s1], [sflag:$0x1] =	stream.indirect_vreg.gather [hbm4b:s5+s2], $0x80, v3, vm0, $0xb8;
	[tilespmem:$0x14400] =	vst v63  }
0x55: {  	s10 =	simm.s32 $0x7800  }
0x56: {  	[tilespmem:s10], [sflag:$0x1] =	stream.indirect_vreg.gather [hbm4b:s6+s2], $0x80, v3, vm1, $0xb8;
	[tilespmem:$0x14400] =	vst v63  }
0x57: {  	v3 =	vld [tilespmem:$0x30];
	_ =	sdelay $0x4  }
0x58: {  	v59 =	vshrl.u32 v3, $0x3  }
0x59: {  	v4 =	vmul.u32 $0x28, v59  }
0x5a: {  	v3 =	vand.u32 $0x7, v3  }
0x5b: {  	v3 =	vor.u32 v3, v4  }
0x5c: {  	v4 =	vperm.xlane v3, v0;
	_ =	sdelay $0x1  }
0x5d: {  	v4 =	vadd.s32 v1, v4;
	_ =	sdelay $0x3  }
0x5e: {  	s13 =	simm.s32 $0x7C00;
	v3 =	vperm.xlane v3, v2  }
0x5f: {  	[tilespmem:s13], [sflag:$0x1] =	stream.indirect_vreg.gather [hbm4b:s4+s2], $0x80, v4, vm0, $0xb8;
	[tilespmem:$0x14400] =	vst v63  }
0x60: {  	s15 =	simm.s32 $0x8400;
	v3 =	vadd.s32 v1, v3  }
0x61: {  	[tilespmem:s15], [sflag:$0x1] =	stream.indirect_vreg.gather [hbm4b:s5+s2], $0x80, v4, vm0, $0xb8;
	[tilespmem:$0x14400] =	vst v63  }
0x62: {  	s16 =	simm.s32 $0x8C00  }
0x63: {  	[tilespmem:s16], [sflag:$0x1] =	stream.indirect_vreg.gather [hbm4b:s6+s2], $0x80, v4, vm1, $0xb8;
	[tilespmem:$0x14400] =	vst v63  }
0x64: {  	s19 =	simm.s32 $0x9000  }
0x65: {  	[tilespmem:s19], [sflag:$0x1] =	stream.indirect_vreg.gather [hbm4b:s4+s2], $0x80, v3, vm0, $0xb8;
	[tilespmem:$0x14400] =	vst v63  }
0x66: {  	s20 =	simm.s32 $0x9800  }
0x67: {  	[tilespmem:s20], [sflag:$0x1] =	stream.indirect_vreg.gather [hbm4b:s5+s2], $0x80, v3, vm0, $0xb8;
	[tilespmem:$0x14400] =	vst v63  }
0x68: {  	s23 =	simm.s32 $0xA000  }
0x69: {  	[tilespmem:s23], [sflag:$0x1] =	stream.indirect_vreg.gather [hbm4b:s6+s2], $0x80, v3, vm1, $0xb8;
	[tilespmem:$0x14400] =	vst v63  }
0x6a: {  	_ =	swait.ge [sflag:s3], $0xA000  }
0x6b: {  	[sflag:s3] =	ssyncset.done $0x0  }
0x6c: {  	[sflag:s3] =	ssyncadd.s32 $0xFFFF6000  }
0x6d: {  	v3 =	vld [tilespmem:$0x40];
	_ =	sdelay $0x4  }
0x6e: {  	v60 =	vshrl.u32 v3, $0x3  }
0x6f: {  	v4 =	vmul.u32 $0x28, v60  }
0x70: {  	v3 =	vand.u32 $0x7, v3  }
0x71: {  	v3 =	vor.u32 v3, v4  }
0x72: {  	v4 =	vperm.xlane v3, v0;
	_ =	sdelay $0x1  }
0x73: {  	v4 =	vadd.s32 v1, v4;
	_ =	sdelay $0x3  }
0x74: {  	s24 =	simm.s32 $0xA400;
	v3 =	vperm.xlane v3, v2  }
0x75: {  	[tilespmem:s24], [sflag:$0x2] =	stream.indirect_vreg.gather [hbm4b:s4+s2], $0x80, v4, vm0, $0xb8;
	[tilespmem:$0x14400] =	vst v63  }
0x76: {  	s26 =	simm.s32 $0xAC00;
	v3 =	vadd.s32 v1, v3  }
0x77: {  	[tilespmem:s26], [sflag:$0x2] =	stream.indirect_vreg.gather [hbm4b:s5+s2], $0x80, v4, vm0, $0xb8;
	[tilespmem:$0x14400] =	vst v63  }
0x78: {  	s13 =	simm.s32 $0xB400  }
0x79: {  	[tilespmem:s13], [sflag:$0x2] =	stream.indirect_vreg.gather [hbm4b:s6+s2], $0x80, v4, vm1, $0xb8;
	[tilespmem:$0x14400] =	vst v63  }
0x7a: {  	s15 =	simm.s32 $0xB800  }
0x7b: {  	[tilespmem:s15], [sflag:$0x2] =	stream.indirect_vreg.gather [hbm4b:s4+s2], $0x80, v3, vm0, $0xb8;
	[tilespmem:$0x14400] =	vst v63  }
0x7c: {  	s16 =	simm.s32 $0xC000  }
0x7d: {  	[tilespmem:s16], [sflag:$0x2] =	stream.indirect_vreg.gather [hbm4b:s5+s2], $0x80, v3, vm0, $0xb8;
	[tilespmem:$0x14400] =	vst v63  }
0x7e: {  	s19 =	simm.s32 $0xC800  }
0x7f: {  	[tilespmem:s19], [sflag:$0x2] =	stream.indirect_vreg.gather [hbm4b:s6+s2], $0x80, v3, vm1, $0xb8;
	[tilespmem:$0x14400] =	vst v63  }
0x80: {  	v3 =	vld [tilespmem:$0x50];
	_ =	sdelay $0x4  }
0x81: {  	v61 =	vshrl.u32 v3, $0x3  }
0x82: {  	v4 =	vmul.u32 $0x28, v61  }
0x83: {  	v3 =	vand.u32 $0x7, v3  }
0x84: {  	v3 =	vor.u32 v3, v4  }
0x85: {  	v4 =	vperm.xlane v3, v0;
	_ =	sdelay $0x1  }
0x86: {  	v4 =	vadd.s32 v1, v4;
	_ =	sdelay $0x3  }
0x87: {  	s20 =	simm.s32 $0xCC00;
	v3 =	vperm.xlane v3, v2  }
0x88: {  	[tilespmem:s20], [sflag:$0x2] =	stream.indirect_vreg.gather [hbm4b:s4+s2], $0x80, v4, vm0, $0xb8;
	[tilespmem:$0x14400] =	vst v63  }
0x89: {  	s23 =	simm.s32 $0xD400;
	v3 =	vadd.s32 v1, v3  }
0x8a: {  	[tilespmem:s23], [sflag:$0x2] =	stream.indirect_vreg.gather [hbm4b:s5+s2], $0x80, v4, vm0, $0xb8;
	[tilespmem:$0x14400] =	vst v63  }
0x8b: {  	s24 =	simm.s32 $0xDC00  }
0x8c: {  	[tilespmem:s24], [sflag:$0x2] =	stream.indirect_vreg.gather [hbm4b:s6+s2], $0x80, v4, vm1, $0xb8;
	[tilespmem:$0x14400] =	vst v63  }
0x8d: {  	s26 =	simm.s32 $0xE000  }
0x8e: {  	[tilespmem:s26], [sflag:$0x2] =	stream.indirect_vreg.gather [hbm4b:s4+s2], $0x80, v3, vm0, $0xb8;
	[tilespmem:$0x14400] =	vst v63  }
0x8f: {  	s13 =	simm.s32 $0xE800  }
0x90: {  	[tilespmem:s13], [sflag:$0x2] =	stream.indirect_vreg.gather [hbm4b:s5+s2], $0x80, v3, vm0, $0xb8;
	[tilespmem:$0x14400] =	vst v63  }
0x91: {  	s19 =	simm.s32 $0xF000  }
0x92: {  	[tilespmem:s19], [sflag:$0x2] =	stream.indirect_vreg.gather [hbm4b:s6+s2], $0x80, v3, vm1, $0xb8;
	[tilespmem:$0x14400] =	vst v63  }
0x93: {  	v3 =	vld [tilespmem:$0x60];
	_ =	sdelay $0x4  }
0x94: {  	v62 =	vshrl.u32 v3, $0x3  }
0x95: {  	v4 =	vmul.u32 $0x28, v62  }
0x96: {  	v3 =	vand.u32 $0x7, v3  }
0x97: {  	v3 =	vor.u32 v3, v4  }
0x98: {  	v4 =	vperm.xlane v3, v0;
	_ =	sdelay $0x1  }
0x99: {  	v4 =	vadd.s32 v1, v4;
	_ =	sdelay $0x3  }
0x9a: {  	s20 =	simm.s32 $0xF400;
	v3 =	vperm.xlane v3, v2  }
0x9b: {  	[tilespmem:s20], [sflag:$0x2] =	stream.indirect_vreg.gather [hbm4b:s4+s2], $0x80, v4, vm0, $0xb8;
	[tilespmem:$0x14400] =	vst v63  }
0x9c: {  	s23 =	simm.s32 $0xFC00;
	v3 =	vadd.s32 v1, v3  }
0x9d: {  	[tilespmem:s23], [sflag:$0x2] =	stream.indirect_vreg.gather [hbm4b:s5+s2], $0x80, v4, vm0, $0xb8;
	[tilespmem:$0x14400] =	vst v63  }
0x9e: {  	s24 =	simm.s32 $0x10400  }
0x9f: {  	[tilespmem:s24], [sflag:$0x2] =	stream.indirect_vreg.gather [hbm4b:s6+s2], $0x80, v4, vm1, $0xb8;
	[tilespmem:$0x14400] =	vst v63  }
0xa0: {  	s26 =	simm.s32 $0x10800  }
0xa1: {  	[tilespmem:s26], [sflag:$0x2] =	stream.indirect_vreg.gather [hbm4b:s4+s2], $0x80, v3, vm0, $0xb8;
	[tilespmem:$0x14400] =	vst v63  }
0xa2: {  	s13 =	simm.s32 $0x11000  }
0xa3: {  	[tilespmem:s13], [sflag:$0x2] =	stream.indirect_vreg.gather [hbm4b:s5+s2], $0x80, v3, vm0, $0xb8;
	[tilespmem:$0x14400] =	vst v63  }
0xa4: {  	s23 =	simm.s32 $0x11800  }
0xa5: {  	[tilespmem:s23], [sflag:$0x2] =	stream.indirect_vreg.gather [hbm4b:s6+s2], $0x80, v3, vm1, $0xb8;
	[tilespmem:$0x14400] =	vst v63  }
0xa6: {  	v3 =	vld [tilespmem:$0x70];
	_ =	sdelay $0x4  }
0xa7: {  	v63 =	vshrl.u32 v3, $0x3  }
0xa8: {  	v4 =	vmul.u32 $0x28, v63  }
0xa9: {  	v3 =	vand.u32 $0x7, v3  }
0xaa: {  	v3 =	vor.u32 v3, v4  }
0xab: {  	v4 =	vperm.xlane v3, v0;
	_ =	sdelay $0x1  }
0xac: {  	v4 =	vadd.s32 v1, v4;
	_ =	sdelay $0x3  }
0xad: {  	s24 =	simm.s32 $0x11C00;
	v3 =	vperm.xlane v3, v2  }
0xae: {  	[tilespmem:s24], [sflag:$0x2] =	stream.indirect_vreg.gather [hbm4b:s4+s2], $0x80, v4, vm0, $0xb8;
	[tilespmem:$0x14400] =	vst v63  }
0xaf: {  	s26 =	simm.s32 $0x12400;
	v3 =	vadd.s32 v1, v3  }
0xb0: {  	[tilespmem:s26], [sflag:$0x2] =	stream.indirect_vreg.gather [hbm4b:s5+s2], $0x80, v4, vm0, $0xb8;
	[tilespmem:$0x14400] =	vst v63  }
0xb1: {  	s13 =	simm.s32 $0x12C00  }
0xb2: {  	[tilespmem:s13], [sflag:$0x2] =	stream.indirect_vreg.gather [hbm4b:s6+s2], $0x80, v4, vm1, $0xb8;
	[tilespmem:$0x14400] =	vst v63  }
0xb3: {  	s26 =	simm.s32 $0x13000  }
0xb4: {  	[tilespmem:s26], [sflag:$0x2] =	stream.indirect_vreg.gather [hbm4b:s4+s2], $0x80, v3, vm0, $0xb8;
	[tilespmem:$0x14400] =	vst v63  }
0xb5: {  	s13 =	simm.s32 $0x13800  }
0xb6: {  	[tilespmem:s13], [sflag:$0x2] =	stream.indirect_vreg.gather [hbm4b:s5+s2], $0x80, v3, vm0, $0xb8;
	[tilespmem:$0x14400] =	vst v63  }
0xb7: {  	s26 =	simm.s32 $0x14000  }
0xb8: {  	[tilespmem:s26], [sflag:$0x2] =	stream.indirect_vreg.gather [hbm4b:s6+s2], $0x80, v3, vm1, $0xb8;
	[tilespmem:$0x14400] =	vst v63  }
0xb9: {  	s0 =	rddreg [dreg:$0x12];
	s26 =	simm.s32 $0x400  }
0xba: {  	[hbm4b:s0+s2] =	stream.linear.scatter [tilespmem:s26], [sflag:$0x3], $0xA000, $0x38;
	[tilespmem:$0x14400] =	vst v63  }
0xbb: {  	_ =	swait.ge [sflag:s8], $0xA000  }
0xbc: {  	[sflag:s8] =	ssyncset.done $0x0  }
0xbd: {  	[sflag:s8] =	ssyncadd.s32 $0xFFFF6000  }
0xbe: {  	_ =	swait.ge [sflag:s12], $0xA000  }
0xbf: {  	[sflag:s12] =	ssyncset.done $0x0  }
0xc0: {  	[sflag:s12] =	ssyncadd.s32 $0xFFFF6000  }
0xc1: {  	v3 =	vld [tilespmem:$0x80];
	_ =	sdelay $0x4  }
0xc2: {  	v8 =	vshrl.u32 v3, $0x3  }
0xc3: {  	v4 =	vmul.u32 $0x28, v8  }
0xc4: {  	v3 =	vand.u32 $0x7, v3  }
0xc5: {  	v3 =	vor.u32 v3, v4  }
0xc6: {  	v4 =	vperm.xlane v3, v0;
	_ =	sdelay $0x1  }
0xc7: {  	v4 =	vadd.s32 v1, v4;
	_ =	sdelay $0x3  }
0xc8: {  	v3 =	vperm.xlane v3, v2  }
0xc9: {  	[tilespmem:s26], [sflag:$0x1] =	stream.indirect_vreg.gather [hbm4b:s4+s2], $0x80, v4, vm0, $0xb8;
	[tilespmem:$0x14400] =	vst v63  }
0xca: {  	s7 =	simm.s32 $0xC00;
	v3 =	vadd.s32 v1, v3  }
0xcb: {  	[tilespmem:s7], [sflag:$0x1] =	stream.indirect_vreg.gather [hbm4b:s5+s2], $0x80, v4, vm0, $0xb8;
	[tilespmem:$0x14400] =	vst v63  }
0xcc: {  	s11 =	simm.s32 $0x1400  }
0xcd: {  	[tilespmem:s11], [sflag:$0x1] =	stream.indirect_vreg.gather [hbm4b:s6+s2], $0x80, v4, vm1, $0xb8;
	[tilespmem:$0x14400] =	vst v63  }
0xce: {  	s14 =	simm.s32 $0x1800  }
0xcf: {  	[tilespmem:s14], [sflag:$0x1] =	stream.indirect_vreg.gather [hbm4b:s4+s2], $0x80, v3, vm0, $0xb8;
	[tilespmem:$0x14400] =	vst v63  }
0xd0: {  	s17 =	simm.s32 $0x2000  }
0xd1: {  	[tilespmem:s17], [sflag:$0x1] =	stream.indirect_vreg.gather [hbm4b:s5+s2], $0x80, v3, vm0, $0xb8;
	[tilespmem:$0x14400] =	vst v63  }
0xd2: {  	s28 =	simm.s32 $0x2800  }
0xd3: {  	[tilespmem:s28], [sflag:$0x1] =	stream.indirect_vreg.gather [hbm4b:s6+s2], $0x80, v3, vm1, $0xb8;
	[tilespmem:$0x14400] =	vst v63  }
0xd4: {  	v3 =	vld [tilespmem:$0x90];
	_ =	sdelay $0x4  }
0xd5: {  	v9 =	vshrl.u32 v3, $0x3  }
0xd6: {  	v4 =	vmul.u32 $0x28, v9  }
0xd7: {  	v3 =	vand.u32 $0x7, v3  }
0xd8: {  	v3 =	vor.u32 v3, v4  }
0xd9: {  	v4 =	vperm.xlane v3, v0;
	_ =	sdelay $0x1  }
0xda: {  	v4 =	vadd.s32 v1, v4;
	_ =	sdelay $0x3  }
0xdb: {  	s29 =	simm.s32 $0x2C00;
	v3 =	vperm.xlane v3, v2  }
0xdc: {  	[tilespmem:s29], [sflag:$0x1] =	stream.indirect_vreg.gather [hbm4b:s4+s2], $0x80, v4, vm0, $0xb8;
	[tilespmem:$0x14400] =	vst v63  }
0xdd: {  	s18 =	simm.s32 $0x3400;
	v3 =	vadd.s32 v1, v3  }
0xde: {  	[tilespmem:s18], [sflag:$0x1] =	stream.indirect_vreg.gather [hbm4b:s5+s2], $0x80, v4, vm0, $0xb8;
	[tilespmem:$0x14400] =	vst v63  }
0xdf: {  	s21 =	simm.s32 $0x3C00  }
0xe0: {  	[tilespmem:s21], [sflag:$0x1] =	stream.indirect_vreg.gather [hbm4b:s6+s2], $0x80, v4, vm1, $0xb8;
	[tilespmem:$0x14400] =	vst v63  }
0xe1: {  	s22 =	simm.s32 $0x4000  }
0xe2: {  	[tilespmem:s22], [sflag:$0x1] =	stream.indirect_vreg.gather [hbm4b:s4+s2], $0x80, v3, vm0, $0xb8;
	[tilespmem:$0x14400] =	vst v63  }
0xe3: {  	s25 =	simm.s32 $0x4800  }
0xe4: {  	[tilespmem:s25], [sflag:$0x1] =	stream.indirect_vreg.gather [hbm4b:s5+s2], $0x80, v3, vm0, $0xb8;
	[tilespmem:$0x14400] =	vst v63  }
0xe5: {  	s31 =	simm.s32 $0x5000  }
0xe6: {  	[tilespmem:s31], [sflag:$0x1] =	stream.indirect_vreg.gather [hbm4b:s6+s2], $0x80, v3, vm1, $0xb8;
	[tilespmem:$0x14400] =	vst v63  }
0xe7: {  	v3 =	vld [tilespmem:$0xA0];
	_ =	sdelay $0x4  }
0xe8: {  	v10 =	vshrl.u32 v3, $0x3  }
0xe9: {  	v4 =	vmul.u32 $0x28, v10  }
0xea: {  	v3 =	vand.u32 $0x7, v3  }
0xeb: {  	v3 =	vor.u32 v3, v4  }
0xec: {  	v4 =	vperm.xlane v3, v0;
	_ =	sdelay $0x1  }
0xed: {  	v4 =	vadd.s32 v1, v4;
	_ =	sdelay $0x3  }
0xee: {  	s26 =	simm.s32 $0x5400;
	v3 =	vperm.xlane v3, v2  }
0xef: {  	[tilespmem:s26], [sflag:$0x1] =	stream.indirect_vreg.gather [hbm4b:s4+s2], $0x80, v4, vm0, $0xb8;
	[tilespmem:$0x14400] =	vst v63  }
0xf0: {  	s28 =	simm.s32 $0x5C00;
	v3 =	vadd.s32 v1, v3  }
0xf1: {  	[tilespmem:s28], [sflag:$0x1] =	stream.indirect_vreg.gather [hbm4b:s5+s2], $0x80, v4, vm0, $0xb8;
	[tilespmem:$0x14400] =	vst v63  }
0xf2: {  	s29 =	simm.s32 $0x6400  }
0xf3: {  	[tilespmem:s29], [sflag:$0x1] =	stream.indirect_vreg.gather [hbm4b:s6+s2], $0x80, v4, vm1, $0xb8;
	[tilespmem:$0x14400] =	vst v63  }
0xf4: {  	s9 =	simm.s32 $0x6800  }
0xf5: {  	[tilespmem:s9], [sflag:$0x1] =	stream.indirect_vreg.gather [hbm4b:s4+s2], $0x80, v3, vm0, $0xb8;
	[tilespmem:$0x14400] =	vst v63  }
0xf6: {  	s30 =	simm.s32 $0x7000  }
0xf7: {  	[tilespmem:s30], [sflag:$0x1] =	stream.indirect_vreg.gather [hbm4b:s5+s2], $0x80, v3, vm0, $0xb8;
	[tilespmem:$0x14400] =	vst v63  }
0xf8: {  	s10 =	simm.s32 $0x7800  }
0xf9: {  	[tilespmem:s10], [sflag:$0x1] =	stream.indirect_vreg.gather [hbm4b:s6+s2], $0x80, v3, vm1, $0xb8;
	[tilespmem:$0x14400] =	vst v63  }
0xfa: {  	v3 =	vld [tilespmem:$0xB0];
	_ =	sdelay $0x4  }
0xfb: {  	v11 =	vshrl.u32 v3, $0x3  }
0xfc: {  	v4 =	vmul.u32 $0x28, v11  }
0xfd: {  	v3 =	vand.u32 $0x7, v3  }
0xfe: {  	v3 =	vor.u32 v3, v4  }
0xff: {  	v4 =	vperm.xlane v3, v0;
	_ =	sdelay $0x1  }
0x100: {  	v4 =	vadd.s32 v1, v4;
	_ =	sdelay $0x3  }
0x101: {  	s10 =	simm.s32 $0x7C00;
	v3 =	vperm.xlane v3, v2  }
0x102: {  	[tilespmem:s10], [sflag:$0x1] =	stream.indirect_vreg.gather [hbm4b:s4+s2], $0x80, v4, vm0, $0xb8;
	[tilespmem:$0x14400] =	vst v63  }
0x103: {  	s30 =	simm.s32 $0x8400;
	v3 =	vadd.s32 v1, v3  }
0x104: {  	[tilespmem:s30], [sflag:$0x1] =	stream.indirect_vreg.gather [hbm4b:s5+s2], $0x80, v4, vm0, $0xb8;
	[tilespmem:$0x14400] =	vst v63  }
0x105: {  	s31 =	simm.s32 $0x8C00  }
0x106: {  	[tilespmem:s31], [sflag:$0x1] =	stream.indirect_vreg.gather [hbm4b:s6+s2], $0x80, v4, vm1, $0xb8;
	[tilespmem:$0x14400] =	vst v63  }
0x107: {  	s25 =	simm.s32 $0x9000  }
0x108: {  	[tilespmem:s25], [sflag:$0x1] =	stream.indirect_vreg.gather [hbm4b:s4+s2], $0x80, v3, vm0, $0xb8;
	[tilespmem:$0x14400] =	vst v63  }
0x109: {  	s9 =	simm.s32 $0x9800  }
0x10a: {  	[tilespmem:s9], [sflag:$0x1] =	stream.indirect_vreg.gather [hbm4b:s5+s2], $0x80, v3, vm0, $0xb8;
	[tilespmem:$0x14400] =	vst v63  }
0x10b: {  	s1 =	simm.s32 $0xA000  }
0x10c: {  	[tilespmem:s1], [sflag:$0x1] =	stream.indirect_vreg.gather [hbm4b:s6+s2], $0x80, v3, vm1, $0xb8;
	[tilespmem:$0x14400] =	vst v63  }
0x10d: {  	s7 =	rddreg [dreg:$0x3];
	s11 =	simm.s32 $0xA400  }
0x10e: {  	[hbm4b:s7+s2] =	stream.linear.scatter [tilespmem:s11], [sflag:$0x3], $0xA000, $0x38;
	[tilespmem:$0x14400] =	vst v63  }
0x10f: {  	_ =	swait.ge [sflag:s8], $0xA000  }
0x110: {  	[sflag:s8] =	ssyncset.done $0x0  }
0x111: {  	[sflag:s8] =	ssyncadd.s32 $0xFFFF6000  }
0x112: {  	_ =	swait.ge [sflag:s3], $0xA000  }
0x113: {  	[sflag:s3] =	ssyncset.done $0x0  }
0x114: {  	[sflag:s3] =	ssyncadd.s32 $0xFFFF6000  }
0x115: {  	v3 =	vld [tilespmem:$0xC0];
	_ =	sdelay $0x4  }
0x116: {  	v12 =	vshrl.u32 v3, $0x3  }
0x117: {  	v4 =	vmul.u32 $0x28, v12  }
0x118: {  	v3 =	vand.u32 $0x7, v3  }
0x119: {  	v3 =	vor.u32 v3, v4  }
0x11a: {  	v4 =	vperm.xlane v3, v0;
	_ =	sdelay $0x1  }
0x11b: {  	v4 =	vadd.s32 v1, v4;
	_ =	sdelay $0x3  }
0x11c: {  	v3 =	vperm.xlane v3, v2  }
0x11d: {  	[tilespmem:s11], [sflag:$0x2] =	stream.indirect_vreg.gather [hbm4b:s4+s2], $0x80, v4, vm0, $0xb8;
	[tilespmem:$0x14400] =	vst v63  }
0x11e: {  	s7 =	simm.s32 $0xAC00;
	v3 =	vadd.s32 v1, v3  }
0x11f: {  	[tilespmem:s7], [sflag:$0x2] =	stream.indirect_vreg.gather [hbm4b:s5+s2], $0x80, v4, vm0, $0xb8;
	[tilespmem:$0x14400] =	vst v63  }
0x120: {  	s1 =	simm.s32 $0xB400  }
0x121: {  	[tilespmem:s1], [sflag:$0x2] =	stream.indirect_vreg.gather [hbm4b:s6+s2], $0x80, v4, vm1, $0xb8;
	[tilespmem:$0x14400] =	vst v63  }
0x122: {  	s11 =	simm.s32 $0xB800  }
0x123: {  	[tilespmem:s11], [sflag:$0x2] =	stream.indirect_vreg.gather [hbm4b:s4+s2], $0x80, v3, vm0, $0xb8;
	[tilespmem:$0x14400] =	vst v63  }
0x124: {  	s14 =	simm.s32 $0xC000  }
0x125: {  	[tilespmem:s14], [sflag:$0x2] =	stream.indirect_vreg.gather [hbm4b:s5+s2], $0x80, v3, vm0, $0xb8;
	[tilespmem:$0x14400] =	vst v63  }
0x126: {  	s15 =	simm.s32 $0xC800  }
0x127: {  	[tilespmem:s15], [sflag:$0x2] =	stream.indirect_vreg.gather [hbm4b:s6+s2], $0x80, v3, vm1, $0xb8;
	[tilespmem:$0x14400] =	vst v63  }
0x128: {  	v3 =	vld [tilespmem:$0xD0];
	_ =	sdelay $0x4  }
0x129: {  	v13 =	vshrl.u32 v3, $0x3  }
0x12a: {  	v4 =	vmul.u32 $0x28, v13  }
0x12b: {  	v3 =	vand.u32 $0x7, v3  }
0x12c: {  	v3 =	vor.u32 v3, v4  }
0x12d: {  	v4 =	vperm.xlane v3, v0;
	_ =	sdelay $0x1  }
0x12e: {  	v4 =	vadd.s32 v1, v4;
	_ =	sdelay $0x3  }
0x12f: {  	s16 =	simm.s32 $0xCC00;
	v3 =	vperm.xlane v3, v2  }
0x130: {  	[tilespmem:s16], [sflag:$0x2] =	stream.indirect_vreg.gather [hbm4b:s4+s2], $0x80, v4, vm0, $0xb8;
	[tilespmem:$0x14400] =	vst v63  }
0x131: {  	s15 =	simm.s32 $0xD400;
	v3 =	vadd.s32 v1, v3  }
0x132: {  	[tilespmem:s15], [sflag:$0x2] =	stream.indirect_vreg.gather [hbm4b:s5+s2], $0x80, v4, vm0, $0xb8;
	[tilespmem:$0x14400] =	vst v63  }
0x133: {  	s16 =	simm.s32 $0xDC00  }
0x134: {  	[tilespmem:s16], [sflag:$0x2] =	stream.indirect_vreg.gather [hbm4b:s6+s2], $0x80, v4, vm1, $0xb8;
	[tilespmem:$0x14400] =	vst v63  }
0x135: {  	s17 =	simm.s32 $0xE000  }
0x136: {  	[tilespmem:s17], [sflag:$0x2] =	stream.indirect_vreg.gather [hbm4b:s4+s2], $0x80, v3, vm0, $0xb8;
	[tilespmem:$0x14400] =	vst v63  }
0x137: {  	s18 =	simm.s32 $0xE800  }
0x138: {  	[tilespmem:s18], [sflag:$0x2] =	stream.indirect_vreg.gather [hbm4b:s5+s2], $0x80, v3, vm0, $0xb8;
	[tilespmem:$0x14400] =	vst v63  }
0x139: {  	s19 =	simm.s32 $0xF000  }
0x13a: {  	[tilespmem:s19], [sflag:$0x2] =	stream.indirect_vreg.gather [hbm4b:s6+s2], $0x80, v3, vm1, $0xb8;
	[tilespmem:$0x14400] =	vst v63  }
0x13b: {  	v3 =	vld [tilespmem:$0xE0];
	_ =	sdelay $0x4  }
0x13c: {  	v14 =	vshrl.u32 v3, $0x3  }
0x13d: {  	v4 =	vmul.u32 $0x28, v14  }
0x13e: {  	v3 =	vand.u32 $0x7, v3  }
0x13f: {  	v3 =	vor.u32 v3, v4  }
0x140: {  	v4 =	vperm.xlane v3, v0;
	_ =	sdelay $0x1  }
0x141: {  	v4 =	vadd.s32 v1, v4;
	_ =	sdelay $0x3  }
0x142: {  	s20 =	simm.s32 $0xF400;
	v3 =	vperm.xlane v3, v2  }
0x143: {  	[tilespmem:s20], [sflag:$0x2] =	stream.indirect_vreg.gather [hbm4b:s4+s2], $0x80, v4, vm0, $0xb8;
	[tilespmem:$0x14400] =	vst v63  }
0x144: {  	s19 =	simm.s32 $0xFC00;
	v3 =	vadd.s32 v1, v3  }
0x145: {  	[tilespmem:s19], [sflag:$0x2] =	stream.indirect_vreg.gather [hbm4b:s5+s2], $0x80, v4, vm0, $0xb8;
	[tilespmem:$0x14400] =	vst v63  }
0x146: {  	s20 =	simm.s32 $0x10400  }
0x147: {  	[tilespmem:s20], [sflag:$0x2] =	stream.indirect_vreg.gather [hbm4b:s6+s2], $0x80, v4, vm1, $0xb8;
	[tilespmem:$0x14400] =	vst v63  }
0x148: {  	s21 =	simm.s32 $0x10800  }
0x149: {  	[tilespmem:s21], [sflag:$0x2] =	stream.indirect_vreg.gather [hbm4b:s4+s2], $0x80, v3, vm0, $0xb8;
	[tilespmem:$0x14400] =	vst v63  }
0x14a: {  	s22 =	simm.s32 $0x11000  }
0x14b: {  	[tilespmem:s22], [sflag:$0x2] =	stream.indirect_vreg.gather [hbm4b:s5+s2], $0x80, v3, vm0, $0xb8;
	[tilespmem:$0x14400] =	vst v63  }
0x14c: {  	s23 =	simm.s32 $0x11800  }
0x14d: {  	[tilespmem:s23], [sflag:$0x2] =	stream.indirect_vreg.gather [hbm4b:s6+s2], $0x80, v3, vm1, $0xb8;
	[tilespmem:$0x14400] =	vst v63  }
0x14e: {  	v3 =	vld [tilespmem:$0xF0];
	_ =	sdelay $0x4  }
0x14f: {  	v15 =	vshrl.u32 v3, $0x3  }
0x150: {  	v4 =	vmul.u32 $0x28, v15  }
0x151: {  	v3 =	vand.u32 $0x7, v3  }
0x152: {  	v3 =	vor.u32 v3, v4  }
0x153: {  	v4 =	vperm.xlane v3, v0;
	_ =	sdelay $0x1  }
0x154: {  	v4 =	vadd.s32 v1, v4;
	_ =	sdelay $0x3  }
0x155: {  	s24 =	simm.s32 $0x11C00;
	v3 =	vperm.xlane v3, v2  }
0x156: {  	[tilespmem:s24], [sflag:$0x2] =	stream.indirect_vreg.gather [hbm4b:s4+s2], $0x80, v4, vm0, $0xb8;
	[tilespmem:$0x14400] =	vst v63  }
0x157: {  	s23 =	simm.s32 $0x12400;
	v3 =	vadd.s32 v1, v3  }
0x158: {  	[tilespmem:s23], [sflag:$0x2] =	stream.indirect_vreg.gather [hbm4b:s5+s2], $0x80, v4, vm0, $0xb8;
	[tilespmem:$0x14400] =	vst v63  }
0x159: {  	s24 =	simm.s32 $0x12C00  }
0x15a: {  	[tilespmem:s24], [sflag:$0x2] =	stream.indirect_vreg.gather [hbm4b:s6+s2], $0x80, v4, vm1, $0xb8;
	[tilespmem:$0x14400] =	vst v63  }
0x15b: {  	s25 =	simm.s32 $0x13000  }
0x15c: {  	[tilespmem:s25], [sflag:$0x2] =	stream.indirect_vreg.gather [hbm4b:s4+s2], $0x80, v3, vm0, $0xb8;
	[tilespmem:$0x14400] =	vst v63  }
0x15d: {  	s13 =	simm.s32 $0x13800  }
0x15e: {  	[tilespmem:s13], [sflag:$0x2] =	stream.indirect_vreg.gather [hbm4b:s5+s2], $0x80, v3, vm0, $0xb8;
	[tilespmem:$0x14400] =	vst v63  }
0x15f: {  	s0 =	simm.s32 $0x14000  }
0x160: {  	[tilespmem:s0], [sflag:$0x2] =	stream.indirect_vreg.gather [hbm4b:s6+s2], $0x80, v3, vm1, $0xb8;
	[tilespmem:$0x14400] =	vst v63  }
0x161: {  	s13 =	rddreg [dreg:$0x4];
	s0 =	simm.s32 $0x400  }
0x162: {  	[hbm4b:s13+s2] =	stream.linear.scatter [tilespmem:s0], [sflag:$0x3], $0xA000, $0x38;
	[tilespmem:$0x14400] =	vst v63  }
0x163: {  	_ =	swait.ge [sflag:s8], $0xA000  }
0x164: {  	[sflag:s8] =	ssyncset.done $0x0  }
0x165: {  	[sflag:s8] =	ssyncadd.s32 $0xFFFF6000  }
0x166: {  	_ =	swait.ge [sflag:s12], $0xA000  }
0x167: {  	[sflag:s12] =	ssyncset.done $0x0  }
0x168: {  	[sflag:s12] =	ssyncadd.s32 $0xFFFF6000  }
0x169: {  	v3 =	vld [tilespmem:$0x100];
	_ =	sdelay $0x4  }
0x16a: {  	v16 =	vshrl.u32 v3, $0x3  }
0x16b: {  	v4 =	vmul.u32 $0x28, v16  }
0x16c: {  	v3 =	vand.u32 $0x7, v3  }
0x16d: {  	v3 =	vor.u32 v3, v4  }
0x16e: {  	v4 =	vperm.xlane v3, v0;
	_ =	sdelay $0x1  }
0x16f: {  	v4 =	vadd.s32 v1, v4;
	_ =	sdelay $0x3  }
0x170: {  	v3 =	vperm.xlane v3, v2  }
0x171: {  	[tilespmem:s0], [sflag:$0x1] =	stream.indirect_vreg.gather [hbm4b:s4+s2], $0x80, v4, vm0, $0xb8;
	[tilespmem:$0x14400] =	vst v63  }
0x172: {  	s13 =	simm.s32 $0xC00;
	v3 =	vadd.s32 v1, v3  }
0x173: {  	[tilespmem:s13], [sflag:$0x1] =	stream.indirect_vreg.gather [hbm4b:s5+s2], $0x80, v4, vm0, $0xb8;
	[tilespmem:$0x14400] =	vst v63  }
0x174: {  	s13 =	simm.s32 $0x1400  }
0x175: {  	[tilespmem:s13], [sflag:$0x1] =	stream.indirect_vreg.gather [hbm4b:s6+s2], $0x80, v4, vm1, $0xb8;
	[tilespmem:$0x14400] =	vst v63  }
0x176: {  	s13 =	simm.s32 $0x1800  }
0x177: {  	[tilespmem:s13], [sflag:$0x1] =	stream.indirect_vreg.gather [hbm4b:s4+s2], $0x80, v3, vm0, $0xb8;
	[tilespmem:$0x14400] =	vst v63  }
0x178: {  	s13 =	simm.s32 $0x2000  }
0x179: {  	[tilespmem:s13], [sflag:$0x1] =	stream.indirect_vreg.gather [hbm4b:s5+s2], $0x80, v3, vm0, $0xb8;
	[tilespmem:$0x14400] =	vst v63  }
0x17a: {  	s13 =	simm.s32 $0x2800  }
0x17b: {  	[tilespmem:s13], [sflag:$0x1] =	stream.indirect_vreg.gather [hbm4b:s6+s2], $0x80, v3, vm1, $0xb8;
	[tilespmem:$0x14400] =	vst v63  }
0x17c: {  	v3 =	vld [tilespmem:$0x110];
	_ =	sdelay $0x4  }
0x17d: {  	v17 =	vshrl.u32 v3, $0x3  }
0x17e: {  	v4 =	vmul.u32 $0x28, v17  }
0x17f: {  	v3 =	vand.u32 $0x7, v3  }
0x180: {  	v3 =	vor.u32 v3, v4  }
0x181: {  	v4 =	vperm.xlane v3, v0;
	_ =	sdelay $0x1  }
0x182: {  	v4 =	vadd.s32 v1, v4;
	_ =	sdelay $0x3  }
0x183: {  	s13 =	simm.s32 $0x2C00;
	v3 =	vperm.xlane v3, v2  }
0x184: {  	[tilespmem:s13], [sflag:$0x1] =	stream.indirect_vreg.gather [hbm4b:s4+s2], $0x80, v4, vm0, $0xb8;
	[tilespmem:$0x14400] =	vst v63  }
0x185: {  	v3 =	vadd.s32 v1, v3;
	s13 =	simm.s32 $0x3400  }
0x186: {  	[tilespmem:s13], [sflag:$0x1] =	stream.indirect_vreg.gather [hbm4b:s5+s2], $0x80, v4, vm0, $0xb8;
	[tilespmem:$0x14400] =	vst v63  }
0x187: {  	s13 =	simm.s32 $0x3C00  }
0x188: {  	[tilespmem:s13], [sflag:$0x1] =	stream.indirect_vreg.gather [hbm4b:s6+s2], $0x80, v4, vm1, $0xb8;
	[tilespmem:$0x14400] =	vst v63  }
0x189: {  	s13 =	simm.s32 $0x4000  }
0x18a: {  	[tilespmem:s13], [sflag:$0x1] =	stream.indirect_vreg.gather [hbm4b:s4+s2], $0x80, v3, vm0, $0xb8;
	[tilespmem:$0x14400] =	vst v63  }
0x18b: {  	s13 =	simm.s32 $0x4800  }
0x18c: {  	[tilespmem:s13], [sflag:$0x1] =	stream.indirect_vreg.gather [hbm4b:s5+s2], $0x80, v3, vm0, $0xb8;
	[tilespmem:$0x14400] =	vst v63  }
0x18d: {  	s13 =	simm.s32 $0x5000  }
0x18e: {  	[tilespmem:s13], [sflag:$0x1] =	stream.indirect_vreg.gather [hbm4b:s6+s2], $0x80, v3, vm1, $0xb8;
	[tilespmem:$0x14400] =	vst v63  }
0x18f: {  	v3 =	vld [tilespmem:$0x120];
	_ =	sdelay $0x4  }
0x190: {  	v18 =	vshrl.u32 v3, $0x3  }
0x191: {  	v4 =	vmul.u32 $0x28, v18  }
0x192: {  	v3 =	vand.u32 $0x7, v3  }
0x193: {  	v3 =	vor.u32 v3, v4  }
0x194: {  	v4 =	vperm.xlane v3, v0;
	_ =	sdelay $0x1  }
0x195: {  	v4 =	vadd.s32 v1, v4;
	_ =	sdelay $0x3  }
0x196: {  	v3 =	vperm.xlane v3, v2  }
0x197: {  	[tilespmem:s26], [sflag:$0x1] =	stream.indirect_vreg.gather [hbm4b:s4+s2], $0x80, v4, vm0, $0xb8;
	[tilespmem:$0x14400] =	vst v63  }
0x198: {  	v3 =	vadd.s32 v1, v3  }
0x199: {  	[tilespmem:s28], [sflag:$0x1] =	stream.indirect_vreg.gather [hbm4b:s5+s2], $0x80, v4, vm0, $0xb8;
	[tilespmem:$0x14400] =	vst v63  }
0x19a: {  	_ = 	snop  }
0x19b: {  	[tilespmem:s29], [sflag:$0x1] =	stream.indirect_vreg.gather [hbm4b:s6+s2], $0x80, v4, vm1, $0xb8;
	[tilespmem:$0x14400] =	vst v63  }
0x19c: {  	s26 =	simm.s32 $0x6800  }
0x19d: {  	[tilespmem:s26], [sflag:$0x1] =	stream.indirect_vreg.gather [hbm4b:s4+s2], $0x80, v3, vm0, $0xb8;
	[tilespmem:$0x14400] =	vst v63  }
0x19e: {  	s28 =	simm.s32 $0x7000  }
0x19f: {  	[tilespmem:s28], [sflag:$0x1] =	stream.indirect_vreg.gather [hbm4b:s5+s2], $0x80, v3, vm0, $0xb8;
	[tilespmem:$0x14400] =	vst v63  }
0x1a0: {  	s29 =	simm.s32 $0x7800  }
0x1a1: {  	[tilespmem:s29], [sflag:$0x1] =	stream.indirect_vreg.gather [hbm4b:s6+s2], $0x80, v3, vm1, $0xb8;
	[tilespmem:$0x14400] =	vst v63  }
0x1a2: {  	v3 =	vld [tilespmem:$0x130];
	_ =	sdelay $0x4  }
0x1a3: {  	v19 =	vshrl.u32 v3, $0x3  }
0x1a4: {  	v4 =	vmul.u32 $0x28, v19  }
0x1a5: {  	v3 =	vand.u32 $0x7, v3  }
0x1a6: {  	v3 =	vor.u32 v3, v4  }
0x1a7: {  	v4 =	vperm.xlane v3, v0;
	_ =	sdelay $0x1  }
0x1a8: {  	v4 =	vadd.s32 v1, v4;
	_ =	sdelay $0x3  }
0x1a9: {  	v3 =	vperm.xlane v3, v2  }
0x1aa: {  	[tilespmem:s10], [sflag:$0x1] =	stream.indirect_vreg.gather [hbm4b:s4+s2], $0x80, v4, vm0, $0xb8;
	[tilespmem:$0x14400] =	vst v63  }
0x1ab: {  	v3 =	vadd.s32 v1, v3  }
0x1ac: {  	[tilespmem:s30], [sflag:$0x1] =	stream.indirect_vreg.gather [hbm4b:s5+s2], $0x80, v4, vm0, $0xb8;
	[tilespmem:$0x14400] =	vst v63  }
0x1ad: {  	_ = 	snop  }
0x1ae: {  	[tilespmem:s31], [sflag:$0x1] =	stream.indirect_vreg.gather [hbm4b:s6+s2], $0x80, v4, vm1, $0xb8;
	[tilespmem:$0x14400] =	vst v63  }
0x1af: {  	s13 =	simm.s32 $0x9000  }
0x1b0: {  	[tilespmem:s13], [sflag:$0x1] =	stream.indirect_vreg.gather [hbm4b:s4+s2], $0x80, v3, vm0, $0xb8;
	[tilespmem:$0x14400] =	vst v63  }
0x1b1: {  	_ = 	snop  }
0x1b2: {  	[tilespmem:s9], [sflag:$0x1] =	stream.indirect_vreg.gather [hbm4b:s5+s2], $0x80, v3, vm0, $0xb8;
	[tilespmem:$0x14400] =	vst v63  }
0x1b3: {  	s31 =	simm.s32 $0xA000  }
0x1b4: {  	[tilespmem:s31], [sflag:$0x1] =	stream.indirect_vreg.gather [hbm4b:s6+s2], $0x80, v3, vm1, $0xb8;
	[tilespmem:$0x14400] =	vst v63  }
0x1b5: {  	s10 =	simm.s32 $0xA400;
	s30 =	rddreg [dreg:$0x5]  }
0x1b6: {  	[hbm4b:s30+s2] =	stream.linear.scatter [tilespmem:s10], [sflag:$0x3], $0xA000, $0x38;
	[tilespmem:$0x14400] =	vst v63  }
0x1b7: {  	_ =	swait.ge [sflag:s8], $0xA000  }
0x1b8: {  	[sflag:s8] =	ssyncset.done $0x0  }
0x1b9: {  	[sflag:s8] =	ssyncadd.s32 $0xFFFF6000  }
0x1ba: {  	_ =	swait.ge [sflag:s3], $0xA000  }
0x1bb: {  	[sflag:s3] =	ssyncset.done $0x0  }
0x1bc: {  	[sflag:s3] =	ssyncadd.s32 $0xFFFF6000  }
0x1bd: {  	v3 =	vld [tilespmem:$0x140];
	_ =	sdelay $0x4  }
0x1be: {  	v20 =	vshrl.u32 v3, $0x3  }
0x1bf: {  	v4 =	vmul.u32 $0x28, v20  }
0x1c0: {  	v3 =	vand.u32 $0x7, v3  }
0x1c1: {  	v3 =	vor.u32 v3, v4  }
0x1c2: {  	v4 =	vperm.xlane v3, v0;
	_ =	sdelay $0x1  }
0x1c3: {  	v4 =	vadd.s32 v1, v4;
	_ =	sdelay $0x3  }
0x1c4: {  	v3 =	vperm.xlane v3, v2  }
0x1c5: {  	[tilespmem:s10], [sflag:$0x2] =	stream.indirect_vreg.gather [hbm4b:s4+s2], $0x80, v4, vm0, $0xb8;
	[tilespmem:$0x14400] =	vst v63  }
0x1c6: {  	v3 =	vadd.s32 v1, v3  }
0x1c7: {  	[tilespmem:s7], [sflag:$0x2] =	stream.indirect_vreg.gather [hbm4b:s5+s2], $0x80, v4, vm0, $0xb8;
	[tilespmem:$0x14400] =	vst v63  }
0x1c8: {  	_ = 	snop  }
0x1c9: {  	[tilespmem:s1], [sflag:$0x2] =	stream.indirect_vreg.gather [hbm4b:s6+s2], $0x80, v4, vm1, $0xb8;
	[tilespmem:$0x14400] =	vst v63  }
0x1ca: {  	_ = 	snop  }
0x1cb: {  	[tilespmem:s11], [sflag:$0x2] =	stream.indirect_vreg.gather [hbm4b:s4+s2], $0x80, v3, vm0, $0xb8;
	[tilespmem:$0x14400] =	vst v63  }
0x1cc: {  	_ = 	snop  }
0x1cd: {  	[tilespmem:s14], [sflag:$0x2] =	stream.indirect_vreg.gather [hbm4b:s5+s2], $0x80, v3, vm0, $0xb8;
	[tilespmem:$0x14400] =	vst v63  }
0x1ce: {  	s1 =	simm.s32 $0xC800  }
0x1cf: {  	[tilespmem:s1], [sflag:$0x2] =	stream.indirect_vreg.gather [hbm4b:s6+s2], $0x80, v3, vm1, $0xb8;
	[tilespmem:$0x14400] =	vst v63  }
0x1d0: {  	v3 =	vld [tilespmem:$0x150];
	_ =	sdelay $0x4  }
0x1d1: {  	v21 =	vshrl.u32 v3, $0x3  }
0x1d2: {  	v4 =	vmul.u32 $0x28, v21  }
0x1d3: {  	v3 =	vand.u32 $0x7, v3  }
0x1d4: {  	v3 =	vor.u32 v3, v4  }
0x1d5: {  	v4 =	vperm.xlane v3, v0;
	_ =	sdelay $0x1  }
0x1d6: {  	v4 =	vadd.s32 v1, v4;
	_ =	sdelay $0x3  }
0x1d7: {  	s7 =	simm.s32 $0xCC00;
	v3 =	vperm.xlane v3, v2  }
0x1d8: {  	[tilespmem:s7], [sflag:$0x2] =	stream.indirect_vreg.gather [hbm4b:s4+s2], $0x80, v4, vm0, $0xb8;
	[tilespmem:$0x14400] =	vst v63  }
0x1d9: {  	v3 =	vadd.s32 v1, v3  }
0x1da: {  	[tilespmem:s15], [sflag:$0x2] =	stream.indirect_vreg.gather [hbm4b:s5+s2], $0x80, v4, vm0, $0xb8;
	[tilespmem:$0x14400] =	vst v63  }
0x1db: {  	_ = 	snop  }
0x1dc: {  	[tilespmem:s16], [sflag:$0x2] =	stream.indirect_vreg.gather [hbm4b:s6+s2], $0x80, v4, vm1, $0xb8;
	[tilespmem:$0x14400] =	vst v63  }
0x1dd: {  	_ = 	snop  }
0x1de: {  	[tilespmem:s17], [sflag:$0x2] =	stream.indirect_vreg.gather [hbm4b:s4+s2], $0x80, v3, vm0, $0xb8;
	[tilespmem:$0x14400] =	vst v63  }
0x1df: {  	_ = 	snop  }
0x1e0: {  	[tilespmem:s18], [sflag:$0x2] =	stream.indirect_vreg.gather [hbm4b:s5+s2], $0x80, v3, vm0, $0xb8;
	[tilespmem:$0x14400] =	vst v63  }
0x1e1: {  	s11 =	simm.s32 $0xF000  }
0x1e2: {  	[tilespmem:s11], [sflag:$0x2] =	stream.indirect_vreg.gather [hbm4b:s6+s2], $0x80, v3, vm1, $0xb8;
	[tilespmem:$0x14400] =	vst v63  }
0x1e3: {  	v3 =	vld [tilespmem:$0x160];
	_ =	sdelay $0x4  }
0x1e4: {  	v22 =	vshrl.u32 v3, $0x3  }
0x1e5: {  	v4 =	vmul.u32 $0x28, v22  }
0x1e6: {  	v3 =	vand.u32 $0x7, v3  }
0x1e7: {  	v3 =	vor.u32 v3, v4  }
0x1e8: {  	v4 =	vperm.xlane v3, v0;
	_ =	sdelay $0x1  }
0x1e9: {  	v4 =	vadd.s32 v1, v4;
	_ =	sdelay $0x3  }
0x1ea: {  	s14 =	simm.s32 $0xF400;
	v3 =	vperm.xlane v3, v2  }
0x1eb: {  	[tilespmem:s14], [sflag:$0x2] =	stream.indirect_vreg.gather [hbm4b:s4+s2], $0x80, v4, vm0, $0xb8;
	[tilespmem:$0x14400] =	vst v63  }
0x1ec: {  	v3 =	vadd.s32 v1, v3  }
0x1ed: {  	[tilespmem:s19], [sflag:$0x2] =	stream.indirect_vreg.gather [hbm4b:s5+s2], $0x80, v4, vm0, $0xb8;
	[tilespmem:$0x14400] =	vst v63  }
0x1ee: {  	_ = 	snop  }
0x1ef: {  	[tilespmem:s20], [sflag:$0x2] =	stream.indirect_vreg.gather [hbm4b:s6+s2], $0x80, v4, vm1, $0xb8;
	[tilespmem:$0x14400] =	vst v63  }
0x1f0: {  	_ = 	snop  }
0x1f1: {  	[tilespmem:s21], [sflag:$0x2] =	stream.indirect_vreg.gather [hbm4b:s4+s2], $0x80, v3, vm0, $0xb8;
	[tilespmem:$0x14400] =	vst v63  }
0x1f2: {  	_ = 	snop  }
0x1f3: {  	[tilespmem:s22], [sflag:$0x2] =	stream.indirect_vreg.gather [hbm4b:s5+s2], $0x80, v3, vm0, $0xb8;
	[tilespmem:$0x14400] =	vst v63  }
0x1f4: {  	s15 =	simm.s32 $0x11800  }
0x1f5: {  	[tilespmem:s15], [sflag:$0x2] =	stream.indirect_vreg.gather [hbm4b:s6+s2], $0x80, v3, vm1, $0xb8;
	[tilespmem:$0x14400] =	vst v63  }
0x1f6: {  	v3 =	vld [tilespmem:$0x170];
	_ =	sdelay $0x4  }
0x1f7: {  	v23 =	vshrl.u32 v3, $0x3  }
0x1f8: {  	v4 =	vmul.u32 $0x28, v23  }
0x1f9: {  	v3 =	vand.u32 $0x7, v3  }
0x1fa: {  	v3 =	vor.u32 v3, v4  }
0x1fb: {  	v4 =	vperm.xlane v3, v0;
	_ =	sdelay $0x1  }
0x1fc: {  	v4 =	vadd.s32 v1, v4;
	_ =	sdelay $0x3  }
0x1fd: {  	s16 =	simm.s32 $0x11C00;
	v3 =	vperm.xlane v3, v2  }
0x1fe: {  	[tilespmem:s16], [sflag:$0x2] =	stream.indirect_vreg.gather [hbm4b:s4+s2], $0x80, v4, vm0, $0xb8;
	[tilespmem:$0x14400] =	vst v63  }
0x1ff: {  	v3 =	vadd.s32 v1, v3  }
0x200: {  	[tilespmem:s23], [sflag:$0x2] =	stream.indirect_vreg.gather [hbm4b:s5+s2], $0x80, v4, vm0, $0xb8;
	[tilespmem:$0x14400] =	vst v63  }
0x201: {  	_ = 	snop  }
0x202: {  	[tilespmem:s24], [sflag:$0x2] =	stream.indirect_vreg.gather [hbm4b:s6+s2], $0x80, v4, vm1, $0xb8;
	[tilespmem:$0x14400] =	vst v63  }
0x203: {  	_ = 	snop  }
0x204: {  	[tilespmem:s25], [sflag:$0x2] =	stream.indirect_vreg.gather [hbm4b:s4+s2], $0x80, v3, vm0, $0xb8;
	[tilespmem:$0x14400] =	vst v63  }
0x205: {  	s25 =	simm.s32 $0x13800  }
0x206: {  	[tilespmem:s25], [sflag:$0x2] =	stream.indirect_vreg.gather [hbm4b:s5+s2], $0x80, v3, vm0, $0xb8;
	[tilespmem:$0x14400] =	vst v63  }
0x207: {  	s10 =	simm.s32 $0x14000  }
0x208: {  	[tilespmem:s10], [sflag:$0x2] =	stream.indirect_vreg.gather [hbm4b:s6+s2], $0x80, v3, vm1, $0xb8;
	[tilespmem:$0x14400] =	vst v63  }
0x209: {  	s18 =	rddreg [dreg:$0x6];
	s19 =	simm.s32 $0x400  }
0x20a: {  	[hbm4b:s18+s2] =	stream.linear.scatter [tilespmem:s19], [sflag:$0x3], $0xA000, $0x38;
	[tilespmem:$0x14400] =	vst v63  }
0x20b: {  	_ =	swait.ge [sflag:s8], $0xA000  }
0x20c: {  	[sflag:s8] =	ssyncset.done $0x0  }
0x20d: {  	[sflag:s8] =	ssyncadd.s32 $0xFFFF6000  }
0x20e: {  	_ =	swait.ge [sflag:s12], $0xA000  }
0x20f: {  	[sflag:s12] =	ssyncset.done $0x0  }
0x210: {  	[sflag:s12] =	ssyncadd.s32 $0xFFFF6000  }
0x211: {  	v3 =	vld [tilespmem:$0x180];
	_ =	sdelay $0x4  }
0x212: {  	v24 =	vshrl.u32 v3, $0x3  }
0x213: {  	v4 =	vmul.u32 $0x28, v24  }
0x214: {  	v3 =	vand.u32 $0x7, v3  }
0x215: {  	v3 =	vor.u32 v3, v4  }
0x216: {  	v4 =	vperm.xlane v3, v0;
	_ =	sdelay $0x1  }
0x217: {  	v4 =	vadd.s32 v1, v4;
	_ =	sdelay $0x3  }
0x218: {  	v3 =	vperm.xlane v3, v2  }
0x219: {  	[tilespmem:s19], [sflag:$0x1] =	stream.indirect_vreg.gather [hbm4b:s4+s2], $0x80, v4, vm0, $0xb8;
	[tilespmem:$0x14400] =	vst v63  }
0x21a: {  	s20 =	simm.s32 $0xC00;
	v3 =	vadd.s32 v1, v3  }
0x21b: {  	[tilespmem:s20], [sflag:$0x1] =	stream.indirect_vreg.gather [hbm4b:s5+s2], $0x80, v4, vm0, $0xb8;
	[tilespmem:$0x14400] =	vst v63  }
0x21c: {  	s21 =	simm.s32 $0x1400  }
0x21d: {  	[tilespmem:s21], [sflag:$0x1] =	stream.indirect_vreg.gather [hbm4b:s6+s2], $0x80, v4, vm1, $0xb8;
	[tilespmem:$0x14400] =	vst v63  }
0x21e: {  	s22 =	simm.s32 $0x1800  }
0x21f: {  	[tilespmem:s22], [sflag:$0x1] =	stream.indirect_vreg.gather [hbm4b:s4+s2], $0x80, v3, vm0, $0xb8;
	[tilespmem:$0x14400] =	vst v63  }
0x220: {  	s23 =	simm.s32 $0x2000  }
0x221: {  	[tilespmem:s23], [sflag:$0x1] =	stream.indirect_vreg.gather [hbm4b:s5+s2], $0x80, v3, vm0, $0xb8;
	[tilespmem:$0x14400] =	vst v63  }
0x222: {  	s24 =	simm.s32 $0x2800  }
0x223: {  	[tilespmem:s24], [sflag:$0x1] =	stream.indirect_vreg.gather [hbm4b:s6+s2], $0x80, v3, vm1, $0xb8;
	[tilespmem:$0x14400] =	vst v63  }
0x224: {  	v3 =	vld [tilespmem:$0x190];
	_ =	sdelay $0x4  }
0x225: {  	v25 =	vshrl.u32 v3, $0x3  }
0x226: {  	v4 =	vmul.u32 $0x28, v25  }
0x227: {  	v3 =	vand.u32 $0x7, v3  }
0x228: {  	v3 =	vor.u32 v3, v4  }
0x229: {  	v4 =	vperm.xlane v3, v0;
	_ =	sdelay $0x1  }
0x22a: {  	v4 =	vadd.s32 v1, v4;
	_ =	sdelay $0x3  }
0x22b: {  	s30 =	simm.s32 $0x2C00;
	v3 =	vperm.xlane v3, v2  }
0x22c: {  	[tilespmem:s30], [sflag:$0x1] =	stream.indirect_vreg.gather [hbm4b:s4+s2], $0x80, v4, vm0, $0xb8;
	[tilespmem:$0x14400] =	vst v63  }
0x22d: {  	s31 =	simm.s32 $0x3400;
	v3 =	vadd.s32 v1, v3  }
0x22e: {  	[tilespmem:s31], [sflag:$0x1] =	stream.indirect_vreg.gather [hbm4b:s5+s2], $0x80, v4, vm0, $0xb8;
	[tilespmem:$0x14400] =	vst v63  }
0x22f: {  	s13 =	simm.s32 $0x3C00  }
0x230: {  	[tilespmem:s13], [sflag:$0x1] =	stream.indirect_vreg.gather [hbm4b:s6+s2], $0x80, v4, vm1, $0xb8;
	[tilespmem:$0x14400] =	vst v63  }
0x231: {  	s17 =	simm.s32 $0x4000  }
0x232: {  	[tilespmem:s17], [sflag:$0x1] =	stream.indirect_vreg.gather [hbm4b:s4+s2], $0x80, v3, vm0, $0xb8;
	[tilespmem:$0x14400] =	vst v63  }
0x233: {  	s18 =	simm.s32 $0x4800  }
0x234: {  	[tilespmem:s18], [sflag:$0x1] =	stream.indirect_vreg.gather [hbm4b:s5+s2], $0x80, v3, vm0, $0xb8;
	[tilespmem:$0x14400] =	vst v63  }
0x235: {  	s19 =	simm.s32 $0x5000  }
0x236: {  	[tilespmem:s19], [sflag:$0x1] =	stream.indirect_vreg.gather [hbm4b:s6+s2], $0x80, v3, vm1, $0xb8;
	[tilespmem:$0x14400] =	vst v63  }
0x237: {  	v3 =	vld [tilespmem:$0x1A0];
	_ =	sdelay $0x4  }
0x238: {  	v26 =	vshrl.u32 v3, $0x3  }
0x239: {  	v4 =	vmul.u32 $0x28, v26  }
0x23a: {  	v3 =	vand.u32 $0x7, v3  }
0x23b: {  	v3 =	vor.u32 v3, v4  }
0x23c: {  	v4 =	vperm.xlane v3, v0;
	_ =	sdelay $0x1  }
0x23d: {  	v4 =	vadd.s32 v1, v4;
	_ =	sdelay $0x3  }
0x23e: {  	s20 =	simm.s32 $0x5400;
	v3 =	vperm.xlane v3, v2  }
0x23f: {  	[tilespmem:s20], [sflag:$0x1] =	stream.indirect_vreg.gather [hbm4b:s4+s2], $0x80, v4, vm0, $0xb8;
	[tilespmem:$0x14400] =	vst v63  }
0x240: {  	s24 =	simm.s32 $0x5C00;
	v3 =	vadd.s32 v1, v3  }
0x241: {  	[tilespmem:s24], [sflag:$0x1] =	stream.indirect_vreg.gather [hbm4b:s5+s2], $0x80, v4, vm0, $0xb8;
	[tilespmem:$0x14400] =	vst v63  }
0x242: {  	s30 =	simm.s32 $0x6400  }
0x243: {  	[tilespmem:s30], [sflag:$0x1] =	stream.indirect_vreg.gather [hbm4b:s6+s2], $0x80, v4, vm1, $0xb8;
	[tilespmem:$0x14400] =	vst v63  }
0x244: {  	_ = 	snop  }
0x245: {  	[tilespmem:s26], [sflag:$0x1] =	stream.indirect_vreg.gather [hbm4b:s4+s2], $0x80, v3, vm0, $0xb8;
	[tilespmem:$0x14400] =	vst v63  }
0x246: {  	_ = 	snop  }
0x247: {  	[tilespmem:s28], [sflag:$0x1] =	stream.indirect_vreg.gather [hbm4b:s5+s2], $0x80, v3, vm0, $0xb8;
	[tilespmem:$0x14400] =	vst v63  }
0x248: {  	_ = 	snop  }
0x249: {  	[tilespmem:s29], [sflag:$0x1] =	stream.indirect_vreg.gather [hbm4b:s6+s2], $0x80, v3, vm1, $0xb8;
	[tilespmem:$0x14400] =	vst v63  }
0x24a: {  	v3 =	vld [tilespmem:$0x1B0];
	_ =	sdelay $0x4  }
0x24b: {  	v27 =	vshrl.u32 v3, $0x3  }
0x24c: {  	v4 =	vmul.u32 $0x28, v27  }
0x24d: {  	v3 =	vand.u32 $0x7, v3  }
0x24e: {  	v3 =	vor.u32 v3, v4  }
0x24f: {  	v4 =	vperm.xlane v3, v0;
	_ =	sdelay $0x1  }
0x250: {  	v4 =	vadd.s32 v1, v4;
	_ =	sdelay $0x3  }
0x251: {  	s21 =	simm.s32 $0x7C00;
	v3 =	vperm.xlane v3, v2  }
0x252: {  	[tilespmem:s21], [sflag:$0x1] =	stream.indirect_vreg.gather [hbm4b:s4+s2], $0x80, v4, vm0, $0xb8;
	[tilespmem:$0x14400] =	vst v63  }
0x253: {  	s26 =	simm.s32 $0x8400;
	v3 =	vadd.s32 v1, v3  }
0x254: {  	[tilespmem:s26], [sflag:$0x1] =	stream.indirect_vreg.gather [hbm4b:s5+s2], $0x80, v4, vm0, $0xb8;
	[tilespmem:$0x14400] =	vst v63  }
0x255: {  	s28 =	simm.s32 $0x8C00  }
0x256: {  	[tilespmem:s28], [sflag:$0x1] =	stream.indirect_vreg.gather [hbm4b:s6+s2], $0x80, v4, vm1, $0xb8;
	[tilespmem:$0x14400] =	vst v63  }
0x257: {  	s31 =	simm.s32 $0x9000  }
0x258: {  	[tilespmem:s31], [sflag:$0x1] =	stream.indirect_vreg.gather [hbm4b:s4+s2], $0x80, v3, vm0, $0xb8;
	[tilespmem:$0x14400] =	vst v63  }
0x259: {  	s9 =	simm.s32 $0x9800  }
0x25a: {  	[tilespmem:s9], [sflag:$0x1] =	stream.indirect_vreg.gather [hbm4b:s5+s2], $0x80, v3, vm0, $0xb8;
	[tilespmem:$0x14400] =	vst v63  }
0x25b: {  	s0 =	simm.s32 $0xA000  }
0x25c: {  	[tilespmem:s0], [sflag:$0x1] =	stream.indirect_vreg.gather [hbm4b:s6+s2], $0x80, v3, vm1, $0xb8;
	[tilespmem:$0x14400] =	vst v63  }
0x25d: {  	s22 =	rddreg [dreg:$0x7];
	s23 =	simm.s32 $0xA400  }
0x25e: {  	[hbm4b:s22+s2] =	stream.linear.scatter [tilespmem:s23], [sflag:$0x3], $0xA000, $0x38;
	[tilespmem:$0x14400] =	vst v63  }
0x25f: {  	_ =	swait.ge [sflag:s8], $0xA000  }
0x260: {  	[sflag:s8] =	ssyncset.done $0x0  }
0x261: {  	[sflag:s8] =	ssyncadd.s32 $0xFFFF6000  }
0x262: {  	_ =	swait.ge [sflag:s3], $0xA000  }
0x263: {  	[sflag:s3] =	ssyncset.done $0x0  }
0x264: {  	[sflag:s3] =	ssyncadd.s32 $0xFFFF6000  }
0x265: {  	v3 =	vld [tilespmem:$0x1C0];
	_ =	sdelay $0x4  }
0x266: {  	v28 =	vshrl.u32 v3, $0x3  }
0x267: {  	v4 =	vmul.u32 $0x28, v28  }
0x268: {  	v3 =	vand.u32 $0x7, v3  }
0x269: {  	v3 =	vor.u32 v3, v4  }
0x26a: {  	v4 =	vperm.xlane v3, v0;
	_ =	sdelay $0x1  }
0x26b: {  	v4 =	vadd.s32 v1, v4;
	_ =	sdelay $0x3  }
0x26c: {  	v3 =	vperm.xlane v3, v2  }
0x26d: {  	[tilespmem:s23], [sflag:$0x2] =	stream.indirect_vreg.gather [hbm4b:s4+s2], $0x80, v4, vm0, $0xb8;
	[tilespmem:$0x14400] =	vst v63  }
0x26e: {  	s29 =	simm.s32 $0xAC00;
	v3 =	vadd.s32 v1, v3  }
0x26f: {  	[tilespmem:s29], [sflag:$0x2] =	stream.indirect_vreg.gather [hbm4b:s5+s2], $0x80, v4, vm0, $0xb8;
	[tilespmem:$0x14400] =	vst v63  }
0x270: {  	s9 =	simm.s32 $0xB400  }
0x271: {  	[tilespmem:s9], [sflag:$0x2] =	stream.indirect_vreg.gather [hbm4b:s6+s2], $0x80, v4, vm1, $0xb8;
	[tilespmem:$0x14400] =	vst v63  }
0x272: {  	s17 =	simm.s32 $0xB800  }
0x273: {  	[tilespmem:s17], [sflag:$0x2] =	stream.indirect_vreg.gather [hbm4b:s4+s2], $0x80, v3, vm0, $0xb8;
	[tilespmem:$0x14400] =	vst v63  }
0x274: {  	s18 =	simm.s32 $0xC000  }
0x275: {  	[tilespmem:s18], [sflag:$0x2] =	stream.indirect_vreg.gather [hbm4b:s5+s2], $0x80, v3, vm0, $0xb8;
	[tilespmem:$0x14400] =	vst v63  }
0x276: {  	_ = 	snop  }
0x277: {  	[tilespmem:s1], [sflag:$0x2] =	stream.indirect_vreg.gather [hbm4b:s6+s2], $0x80, v3, vm1, $0xb8;
	[tilespmem:$0x14400] =	vst v63  }
0x278: {  	v3 =	vld [tilespmem:$0x1D0];
	_ =	sdelay $0x4  }
0x279: {  	v29 =	vshrl.u32 v3, $0x3  }
0x27a: {  	v4 =	vmul.u32 $0x28, v29  }
0x27b: {  	v3 =	vand.u32 $0x7, v3  }
0x27c: {  	v3 =	vor.u32 v3, v4  }
0x27d: {  	v4 =	vperm.xlane v3, v0;
	_ =	sdelay $0x1  }
0x27e: {  	v4 =	vadd.s32 v1, v4;
	_ =	sdelay $0x3  }
0x27f: {  	v3 =	vperm.xlane v3, v2  }
0x280: {  	[tilespmem:s7], [sflag:$0x2] =	stream.indirect_vreg.gather [hbm4b:s4+s2], $0x80, v4, vm0, $0xb8;
	[tilespmem:$0x14400] =	vst v63  }
0x281: {  	s1 =	simm.s32 $0xD400;
	v3 =	vadd.s32 v1, v3  }
0x282: {  	[tilespmem:s1], [sflag:$0x2] =	stream.indirect_vreg.gather [hbm4b:s5+s2], $0x80, v4, vm0, $0xb8;
	[tilespmem:$0x14400] =	vst v63  }
0x283: {  	s7 =	simm.s32 $0xDC00  }
0x284: {  	[tilespmem:s7], [sflag:$0x2] =	stream.indirect_vreg.gather [hbm4b:s6+s2], $0x80, v4, vm1, $0xb8;
	[tilespmem:$0x14400] =	vst v63  }
0x285: {  	s19 =	simm.s32 $0xE000  }
0x286: {  	[tilespmem:s19], [sflag:$0x2] =	stream.indirect_vreg.gather [hbm4b:s4+s2], $0x80, v3, vm0, $0xb8;
	[tilespmem:$0x14400] =	vst v63  }
0x287: {  	s20 =	simm.s32 $0xE800  }
0x288: {  	[tilespmem:s20], [sflag:$0x2] =	stream.indirect_vreg.gather [hbm4b:s5+s2], $0x80, v3, vm0, $0xb8;
	[tilespmem:$0x14400] =	vst v63  }
0x289: {  	_ = 	snop  }
0x28a: {  	[tilespmem:s11], [sflag:$0x2] =	stream.indirect_vreg.gather [hbm4b:s6+s2], $0x80, v3, vm1, $0xb8;
	[tilespmem:$0x14400] =	vst v63  }
0x28b: {  	v3 =	vld [tilespmem:$0x1E0];
	_ =	sdelay $0x4  }
0x28c: {  	v30 =	vshrl.u32 v3, $0x3  }
0x28d: {  	v4 =	vmul.u32 $0x28, v30  }
0x28e: {  	v3 =	vand.u32 $0x7, v3  }
0x28f: {  	v3 =	vor.u32 v3, v4  }
0x290: {  	v4 =	vperm.xlane v3, v0;
	_ =	sdelay $0x1  }
0x291: {  	v4 =	vadd.s32 v1, v4;
	_ =	sdelay $0x3  }
0x292: {  	v3 =	vperm.xlane v3, v2  }
0x293: {  	[tilespmem:s14], [sflag:$0x2] =	stream.indirect_vreg.gather [hbm4b:s4+s2], $0x80, v4, vm0, $0xb8;
	[tilespmem:$0x14400] =	vst v63  }
0x294: {  	s11 =	simm.s32 $0xFC00;
	v3 =	vadd.s32 v1, v3  }
0x295: {  	[tilespmem:s11], [sflag:$0x2] =	stream.indirect_vreg.gather [hbm4b:s5+s2], $0x80, v4, vm0, $0xb8;
	[tilespmem:$0x14400] =	vst v63  }
0x296: {  	s14 =	simm.s32 $0x10400  }
0x297: {  	[tilespmem:s14], [sflag:$0x2] =	stream.indirect_vreg.gather [hbm4b:s6+s2], $0x80, v4, vm1, $0xb8;
	[tilespmem:$0x14400] =	vst v63  }
0x298: {  	s21 =	simm.s32 $0x10800  }
0x299: {  	[tilespmem:s21], [sflag:$0x2] =	stream.indirect_vreg.gather [hbm4b:s4+s2], $0x80, v3, vm0, $0xb8;
	[tilespmem:$0x14400] =	vst v63  }
0x29a: {  	s22 =	simm.s32 $0x11000  }
0x29b: {  	[tilespmem:s22], [sflag:$0x2] =	stream.indirect_vreg.gather [hbm4b:s5+s2], $0x80, v3, vm0, $0xb8;
	[tilespmem:$0x14400] =	vst v63  }
0x29c: {  	_ = 	snop  }
0x29d: {  	[tilespmem:s15], [sflag:$0x2] =	stream.indirect_vreg.gather [hbm4b:s6+s2], $0x80, v3, vm1, $0xb8;
	[tilespmem:$0x14400] =	vst v63  }
0x29e: {  	v3 =	vld [tilespmem:$0x1F0];
	_ =	sdelay $0x4  }
0x29f: {  	v31 =	vshrl.u32 v3, $0x3  }
0x2a0: {  	v4 =	vmul.u32 $0x28, v31  }
0x2a1: {  	v3 =	vand.u32 $0x7, v3  }
0x2a2: {  	v3 =	vor.u32 v3, v4  }
0x2a3: {  	v4 =	vperm.xlane v3, v0;
	_ =	sdelay $0x1  }
0x2a4: {  	v4 =	vadd.s32 v1, v4;
	_ =	sdelay $0x3  }
0x2a5: {  	v3 =	vperm.xlane v3, v2  }
0x2a6: {  	[tilespmem:s16], [sflag:$0x2] =	stream.indirect_vreg.gather [hbm4b:s4+s2], $0x80, v4, vm0, $0xb8;
	[tilespmem:$0x14400] =	vst v63  }
0x2a7: {  	s15 =	simm.s32 $0x12400;
	v3 =	vadd.s32 v1, v3  }
0x2a8: {  	[tilespmem:s15], [sflag:$0x2] =	stream.indirect_vreg.gather [hbm4b:s5+s2], $0x80, v4, vm0, $0xb8;
	[tilespmem:$0x14400] =	vst v63  }
0x2a9: {  	s16 =	simm.s32 $0x12C00  }
0x2aa: {  	[tilespmem:s16], [sflag:$0x2] =	stream.indirect_vreg.gather [hbm4b:s6+s2], $0x80, v4, vm1, $0xb8;
	[tilespmem:$0x14400] =	vst v63  }
0x2ab: {  	s23 =	simm.s32 $0x13000  }
0x2ac: {  	[tilespmem:s23], [sflag:$0x2] =	stream.indirect_vreg.gather [hbm4b:s4+s2], $0x80, v3, vm0, $0xb8;
	[tilespmem:$0x14400] =	vst v63  }
0x2ad: {  	_ = 	snop  }
0x2ae: {  	[tilespmem:s25], [sflag:$0x2] =	stream.indirect_vreg.gather [hbm4b:s5+s2], $0x80, v3, vm0, $0xb8;
	[tilespmem:$0x14400] =	vst v63  }
0x2af: {  	_ = 	snop  }
0x2b0: {  	[tilespmem:s10], [sflag:$0x2] =	stream.indirect_vreg.gather [hbm4b:s6+s2], $0x80, v3, vm1, $0xb8;
	[tilespmem:$0x14400] =	vst v63  }
0x2b1: {  	s13 =	rddreg [dreg:$0x8];
	s25 =	simm.s32 $0x400  }
0x2b2: {  	[hbm4b:s13+s2] =	stream.linear.scatter [tilespmem:s25], [sflag:$0x3], $0xA000, $0x38;
	[tilespmem:$0x14400] =	vst v63  }
0x2b3: {  	_ =	swait.ge [sflag:s8], $0xA000  }
0x2b4: {  	[sflag:s8] =	ssyncset.done $0x0  }
0x2b5: {  	[sflag:s8] =	ssyncadd.s32 $0xFFFF6000  }
0x2b6: {  	_ =	swait.ge [sflag:s12], $0xA000  }
0x2b7: {  	[sflag:s12] =	ssyncset.done $0x0  }
0x2b8: {  	[sflag:s12] =	ssyncadd.s32 $0xFFFF6000  }
0x2b9: {  	v3 =	vld [tilespmem:$0x200];
	_ =	sdelay $0x4  }
0x2ba: {  	v32 =	vshrl.u32 v3, $0x3  }
0x2bb: {  	v4 =	vmul.u32 $0x28, v32  }
0x2bc: {  	v3 =	vand.u32 $0x7, v3  }
0x2bd: {  	v3 =	vor.u32 v3, v4  }
0x2be: {  	v4 =	vperm.xlane v3, v0;
	_ =	sdelay $0x1  }
0x2bf: {  	v4 =	vadd.s32 v1, v4;
	_ =	sdelay $0x3  }
0x2c0: {  	v3 =	vperm.xlane v3, v2  }
0x2c1: {  	[tilespmem:s25], [sflag:$0x1] =	stream.indirect_vreg.gather [hbm4b:s4+s2], $0x80, v4, vm0, $0xb8;
	[tilespmem:$0x14400] =	vst v63  }
0x2c2: {  	s13 =	simm.s32 $0xC00;
	v3 =	vadd.s32 v1, v3  }
0x2c3: {  	[tilespmem:s13], [sflag:$0x1] =	stream.indirect_vreg.gather [hbm4b:s5+s2], $0x80, v4, vm0, $0xb8;
	[tilespmem:$0x14400] =	vst v63  }
0x2c4: {  	s25 =	simm.s32 $0x1400  }
0x2c5: {  	[tilespmem:s25], [sflag:$0x1] =	stream.indirect_vreg.gather [hbm4b:s6+s2], $0x80, v4, vm1, $0xb8;
	[tilespmem:$0x14400] =	vst v63  }
0x2c6: {  	s13 =	simm.s32 $0x1800  }
0x2c7: {  	[tilespmem:s13], [sflag:$0x1] =	stream.indirect_vreg.gather [hbm4b:s4+s2], $0x80, v3, vm0, $0xb8;
	[tilespmem:$0x14400] =	vst v63  }
0x2c8: {  	s25 =	simm.s32 $0x2000  }
0x2c9: {  	[tilespmem:s25], [sflag:$0x1] =	stream.indirect_vreg.gather [hbm4b:s5+s2], $0x80, v3, vm0, $0xb8;
	[tilespmem:$0x14400] =	vst v63  }
0x2ca: {  	s13 =	simm.s32 $0x2800  }
0x2cb: {  	[tilespmem:s13], [sflag:$0x1] =	stream.indirect_vreg.gather [hbm4b:s6+s2], $0x80, v3, vm1, $0xb8;
	[tilespmem:$0x14400] =	vst v63  }
0x2cc: {  	v3 =	vld [tilespmem:$0x210];
	_ =	sdelay $0x4  }
0x2cd: {  	v33 =	vshrl.u32 v3, $0x3  }
0x2ce: {  	v4 =	vmul.u32 $0x28, v33  }
0x2cf: {  	v3 =	vand.u32 $0x7, v3  }
0x2d0: {  	v3 =	vor.u32 v3, v4  }
0x2d1: {  	v4 =	vperm.xlane v3, v0;
	_ =	sdelay $0x1  }
0x2d2: {  	v4 =	vadd.s32 v1, v4;
	_ =	sdelay $0x3  }
0x2d3: {  	s25 =	simm.s32 $0x2C00;
	v3 =	vperm.xlane v3, v2  }
0x2d4: {  	[tilespmem:s25], [sflag:$0x1] =	stream.indirect_vreg.gather [hbm4b:s4+s2], $0x80, v4, vm0, $0xb8;
	[tilespmem:$0x14400] =	vst v63  }
0x2d5: {  	s13 =	simm.s32 $0x3400;
	v3 =	vadd.s32 v1, v3  }
0x2d6: {  	[tilespmem:s13], [sflag:$0x1] =	stream.indirect_vreg.gather [hbm4b:s5+s2], $0x80, v4, vm0, $0xb8;
	[tilespmem:$0x14400] =	vst v63  }
0x2d7: {  	s25 =	simm.s32 $0x3C00  }
0x2d8: {  	[tilespmem:s25], [sflag:$0x1] =	stream.indirect_vreg.gather [hbm4b:s6+s2], $0x80, v4, vm1, $0xb8;
	[tilespmem:$0x14400] =	vst v63  }
0x2d9: {  	s13 =	simm.s32 $0x4000  }
0x2da: {  	[tilespmem:s13], [sflag:$0x1] =	stream.indirect_vreg.gather [hbm4b:s4+s2], $0x80, v3, vm0, $0xb8;
	[tilespmem:$0x14400] =	vst v63  }
0x2db: {  	s25 =	simm.s32 $0x4800  }
0x2dc: {  	[tilespmem:s25], [sflag:$0x1] =	stream.indirect_vreg.gather [hbm4b:s5+s2], $0x80, v3, vm0, $0xb8;
	[tilespmem:$0x14400] =	vst v63  }
0x2dd: {  	s13 =	simm.s32 $0x5000  }
0x2de: {  	[tilespmem:s13], [sflag:$0x1] =	stream.indirect_vreg.gather [hbm4b:s6+s2], $0x80, v3, vm1, $0xb8;
	[tilespmem:$0x14400] =	vst v63  }
0x2df: {  	v3 =	vld [tilespmem:$0x220];
	_ =	sdelay $0x4  }
0x2e0: {  	v34 =	vshrl.u32 v3, $0x3  }
0x2e1: {  	v4 =	vmul.u32 $0x28, v34  }
0x2e2: {  	v3 =	vand.u32 $0x7, v3  }
0x2e3: {  	v3 =	vor.u32 v3, v4  }
0x2e4: {  	v4 =	vperm.xlane v3, v0;
	_ =	sdelay $0x1  }
0x2e5: {  	v4 =	vadd.s32 v1, v4;
	_ =	sdelay $0x3  }
0x2e6: {  	s25 =	simm.s32 $0x5400;
	v3 =	vperm.xlane v3, v2  }
0x2e7: {  	[tilespmem:s25], [sflag:$0x1] =	stream.indirect_vreg.gather [hbm4b:s4+s2], $0x80, v4, vm0, $0xb8;
	[tilespmem:$0x14400] =	vst v63  }
0x2e8: {  	v3 =	vadd.s32 v1, v3  }
0x2e9: {  	[tilespmem:s24], [sflag:$0x1] =	stream.indirect_vreg.gather [hbm4b:s5+s2], $0x80, v4, vm0, $0xb8;
	[tilespmem:$0x14400] =	vst v63  }
0x2ea: {  	_ = 	snop  }
0x2eb: {  	[tilespmem:s30], [sflag:$0x1] =	stream.indirect_vreg.gather [hbm4b:s6+s2], $0x80, v4, vm1, $0xb8;
	[tilespmem:$0x14400] =	vst v63  }
0x2ec: {  	s13 =	simm.s32 $0x6800  }
0x2ed: {  	[tilespmem:s13], [sflag:$0x1] =	stream.indirect_vreg.gather [hbm4b:s4+s2], $0x80, v3, vm0, $0xb8;
	[tilespmem:$0x14400] =	vst v63  }
0x2ee: {  	s24 =	simm.s32 $0x7000  }
0x2ef: {  	[tilespmem:s24], [sflag:$0x1] =	stream.indirect_vreg.gather [hbm4b:s5+s2], $0x80, v3, vm0, $0xb8;
	[tilespmem:$0x14400] =	vst v63  }
0x2f0: {  	s25 =	simm.s32 $0x7800  }
0x2f1: {  	[tilespmem:s25], [sflag:$0x1] =	stream.indirect_vreg.gather [hbm4b:s6+s2], $0x80, v3, vm1, $0xb8;
	[tilespmem:$0x14400] =	vst v63  }
0x2f2: {  	v3 =	vld [tilespmem:$0x230];
	_ =	sdelay $0x4  }
0x2f3: {  	v35 =	vshrl.u32 v3, $0x3  }
0x2f4: {  	v4 =	vmul.u32 $0x28, v35  }
0x2f5: {  	v3 =	vand.u32 $0x7, v3  }
0x2f6: {  	v3 =	vor.u32 v3, v4  }
0x2f7: {  	v4 =	vperm.xlane v3, v0;
	_ =	sdelay $0x1  }
0x2f8: {  	v4 =	vadd.s32 v1, v4;
	_ =	sdelay $0x3  }
0x2f9: {  	s24 =	simm.s32 $0x7C00;
	v3 =	vperm.xlane v3, v2  }
0x2fa: {  	[tilespmem:s24], [sflag:$0x1] =	stream.indirect_vreg.gather [hbm4b:s4+s2], $0x80, v4, vm0, $0xb8;
	[tilespmem:$0x14400] =	vst v63  }
0x2fb: {  	v3 =	vadd.s32 v1, v3  }
0x2fc: {  	[tilespmem:s26], [sflag:$0x1] =	stream.indirect_vreg.gather [hbm4b:s5+s2], $0x80, v4, vm0, $0xb8;
	[tilespmem:$0x14400] =	vst v63  }
0x2fd: {  	_ = 	snop  }
0x2fe: {  	[tilespmem:s28], [sflag:$0x1] =	stream.indirect_vreg.gather [hbm4b:s6+s2], $0x80, v4, vm1, $0xb8;
	[tilespmem:$0x14400] =	vst v63  }
0x2ff: {  	_ = 	snop  }
0x300: {  	[tilespmem:s31], [sflag:$0x1] =	stream.indirect_vreg.gather [hbm4b:s4+s2], $0x80, v3, vm0, $0xb8;
	[tilespmem:$0x14400] =	vst v63  }
0x301: {  	s30 =	simm.s32 $0x9800  }
0x302: {  	[tilespmem:s30], [sflag:$0x1] =	stream.indirect_vreg.gather [hbm4b:s5+s2], $0x80, v3, vm0, $0xb8;
	[tilespmem:$0x14400] =	vst v63  }
0x303: {  	_ = 	snop  }
0x304: {  	[tilespmem:s0], [sflag:$0x1] =	stream.indirect_vreg.gather [hbm4b:s6+s2], $0x80, v3, vm1, $0xb8;
	[tilespmem:$0x14400] =	vst v63  }
0x305: {  	s10 =	simm.s32 $0xA400;
	s31 =	rddreg [dreg:$0x9]  }
0x306: {  	[hbm4b:s31+s2] =	stream.linear.scatter [tilespmem:s10], [sflag:$0x3], $0xA000, $0x38;
	[tilespmem:$0x14400] =	vst v63  }
0x307: {  	_ =	swait.ge [sflag:s8], $0xA000  }
0x308: {  	[sflag:s8] =	ssyncset.done $0x0  }
0x309: {  	[sflag:s8] =	ssyncadd.s32 $0xFFFF6000  }
0x30a: {  	_ =	swait.ge [sflag:s3], $0xA000  }
0x30b: {  	[sflag:s3] =	ssyncset.done $0x0  }
0x30c: {  	[sflag:s3] =	ssyncadd.s32 $0xFFFF6000  }
0x30d: {  	v3 =	vld [tilespmem:$0x240];
	_ =	sdelay $0x4  }
0x30e: {  	v36 =	vshrl.u32 v3, $0x3  }
0x30f: {  	v4 =	vmul.u32 $0x28, v36  }
0x310: {  	v3 =	vand.u32 $0x7, v3  }
0x311: {  	v3 =	vor.u32 v3, v4  }
0x312: {  	v4 =	vperm.xlane v3, v0;
	_ =	sdelay $0x1  }
0x313: {  	v4 =	vadd.s32 v1, v4;
	_ =	sdelay $0x3  }
0x314: {  	v3 =	vperm.xlane v3, v2  }
0x315: {  	[tilespmem:s10], [sflag:$0x2] =	stream.indirect_vreg.gather [hbm4b:s4+s2], $0x80, v4, vm0, $0xb8;
	[tilespmem:$0x14400] =	vst v63  }
0x316: {  	v3 =	vadd.s32 v1, v3  }
0x317: {  	[tilespmem:s29], [sflag:$0x2] =	stream.indirect_vreg.gather [hbm4b:s5+s2], $0x80, v4, vm0, $0xb8;
	[tilespmem:$0x14400] =	vst v63  }
0x318: {  	_ = 	snop  }
0x319: {  	[tilespmem:s9], [sflag:$0x2] =	stream.indirect_vreg.gather [hbm4b:s6+s2], $0x80, v4, vm1, $0xb8;
	[tilespmem:$0x14400] =	vst v63  }
0x31a: {  	_ = 	snop  }
0x31b: {  	[tilespmem:s17], [sflag:$0x2] =	stream.indirect_vreg.gather [hbm4b:s4+s2], $0x80, v3, vm0, $0xb8;
	[tilespmem:$0x14400] =	vst v63  }
0x31c: {  	_ = 	snop  }
0x31d: {  	[tilespmem:s18], [sflag:$0x2] =	stream.indirect_vreg.gather [hbm4b:s5+s2], $0x80, v3, vm0, $0xb8;
	[tilespmem:$0x14400] =	vst v63  }
0x31e: {  	s10 =	simm.s32 $0xC800  }
0x31f: {  	[tilespmem:s10], [sflag:$0x2] =	stream.indirect_vreg.gather [hbm4b:s6+s2], $0x80, v3, vm1, $0xb8;
	[tilespmem:$0x14400] =	vst v63  }
0x320: {  	v3 =	vld [tilespmem:$0x250];
	_ =	sdelay $0x4  }
0x321: {  	v37 =	vshrl.u32 v3, $0x3  }
0x322: {  	v4 =	vmul.u32 $0x28, v37  }
0x323: {  	v3 =	vand.u32 $0x7, v3  }
0x324: {  	v3 =	vor.u32 v3, v4  }
0x325: {  	v4 =	vperm.xlane v3, v0;
	_ =	sdelay $0x1  }
0x326: {  	v4 =	vadd.s32 v1, v4;
	_ =	sdelay $0x3  }
0x327: {  	s18 =	simm.s32 $0xCC00;
	v3 =	vperm.xlane v3, v2  }
0x328: {  	[tilespmem:s18], [sflag:$0x2] =	stream.indirect_vreg.gather [hbm4b:s4+s2], $0x80, v4, vm0, $0xb8;
	[tilespmem:$0x14400] =	vst v63  }
0x329: {  	v3 =	vadd.s32 v1, v3  }
0x32a: {  	[tilespmem:s1], [sflag:$0x2] =	stream.indirect_vreg.gather [hbm4b:s5+s2], $0x80, v4, vm0, $0xb8;
	[tilespmem:$0x14400] =	vst v63  }
0x32b: {  	_ = 	snop  }
0x32c: {  	[tilespmem:s7], [sflag:$0x2] =	stream.indirect_vreg.gather [hbm4b:s6+s2], $0x80, v4, vm1, $0xb8;
	[tilespmem:$0x14400] =	vst v63  }
0x32d: {  	_ = 	snop  }
0x32e: {  	[tilespmem:s19], [sflag:$0x2] =	stream.indirect_vreg.gather [hbm4b:s4+s2], $0x80, v3, vm0, $0xb8;
	[tilespmem:$0x14400] =	vst v63  }
0x32f: {  	_ = 	snop  }
0x330: {  	[tilespmem:s20], [sflag:$0x2] =	stream.indirect_vreg.gather [hbm4b:s5+s2], $0x80, v3, vm0, $0xb8;
	[tilespmem:$0x14400] =	vst v63  }
0x331: {  	s7 =	simm.s32 $0xF000  }
0x332: {  	[tilespmem:s7], [sflag:$0x2] =	stream.indirect_vreg.gather [hbm4b:s6+s2], $0x80, v3, vm1, $0xb8;
	[tilespmem:$0x14400] =	vst v63  }
0x333: {  	v3 =	vld [tilespmem:$0x260];
	_ =	sdelay $0x4  }
0x334: {  	v38 =	vshrl.u32 v3, $0x3  }
0x335: {  	v4 =	vmul.u32 $0x28, v38  }
0x336: {  	v3 =	vand.u32 $0x7, v3  }
0x337: {  	v3 =	vor.u32 v3, v4  }
0x338: {  	v4 =	vperm.xlane v3, v0;
	_ =	sdelay $0x1  }
0x339: {  	v4 =	vadd.s32 v1, v4;
	_ =	sdelay $0x3  }
0x33a: {  	s17 =	simm.s32 $0xF400;
	v3 =	vperm.xlane v3, v2  }
0x33b: {  	[tilespmem:s17], [sflag:$0x2] =	stream.indirect_vreg.gather [hbm4b:s4+s2], $0x80, v4, vm0, $0xb8;
	[tilespmem:$0x14400] =	vst v63  }
0x33c: {  	v3 =	vadd.s32 v1, v3  }
0x33d: {  	[tilespmem:s11], [sflag:$0x2] =	stream.indirect_vreg.gather [hbm4b:s5+s2], $0x80, v4, vm0, $0xb8;
	[tilespmem:$0x14400] =	vst v63  }
0x33e: {  	_ = 	snop  }
0x33f: {  	[tilespmem:s14], [sflag:$0x2] =	stream.indirect_vreg.gather [hbm4b:s6+s2], $0x80, v4, vm1, $0xb8;
	[tilespmem:$0x14400] =	vst v63  }
0x340: {  	_ = 	snop  }
0x341: {  	[tilespmem:s21], [sflag:$0x2] =	stream.indirect_vreg.gather [hbm4b:s4+s2], $0x80, v3, vm0, $0xb8;
	[tilespmem:$0x14400] =	vst v63  }
0x342: {  	_ = 	snop  }
0x343: {  	[tilespmem:s22], [sflag:$0x2] =	stream.indirect_vreg.gather [hbm4b:s5+s2], $0x80, v3, vm0, $0xb8;
	[tilespmem:$0x14400] =	vst v63  }
0x344: {  	s9 =	simm.s32 $0x11800  }
0x345: {  	[tilespmem:s9], [sflag:$0x2] =	stream.indirect_vreg.gather [hbm4b:s6+s2], $0x80, v3, vm1, $0xb8;
	[tilespmem:$0x14400] =	vst v63  }
0x346: {  	v3 =	vld [tilespmem:$0x270];
	_ =	sdelay $0x4  }
0x347: {  	v39 =	vshrl.u32 v3, $0x3  }
0x348: {  	v4 =	vmul.u32 $0x28, v39  }
0x349: {  	v3 =	vand.u32 $0x7, v3  }
0x34a: {  	v3 =	vor.u32 v3, v4  }
0x34b: {  	v4 =	vperm.xlane v3, v0;
	_ =	sdelay $0x1  }
0x34c: {  	v4 =	vadd.s32 v1, v4;
	_ =	sdelay $0x3  }
0x34d: {  	s14 =	simm.s32 $0x11C00;
	v3 =	vperm.xlane v3, v2  }
0x34e: {  	[tilespmem:s14], [sflag:$0x2] =	stream.indirect_vreg.gather [hbm4b:s4+s2], $0x80, v4, vm0, $0xb8;
	[tilespmem:$0x14400] =	vst v63  }
0x34f: {  	v3 =	vadd.s32 v1, v3  }
0x350: {  	[tilespmem:s15], [sflag:$0x2] =	stream.indirect_vreg.gather [hbm4b:s5+s2], $0x80, v4, vm0, $0xb8;
	[tilespmem:$0x14400] =	vst v63  }
0x351: {  	_ = 	snop  }
0x352: {  	[tilespmem:s16], [sflag:$0x2] =	stream.indirect_vreg.gather [hbm4b:s6+s2], $0x80, v4, vm1, $0xb8;
	[tilespmem:$0x14400] =	vst v63  }
0x353: {  	_ = 	snop  }
0x354: {  	[tilespmem:s23], [sflag:$0x2] =	stream.indirect_vreg.gather [hbm4b:s4+s2], $0x80, v3, vm0, $0xb8;
	[tilespmem:$0x14400] =	vst v63  }
0x355: {  	s1 =	simm.s32 $0x13800  }
0x356: {  	[tilespmem:s1], [sflag:$0x2] =	stream.indirect_vreg.gather [hbm4b:s5+s2], $0x80, v3, vm0, $0xb8;
	[tilespmem:$0x14400] =	vst v63  }
0x357: {  	s11 =	simm.s32 $0x14000  }
0x358: {  	[tilespmem:s11], [sflag:$0x2] =	stream.indirect_vreg.gather [hbm4b:s6+s2], $0x80, v3, vm1, $0xb8;
	[tilespmem:$0x14400] =	vst v63  }
0x359: {  	s25 =	simm.s32 $0x400;
	s23 =	rddreg [dreg:$0xa]  }
0x35a: {  	[hbm4b:s23+s2] =	stream.linear.scatter [tilespmem:s25], [sflag:$0x3], $0xA000, $0x38;
	[tilespmem:$0x14400] =	vst v63  }
0x35b: {  	_ =	swait.ge [sflag:s8], $0xA000  }
0x35c: {  	[sflag:s8] =	ssyncset.done $0x0  }
0x35d: {  	[sflag:s8] =	ssyncadd.s32 $0xFFFF6000  }
0x35e: {  	_ =	swait.ge [sflag:s12], $0xA000  }
0x35f: {  	[sflag:s12] =	ssyncset.done $0x0  }
0x360: {  	[sflag:s12] =	ssyncadd.s32 $0xFFFF6000  }
0x361: {  	v3 =	vld [tilespmem:$0x280];
	_ =	sdelay $0x4  }
0x362: {  	v40 =	vshrl.u32 v3, $0x3  }
0x363: {  	v4 =	vmul.u32 $0x28, v40  }
0x364: {  	v3 =	vand.u32 $0x7, v3  }
0x365: {  	v3 =	vor.u32 v3, v4  }
0x366: {  	v4 =	vperm.xlane v3, v0;
	_ =	sdelay $0x1  }
0x367: {  	v4 =	vadd.s32 v1, v4;
	_ =	sdelay $0x3  }
0x368: {  	v3 =	vperm.xlane v3, v2  }
0x369: {  	[tilespmem:s25], [sflag:$0x1] =	stream.indirect_vreg.gather [hbm4b:s4+s2], $0x80, v4, vm0, $0xb8;
	[tilespmem:$0x14400] =	vst v63  }
0x36a: {  	s15 =	simm.s32 $0xC00;
	v3 =	vadd.s32 v1, v3  }
0x36b: {  	[tilespmem:s15], [sflag:$0x1] =	stream.indirect_vreg.gather [hbm4b:s5+s2], $0x80, v4, vm0, $0xb8;
	[tilespmem:$0x14400] =	vst v63  }
0x36c: {  	s16 =	simm.s32 $0x1400  }
0x36d: {  	[tilespmem:s16], [sflag:$0x1] =	stream.indirect_vreg.gather [hbm4b:s6+s2], $0x80, v4, vm1, $0xb8;
	[tilespmem:$0x14400] =	vst v63  }
0x36e: {  	s19 =	simm.s32 $0x1800  }
0x36f: {  	[tilespmem:s19], [sflag:$0x1] =	stream.indirect_vreg.gather [hbm4b:s4+s2], $0x80, v3, vm0, $0xb8;
	[tilespmem:$0x14400] =	vst v63  }
0x370: {  	s20 =	simm.s32 $0x2000  }
0x371: {  	[tilespmem:s20], [sflag:$0x1] =	stream.indirect_vreg.gather [hbm4b:s5+s2], $0x80, v3, vm0, $0xb8;
	[tilespmem:$0x14400] =	vst v63  }
0x372: {  	s28 =	simm.s32 $0x2800  }
0x373: {  	[tilespmem:s28], [sflag:$0x1] =	stream.indirect_vreg.gather [hbm4b:s6+s2], $0x80, v3, vm1, $0xb8;
	[tilespmem:$0x14400] =	vst v63  }
0x374: {  	v3 =	vld [tilespmem:$0x290];
	_ =	sdelay $0x4  }
0x375: {  	v41 =	vshrl.u32 v3, $0x3  }
0x376: {  	v4 =	vmul.u32 $0x28, v41  }
0x377: {  	v3 =	vand.u32 $0x7, v3  }
0x378: {  	v3 =	vor.u32 v3, v4  }
0x379: {  	v4 =	vperm.xlane v3, v0;
	_ =	sdelay $0x1  }
0x37a: {  	v4 =	vadd.s32 v1, v4;
	_ =	sdelay $0x3  }
0x37b: {  	s29 =	simm.s32 $0x2C00;
	v3 =	vperm.xlane v3, v2  }
0x37c: {  	[tilespmem:s29], [sflag:$0x1] =	stream.indirect_vreg.gather [hbm4b:s4+s2], $0x80, v4, vm0, $0xb8;
	[tilespmem:$0x14400] =	vst v63  }
0x37d: {  	s21 =	simm.s32 $0x3400;
	v3 =	vadd.s32 v1, v3  }
0x37e: {  	[tilespmem:s21], [sflag:$0x1] =	stream.indirect_vreg.gather [hbm4b:s5+s2], $0x80, v4, vm0, $0xb8;
	[tilespmem:$0x14400] =	vst v63  }
0x37f: {  	s22 =	simm.s32 $0x3C00  }
0x380: {  	[tilespmem:s22], [sflag:$0x1] =	stream.indirect_vreg.gather [hbm4b:s6+s2], $0x80, v4, vm1, $0xb8;
	[tilespmem:$0x14400] =	vst v63  }
0x381: {  	s23 =	simm.s32 $0x4000  }
0x382: {  	[tilespmem:s23], [sflag:$0x1] =	stream.indirect_vreg.gather [hbm4b:s4+s2], $0x80, v3, vm0, $0xb8;
	[tilespmem:$0x14400] =	vst v63  }
0x383: {  	s25 =	simm.s32 $0x4800  }
0x384: {  	[tilespmem:s25], [sflag:$0x1] =	stream.indirect_vreg.gather [hbm4b:s5+s2], $0x80, v3, vm0, $0xb8;
	[tilespmem:$0x14400] =	vst v63  }
0x385: {  	s30 =	simm.s32 $0x5000  }
0x386: {  	[tilespmem:s30], [sflag:$0x1] =	stream.indirect_vreg.gather [hbm4b:s6+s2], $0x80, v3, vm1, $0xb8;
	[tilespmem:$0x14400] =	vst v63  }
0x387: {  	v3 =	vld [tilespmem:$0x2A0];
	_ =	sdelay $0x4  }
0x388: {  	v42 =	vshrl.u32 v3, $0x3  }
0x389: {  	v4 =	vmul.u32 $0x28, v42  }
0x38a: {  	v3 =	vand.u32 $0x7, v3  }
0x38b: {  	v3 =	vor.u32 v3, v4  }
0x38c: {  	v4 =	vperm.xlane v3, v0;
	_ =	sdelay $0x1  }
0x38d: {  	v4 =	vadd.s32 v1, v4;
	_ =	sdelay $0x3  }
0x38e: {  	s26 =	simm.s32 $0x5400;
	v3 =	vperm.xlane v3, v2  }
0x38f: {  	[tilespmem:s26], [sflag:$0x1] =	stream.indirect_vreg.gather [hbm4b:s4+s2], $0x80, v4, vm0, $0xb8;
	[tilespmem:$0x14400] =	vst v63  }
0x390: {  	s31 =	simm.s32 $0x5C00;
	v3 =	vadd.s32 v1, v3  }
0x391: {  	[tilespmem:s31], [sflag:$0x1] =	stream.indirect_vreg.gather [hbm4b:s5+s2], $0x80, v4, vm0, $0xb8;
	[tilespmem:$0x14400] =	vst v63  }
0x392: {  	s26 =	simm.s32 $0x6400  }
0x393: {  	[tilespmem:s26], [sflag:$0x1] =	stream.indirect_vreg.gather [hbm4b:s6+s2], $0x80, v4, vm1, $0xb8;
	[tilespmem:$0x14400] =	vst v63  }
0x394: {  	s31 =	simm.s32 $0x6800  }
0x395: {  	[tilespmem:s31], [sflag:$0x1] =	stream.indirect_vreg.gather [hbm4b:s4+s2], $0x80, v3, vm0, $0xb8;
	[tilespmem:$0x14400] =	vst v63  }
0x396: {  	s26 =	simm.s32 $0x7000  }
0x397: {  	[tilespmem:s26], [sflag:$0x1] =	stream.indirect_vreg.gather [hbm4b:s5+s2], $0x80, v3, vm0, $0xb8;
	[tilespmem:$0x14400] =	vst v63  }
0x398: {  	s31 =	simm.s32 $0x7800  }
0x399: {  	[tilespmem:s31], [sflag:$0x1] =	stream.indirect_vreg.gather [hbm4b:s6+s2], $0x80, v3, vm1, $0xb8;
	[tilespmem:$0x14400] =	vst v63  }
0x39a: {  	v3 =	vld [tilespmem:$0x2B0];
	_ =	sdelay $0x4  }
0x39b: {  	v43 =	vshrl.u32 v3, $0x3  }
0x39c: {  	v4 =	vmul.u32 $0x28, v43  }
0x39d: {  	v3 =	vand.u32 $0x7, v3  }
0x39e: {  	v3 =	vor.u32 v3, v4  }
0x39f: {  	v4 =	vperm.xlane v3, v0;
	_ =	sdelay $0x1  }
0x3a0: {  	v4 =	vadd.s32 v1, v4;
	_ =	sdelay $0x3  }
0x3a1: {  	v3 =	vperm.xlane v3, v2  }
0x3a2: {  	[tilespmem:s24], [sflag:$0x1] =	stream.indirect_vreg.gather [hbm4b:s4+s2], $0x80, v4, vm0, $0xb8;
	[tilespmem:$0x14400] =	vst v63  }
0x3a3: {  	v3 =	vadd.s32 v1, v3;
	s24 =	simm.s32 $0x8400  }
0x3a4: {  	[tilespmem:s24], [sflag:$0x1] =	stream.indirect_vreg.gather [hbm4b:s5+s2], $0x80, v4, vm0, $0xb8;
	[tilespmem:$0x14400] =	vst v63  }
0x3a5: {  	s24 =	simm.s32 $0x8C00  }
0x3a6: {  	[tilespmem:s24], [sflag:$0x1] =	stream.indirect_vreg.gather [hbm4b:s6+s2], $0x80, v4, vm1, $0xb8;
	[tilespmem:$0x14400] =	vst v63  }
0x3a7: {  	s24 =	simm.s32 $0x9000  }
0x3a8: {  	[tilespmem:s24], [sflag:$0x1] =	stream.indirect_vreg.gather [hbm4b:s4+s2], $0x80, v3, vm0, $0xb8;
	[tilespmem:$0x14400] =	vst v63  }
0x3a9: {  	s24 =	simm.s32 $0x9800  }
0x3aa: {  	[tilespmem:s24], [sflag:$0x1] =	stream.indirect_vreg.gather [hbm4b:s5+s2], $0x80, v3, vm0, $0xb8;
	[tilespmem:$0x14400] =	vst v63  }
0x3ab: {  	s0 =	simm.s32 $0xA000  }
0x3ac: {  	[tilespmem:s0], [sflag:$0x1] =	stream.indirect_vreg.gather [hbm4b:s6+s2], $0x80, v3, vm1, $0xb8;
	[tilespmem:$0x14400] =	vst v63  }
0x3ad: {  	s13 =	rddreg [dreg:$0xb];
	s0 =	simm.s32 $0xA400  }
0x3ae: {  	[hbm4b:s13+s2] =	stream.linear.scatter [tilespmem:s0], [sflag:$0x3], $0xA000, $0x38;
	[tilespmem:$0x14400] =	vst v63  }
0x3af: {  	_ =	swait.ge [sflag:s8], $0xA000  }
0x3b0: {  	[sflag:s8] =	ssyncset.done $0x0  }
0x3b1: {  	[sflag:s8] =	ssyncadd.s32 $0xFFFF6000  }
0x3b2: {  	_ =	swait.ge [sflag:s3], $0xA000  }
0x3b3: {  	[sflag:s3] =	ssyncset.done $0x0  }
0x3b4: {  	[sflag:s3] =	ssyncadd.s32 $0xFFFF6000  }
0x3b5: {  	v3 =	vld [tilespmem:$0x2C0];
	_ =	sdelay $0x4  }
0x3b6: {  	v44 =	vshrl.u32 v3, $0x3  }
0x3b7: {  	v4 =	vmul.u32 $0x28, v44  }
0x3b8: {  	v3 =	vand.u32 $0x7, v3  }
0x3b9: {  	v3 =	vor.u32 v3, v4  }
0x3ba: {  	v4 =	vperm.xlane v3, v0;
	_ =	sdelay $0x1  }
0x3bb: {  	v4 =	vadd.s32 v1, v4;
	_ =	sdelay $0x3  }
0x3bc: {  	v3 =	vperm.xlane v3, v2  }
0x3bd: {  	[tilespmem:s0], [sflag:$0x2] =	stream.indirect_vreg.gather [hbm4b:s4+s2], $0x80, v4, vm0, $0xb8;
	[tilespmem:$0x14400] =	vst v63  }
0x3be: {  	v3 =	vadd.s32 v1, v3;
	s0 =	simm.s32 $0xAC00  }
0x3bf: {  	[tilespmem:s0], [sflag:$0x2] =	stream.indirect_vreg.gather [hbm4b:s5+s2], $0x80, v4, vm0, $0xb8;
	[tilespmem:$0x14400] =	vst v63  }
0x3c0: {  	s13 =	simm.s32 $0xB400  }
0x3c1: {  	[tilespmem:s13], [sflag:$0x2] =	stream.indirect_vreg.gather [hbm4b:s6+s2], $0x80, v4, vm1, $0xb8;
	[tilespmem:$0x14400] =	vst v63  }
0x3c2: {  	s13 =	simm.s32 $0xB800  }
0x3c3: {  	[tilespmem:s13], [sflag:$0x2] =	stream.indirect_vreg.gather [hbm4b:s4+s2], $0x80, v3, vm0, $0xb8;
	[tilespmem:$0x14400] =	vst v63  }
0x3c4: {  	s13 =	simm.s32 $0xC000  }
0x3c5: {  	[tilespmem:s13], [sflag:$0x2] =	stream.indirect_vreg.gather [hbm4b:s5+s2], $0x80, v3, vm0, $0xb8;
	[tilespmem:$0x14400] =	vst v63  }
0x3c6: {  	_ = 	snop  }
0x3c7: {  	[tilespmem:s10], [sflag:$0x2] =	stream.indirect_vreg.gather [hbm4b:s6+s2], $0x80, v3, vm1, $0xb8;
	[tilespmem:$0x14400] =	vst v63  }
0x3c8: {  	v3 =	vld [tilespmem:$0x2D0];
	_ =	sdelay $0x4  }
0x3c9: {  	v45 =	vshrl.u32 v3, $0x3  }
0x3ca: {  	v4 =	vmul.u32 $0x28, v45  }
0x3cb: {  	v3 =	vand.u32 $0x7, v3  }
0x3cc: {  	v3 =	vor.u32 v3, v4  }
0x3cd: {  	v4 =	vperm.xlane v3, v0;
	_ =	sdelay $0x1  }
0x3ce: {  	v4 =	vadd.s32 v1, v4;
	_ =	sdelay $0x3  }
0x3cf: {  	v3 =	vperm.xlane v3, v2  }
0x3d0: {  	[tilespmem:s18], [sflag:$0x2] =	stream.indirect_vreg.gather [hbm4b:s4+s2], $0x80, v4, vm0, $0xb8;
	[tilespmem:$0x14400] =	vst v63  }
0x3d1: {  	s10 =	simm.s32 $0xD400;
	v3 =	vadd.s32 v1, v3  }
0x3d2: {  	[tilespmem:s10], [sflag:$0x2] =	stream.indirect_vreg.gather [hbm4b:s5+s2], $0x80, v4, vm0, $0xb8;
	[tilespmem:$0x14400] =	vst v63  }
0x3d3: {  	s18 =	simm.s32 $0xDC00  }
0x3d4: {  	[tilespmem:s18], [sflag:$0x2] =	stream.indirect_vreg.gather [hbm4b:s6+s2], $0x80, v4, vm1, $0xb8;
	[tilespmem:$0x14400] =	vst v63  }
0x3d5: {  	s13 =	simm.s32 $0xE000  }
0x3d6: {  	[tilespmem:s13], [sflag:$0x2] =	stream.indirect_vreg.gather [hbm4b:s4+s2], $0x80, v3, vm0, $0xb8;
	[tilespmem:$0x14400] =	vst v63  }
0x3d7: {  	s13 =	simm.s32 $0xE800  }
0x3d8: {  	[tilespmem:s13], [sflag:$0x2] =	stream.indirect_vreg.gather [hbm4b:s5+s2], $0x80, v3, vm0, $0xb8;
	[tilespmem:$0x14400] =	vst v63  }
0x3d9: {  	_ = 	snop  }
0x3da: {  	[tilespmem:s7], [sflag:$0x2] =	stream.indirect_vreg.gather [hbm4b:s6+s2], $0x80, v3, vm1, $0xb8;
	[tilespmem:$0x14400] =	vst v63  }
0x3db: {  	v3 =	vld [tilespmem:$0x2E0];
	_ =	sdelay $0x4  }
0x3dc: {  	v46 =	vshrl.u32 v3, $0x3  }
0x3dd: {  	v4 =	vmul.u32 $0x28, v46  }
0x3de: {  	v3 =	vand.u32 $0x7, v3  }
0x3df: {  	v3 =	vor.u32 v3, v4  }
0x3e0: {  	v4 =	vperm.xlane v3, v0;
	_ =	sdelay $0x1  }
0x3e1: {  	v4 =	vadd.s32 v1, v4;
	_ =	sdelay $0x3  }
0x3e2: {  	v3 =	vperm.xlane v3, v2  }
0x3e3: {  	[tilespmem:s17], [sflag:$0x2] =	stream.indirect_vreg.gather [hbm4b:s4+s2], $0x80, v4, vm0, $0xb8;
	[tilespmem:$0x14400] =	vst v63  }
0x3e4: {  	v3 =	vadd.s32 v1, v3;
	s17 =	simm.s32 $0xFC00  }
0x3e5: {  	[tilespmem:s17], [sflag:$0x2] =	stream.indirect_vreg.gather [hbm4b:s5+s2], $0x80, v4, vm0, $0xb8;
	[tilespmem:$0x14400] =	vst v63  }
0x3e6: {  	s17 =	simm.s32 $0x10400  }
0x3e7: {  	[tilespmem:s17], [sflag:$0x2] =	stream.indirect_vreg.gather [hbm4b:s6+s2], $0x80, v4, vm1, $0xb8;
	[tilespmem:$0x14400] =	vst v63  }
0x3e8: {  	s7 =	simm.s32 $0x10800  }
0x3e9: {  	[tilespmem:s7], [sflag:$0x2] =	stream.indirect_vreg.gather [hbm4b:s4+s2], $0x80, v3, vm0, $0xb8;
	[tilespmem:$0x14400] =	vst v63  }
0x3ea: {  	s7 =	simm.s32 $0x11000  }
0x3eb: {  	[tilespmem:s7], [sflag:$0x2] =	stream.indirect_vreg.gather [hbm4b:s5+s2], $0x80, v3, vm0, $0xb8;
	[tilespmem:$0x14400] =	vst v63  }
0x3ec: {  	_ = 	snop  }
0x3ed: {  	[tilespmem:s9], [sflag:$0x2] =	stream.indirect_vreg.gather [hbm4b:s6+s2], $0x80, v3, vm1, $0xb8;
	[tilespmem:$0x14400] =	vst v63  }
0x3ee: {  	v3 =	vld [tilespmem:$0x2F0];
	_ =	sdelay $0x4  }
0x3ef: {  	v47 =	vshrl.u32 v3, $0x3  }
0x3f0: {  	v4 =	vmul.u32 $0x28, v47  }
0x3f1: {  	v3 =	vand.u32 $0x7, v3  }
0x3f2: {  	v3 =	vor.u32 v3, v4  }
0x3f3: {  	v4 =	vperm.xlane v3, v0;
	_ =	sdelay $0x1  }
0x3f4: {  	v4 =	vadd.s32 v1, v4;
	_ =	sdelay $0x3  }
0x3f5: {  	v3 =	vperm.xlane v3, v2  }
0x3f6: {  	[tilespmem:s14], [sflag:$0x2] =	stream.indirect_vreg.gather [hbm4b:s4+s2], $0x80, v4, vm0, $0xb8;
	[tilespmem:$0x14400] =	vst v63  }
0x3f7: {  	v3 =	vadd.s32 v1, v3;
	s14 =	simm.s32 $0x12400  }
0x3f8: {  	[tilespmem:s14], [sflag:$0x2] =	stream.indirect_vreg.gather [hbm4b:s5+s2], $0x80, v4, vm0, $0xb8;
	[tilespmem:$0x14400] =	vst v63  }
0x3f9: {  	s7 =	simm.s32 $0x12C00  }
0x3fa: {  	[tilespmem:s7], [sflag:$0x2] =	stream.indirect_vreg.gather [hbm4b:s6+s2], $0x80, v4, vm1, $0xb8;
	[tilespmem:$0x14400] =	vst v63  }
0x3fb: {  	s13 =	simm.s32 $0x13000  }
0x3fc: {  	[tilespmem:s13], [sflag:$0x2] =	stream.indirect_vreg.gather [hbm4b:s4+s2], $0x80, v3, vm0, $0xb8;
	[tilespmem:$0x14400] =	vst v63  }
0x3fd: {  	_ = 	snop  }
0x3fe: {  	[tilespmem:s1], [sflag:$0x2] =	stream.indirect_vreg.gather [hbm4b:s5+s2], $0x80, v3, vm0, $0xb8;
	[tilespmem:$0x14400] =	vst v63  }
0x3ff: {  	_ = 	snop  }
0x400: {  	[tilespmem:s11], [sflag:$0x2] =	stream.indirect_vreg.gather [hbm4b:s6+s2], $0x80, v3, vm1, $0xb8;
	[tilespmem:$0x14400] =	vst v63  }
0x401: {  	s9 =	simm.s32 $0x400;
	s7 =	rddreg [dreg:$0xc]  }
0x402: {  	[hbm4b:s7+s2] =	stream.linear.scatter [tilespmem:s9], [sflag:$0x3], $0xA000, $0x38;
	[tilespmem:$0x14400] =	vst v63  }
0x403: {  	_ =	swait.ge [sflag:s8], $0xA000  }
0x404: {  	[sflag:s8] =	ssyncset.done $0x0  }
0x405: {  	[sflag:s8] =	ssyncadd.s32 $0xFFFF6000  }
0x406: {  	_ =	swait.ge [sflag:s12], $0xA000  }
0x407: {  	[sflag:s12] =	ssyncset.done $0x0  }
0x408: {  	[sflag:s12] =	ssyncadd.s32 $0xFFFF6000  }
0x409: {  	v3 =	vld [tilespmem:$0x300];
	_ =	sdelay $0x4  }
0x40a: {  	v48 =	vshrl.u32 v3, $0x3  }
0x40b: {  	v4 =	vmul.u32 $0x28, v48  }
0x40c: {  	v3 =	vand.u32 $0x7, v3  }
0x40d: {  	v3 =	vor.u32 v3, v4  }
0x40e: {  	v4 =	vperm.xlane v3, v0;
	_ =	sdelay $0x1  }
0x40f: {  	v4 =	vadd.s32 v1, v4;
	_ =	sdelay $0x3  }
0x410: {  	v3 =	vperm.xlane v3, v2  }
0x411: {  	[tilespmem:s9], [sflag:$0x1] =	stream.indirect_vreg.gather [hbm4b:s4+s2], $0x80, v4, vm0, $0xb8;
	[tilespmem:$0x14400] =	vst v63  }
0x412: {  	v3 =	vadd.s32 v1, v3  }
0x413: {  	[tilespmem:s15], [sflag:$0x1] =	stream.indirect_vreg.gather [hbm4b:s5+s2], $0x80, v4, vm0, $0xb8;
	[tilespmem:$0x14400] =	vst v63  }
0x414: {  	_ = 	snop  }
0x415: {  	[tilespmem:s16], [sflag:$0x1] =	stream.indirect_vreg.gather [hbm4b:s6+s2], $0x80, v4, vm1, $0xb8;
	[tilespmem:$0x14400] =	vst v63  }
0x416: {  	_ = 	snop  }
0x417: {  	[tilespmem:s19], [sflag:$0x1] =	stream.indirect_vreg.gather [hbm4b:s4+s2], $0x80, v3, vm0, $0xb8;
	[tilespmem:$0x14400] =	vst v63  }
0x418: {  	_ = 	snop  }
0x419: {  	[tilespmem:s20], [sflag:$0x1] =	stream.indirect_vreg.gather [hbm4b:s5+s2], $0x80, v3, vm0, $0xb8;
	[tilespmem:$0x14400] =	vst v63  }
0x41a: {  	_ = 	snop  }
0x41b: {  	[tilespmem:s28], [sflag:$0x1] =	stream.indirect_vreg.gather [hbm4b:s6+s2], $0x80, v3, vm1, $0xb8;
	[tilespmem:$0x14400] =	vst v63  }
0x41c: {  	v3 =	vld [tilespmem:$0x310];
	_ =	sdelay $0x4  }
0x41d: {  	v49 =	vshrl.u32 v3, $0x3  }
0x41e: {  	v4 =	vmul.u32 $0x28, v49  }
0x41f: {  	v3 =	vand.u32 $0x7, v3  }
0x420: {  	v3 =	vor.u32 v3, v4  }
0x421: {  	v4 =	vperm.xlane v3, v0;
	_ =	sdelay $0x1  }
0x422: {  	v4 =	vadd.s32 v1, v4;
	_ =	sdelay $0x3  }
0x423: {  	v3 =	vperm.xlane v3, v2  }
0x424: {  	[tilespmem:s29], [sflag:$0x1] =	stream.indirect_vreg.gather [hbm4b:s4+s2], $0x80, v4, vm0, $0xb8;
	[tilespmem:$0x14400] =	vst v63  }
0x425: {  	v3 =	vadd.s32 v1, v3  }
0x426: {  	[tilespmem:s21], [sflag:$0x1] =	stream.indirect_vreg.gather [hbm4b:s5+s2], $0x80, v4, vm0, $0xb8;
	[tilespmem:$0x14400] =	vst v63  }
0x427: {  	_ = 	snop  }
0x428: {  	[tilespmem:s22], [sflag:$0x1] =	stream.indirect_vreg.gather [hbm4b:s6+s2], $0x80, v4, vm1, $0xb8;
	[tilespmem:$0x14400] =	vst v63  }
0x429: {  	_ = 	snop  }
0x42a: {  	[tilespmem:s23], [sflag:$0x1] =	stream.indirect_vreg.gather [hbm4b:s4+s2], $0x80, v3, vm0, $0xb8;
	[tilespmem:$0x14400] =	vst v63  }
0x42b: {  	_ = 	snop  }
0x42c: {  	[tilespmem:s25], [sflag:$0x1] =	stream.indirect_vreg.gather [hbm4b:s5+s2], $0x80, v3, vm0, $0xb8;
	[tilespmem:$0x14400] =	vst v63  }
0x42d: {  	_ = 	snop  }
0x42e: {  	[tilespmem:s30], [sflag:$0x1] =	stream.indirect_vreg.gather [hbm4b:s6+s2], $0x80, v3, vm1, $0xb8;
	[tilespmem:$0x14400] =	vst v63  }
0x42f: {  	v3 =	vld [tilespmem:$0x320];
	_ =	sdelay $0x4  }
0x430: {  	v50 =	vshrl.u32 v3, $0x3  }
0x431: {  	v4 =	vmul.u32 $0x28, v50  }
0x432: {  	v3 =	vand.u32 $0x7, v3  }
0x433: {  	v3 =	vor.u32 v3, v4  }
0x434: {  	v4 =	vperm.xlane v3, v0;
	_ =	sdelay $0x1  }
0x435: {  	v4 =	vadd.s32 v1, v4;
	_ =	sdelay $0x3  }
0x436: {  	s11 =	simm.s32 $0x5400;
	v3 =	vperm.xlane v3, v2  }
0x437: {  	[tilespmem:s11], [sflag:$0x1] =	stream.indirect_vreg.gather [hbm4b:s4+s2], $0x80, v4, vm0, $0xb8;
	[tilespmem:$0x14400] =	vst v63  }
0x438: {  	s13 =	simm.s32 $0x5C00;
	v3 =	vadd.s32 v1, v3  }
0x439: {  	[tilespmem:s13], [sflag:$0x1] =	stream.indirect_vreg.gather [hbm4b:s5+s2], $0x80, v4, vm0, $0xb8;
	[tilespmem:$0x14400] =	vst v63  }
0x43a: {  	s22 =	simm.s32 $0x6400  }
0x43b: {  	[tilespmem:s22], [sflag:$0x1] =	stream.indirect_vreg.gather [hbm4b:s6+s2], $0x80, v4, vm1, $0xb8;
	[tilespmem:$0x14400] =	vst v63  }
0x43c: {  	s25 =	simm.s32 $0x6800  }
0x43d: {  	[tilespmem:s25], [sflag:$0x1] =	stream.indirect_vreg.gather [hbm4b:s4+s2], $0x80, v3, vm0, $0xb8;
	[tilespmem:$0x14400] =	vst v63  }
0x43e: {  	_ = 	snop  }
0x43f: {  	[tilespmem:s26], [sflag:$0x1] =	stream.indirect_vreg.gather [hbm4b:s5+s2], $0x80, v3, vm0, $0xb8;
	[tilespmem:$0x14400] =	vst v63  }
0x440: {  	_ = 	snop  }
0x441: {  	[tilespmem:s31], [sflag:$0x1] =	stream.indirect_vreg.gather [hbm4b:s6+s2], $0x80, v3, vm1, $0xb8;
	[tilespmem:$0x14400] =	vst v63  }
0x442: {  	v3 =	vld [tilespmem:$0x330];
	_ =	sdelay $0x4  }
0x443: {  	v51 =	vshrl.u32 v3, $0x3  }
0x444: {  	v4 =	vmul.u32 $0x28, v51  }
0x445: {  	v3 =	vand.u32 $0x7, v3  }
0x446: {  	v3 =	vor.u32 v3, v4  }
0x447: {  	v4 =	vperm.xlane v3, v0;
	_ =	sdelay $0x1  }
0x448: {  	v4 =	vadd.s32 v1, v4;
	_ =	sdelay $0x3  }
0x449: {  	s30 =	simm.s32 $0x7C00;
	v3 =	vperm.xlane v3, v2  }
0x44a: {  	[tilespmem:s30], [sflag:$0x1] =	stream.indirect_vreg.gather [hbm4b:s4+s2], $0x80, v4, vm0, $0xb8;
	[tilespmem:$0x14400] =	vst v63  }
0x44b: {  	s31 =	simm.s32 $0x8400;
	v3 =	vadd.s32 v1, v3  }
0x44c: {  	[tilespmem:s31], [sflag:$0x1] =	stream.indirect_vreg.gather [hbm4b:s5+s2], $0x80, v4, vm0, $0xb8;
	[tilespmem:$0x14400] =	vst v63  }
0x44d: {  	s1 =	simm.s32 $0x8C00  }
0x44e: {  	[tilespmem:s1], [sflag:$0x1] =	stream.indirect_vreg.gather [hbm4b:s6+s2], $0x80, v4, vm1, $0xb8;
	[tilespmem:$0x14400] =	vst v63  }
0x44f: {  	s7 =	simm.s32 $0x9000  }
0x450: {  	[tilespmem:s7], [sflag:$0x1] =	stream.indirect_vreg.gather [hbm4b:s4+s2], $0x80, v3, vm0, $0xb8;
	[tilespmem:$0x14400] =	vst v63  }
0x451: {  	_ = 	snop  }
0x452: {  	[tilespmem:s24], [sflag:$0x1] =	stream.indirect_vreg.gather [hbm4b:s5+s2], $0x80, v3, vm0, $0xb8;
	[tilespmem:$0x14400] =	vst v63  }
0x453: {  	s26 =	simm.s32 $0xA000  }
0x454: {  	[tilespmem:s26], [sflag:$0x1] =	stream.indirect_vreg.gather [hbm4b:s6+s2], $0x80, v3, vm1, $0xb8;
	[tilespmem:$0x14400] =	vst v63  }
0x455: {  	s11 =	rddreg [dreg:$0xd];
	s30 =	simm.s32 $0xA400  }
0x456: {  	[hbm4b:s11+s2] =	stream.linear.scatter [tilespmem:s30], [sflag:$0x3], $0xA000, $0x38;
	[tilespmem:$0x14400] =	vst v63  }
0x457: {  	_ =	swait.ge [sflag:s8], $0xA000  }
0x458: {  	[sflag:s8] =	ssyncset.done $0x0  }
0x459: {  	[sflag:s8] =	ssyncadd.s32 $0xFFFF6000  }
0x45a: {  	_ =	swait.ge [sflag:s3], $0xA000  }
0x45b: {  	[sflag:s3] =	ssyncset.done $0x0  }
0x45c: {  	[sflag:s3] =	ssyncadd.s32 $0xFFFF6000  }
0x45d: {  	v3 =	vld [tilespmem:$0x340];
	_ =	sdelay $0x4  }
0x45e: {  	v52 =	vshrl.u32 v3, $0x3  }
0x45f: {  	v4 =	vmul.u32 $0x28, v52  }
0x460: {  	v3 =	vand.u32 $0x7, v3  }
0x461: {  	v3 =	vor.u32 v3, v4  }
0x462: {  	v4 =	vperm.xlane v3, v0;
	_ =	sdelay $0x1  }
0x463: {  	v4 =	vadd.s32 v1, v4;
	_ =	sdelay $0x3  }
0x464: {  	v3 =	vperm.xlane v3, v2  }
0x465: {  	[tilespmem:s30], [sflag:$0x2] =	stream.indirect_vreg.gather [hbm4b:s4+s2], $0x80, v4, vm0, $0xb8;
	[tilespmem:$0x14400] =	vst v63  }
0x466: {  	v3 =	vadd.s32 v1, v3  }
0x467: {  	[tilespmem:s0], [sflag:$0x2] =	stream.indirect_vreg.gather [hbm4b:s5+s2], $0x80, v4, vm0, $0xb8;
	[tilespmem:$0x14400] =	vst v63  }
0x468: {  	s31 =	simm.s32 $0xB400  }
0x469: {  	[tilespmem:s31], [sflag:$0x2] =	stream.indirect_vreg.gather [hbm4b:s6+s2], $0x80, v4, vm1, $0xb8;
	[tilespmem:$0x14400] =	vst v63  }
0x46a: {  	s1 =	simm.s32 $0xB800  }
0x46b: {  	[tilespmem:s1], [sflag:$0x2] =	stream.indirect_vreg.gather [hbm4b:s4+s2], $0x80, v3, vm0, $0xb8;
	[tilespmem:$0x14400] =	vst v63  }
0x46c: {  	s7 =	simm.s32 $0xC000  }
0x46d: {  	[tilespmem:s7], [sflag:$0x2] =	stream.indirect_vreg.gather [hbm4b:s5+s2], $0x80, v3, vm0, $0xb8;
	[tilespmem:$0x14400] =	vst v63  }
0x46e: {  	s9 =	simm.s32 $0xC800  }
0x46f: {  	[tilespmem:s9], [sflag:$0x2] =	stream.indirect_vreg.gather [hbm4b:s6+s2], $0x80, v3, vm1, $0xb8;
	[tilespmem:$0x14400] =	vst v63  }
0x470: {  	v3 =	vld [tilespmem:$0x350];
	_ =	sdelay $0x4  }
0x471: {  	v53 =	vshrl.u32 v3, $0x3  }
0x472: {  	v4 =	vmul.u32 $0x28, v53  }
0x473: {  	v3 =	vand.u32 $0x7, v3  }
0x474: {  	v3 =	vor.u32 v3, v4  }
0x475: {  	v4 =	vperm.xlane v3, v0;
	_ =	sdelay $0x1  }
0x476: {  	v4 =	vadd.s32 v1, v4;
	_ =	sdelay $0x3  }
0x477: {  	s13 =	simm.s32 $0xCC00;
	v3 =	vperm.xlane v3, v2  }
0x478: {  	[tilespmem:s13], [sflag:$0x2] =	stream.indirect_vreg.gather [hbm4b:s4+s2], $0x80, v4, vm0, $0xb8;
	[tilespmem:$0x14400] =	vst v63  }
0x479: {  	v3 =	vadd.s32 v1, v3  }
0x47a: {  	[tilespmem:s10], [sflag:$0x2] =	stream.indirect_vreg.gather [hbm4b:s5+s2], $0x80, v4, vm0, $0xb8;
	[tilespmem:$0x14400] =	vst v63  }
0x47b: {  	_ = 	snop  }
0x47c: {  	[tilespmem:s18], [sflag:$0x2] =	stream.indirect_vreg.gather [hbm4b:s6+s2], $0x80, v4, vm1, $0xb8;
	[tilespmem:$0x14400] =	vst v63  }
0x47d: {  	s7 =	simm.s32 $0xE000  }
0x47e: {  	[tilespmem:s7], [sflag:$0x2] =	stream.indirect_vreg.gather [hbm4b:s4+s2], $0x80, v3, vm0, $0xb8;
	[tilespmem:$0x14400] =	vst v63  }
0x47f: {  	s9 =	simm.s32 $0xE800  }
0x480: {  	[tilespmem:s9], [sflag:$0x2] =	stream.indirect_vreg.gather [hbm4b:s5+s2], $0x80, v3, vm0, $0xb8;
	[tilespmem:$0x14400] =	vst v63  }
0x481: {  	s7 =	simm.s32 $0xF000  }
0x482: {  	[tilespmem:s7], [sflag:$0x2] =	stream.indirect_vreg.gather [hbm4b:s6+s2], $0x80, v3, vm1, $0xb8;
	[tilespmem:$0x14400] =	vst v63  }
0x483: {  	v3 =	vld [tilespmem:$0x360];
	_ =	sdelay $0x4  }
0x484: {  	v54 =	vshrl.u32 v3, $0x3  }
0x485: {  	v4 =	vmul.u32 $0x28, v54  }
0x486: {  	v3 =	vand.u32 $0x7, v3  }
0x487: {  	v3 =	vor.u32 v3, v4  }
0x488: {  	v4 =	vperm.xlane v3, v0;
	_ =	sdelay $0x1  }
0x489: {  	v4 =	vadd.s32 v1, v4;
	_ =	sdelay $0x3  }
0x48a: {  	s10 =	simm.s32 $0xF400;
	v3 =	vperm.xlane v3, v2  }
0x48b: {  	[tilespmem:s10], [sflag:$0x2] =	stream.indirect_vreg.gather [hbm4b:s4+s2], $0x80, v4, vm0, $0xb8;
	[tilespmem:$0x14400] =	vst v63  }
0x48c: {  	s13 =	simm.s32 $0xFC00;
	v3 =	vadd.s32 v1, v3  }
0x48d: {  	[tilespmem:s13], [sflag:$0x2] =	stream.indirect_vreg.gather [hbm4b:s5+s2], $0x80, v4, vm0, $0xb8;
	[tilespmem:$0x14400] =	vst v63  }
0x48e: {  	_ = 	snop  }
0x48f: {  	[tilespmem:s17], [sflag:$0x2] =	stream.indirect_vreg.gather [hbm4b:s6+s2], $0x80, v4, vm1, $0xb8;
	[tilespmem:$0x14400] =	vst v63  }
0x490: {  	s1 =	simm.s32 $0x10800  }
0x491: {  	[tilespmem:s1], [sflag:$0x2] =	stream.indirect_vreg.gather [hbm4b:s4+s2], $0x80, v3, vm0, $0xb8;
	[tilespmem:$0x14400] =	vst v63  }
0x492: {  	s9 =	simm.s32 $0x11000  }
0x493: {  	[tilespmem:s9], [sflag:$0x2] =	stream.indirect_vreg.gather [hbm4b:s5+s2], $0x80, v3, vm0, $0xb8;
	[tilespmem:$0x14400] =	vst v63  }
0x494: {  	s10 =	simm.s32 $0x11800  }
0x495: {  	[tilespmem:s10], [sflag:$0x2] =	stream.indirect_vreg.gather [hbm4b:s6+s2], $0x80, v3, vm1, $0xb8;
	[tilespmem:$0x14400] =	vst v63  }
0x496: {  	v3 =	vld [tilespmem:$0x370];
	_ =	sdelay $0x4  }
0x497: {  	v55 =	vshrl.u32 v3, $0x3  }
0x498: {  	v4 =	vmul.u32 $0x28, v55  }
0x499: {  	v3 =	vand.u32 $0x7, v3  }
0x49a: {  	v3 =	vor.u32 v3, v4  }
0x49b: {  	v4 =	vperm.xlane v3, v0;
	_ =	sdelay $0x1  }
0x49c: {  	v4 =	vadd.s32 v1, v4;
	_ =	sdelay $0x3  }
0x49d: {  	s13 =	simm.s32 $0x11C00;
	v3 =	vperm.xlane v3, v2  }
0x49e: {  	[tilespmem:s13], [sflag:$0x2] =	stream.indirect_vreg.gather [hbm4b:s4+s2], $0x80, v4, vm0, $0xb8;
	[tilespmem:$0x14400] =	vst v63  }
0x49f: {  	v3 =	vadd.s32 v1, v3  }
0x4a0: {  	[tilespmem:s14], [sflag:$0x2] =	stream.indirect_vreg.gather [hbm4b:s5+s2], $0x80, v4, vm0, $0xb8;
	[tilespmem:$0x14400] =	vst v63  }
0x4a1: {  	s9 =	simm.s32 $0x12C00  }
0x4a2: {  	[tilespmem:s9], [sflag:$0x2] =	stream.indirect_vreg.gather [hbm4b:s6+s2], $0x80, v4, vm1, $0xb8;
	[tilespmem:$0x14400] =	vst v63  }
0x4a3: {  	s10 =	simm.s32 $0x13000  }
0x4a4: {  	[tilespmem:s10], [sflag:$0x2] =	stream.indirect_vreg.gather [hbm4b:s4+s2], $0x80, v3, vm0, $0xb8;
	[tilespmem:$0x14400] =	vst v63  }
0x4a5: {  	s1 =	simm.s32 $0x13800  }
0x4a6: {  	[tilespmem:s1], [sflag:$0x2] =	stream.indirect_vreg.gather [hbm4b:s5+s2], $0x80, v3, vm0, $0xb8;
	[tilespmem:$0x14400] =	vst v63  }
0x4a7: {  	s9 =	simm.s32 $0x14000  }
0x4a8: {  	[tilespmem:s9], [sflag:$0x2] =	stream.indirect_vreg.gather [hbm4b:s6+s2], $0x80, v3, vm1, $0xb8;
	[tilespmem:$0x14400] =	vst v63  }
0x4a9: {  	s13 =	rddreg [dreg:$0xe];
	s10 =	simm.s32 $0x400  }
0x4aa: {  	[hbm4b:s13+s2] =	stream.linear.scatter [tilespmem:s10], [sflag:$0x3], $0xA000, $0x38;
	[tilespmem:$0x14400] =	vst v63  }
0x4ab: {  	_ =	swait.ge [sflag:s8], $0xA000  }
0x4ac: {  	[sflag:s8] =	ssyncset.done $0x0  }
0x4ad: {  	[sflag:s8] =	ssyncadd.s32 $0xFFFF6000  }
0x4ae: {  	_ =	swait.ge [sflag:s12], $0xA000  }
0x4af: {  	[sflag:s12] =	ssyncset.done $0x0  }
0x4b0: {  	[sflag:s12] =	ssyncadd.s32 $0xFFFF6000  }
0x4b1: {  	v3 =	vld [tilespmem:$0x380];
	_ =	sdelay $0x4  }
0x4b2: {  	v56 =	vshrl.u32 v3, $0x3  }
0x4b3: {  	v4 =	vmul.u32 $0x28, v56  }
0x4b4: {  	v3 =	vand.u32 $0x7, v3  }
0x4b5: {  	v3 =	vor.u32 v3, v4  }
0x4b6: {  	v4 =	vperm.xlane v3, v0;
	_ =	sdelay $0x1  }
0x4b7: {  	v4 =	vadd.s32 v1, v4;
	_ =	sdelay $0x3  }
0x4b8: {  	v3 =	vperm.xlane v3, v2  }
0x4b9: {  	[tilespmem:s10], [sflag:$0x1] =	stream.indirect_vreg.gather [hbm4b:s4+s2], $0x80, v4, vm0, $0xb8;
	[tilespmem:$0x14400] =	vst v63  }
0x4ba: {  	s13 =	simm.s32 $0xC00;
	v3 =	vadd.s32 v1, v3  }
0x4bb: {  	[tilespmem:s13], [sflag:$0x1] =	stream.indirect_vreg.gather [hbm4b:s5+s2], $0x80, v4, vm0, $0xb8;
	[tilespmem:$0x14400] =	vst v63  }
0x4bc: {  	s13 =	simm.s32 $0x1400  }
0x4bd: {  	[tilespmem:s13], [sflag:$0x1] =	stream.indirect_vreg.gather [hbm4b:s6+s2], $0x80, v4, vm1, $0xb8;
	[tilespmem:$0x14400] =	vst v63  }
0x4be: {  	s13 =	simm.s32 $0x1800  }
0x4bf: {  	[tilespmem:s13], [sflag:$0x1] =	stream.indirect_vreg.gather [hbm4b:s4+s2], $0x80, v3, vm0, $0xb8;
	[tilespmem:$0x14400] =	vst v63  }
0x4c0: {  	s15 =	simm.s32 $0x2000  }
0x4c1: {  	[tilespmem:s15], [sflag:$0x1] =	stream.indirect_vreg.gather [hbm4b:s5+s2], $0x80, v3, vm0, $0xb8;
	[tilespmem:$0x14400] =	vst v63  }
0x4c2: {  	s28 =	simm.s32 $0x2800  }
0x4c3: {  	[tilespmem:s28], [sflag:$0x1] =	stream.indirect_vreg.gather [hbm4b:s6+s2], $0x80, v3, vm1, $0xb8;
	[tilespmem:$0x14400] =	vst v63  }
0x4c4: {  	v3 =	vld [tilespmem:$0x390];
	_ =	sdelay $0x4  }
0x4c5: {  	v57 =	vshrl.u32 v3, $0x3  }
0x4c6: {  	v4 =	vmul.u32 $0x28, v57  }
0x4c7: {  	v3 =	vand.u32 $0x7, v3  }
0x4c8: {  	v3 =	vor.u32 v3, v4  }
0x4c9: {  	v4 =	vperm.xlane v3, v0;
	_ =	sdelay $0x1  }
0x4ca: {  	v4 =	vadd.s32 v1, v4;
	_ =	sdelay $0x3  }
0x4cb: {  	s29 =	simm.s32 $0x2C00;
	v3 =	vperm.xlane v3, v2  }
0x4cc: {  	[tilespmem:s29], [sflag:$0x1] =	stream.indirect_vreg.gather [hbm4b:s4+s2], $0x80, v4, vm0, $0xb8;
	[tilespmem:$0x14400] =	vst v63  }
0x4cd: {  	s16 =	simm.s32 $0x3400;
	v3 =	vadd.s32 v1, v3  }
0x4ce: {  	[tilespmem:s16], [sflag:$0x1] =	stream.indirect_vreg.gather [hbm4b:s5+s2], $0x80, v4, vm0, $0xb8;
	[tilespmem:$0x14400] =	vst v63  }
0x4cf: {  	s19 =	simm.s32 $0x3C00  }
0x4d0: {  	[tilespmem:s19], [sflag:$0x1] =	stream.indirect_vreg.gather [hbm4b:s6+s2], $0x80, v4, vm1, $0xb8;
	[tilespmem:$0x14400] =	vst v63  }
0x4d1: {  	s20 =	simm.s32 $0x4000  }
0x4d2: {  	[tilespmem:s20], [sflag:$0x1] =	stream.indirect_vreg.gather [hbm4b:s4+s2], $0x80, v3, vm0, $0xb8;
	[tilespmem:$0x14400] =	vst v63  }
0x4d3: {  	s21 =	simm.s32 $0x4800  }
0x4d4: {  	[tilespmem:s21], [sflag:$0x1] =	stream.indirect_vreg.gather [hbm4b:s5+s2], $0x80, v3, vm0, $0xb8;
	[tilespmem:$0x14400] =	vst v63  }
0x4d5: {  	s23 =	simm.s32 $0x5000  }
0x4d6: {  	[tilespmem:s23], [sflag:$0x1] =	stream.indirect_vreg.gather [hbm4b:s6+s2], $0x80, v3, vm1, $0xb8;
	[tilespmem:$0x14400] =	vst v63  }
0x4d7: {  	v3 =	vld [tilespmem:$0x3A0];
	_ =	sdelay $0x4  }
0x4d8: {  	v58 =	vshrl.u32 v3, $0x3  }
0x4d9: {  	v4 =	vmul.u32 $0x28, v58  }
0x4da: {  	v3 =	vand.u32 $0x7, v3  }
0x4db: {  	v3 =	vor.u32 v3, v4  }
0x4dc: {  	v4 =	vperm.xlane v3, v0;
	_ =	sdelay $0x1  }
0x4dd: {  	v4 =	vadd.s32 v1, v4;
	_ =	sdelay $0x3  }
0x4de: {  	s15 =	simm.s32 $0x5400;
	v3 =	vperm.xlane v3, v2  }
0x4df: {  	[tilespmem:s15], [sflag:$0x1] =	stream.indirect_vreg.gather [hbm4b:s4+s2], $0x80, v4, vm0, $0xb8;
	[tilespmem:$0x14400] =	vst v63  }
0x4e0: {  	s16 =	simm.s32 $0x5C00;
	v3 =	vadd.s32 v1, v3  }
0x4e1: {  	[tilespmem:s16], [sflag:$0x1] =	stream.indirect_vreg.gather [hbm4b:s5+s2], $0x80, v4, vm0, $0xb8;
	[tilespmem:$0x14400] =	vst v63  }
0x4e2: {  	s19 =	simm.s32 $0x6400  }
0x4e3: {  	[tilespmem:s19], [sflag:$0x1] =	stream.indirect_vreg.gather [hbm4b:s6+s2], $0x80, v4, vm1, $0xb8;
	[tilespmem:$0x14400] =	vst v63  }
0x4e4: {  	s20 =	simm.s32 $0x6800  }
0x4e5: {  	[tilespmem:s20], [sflag:$0x1] =	stream.indirect_vreg.gather [hbm4b:s4+s2], $0x80, v3, vm0, $0xb8;
	[tilespmem:$0x14400] =	vst v63  }
0x4e6: {  	s22 =	simm.s32 $0x7000  }
0x4e7: {  	[tilespmem:s22], [sflag:$0x1] =	stream.indirect_vreg.gather [hbm4b:s5+s2], $0x80, v3, vm0, $0xb8;
	[tilespmem:$0x14400] =	vst v63  }
0x4e8: {  	s25 =	simm.s32 $0x7800  }
0x4e9: {  	[tilespmem:s25], [sflag:$0x1] =	stream.indirect_vreg.gather [hbm4b:s6+s2], $0x80, v3, vm1, $0xb8;
	[tilespmem:$0x14400] =	vst v63  }
0x4ea: {  	v3 =	vld [tilespmem:$0x3B0];
	_ =	sdelay $0x4  }
0x4eb: {  	v59 =	vshrl.u32 v3, $0x3  }
0x4ec: {  	v4 =	vmul.u32 $0x28, v59  }
0x4ed: {  	v3 =	vand.u32 $0x7, v3  }
0x4ee: {  	v3 =	vor.u32 v3, v4  }
0x4ef: {  	v4 =	vperm.xlane v3, v0;
	_ =	sdelay $0x1  }
0x4f0: {  	v4 =	vadd.s32 v1, v4;
	_ =	sdelay $0x3  }
0x4f1: {  	s21 =	simm.s32 $0x7C00;
	v3 =	vperm.xlane v3, v2  }
0x4f2: {  	[tilespmem:s21], [sflag:$0x1] =	stream.indirect_vreg.gather [hbm4b:s4+s2], $0x80, v4, vm0, $0xb8;
	[tilespmem:$0x14400] =	vst v63  }
0x4f3: {  	s22 =	simm.s32 $0x8400;
	v3 =	vadd.s32 v1, v3  }
0x4f4: {  	[tilespmem:s22], [sflag:$0x1] =	stream.indirect_vreg.gather [hbm4b:s5+s2], $0x80, v4, vm0, $0xb8;
	[tilespmem:$0x14400] =	vst v63  }
0x4f5: {  	s23 =	simm.s32 $0x8C00  }
0x4f6: {  	[tilespmem:s23], [sflag:$0x1] =	stream.indirect_vreg.gather [hbm4b:s6+s2], $0x80, v4, vm1, $0xb8;
	[tilespmem:$0x14400] =	vst v63  }
0x4f7: {  	s25 =	simm.s32 $0x9000  }
0x4f8: {  	[tilespmem:s25], [sflag:$0x1] =	stream.indirect_vreg.gather [hbm4b:s4+s2], $0x80, v3, vm0, $0xb8;
	[tilespmem:$0x14400] =	vst v63  }
0x4f9: {  	s24 =	simm.s32 $0x9800  }
0x4fa: {  	[tilespmem:s24], [sflag:$0x1] =	stream.indirect_vreg.gather [hbm4b:s5+s2], $0x80, v3, vm0, $0xb8;
	[tilespmem:$0x14400] =	vst v63  }
0x4fb: {  	s29 =	simm.s32 $0xA000  }
0x4fc: {  	[tilespmem:s29], [sflag:$0x1] =	stream.indirect_vreg.gather [hbm4b:s6+s2], $0x80, v3, vm1, $0xb8;
	[tilespmem:$0x14400] =	vst v63  }
0x4fd: {  	s11 =	simm.s32 $0xA400;
	s28 =	rddreg [dreg:$0xf]  }
0x4fe: {  	[hbm4b:s28+s2] =	stream.linear.scatter [tilespmem:s11], [sflag:$0x3], $0xA000, $0x38;
	[tilespmem:$0x14400] =	vst v63  }
0x4ff: {  	_ =	swait.ge [sflag:s8], $0xA000  }
0x500: {  	[sflag:s8] =	ssyncset.done $0x0  }
0x501: {  	[sflag:s8] =	ssyncadd.s32 $0xFFFF6000  }
0x502: {  	_ =	swait.ge [sflag:s3], $0xA000  }
0x503: {  	[sflag:s3] =	ssyncset.done $0x0  }
0x504: {  	[sflag:s3] =	ssyncadd.s32 $0xFFFF6000  }
0x505: {  	v3 =	vld [tilespmem:$0x3C0];
	_ =	sdelay $0x4  }
0x506: {  	v60 =	vshrl.u32 v3, $0x3  }
0x507: {  	v4 =	vmul.u32 $0x28, v60  }
0x508: {  	v3 =	vand.u32 $0x7, v3  }
0x509: {  	v3 =	vor.u32 v3, v4  }
0x50a: {  	v4 =	vperm.xlane v3, v0;
	_ =	sdelay $0x1  }
0x50b: {  	v4 =	vadd.s32 v1, v4;
	_ =	sdelay $0x3  }
0x50c: {  	v3 =	vperm.xlane v3, v2  }
0x50d: {  	[tilespmem:s11], [sflag:$0x2] =	stream.indirect_vreg.gather [hbm4b:s4+s2], $0x80, v4, vm0, $0xb8;
	[tilespmem:$0x14400] =	vst v63  }
0x50e: {  	s0 =	simm.s32 $0xAC00;
	v3 =	vadd.s32 v1, v3  }
0x50f: {  	[tilespmem:s0], [sflag:$0x2] =	stream.indirect_vreg.gather [hbm4b:s5+s2], $0x80, v4, vm0, $0xb8;
	[tilespmem:$0x14400] =	vst v63  }
0x510: {  	s26 =	simm.s32 $0xB400  }
0x511: {  	[tilespmem:s26], [sflag:$0x2] =	stream.indirect_vreg.gather [hbm4b:s6+s2], $0x80, v4, vm1, $0xb8;
	[tilespmem:$0x14400] =	vst v63  }
0x512: {  	s30 =	simm.s32 $0xB800  }
0x513: {  	[tilespmem:s30], [sflag:$0x2] =	stream.indirect_vreg.gather [hbm4b:s4+s2], $0x80, v3, vm0, $0xb8;
	[tilespmem:$0x14400] =	vst v63  }
0x514: {  	s31 =	simm.s32 $0xC000  }
0x515: {  	[tilespmem:s31], [sflag:$0x2] =	stream.indirect_vreg.gather [hbm4b:s5+s2], $0x80, v3, vm0, $0xb8;
	[tilespmem:$0x14400] =	vst v63  }
0x516: {  	s31 =	simm.s32 $0xC800  }
0x517: {  	[tilespmem:s31], [sflag:$0x2] =	stream.indirect_vreg.gather [hbm4b:s6+s2], $0x80, v3, vm1, $0xb8;
	[tilespmem:$0x14400] =	vst v63  }
0x518: {  	v3 =	vld [tilespmem:$0x3D0];
	_ =	sdelay $0x4  }
0x519: {  	v61 =	vshrl.u32 v3, $0x3  }
0x51a: {  	v4 =	vmul.u32 $0x28, v61  }
0x51b: {  	v3 =	vand.u32 $0x7, v3  }
0x51c: {  	v3 =	vor.u32 v3, v4  }
0x51d: {  	v4 =	vperm.xlane v3, v0;
	_ =	sdelay $0x1  }
0x51e: {  	v4 =	vadd.s32 v1, v4;
	_ =	sdelay $0x3  }
0x51f: {  	s15 =	simm.s32 $0xCC00;
	v3 =	vperm.xlane v3, v2  }
0x520: {  	[tilespmem:s15], [sflag:$0x2] =	stream.indirect_vreg.gather [hbm4b:s4+s2], $0x80, v4, vm0, $0xb8;
	[tilespmem:$0x14400] =	vst v63  }
0x521: {  	s16 =	simm.s32 $0xD400;
	v3 =	vadd.s32 v1, v3  }
0x522: {  	[tilespmem:s16], [sflag:$0x2] =	stream.indirect_vreg.gather [hbm4b:s5+s2], $0x80, v4, vm0, $0xb8;
	[tilespmem:$0x14400] =	vst v63  }
0x523: {  	s18 =	simm.s32 $0xDC00  }
0x524: {  	[tilespmem:s18], [sflag:$0x2] =	stream.indirect_vreg.gather [hbm4b:s6+s2], $0x80, v4, vm1, $0xb8;
	[tilespmem:$0x14400] =	vst v63  }
0x525: {  	s19 =	simm.s32 $0xE000  }
0x526: {  	[tilespmem:s19], [sflag:$0x2] =	stream.indirect_vreg.gather [hbm4b:s4+s2], $0x80, v3, vm0, $0xb8;
	[tilespmem:$0x14400] =	vst v63  }
0x527: {  	s20 =	simm.s32 $0xE800  }
0x528: {  	[tilespmem:s20], [sflag:$0x2] =	stream.indirect_vreg.gather [hbm4b:s5+s2], $0x80, v3, vm0, $0xb8;
	[tilespmem:$0x14400] =	vst v63  }
0x529: {  	_ = 	snop  }
0x52a: {  	[tilespmem:s7], [sflag:$0x2] =	stream.indirect_vreg.gather [hbm4b:s6+s2], $0x80, v3, vm1, $0xb8;
	[tilespmem:$0x14400] =	vst v63  }
0x52b: {  	v3 =	vld [tilespmem:$0x3E0];
	_ =	sdelay $0x4  }
0x52c: {  	v62 =	vshrl.u32 v3, $0x3  }
0x52d: {  	v4 =	vmul.u32 $0x28, v62  }
0x52e: {  	v3 =	vand.u32 $0x7, v3  }
0x52f: {  	v3 =	vor.u32 v3, v4  }
0x530: {  	v4 =	vperm.xlane v3, v0;
	_ =	sdelay $0x1  }
0x531: {  	v4 =	vadd.s32 v1, v4;
	_ =	sdelay $0x3  }
0x532: {  	s21 =	simm.s32 $0xF400;
	v3 =	vperm.xlane v3, v2  }
0x533: {  	[tilespmem:s21], [sflag:$0x2] =	stream.indirect_vreg.gather [hbm4b:s4+s2], $0x80, v4, vm0, $0xb8;
	[tilespmem:$0x14400] =	vst v63  }
0x534: {  	s22 =	simm.s32 $0xFC00;
	v3 =	vadd.s32 v1, v3  }
0x535: {  	[tilespmem:s22], [sflag:$0x2] =	stream.indirect_vreg.gather [hbm4b:s5+s2], $0x80, v4, vm0, $0xb8;
	[tilespmem:$0x14400] =	vst v63  }
0x536: {  	s17 =	simm.s32 $0x10400  }
0x537: {  	[tilespmem:s17], [sflag:$0x2] =	stream.indirect_vreg.gather [hbm4b:s6+s2], $0x80, v4, vm1, $0xb8;
	[tilespmem:$0x14400] =	vst v63  }
0x538: {  	s23 =	simm.s32 $0x10800  }
0x539: {  	[tilespmem:s23], [sflag:$0x2] =	stream.indirect_vreg.gather [hbm4b:s4+s2], $0x80, v3, vm0, $0xb8;
	[tilespmem:$0x14400] =	vst v63  }
0x53a: {  	s24 =	simm.s32 $0x11000  }
0x53b: {  	[tilespmem:s24], [sflag:$0x2] =	stream.indirect_vreg.gather [hbm4b:s5+s2], $0x80, v3, vm0, $0xb8;
	[tilespmem:$0x14400] =	vst v63  }
0x53c: {  	s25 =	simm.s32 $0x11800  }
0x53d: {  	[tilespmem:s25], [sflag:$0x2] =	stream.indirect_vreg.gather [hbm4b:s6+s2], $0x80, v3, vm1, $0xb8;
	[tilespmem:$0x14400] =	vst v63  }
0x53e: {  	v3 =	vld [tilespmem:$0x3F0];
	_ =	sdelay $0x4  }
0x53f: {  	v63 =	vshrl.u32 v3, $0x3  }
0x540: {  	v4 =	vmul.u32 $0x28, v63  }
0x541: {  	v3 =	vand.u32 $0x7, v3  }
0x542: {  	v3 =	vor.u32 v3, v4  }
0x543: {  	v4 =	vperm.xlane v3, v0;
	_ =	sdelay $0x1  }
0x544: {  	v4 =	vadd.s32 v1, v4;
	_ =	sdelay $0x3  }
0x545: {  	s26 =	simm.s32 $0x11C00;
	v3 =	vperm.xlane v3, v2  }
0x546: {  	[tilespmem:s26], [sflag:$0x2] =	stream.indirect_vreg.gather [hbm4b:s4+s2], $0x80, v4, vm0, $0xb8;
	[tilespmem:$0x14400] =	vst v63  }
0x547: {  	s14 =	simm.s32 $0x12400;
	v3 =	vadd.s32 v1, v3  }
0x548: {  	[tilespmem:s14], [sflag:$0x2] =	stream.indirect_vreg.gather [hbm4b:s5+s2], $0x80, v4, vm0, $0xb8;
	[tilespmem:$0x14400] =	vst v63  }
0x549: {  	s28 =	simm.s32 $0x12C00  }
0x54a: {  	[tilespmem:s28], [sflag:$0x2] =	stream.indirect_vreg.gather [hbm4b:s6+s2], $0x80, v4, vm1, $0xb8;
	[tilespmem:$0x14400] =	vst v63  }
0x54b: {  	s29 =	simm.s32 $0x13000  }
0x54c: {  	[tilespmem:s29], [sflag:$0x2] =	stream.indirect_vreg.gather [hbm4b:s4+s2], $0x80, v3, vm0, $0xb8;
	[tilespmem:$0x14400] =	vst v63  }
0x54d: {  	_ = 	snop  }
0x54e: {  	[tilespmem:s1], [sflag:$0x2] =	stream.indirect_vreg.gather [hbm4b:s5+s2], $0x80, v3, vm0, $0xb8;
	[tilespmem:$0x14400] =	vst v63  }
0x54f: {  	_ = 	snop  }
0x550: {  	[tilespmem:s9], [sflag:$0x2] =	stream.indirect_vreg.gather [hbm4b:s6+s2], $0x80, v3, vm1, $0xb8;
	[tilespmem:$0x14400] =	vst v63  }
0x551: {  	s10 =	simm.s32 $0x400;
	s30 =	rddreg [dreg:$0x10]  }
0x552: {  	[hbm4b:s30+s2] =	stream.linear.scatter [tilespmem:s10], [sflag:$0x3], $0xA000, $0x38;
	[tilespmem:$0x14400] =	vst v63  }
0x553: {  	s0 =	rddreg [dreg:$0x13];
	_ =	swait.ge [sflag:s8], $0xA000  }
0x554: {  	[sflag:s8] =	ssyncset.done $0x0  }
0x555: {  	[sflag:s8] =	ssyncadd.s32 $0xFFFF6000  }
0x556: {  	_ =	swait.ge [sflag:s12], $0xA000  }
0x557: {  	p0 =	sne.s32 s0, $0x1;
	[sflag:s12] =	ssyncset.done $0x0  }
.Ltmp0:
0x558: {  	s31 =	rddreg [dreg:$0x11];
	[sflag:s12] =	ssyncadd.s32 $0xFFFF6000;
	(pc) =	sbr.rel @p0 .LBB2_1-.Ltmp0, $4  }
0x559: {  	[hbm4b:s31+s2] =	stream.linear.scatter [tilespmem:s11], [sflag:$0x3], $0xA000, $0x38;
	[tilespmem:$0x14400] =	vst v63  }
0x55a: {  	_ =	swait.ge [sflag:s8], $0xA000  }
0x55b: {  	[sflag:s8] =	ssyncset.done $0x0  }
0x55c: {  	s0 =	sadd.s32 $0xFFFFFFFF, s0;
	[sflag:s8] =	ssyncadd.s32 $0xFFFF6000  }
0x55d: {  	_ =	sfence.sel $0x180000  }
0x55e: {  	[bflag:$0x0] =	sbarrier.arrive $0xFFFF  }
0x55f: {  	_ =	strace $0x90000047  }
0x560: {  	s0 =	stileid.u32;
	[bflag:$0x2] =	sbarrier.arrive $0xFFFF  }
0x561: {  	p0 =	sne.s32 s0, $0x0;
	s0 =	rddreg [dreg:$0x1]  }
0x562: {  	s0 =	sadd.s32 @!p0 $0x100000, s0  }
0x563: {  	[sflag:s0] =	ssyncadd.tile.s32 @!p0 $0x1;
	_ =	shalt  }
.Lfunc_end2:
_tile_overlayer_lowered:
.L_overlay_start_2:
0x564: {  	(tag) =	ssettag $0x2  }
0x565: {  	s0 =	rddreg [dreg:$0x0];
	s2 =	stileid.u32  }
0x566: {  	s1 =	rddreg [dreg:$0x1];
	p0 =	sne.s32 s2, $0x0  }
0x567: {  	s3 =	rddreg [dreg:$0x2];
	[bflag:$0x3] =	sbarrier.arrive $0xFFFF;
	s2 =	simm.s32 @!p0 $0x1C03  }
0x568: {  	[timem:s3], [sflag:s2] =	dma.local @!p0 [hbm:s0], s1  }
0x569: {  	s0 =	simm.s32 @!p0 $0x3  }
0x56a: {  	_ =	swait.ge @!p0 [sflag:s0], s1  }
0x56b: {  	s1 =	ssub.s32 @!p0 $0x0, s1;
	[sflag:s0] =	ssyncset.done @!p0 $0x0  }
0x56c: {  	[sflag:s0] =	ssyncadd.s32 @!p0 s1  }
0x56d: {  	[bflag:$0x3] =	sbarrier.arrive $0xFFFF  }
0x56e: {  	_ =	shalt  }

// kernel: kernel.19.cloned.1.call-start
scs
__scs_entry_jumppad:
0x0: {  	(pc) =	sbr.rel $0x88, $3  }
0x1: {  	(tag) =	ssettag $0x0;
	lr =	simm.s32 $0x1  }
0x2: {  	[smem:$0x3F90] =	sst lr;
	_ =	strace $0xD0000000  }
0x3: {  	_ = 	snop  }
0x4: {  	_ = 	snop  }
0x5: {  	_ = 	snop  }
0x6: {  	_ = 	snop  }
0x7: {  	_ = 	snop  }
__scs_overlays_trampoline_lowered:
0x8: {  	[smem:$0x3F9F] =	sst s0  }
0x9: {  	[smem:$0x3FA0] =	sst s1  }
0xa: {  	[smem:$0x3FA1] =	sst s2  }
0xb: {  	[smem:$0x3FA2] =	sst s3  }
0xc: {  	[smem:$0x3FA3] =	sst s4  }
0xd: {  	[smem:$0x3FA4] =	sst s5  }
0xe: {  	[smem:$0x3FA5] =	sst s6  }
0xf: {  	[smem:$0x3FA6] =	sst s7  }
0x10: {  	[smem:$0x3FA7] =	sst s8  }
0x11: {  	[smem:$0x3FA8] =	sst s9;
	s0 =	simm.s32 @!p0 $0x0  }
0x12: {  	s1 =	sld [smem:$0x3F8E];
	s0 =	simm.s32 @p0 $0x1  }
0x13: {  	[smem:$0x3FA9] =	sst s0;
	s0 =	simm.s32 @!p1 $0x0  }
0x14: {  	s2 =	sld [smem:$0x3F8D];
	s0 =	simm.s32 @p1 $0x1  }
0x15: {  	[smem:$0x3FAA] =	sst s0;
	s0 =	simm.s32 @!p2 $0x0  }
0x16: {  	s3 =	sld [smem:$0x3FDB];
	s0 =	simm.s32 @p2 $0x1  }
0x17: {  	s4 =	simm.s32 $0x1BF5;
	[smem:$0x3FAC] =	sst s0  }
0x18: {  	s0 =	sld [smem:$0x3F8F];
	_ =	swait.ge [sflag:s4], $0x0  }
0x19: {  	s7 =	sld [smem:$0x3F90]  }
0x1a: {  	s8 =	sadd.s32 $0xFFFFE003, lr  }
0x1b: {  	s9 =	sadd.s32 $0xFFFFFEF7, lr;
	s5 =	simm.s32 $0xFFFFFFFF;
	p2 =	slt.u32 s8, $0xFFFFF086  }
0x1c: {  	p1 =	slt.u32 s9, $0xF7A;
	s5 =	simm.s32 @!p2 $0x0  }
0x1d: {  	s5 =	simm.s32 @p1 $0x1;
	p0 =	seq.s32 s7, s2  }
0x1e: {  	s7 =	smul.u32 @!p0 $0xF7A, s2;
	p2 =	seq.s32 @!p0 s5, $0x0  }
0x1f: {  	s9 =	smul.u32 $0xF7A, s1;
	s8 =	simm.s32 @!p0 $0x1BF5;
	p2 =	por !p2, p0  }
0x20: {  	[sflag:s8] =	ssyncset.s32 @!p0 $0xFFFFF086;
	s6 =	sadd.s32 @!p0 s3, s7;
	s7 =	simm.s32 @!p0 $0x108  }
0x21: {  	s3 =	sadd.s32 s3, s9;
	s6 =	sadd.s32 @!p0 $0x88, s6;
	s7 =	simm.s32 @p2 $0x1082  }
0x22: {  	[simem:s7], [sflag:s8] =	dma.local @!p0 [hbm:s6], $0xF7A  }
0x23: {  	s9 =	sor.u32 $0xD0000000, s2;
	s6 =	simm.s32 $0x108;
	_ =	swait.ge @!p0 [sflag:s8], $0x0  }
0x24: {  	s3 =	sadd.s32 $0x88, s3;
	s6 =	simm.s32 @!p1 $0x1082;
	[sflag:s4] =	ssyncset.s32 $0xFFFFF086  }
0x25: {  	[simem:s6], [sflag:s4] =	dma.local [hbm:s3], $0xF7A  }
0x26: {  	[smem:$0x3F90] =	sst s1;
	(tag) =	ssettag s2;
	_ =	strace s9  }
0x27: {  	s1 =	sld [smem:$0x3FA0]  }
0x28: {  	s2 =	sld [smem:$0x3FA1]  }
0x29: {  	s4 =	sld [smem:$0x3FA3]  }
0x2a: {  	p0 =	seq.s32 s5, $0x0;
	s5 =	sld [smem:$0x3FA4]  }
0x2b: {  	s6 =	sld [smem:$0x3FA5]  }
0x2c: {  	s7 =	sld [smem:$0x3FA6]  }
0x2d: {  	s3 =	simm.s32 $0x108;
	s8 =	sld [smem:$0x3FA7]  }
0x2e: {  	s3 =	simm.s32 @!p0 $0x1082;
	s9 =	sld [smem:$0x3FA8]  }
0x2f: {  	lr =	sadd.s32 s0, s3;
	s0 =	sld [smem:$0x3F9F]  }
0x30: {  	s3 =	sld [smem:$0x3FA2]  }
0x31: {  	[smem:$0x3FAB] =	sst s10  }
0x32: {  	s10 =	sld [smem:$0x3FA9];
	_ =	sdelay $0x3  }
0x33: {  	p0 =	seq.s32 s10, $0x1;
	s10 =	sld [smem:$0x3FAB];
	_ =	sdelay $0x3  }
0x34: {  	[smem:$0x3FAB] =	sst s10  }
0x35: {  	s10 =	sld [smem:$0x3FAA];
	_ =	sdelay $0x3  }
0x36: {  	p1 =	seq.s32 s10, $0x1;
	s10 =	sld [smem:$0x3FAB];
	_ =	sdelay $0x3  }
0x37: {  	[smem:$0x3FAB] =	sst s10  }
0x38: {  	s10 =	sld [smem:$0x3FAC]  }
0x39: {  	_ = 	snop;
	(pc) =	sbr.ind lr, $3  }
0x3a: {  	_ = 	snop  }
0x3b: {  	_ = 	snop  }
0x3c: {  	p2 =	seq.s32 s10, $0x1;
	s10 =	sld [smem:$0x3FAB]  }
0x3d: {  	_ =	shalt  }
0x3e: {  	_ =	shalt  }
0x3f: {  	_ =	shalt  }
0x40: {  	_ =	shalt  }
0x41: {  	_ =	shalt  }
0x42: {  	_ =	shalt  }
0x43: {  	_ =	shalt  }
0x44: {  	_ =	shalt  }
0x45: {  	_ =	shalt  }
0x46: {  	_ =	shalt  }
0x47: {  	_ =	shalt  }
0x48: {  	_ =	shalt  }
0x49: {  	_ =	shalt  }
0x4a: {  	_ =	shalt  }
0x4b: {  	_ =	shalt  }
0x4c: {  	_ =	shalt  }
0x4d: {  	_ =	shalt  }
0x4e: {  	_ =	shalt  }
0x4f: {  	_ =	shalt  }
0x50: {  	_ =	shalt  }
0x51: {  	_ =	shalt  }
0x52: {  	_ =	shalt  }
0x53: {  	_ =	shalt  }
0x54: {  	_ =	shalt  }
0x55: {  	_ =	shalt  }
0x56: {  	_ =	shalt  }
0x57: {  	_ =	shalt  }
0x58: {  	_ =	shalt  }
0x59: {  	_ =	shalt  }
0x5a: {  	_ =	shalt  }
0x5b: {  	_ =	shalt  }
0x5c: {  	_ =	shalt  }
0x5d: {  	_ =	shalt  }
0x5e: {  	_ =	shalt  }
0x5f: {  	_ =	shalt  }
0x60: {  	_ =	shalt  }
0x61: {  	_ =	shalt  }
0x62: {  	_ =	shalt  }
0x63: {  	_ =	shalt  }
0x64: {  	_ =	shalt  }
0x65: {  	_ =	shalt  }
0x66: {  	_ =	shalt  }
0x67: {  	_ =	shalt  }
0x68: {  	_ =	shalt  }
0x69: {  	_ =	shalt  }
0x6a: {  	_ =	shalt  }
0x6b: {  	_ =	shalt  }
0x6c: {  	_ =	shalt  }
0x6d: {  	_ =	shalt  }
0x6e: {  	_ =	shalt  }
0x6f: {  	_ =	shalt  }
0x70: {  	_ =	shalt  }
0x71: {  	_ =	shalt  }
0x72: {  	_ =	shalt  }
0x73: {  	_ =	shalt  }
0x74: {  	_ =	shalt  }
0x75: {  	_ =	shalt  }
0x76: {  	_ =	shalt  }
0x77: {  	_ =	shalt  }
0x78: {  	_ =	shalt  }
0x79: {  	_ =	shalt  }
0x7a: {  	_ =	shalt  }
0x7b: {  	_ =	shalt  }
0x7c: {  	_ =	shalt  }
0x7d: {  	_ =	shalt  }
0x7e: {  	_ =	shalt  }
0x7f: {  	_ =	shalt  }
0x80: {  	_ =	shalt  }
0x81: {  	_ =	shalt  }
0x82: {  	_ =	shalt  }
0x83: {  	_ =	shalt  }
0x84: {  	_ =	shalt  }
0x85: {  	_ =	shalt  }
0x86: {  	_ =	shalt  }
0x87: {  	_ =	shalt  }
.Lfunc_end0:
.L_simem_size_0:
called_computation.1_lowered:
.L_overlay_start_0:
0x88: {  	s2 =	sld [smem:$0x3FD9]  }
0x89: {  	s3 =	sld [smem:$0x3FFE];
	_ =	sdelay $0x1  }
0x8a: {  	s1 =	srdreg.scid  }
0x8b: {  	s0 =	sand.u32 $0x1, s1  }
0x8c: {  	s16 =	sshll.u32 s0, $0xA;
	s2 =	sadd.s32 s3, s2  }
0x8d: {  	s2 =	sadd.s32 s2, s16  }
0x8e: {  	[smem:$0x3FB7] =	sst s2  }
0x8f: {  	_ = 	snop  }
0x90: {  	(tm) =	ssettm $0x1  }
0x91: {  	s17 =	sld [smem:$0x3FFB];
	_ =	sdelay $0x3  }
0x92: {  	_ =	strace s17  }
0x93: {  	s2 =	sld [smem:$0x3FFC];
	_ =	sdelay $0x3  }
0x94: {  	_ =	strace s2  }
0x95: {  	s2 =	sld [smem:$0x3FFD];
	_ =	sdelay $0x3  }
0x96: {  	_ =	strace s2  }
0x97: {  	_ =	strace $0x8FFFFFFF  }
0x98: {  	s18 =	sld [smem:$0x3FDB];
	_ =	sdelay $0x1  }
0x99: {  	s19 =	simm.s32 $_scs_section_size  }
0x9a: {  	s4 =	simm.s32 $_size__tile_overlayer_lowered;
	s5 =	simm.s32 $_tile_overlayer_lowered  }
0x9b: {  	s22 =	simm.s32 $0x1BFF;
	s21 =	sshll.u32 s5, $0x1;
	s2 =	sadd.s32 s19, s18  }
0x9c: {  	s6 =	simm.s32 $0x0;
	s20 =	sshll.u32 s4, $0x1;
	s4 =	sadd.s32 s21, s2  }
0x9d: {  	[timem:s6], [sflag:s22] =	dma.local [hbm:s4], s20  }
0x9e: {  	_ =	swait.ge [sflag:s22], s20  }
0x9f: {  	s3 =	ssub.s32 $0x0, s20;
	[sflag:s22] =	ssyncset.done $0x0  }
0xa0: {  	[sflag:s22] =	ssyncadd.s32 s3;
	_ =	sdelay $0x1  }
0xa1: {  	s23 =	simm.s32 $0x1B8B  }
0xa2: {  	_ =	swait.ge [sflag:s23], $0x1  }
0xa3: {  	[sflag:s23] =	ssyncset.done $0x0  }
0xa4: {  	s25 =	simm.s32 $0x1B8E;
	s24 =	sld [smem:$0x3FFE];
	[sflag:s23] =	ssyncadd.s32 $0xFFFFFFFF  }
0xa5: {  	s26 =	simm.s32 $execute0_lowered;
	[smem:$0x3FD2] =	sst s25  }
0xa6: {  	s4 =	sshll.u32 s26, $0x1;
	_ =	strace $0x80000049;
	[dreg:$0x1] =	wrdreg $0xFFFFFFFF  }
0xa7: {  	s28 =	simm.s32 $_size_execute0_lowered;
	s2 =	sadd.s32 s2, s4;
	[dreg:$0x0] =	wrdreg $0x0  }
0xa8: {  	s4 =	sshll.u32 s28, $0x1;
	[dreg:$0x2] =	wrdreg s2  }
0xa9: {  	[dreg:$0x3] =	wrdreg s4  }
0xaa: {  	[dreg:$0x4] =	wrdreg $0xC0  }
0xab: {  	_ =	task [dreg:s6], $0x5FFFF  }
0xac: {  	[dreg:$0x1] =	wrdreg $0xFFFFFFFF  }
0xad: {  	[dreg:$0x0] =	wrdreg $0x60  }
0xae: {  	[dreg:$0x2] =	wrdreg s24  }
0xaf: {  	[dreg:$0x3] =	wrdreg $0x9  }
0xb0: {  	_ =	task.clear_ibuf [dreg:s6], $0x4FFFF;
	_ =	strace $0x90000049  }
0xb1: {  	s29 =	simm.s32 $0x9;
	_ =	strace $0x8000004B  }
0xb2: {  	_ =	swait.ge [sflag:s29], $0x1  }
0xb3: {  	[sflag:s29] =	ssyncadd.s32 $0xFFFFFFFF  }
0xb4: {  	_ =	strace $0x9000004B  }
0xb5: {  	_ =	sfence  }
0xb6: {  	s30 =	sld [smem:$0x0];
	_ =	sdelay $0x2  }
0xb7: {  	s31 =	sshll.u32 s1, $0xD;
	s1 =	sshrl.u32 s1, $0x2  }
0xb8: {  	s3 =	sand.u32 $0x4000, s31;
	s1 =	sadd.s32 s1, s30  }
0xb9: {  	s0 =	sor.u32 s3, s0;
	s1 =	sshll.u32 s1, $0x11  }
0xba: {  	s0 =	sor.u32 s1, s0  }
0xbb: {  	s0 =	sadd.s32 $0x8F2B, s0  }
0xbc: {  	[sflag:s0] =	ssyncadd.remote.s32 $0x1  }
0xbd: {  	_ =	sfence.sel $0xFFFF  }
0xbe: {  	[dreg:$0x0] =	wrdreg $0xFFFFFFFF;
	(pc) =	sbr.abs _section_cstart, $3  }
0xbf: {  	[dreg:$0x1] =	wrdreg $0xFFFFFFFF  }
0xc0: {  	_ =	task.clear_ibuf [dreg:s6], $0x2FFFF;
	_ =	strace $0x9FFFFFFF  }
0xc1: {  	(tm) =	ssettm $0x7FFFFFFF  }
tec
execute0_lowered:
.L_overlay_start_1:
0x0: {  	(tag) =	ssettag $0x1  }
0x1: {  	s0 =	srdreg.scid  }
0x2: {  	s1 =	stileid.u32;
	s0 =	sand.u32 $0x1, s0  }
0x3: {  	s1 =	sshll.u32 s1, $0xB;
	s2 =	sshll.u32 s0, $0xA  }
0x4: {  	s1 =	sor.u32 s2, s1  }
0x5: {  	s3 =	rddreg [dreg:$0x0];
	s29 =	simm.s32 $0x400;
	s4 =	sshrl.u32 s1, $0x3  }
0x6: {  	s2 =	simm.s32 $0x0;
	s1 =	sshll.u32 s1, $0x5;
	s4 =	sadd.s32 s4, s3  }
0x7: {  	[smem:$0x7FF] =	sst s2;
	s1 =	sadd.s32 s1, s3;
	s4 =	sadd.s32 $0x14000, s4  }
0x8: {  	_ =	strace $0x8000004A;
	s23 =	sadd.s32 $0x15000, s1;
	[dreg:$0x2] =	wrdreg s4  }
0x9: {  	s22 =	simm.s32 $0x1;
	s24 =	sadd.s32 $0x16000, s1;
	[dreg:$0x3] =	wrdreg s23  }
0xa: {  	s13 =	simm.s32 $0x2;
	s25 =	sadd.s32 $0x17000, s1;
	[dreg:$0x4] =	wrdreg s24  }
0xb: {  	s0 =	ssub.s32 $0x2, s0;
	s26 =	sadd.s32 $0x18000, s1;
	[dreg:$0x5] =	wrdreg s25  }
0xc: {  	s5 =	sshrl.u32 s0, $0x1;
	s28 =	sadd.s32 $0x19000, s1;
	[dreg:$0x6] =	wrdreg s26  }
0xd: {  	s0 =	ssub.s32 s0, s5;
	s30 =	sadd.s32 $0x1A000, s1;
	[dreg:$0x7] =	wrdreg s28  }
0xe: {  	v2 =	vlaneseq.u32;
	s5 =	simm.s32 $0x3;
	s31 =	sadd.s32 $0x1B000, s1;
	[dreg:$0x8] =	wrdreg s30  }
0xf: {  	vm0 =	vmmov $0xffff;
	v1 =	vshrl.u32 v2, $0x3;
	s3 =	sadd.s32 $0x4000, s3;
	s1 =	sadd.s32 $0x1C000, s1;
	[dreg:$0x9] =	wrdreg s31  }
0x10: {  	v0 =	vand.u32 $0x7, v2;
	v2 =	vor.u32 $0x8, v2;
	v1 =	vmul.u32 $0x8, v1;
	[dreg:$0xa] =	wrdreg s1;
	s4 =	smax.u32 s0, $0x1;
	s23 =	simm.s32 $0x8400  }
.LBB2_1:
0x11: {  	s14 =	rddreg [dreg:$0x2]  }
0x12: {  	[tilespmem:s2], [sflag:$0x3] =	stream.linear.gather [hbm4b:s14+s2], $0x400, $0x38;
	[tilespmem:$0x10400] =	vst v63  }
0x13: {  	_ =	swait.ge [sflag:s5], $0x400  }
0x14: {  	[sflag:s5] =	ssyncset.done $0x0  }
0x15: {  	[sflag:s5] =	ssyncadd.s32 $0xFFFFFC00  }
0x16: {  	v3 =	vld [tilespmem:$0x0];
	_ =	sdelay $0x4  }
0x17: {  	v4 =	vshll.u32 v3, $0x1  }
0x18: {  	v3 =	vand.u32 $0x7, v3;
	v4 =	vand.u32 $0xFFFFFFF0, v4  }
0x19: {  	v3 =	vor.u32 v3, v4  }
0x1a: {  	v4 =	vperm.xlane v3, v0;
	_ =	sdelay $0x1  }
0x1b: {  	v3 =	vperm.xlane v3, v2;
	v4 =	vadd.s32 v1, v4;
	_ =	sdelay $0x1  }
0x1c: {  	v3 =	vadd.s32 v1, v3;
	_ =	sdelay $0x2  }
0x1d: {  	[tilespmem:s29], [sflag:$0x1] =	stream.indirect_vreg.gather [hbm4b:s3+s2], $0x80, v4, vm0, $0xb8;
	[tilespmem:$0x10400] =	vst v63  }
0x1e: {  	s0 =	simm.s32 $0xC00  }
0x1f: {  	[tilespmem:s0], [sflag:$0x1] =	stream.indirect_vreg.gather [hbm4b:s3+s2], $0x80, v3, vm0, $0xb8;
	[tilespmem:$0x10400] =	vst v63  }
0x20: {  	v3 =	vld [tilespmem:$0x10];
	_ =	sdelay $0x4  }
0x21: {  	v57 =	vshll.u32 v3, $0x1  }
0x22: {  	v3 =	vand.u32 $0x7, v3;
	v4 =	vand.u32 $0xFFFFFFF0, v57  }
0x23: {  	v3 =	vor.u32 v3, v4  }
0x24: {  	v4 =	vperm.xlane v3, v0;
	_ =	sdelay $0x1  }
0x25: {  	v3 =	vperm.xlane v3, v2;
	v4 =	vadd.s32 v1, v4;
	_ =	sdelay $0x1  }
0x26: {  	v3 =	vadd.s32 v1, v3;
	_ =	sdelay $0x1  }
0x27: {  	s18 =	simm.s32 $0x1400  }
0x28: {  	[tilespmem:s18], [sflag:$0x1] =	stream.indirect_vreg.gather [hbm4b:s3+s2], $0x80, v4, vm0, $0xb8;
	[tilespmem:$0x10400] =	vst v63  }
0x29: {  	s19 =	simm.s32 $0x1C00  }
0x2a: {  	[tilespmem:s19], [sflag:$0x1] =	stream.indirect_vreg.gather [hbm4b:s3+s2], $0x80, v3, vm0, $0xb8;
	[tilespmem:$0x10400] =	vst v63  }
0x2b: {  	v3 =	vld [tilespmem:$0x20];
	_ =	sdelay $0x4  }
0x2c: {  	v58 =	vshll.u32 v3, $0x1  }
0x2d: {  	v3 =	vand.u32 $0x7, v3;
	v4 =	vand.u32 $0xFFFFFFF0, v58  }
0x2e: {  	v3 =	vor.u32 v3, v4  }
0x2f: {  	v4 =	vperm.xlane v3, v0;
	_ =	sdelay $0x1  }
0x30: {  	v3 =	vperm.xlane v3, v2;
	v4 =	vadd.s32 v1, v4;
	_ =	sdelay $0x1  }
0x31: {  	v3 =	vadd.s32 v1, v3;
	_ =	sdelay $0x1  }
0x32: {  	s20 =	simm.s32 $0x2400  }
0x33: {  	[tilespmem:s20], [sflag:$0x1] =	stream.indirect_vreg.gather [hbm4b:s3+s2], $0x80, v4, vm0, $0xb8;
	[tilespmem:$0x10400] =	vst v63  }
0x34: {  	s21 =	simm.s32 $0x2C00  }
0x35: {  	[tilespmem:s21], [sflag:$0x1] =	stream.indirect_vreg.gather [hbm4b:s3+s2], $0x80, v3, vm0, $0xb8;
	[tilespmem:$0x10400] =	vst v63  }
0x36: {  	v3 =	vld [tilespmem:$0x30];
	_ =	sdelay $0x4  }
0x37: {  	v59 =	vshll.u32 v3, $0x1  }
0x38: {  	v3 =	vand.u32 $0x7, v3;
	v4 =	vand.u32 $0xFFFFFFF0, v59  }
0x39: {  	v3 =	vor.u32 v3, v4  }
0x3a: {  	v4 =	vperm.xlane v3, v0;
	_ =	sdelay $0x1  }
0x3b: {  	v3 =	vperm.xlane v3, v2;
	v4 =	vadd.s32 v1, v4;
	_ =	sdelay $0x1  }
0x3c: {  	v3 =	vadd.s32 v1, v3;
	_ =	sdelay $0x1  }
0x3d: {  	s24 =	simm.s32 $0x3400  }
0x3e: {  	[tilespmem:s24], [sflag:$0x1] =	stream.indirect_vreg.gather [hbm4b:s3+s2], $0x80, v4, vm0, $0xb8;
	[tilespmem:$0x10400] =	vst v63  }
0x3f: {  	s25 =	simm.s32 $0x3C00  }
0x40: {  	[tilespmem:s25], [sflag:$0x1] =	stream.indirect_vreg.gather [hbm4b:s3+s2], $0x80, v3, vm0, $0xb8;
	[tilespmem:$0x10400] =	vst v63  }
0x41: {  	v3 =	vld [tilespmem:$0x40];
	_ =	sdelay $0x4  }
0x42: {  	v60 =	vshll.u32 v3, $0x1  }
0x43: {  	v3 =	vand.u32 $0x7, v3;
	v4 =	vand.u32 $0xFFFFFFF0, v60  }
0x44: {  	v3 =	vor.u32 v3, v4  }
0x45: {  	v4 =	vperm.xlane v3, v0;
	_ =	sdelay $0x1  }
0x46: {  	v3 =	vperm.xlane v3, v2;
	v4 =	vadd.s32 v1, v4;
	_ =	sdelay $0x1  }
0x47: {  	v3 =	vadd.s32 v1, v3;
	_ =	sdelay $0x1  }
0x48: {  	s26 =	simm.s32 $0x4400  }
0x49: {  	[tilespmem:s26], [sflag:$0x1] =	stream.indirect_vreg.gather [hbm4b:s3+s2], $0x80, v4, vm0, $0xb8;
	[tilespmem:$0x10400] =	vst v63  }
0x4a: {  	s28 =	simm.s32 $0x4C00  }
0x4b: {  	[tilespmem:s28], [sflag:$0x1] =	stream.indirect_vreg.gather [hbm4b:s3+s2], $0x80, v3, vm0, $0xb8;
	[tilespmem:$0x10400] =	vst v63  }
0x4c: {  	v3 =	vld [tilespmem:$0x50];
	_ =	sdelay $0x4  }
0x4d: {  	v61 =	vshll.u32 v3, $0x1  }
0x4e: {  	v3 =	vand.u32 $0x7, v3;
	v4 =	vand.u32 $0xFFFFFFF0, v61  }
0x4f: {  	v3 =	vor.u32 v3, v4  }
0x50: {  	v4 =	vperm.xlane v3, v0;
	_ =	sdelay $0x1  }
0x51: {  	v3 =	vperm.xlane v3, v2;
	v4 =	vadd.s32 v1, v4;
	_ =	sdelay $0x1  }
0x52: {  	v3 =	vadd.s32 v1, v3;
	_ =	sdelay $0x1  }
0x53: {  	s30 =	simm.s32 $0x5400  }
0x54: {  	[tilespmem:s30], [sflag:$0x1] =	stream.indirect_vreg.gather [hbm4b:s3+s2], $0x80, v4, vm0, $0xb8;
	[tilespmem:$0x10400] =	vst v63  }
0x55: {  	s31 =	simm.s32 $0x5C00  }
0x56: {  	[tilespmem:s31], [sflag:$0x1] =	stream.indirect_vreg.gather [hbm4b:s3+s2], $0x80, v3, vm0, $0xb8;
	[tilespmem:$0x10400] =	vst v63  }
0x57: {  	v3 =	vld [tilespmem:$0x60];
	_ =	sdelay $0x4  }
0x58: {  	v62 =	vshll.u32 v3, $0x1  }
0x59: {  	v3 =	vand.u32 $0x7, v3;
	v4 =	vand.u32 $0xFFFFFFF0, v62  }
0x5a: {  	v3 =	vor.u32 v3, v4  }
0x5b: {  	v4 =	vperm.xlane v3, v0;
	_ =	sdelay $0x1  }
0x5c: {  	v3 =	vperm.xlane v3, v2;
	v4 =	vadd.s32 v1, v4;
	_ =	sdelay $0x1  }
0x5d: {  	v3 =	vadd.s32 v1, v3;
	_ =	sdelay $0x1  }
0x5e: {  	s1 =	simm.s32 $0x6400  }
0x5f: {  	[tilespmem:s1], [sflag:$0x1] =	stream.indirect_vreg.gather [hbm4b:s3+s2], $0x80, v4, vm0, $0xb8;
	[tilespmem:$0x10400] =	vst v63  }
0x60: {  	s6 =	simm.s32 $0x6C00  }
0x61: {  	[tilespmem:s6], [sflag:$0x1] =	stream.indirect_vreg.gather [hbm4b:s3+s2], $0x80, v3, vm0, $0xb8;
	[tilespmem:$0x10400] =	vst v63  }
0x62: {  	v3 =	vld [tilespmem:$0x70];
	_ =	sdelay $0x4  }
0x63: {  	v63 =	vshll.u32 v3, $0x1  }
0x64: {  	v3 =	vand.u32 $0x7, v3;
	v4 =	vand.u32 $0xFFFFFFF0, v63  }
0x65: {  	v3 =	vor.u32 v3, v4  }
0x66: {  	v4 =	vperm.xlane v3, v0;
	_ =	sdelay $0x1  }
0x67: {  	v3 =	vperm.xlane v3, v2;
	v4 =	vadd.s32 v1, v4;
	_ =	sdelay $0x1  }
0x68: {  	v3 =	vadd.s32 v1, v3;
	_ =	sdelay $0x1  }
0x69: {  	s7 =	simm.s32 $0x7400  }
0x6a: {  	[tilespmem:s7], [sflag:$0x1] =	stream.indirect_vreg.gather [hbm4b:s3+s2], $0x80, v4, vm0, $0xb8;
	[tilespmem:$0x10400] =	vst v63  }
0x6b: {  	s8 =	simm.s32 $0x7C00  }
0x6c: {  	[tilespmem:s8], [sflag:$0x1] =	stream.indirect_vreg.gather [hbm4b:s3+s2], $0x80, v3, vm0, $0xb8;
	[tilespmem:$0x10400] =	vst v63  }
0x6d: {  	_ =	swait.ge [sflag:s22], $0x8000  }
0x6e: {  	[sflag:s22] =	ssyncset.done $0x0  }
0x6f: {  	[sflag:s22] =	ssyncadd.s32 $0xFFFF8000  }
0x70: {  	v3 =	vld [tilespmem:$0x80];
	_ =	sdelay $0x4  }
0x71: {  	v8 =	vshll.u32 v3, $0x1  }
0x72: {  	v3 =	vand.u32 $0x7, v3;
	v4 =	vand.u32 $0xFFFFFFF0, v8  }
0x73: {  	v3 =	vor.u32 v3, v4  }
0x74: {  	v4 =	vperm.xlane v3, v0;
	_ =	sdelay $0x1  }
0x75: {  	v3 =	vperm.xlane v3, v2;
	v4 =	vadd.s32 v1, v4;
	_ =	sdelay $0x1  }
0x76: {  	v3 =	vadd.s32 v1, v3;
	_ =	sdelay $0x2  }
0x77: {  	[tilespmem:s23], [sflag:$0x2] =	stream.indirect_vreg.gather [hbm4b:s3+s2], $0x80, v4, vm0, $0xb8;
	[tilespmem:$0x10400] =	vst v63  }
0x78: {  	s9 =	simm.s32 $0x8C00  }
0x79: {  	[tilespmem:s9], [sflag:$0x2] =	stream.indirect_vreg.gather [hbm4b:s3+s2], $0x80, v3, vm0, $0xb8;
	[tilespmem:$0x10400] =	vst v63  }
0x7a: {  	v3 =	vld [tilespmem:$0x90];
	_ =	sdelay $0x4  }
0x7b: {  	v9 =	vshll.u32 v3, $0x1  }
0x7c: {  	v3 =	vand.u32 $0x7, v3;
	v4 =	vand.u32 $0xFFFFFFF0, v9  }
0x7d: {  	v3 =	vor.u32 v3, v4  }
0x7e: {  	v4 =	vperm.xlane v3, v0;
	_ =	sdelay $0x1  }
0x7f: {  	v3 =	vperm.xlane v3, v2;
	v4 =	vadd.s32 v1, v4;
	_ =	sdelay $0x1  }
0x80: {  	v3 =	vadd.s32 v1, v3;
	_ =	sdelay $0x1  }
0x81: {  	s11 =	simm.s32 $0x9400  }
0x82: {  	[tilespmem:s11], [sflag:$0x2] =	stream.indirect_vreg.gather [hbm4b:s3+s2], $0x80, v4, vm0, $0xb8;
	[tilespmem:$0x10400] =	vst v63  }
0x83: {  	s14 =	simm.s32 $0x9C00  }
0x84: {  	[tilespmem:s14], [sflag:$0x2] =	stream.indirect_vreg.gather [hbm4b:s3+s2], $0x80, v3, vm0, $0xb8;
	[tilespmem:$0x10400] =	vst v63  }
0x85: {  	v3 =	vld [tilespmem:$0xA0];
	_ =	sdelay $0x4  }
0x86: {  	v10 =	vshll.u32 v3, $0x1  }
0x87: {  	v3 =	vand.u32 $0x7, v3;
	v4 =	vand.u32 $0xFFFFFFF0, v10  }
0x88: {  	v3 =	vor.u32 v3, v4  }
0x89: {  	v4 =	vperm.xlane v3, v0;
	_ =	sdelay $0x1  }
0x8a: {  	v3 =	vperm.xlane v3, v2;
	v4 =	vadd.s32 v1, v4;
	_ =	sdelay $0x1  }
0x8b: {  	v3 =	vadd.s32 v1, v3;
	_ =	sdelay $0x1  }
0x8c: {  	s16 =	simm.s32 $0xA400  }
0x8d: {  	[tilespmem:s16], [sflag:$0x2] =	stream.indirect_vreg.gather [hbm4b:s3+s2], $0x80, v4, vm0, $0xb8;
	[tilespmem:$0x10400] =	vst v63  }
0x8e: {  	s26 =	simm.s32 $0xAC00  }
0x8f: {  	[tilespmem:s26], [sflag:$0x2] =	stream.indirect_vreg.gather [hbm4b:s3+s2], $0x80, v3, vm0, $0xb8;
	[tilespmem:$0x10400] =	vst v63  }
0x90: {  	v3 =	vld [tilespmem:$0xB0];
	_ =	sdelay $0x4  }
0x91: {  	v11 =	vshll.u32 v3, $0x1  }
0x92: {  	v3 =	vand.u32 $0x7, v3;
	v4 =	vand.u32 $0xFFFFFFF0, v11  }
0x93: {  	v3 =	vor.u32 v3, v4  }
0x94: {  	v4 =	vperm.xlane v3, v0;
	_ =	sdelay $0x1  }
0x95: {  	v3 =	vperm.xlane v3, v2;
	v4 =	vadd.s32 v1, v4;
	_ =	sdelay $0x1  }
0x96: {  	v3 =	vadd.s32 v1, v3;
	_ =	sdelay $0x1  }
0x97: {  	s28 =	simm.s32 $0xB400  }
0x98: {  	[tilespmem:s28], [sflag:$0x2] =	stream.indirect_vreg.gather [hbm4b:s3+s2], $0x80, v4, vm0, $0xb8;
	[tilespmem:$0x10400] =	vst v63  }
0x99: {  	s6 =	simm.s32 $0xBC00  }
0x9a: {  	[tilespmem:s6], [sflag:$0x2] =	stream.indirect_vreg.gather [hbm4b:s3+s2], $0x80, v3, vm0, $0xb8;
	[tilespmem:$0x10400] =	vst v63  }
0x9b: {  	v3 =	vld [tilespmem:$0xC0];
	_ =	sdelay $0x4  }
0x9c: {  	v12 =	vshll.u32 v3, $0x1  }
0x9d: {  	v3 =	vand.u32 $0x7, v3;
	v4 =	vand.u32 $0xFFFFFFF0, v12  }
0x9e: {  	v3 =	vor.u32 v3, v4  }
0x9f: {  	v4 =	vperm.xlane v3, v0;
	_ =	sdelay $0x1  }
0xa0: {  	v3 =	vperm.xlane v3, v2;
	v4 =	vadd.s32 v1, v4;
	_ =	sdelay $0x1  }
0xa1: {  	v3 =	vadd.s32 v1, v3;
	_ =	sdelay $0x1  }
0xa2: {  	s11 =	simm.s32 $0xC400  }
0xa3: {  	[tilespmem:s11], [sflag:$0x2] =	stream.indirect_vreg.gather [hbm4b:s3+s2], $0x80, v4, vm0, $0xb8;
	[tilespmem:$0x10400] =	vst v63  }
0xa4: {  	s16 =	simm.s32 $0xCC00  }
0xa5: {  	[tilespmem:s16], [sflag:$0x2] =	stream.indirect_vreg.gather [hbm4b:s3+s2], $0x80, v3, vm0, $0xb8;
	[tilespmem:$0x10400] =	vst v63  }
0xa6: {  	v3 =	vld [tilespmem:$0xD0];
	_ =	sdelay $0x4  }
0xa7: {  	v13 =	vshll.u32 v3, $0x1  }
0xa8: {  	v3 =	vand.u32 $0x7, v3;
	v4 =	vand.u32 $0xFFFFFFF0, v13  }
0xa9: {  	v3 =	vor.u32 v3, v4  }
0xaa: {  	v4 =	vperm.xlane v3, v0;
	_ =	sdelay $0x1  }
0xab: {  	v3 =	vperm.xlane v3, v2;
	v4 =	vadd.s32 v1, v4;
	_ =	sdelay $0x1  }
0xac: {  	v3 =	vadd.s32 v1, v3;
	_ =	sdelay $0x1  }
0xad: {  	s26 =	simm.s32 $0xD400  }
0xae: {  	[tilespmem:s26], [sflag:$0x2] =	stream.indirect_vreg.gather [hbm4b:s3+s2], $0x80, v4, vm0, $0xb8;
	[tilespmem:$0x10400] =	vst v63  }
0xaf: {  	s28 =	simm.s32 $0xDC00  }
0xb0: {  	[tilespmem:s28], [sflag:$0x2] =	stream.indirect_vreg.gather [hbm4b:s3+s2], $0x80, v3, vm0, $0xb8;
	[tilespmem:$0x10400] =	vst v63  }
0xb1: {  	v3 =	vld [tilespmem:$0xE0];
	_ =	sdelay $0x4  }
0xb2: {  	v14 =	vshll.u32 v3, $0x1  }
0xb3: {  	v3 =	vand.u32 $0x7, v3;
	v4 =	vand.u32 $0xFFFFFFF0, v14  }
0xb4: {  	v3 =	vor.u32 v3, v4  }
0xb5: {  	v4 =	vperm.xlane v3, v0;
	_ =	sdelay $0x1  }
0xb6: {  	v3 =	vperm.xlane v3, v2;
	v4 =	vadd.s32 v1, v4;
	_ =	sdelay $0x1  }
0xb7: {  	v3 =	vadd.s32 v1, v3;
	_ =	sdelay $0x1  }
0xb8: {  	s0 =	simm.s32 $0xE400  }
0xb9: {  	[tilespmem:s0], [sflag:$0x2] =	stream.indirect_vreg.gather [hbm4b:s3+s2], $0x80, v4, vm0, $0xb8;
	[tilespmem:$0x10400] =	vst v63  }
0xba: {  	s11 =	simm.s32 $0xEC00  }
0xbb: {  	[tilespmem:s11], [sflag:$0x2] =	stream.indirect_vreg.gather [hbm4b:s3+s2], $0x80, v3, vm0, $0xb8;
	[tilespmem:$0x10400] =	vst v63  }
0xbc: {  	v3 =	vld [tilespmem:$0xF0];
	_ =	sdelay $0x4  }
0xbd: {  	v15 =	vshll.u32 v3, $0x1  }
0xbe: {  	v3 =	vand.u32 $0x7, v3;
	v4 =	vand.u32 $0xFFFFFFF0, v15  }
0xbf: {  	v3 =	vor.u32 v3, v4  }
0xc0: {  	v4 =	vperm.xlane v3, v0;
	_ =	sdelay $0x1  }
0xc1: {  	v3 =	vperm.xlane v3, v2;
	v4 =	vadd.s32 v1, v4;
	_ =	sdelay $0x1  }
0xc2: {  	v3 =	vadd.s32 v1, v3;
	_ =	sdelay $0x1  }
0xc3: {  	s16 =	simm.s32 $0xF400  }
0xc4: {  	[tilespmem:s16], [sflag:$0x2] =	stream.indirect_vreg.gather [hbm4b:s3+s2], $0x80, v4, vm0, $0xb8;
	[tilespmem:$0x10400] =	vst v63  }
0xc5: {  	s28 =	simm.s32 $0xFC00  }
0xc6: {  	[tilespmem:s28], [sflag:$0x2] =	stream.indirect_vreg.gather [hbm4b:s3+s2], $0x80, v3, vm0, $0xb8;
	[tilespmem:$0x10400] =	vst v63  }
0xc7: {  	s26 =	rddreg [dreg:$0x3]  }
0xc8: {  	[hbm4b:s26+s2] =	stream.linear.scatter [tilespmem:s29], [sflag:$0x3], $0x8000, $0x38;
	[tilespmem:$0x10400] =	vst v63  }
0xc9: {  	_ =	swait.ge [sflag:s5], $0x8000  }
0xca: {  	[sflag:s5] =	ssyncset.done $0x0  }
0xcb: {  	[sflag:s5] =	ssyncadd.s32 $0xFFFF8000  }
0xcc: {  	_ =	swait.ge [sflag:s13], $0x8000  }
0xcd: {  	[sflag:s13] =	ssyncset.done $0x0  }
0xce: {  	[sflag:s13] =	ssyncadd.s32 $0xFFFF8000  }
0xcf: {  	v3 =	vld [tilespmem:$0x100];
	_ =	sdelay $0x4  }
0xd0: {  	v16 =	vshll.u32 v3, $0x1  }
0xd1: {  	v3 =	vand.u32 $0x7, v3;
	v4 =	vand.u32 $0xFFFFFFF0, v16  }
0xd2: {  	v3 =	vor.u32 v3, v4  }
0xd3: {  	v4 =	vperm.xlane v3, v0;
	_ =	sdelay $0x1  }
0xd4: {  	v3 =	vperm.xlane v3, v2;
	v4 =	vadd.s32 v1, v4;
	_ =	sdelay $0x1  }
0xd5: {  	v3 =	vadd.s32 v1, v3;
	_ =	sdelay $0x2  }
0xd6: {  	[tilespmem:s29], [sflag:$0x1] =	stream.indirect_vreg.gather [hbm4b:s3+s2], $0x80, v4, vm0, $0xb8;
	[tilespmem:$0x10400] =	vst v63  }
0xd7: {  	s15 =	simm.s32 $0xC00  }
0xd8: {  	[tilespmem:s15], [sflag:$0x1] =	stream.indirect_vreg.gather [hbm4b:s3+s2], $0x80, v3, vm0, $0xb8;
	[tilespmem:$0x10400] =	vst v63  }
0xd9: {  	v3 =	vld [tilespmem:$0x110];
	_ =	sdelay $0x4  }
0xda: {  	v17 =	vshll.u32 v3, $0x1  }
0xdb: {  	v3 =	vand.u32 $0x7, v3;
	v4 =	vand.u32 $0xFFFFFFF0, v17  }
0xdc: {  	v3 =	vor.u32 v3, v4  }
0xdd: {  	v4 =	vperm.xlane v3, v0;
	_ =	sdelay $0x1  }
0xde: {  	v3 =	vperm.xlane v3, v2;
	v4 =	vadd.s32 v1, v4;
	_ =	sdelay $0x1  }
0xdf: {  	v3 =	vadd.s32 v1, v3;
	_ =	sdelay $0x1  }
0xe0: {  	s12 =	simm.s32 $0x1400  }
0xe1: {  	[tilespmem:s12], [sflag:$0x1] =	stream.indirect_vreg.gather [hbm4b:s3+s2], $0x80, v4, vm0, $0xb8;
	[tilespmem:$0x10400] =	vst v63  }
0xe2: {  	s17 =	simm.s32 $0x1C00  }
0xe3: {  	[tilespmem:s17], [sflag:$0x1] =	stream.indirect_vreg.gather [hbm4b:s3+s2], $0x80, v3, vm0, $0xb8;
	[tilespmem:$0x10400] =	vst v63  }
0xe4: {  	v3 =	vld [tilespmem:$0x120];
	_ =	sdelay $0x4  }
0xe5: {  	v18 =	vshll.u32 v3, $0x1  }
0xe6: {  	v3 =	vand.u32 $0x7, v3;
	v4 =	vand.u32 $0xFFFFFFF0, v18  }
0xe7: {  	v3 =	vor.u32 v3, v4  }
0xe8: {  	v4 =	vperm.xlane v3, v0;
	_ =	sdelay $0x1  }
0xe9: {  	v3 =	vperm.xlane v3, v2;
	v4 =	vadd.s32 v1, v4;
	_ =	sdelay $0x1  }
0xea: {  	v3 =	vadd.s32 v1, v3;
	_ =	sdelay $0x1  }
0xeb: {  	s18 =	simm.s32 $0x2400  }
0xec: {  	[tilespmem:s18], [sflag:$0x1] =	stream.indirect_vreg.gather [hbm4b:s3+s2], $0x80, v4, vm0, $0xb8;
	[tilespmem:$0x10400] =	vst v63  }
0xed: {  	s19 =	simm.s32 $0x2C00  }
0xee: {  	[tilespmem:s19], [sflag:$0x1] =	stream.indirect_vreg.gather [hbm4b:s3+s2], $0x80, v3, vm0, $0xb8;
	[tilespmem:$0x10400] =	vst v63  }
0xef: {  	v3 =	vld [tilespmem:$0x130];
	_ =	sdelay $0x4  }
0xf0: {  	v19 =	vshll.u32 v3, $0x1  }
0xf1: {  	v3 =	vand.u32 $0x7, v3;
	v4 =	vand.u32 $0xFFFFFFF0, v19  }
0xf2: {  	v3 =	vor.u32 v3, v4  }
0xf3: {  	v4 =	vperm.xlane v3, v0;
	_ =	sdelay $0x1  }
0xf4: {  	v3 =	vperm.xlane v3, v2;
	v4 =	vadd.s32 v1, v4;
	_ =	sdelay $0x1  }
0xf5: {  	v3 =	vadd.s32 v1, v3;
	_ =	sdelay $0x1  }
0xf6: {  	s20 =	simm.s32 $0x3400  }
0xf7: {  	[tilespmem:s20], [sflag:$0x1] =	stream.indirect_vreg.gather [hbm4b:s3+s2], $0x80, v4, vm0, $0xb8;
	[tilespmem:$0x10400] =	vst v63  }
0xf8: {  	s21 =	simm.s32 $0x3C00  }
0xf9: {  	[tilespmem:s21], [sflag:$0x1] =	stream.indirect_vreg.gather [hbm4b:s3+s2], $0x80, v3, vm0, $0xb8;
	[tilespmem:$0x10400] =	vst v63  }
0xfa: {  	v3 =	vld [tilespmem:$0x140];
	_ =	sdelay $0x4  }
0xfb: {  	v20 =	vshll.u32 v3, $0x1  }
0xfc: {  	v3 =	vand.u32 $0x7, v3;
	v4 =	vand.u32 $0xFFFFFFF0, v20  }
0xfd: {  	v3 =	vor.u32 v3, v4  }
0xfe: {  	v4 =	vperm.xlane v3, v0;
	_ =	sdelay $0x1  }
0xff: {  	v3 =	vperm.xlane v3, v2;
	v4 =	vadd.s32 v1, v4;
	_ =	sdelay $0x1  }
0x100: {  	v3 =	vadd.s32 v1, v3;
	_ =	sdelay $0x1  }
0x101: {  	s24 =	simm.s32 $0x4400  }
0x102: {  	[tilespmem:s24], [sflag:$0x1] =	stream.indirect_vreg.gather [hbm4b:s3+s2], $0x80, v4, vm0, $0xb8;
	[tilespmem:$0x10400] =	vst v63  }
0x103: {  	s25 =	simm.s32 $0x4C00  }
0x104: {  	[tilespmem:s25], [sflag:$0x1] =	stream.indirect_vreg.gather [hbm4b:s3+s2], $0x80, v3, vm0, $0xb8;
	[tilespmem:$0x10400] =	vst v63  }
0x105: {  	v3 =	vld [tilespmem:$0x150];
	_ =	sdelay $0x4  }
0x106: {  	v21 =	vshll.u32 v3, $0x1  }
0x107: {  	v3 =	vand.u32 $0x7, v3;
	v4 =	vand.u32 $0xFFFFFFF0, v21  }
0x108: {  	v3 =	vor.u32 v3, v4  }
0x109: {  	v4 =	vperm.xlane v3, v0;
	_ =	sdelay $0x1  }
0x10a: {  	v3 =	vperm.xlane v3, v2;
	v4 =	vadd.s32 v1, v4;
	_ =	sdelay $0x1  }
0x10b: {  	v3 =	vadd.s32 v1, v3;
	_ =	sdelay $0x1  }
0x10c: {  	s11 =	simm.s32 $0x5400  }
0x10d: {  	[tilespmem:s11], [sflag:$0x1] =	stream.indirect_vreg.gather [hbm4b:s3+s2], $0x80, v4, vm0, $0xb8;
	[tilespmem:$0x10400] =	vst v63  }
0x10e: {  	s16 =	simm.s32 $0x5C00  }
0x10f: {  	[tilespmem:s16], [sflag:$0x1] =	stream.indirect_vreg.gather [hbm4b:s3+s2], $0x80, v3, vm0, $0xb8;
	[tilespmem:$0x10400] =	vst v63  }
0x110: {  	v3 =	vld [tilespmem:$0x160];
	_ =	sdelay $0x4  }
0x111: {  	v22 =	vshll.u32 v3, $0x1  }
0x112: {  	v3 =	vand.u32 $0x7, v3;
	v4 =	vand.u32 $0xFFFFFFF0, v22  }
0x113: {  	v3 =	vor.u32 v3, v4  }
0x114: {  	v4 =	vperm.xlane v3, v0;
	_ =	sdelay $0x1  }
0x115: {  	v3 =	vperm.xlane v3, v2;
	v4 =	vadd.s32 v1, v4;
	_ =	sdelay $0x1  }
0x116: {  	v3 =	vadd.s32 v1, v3;
	_ =	sdelay $0x1  }
0x117: {  	s17 =	simm.s32 $0x6400  }
0x118: {  	[tilespmem:s17], [sflag:$0x1] =	stream.indirect_vreg.gather [hbm4b:s3+s2], $0x80, v4, vm0, $0xb8;
	[tilespmem:$0x10400] =	vst v63  }
0x119: {  	s31 =	simm.s32 $0x6C00  }
0x11a: {  	[tilespmem:s31], [sflag:$0x1] =	stream.indirect_vreg.gather [hbm4b:s3+s2], $0x80, v3, vm0, $0xb8;
	[tilespmem:$0x10400] =	vst v63  }
0x11b: {  	v3 =	vld [tilespmem:$0x170];
	_ =	sdelay $0x4  }
0x11c: {  	v23 =	vshll.u32 v3, $0x1  }
0x11d: {  	v3 =	vand.u32 $0x7, v3;
	v4 =	vand.u32 $0xFFFFFFF0, v23  }
0x11e: {  	v3 =	vor.u32 v3, v4  }
0x11f: {  	v4 =	vperm.xlane v3, v0;
	_ =	sdelay $0x1  }
0x120: {  	v3 =	vperm.xlane v3, v2;
	v4 =	vadd.s32 v1, v4;
	_ =	sdelay $0x1  }
0x121: {  	v3 =	vadd.s32 v1, v3;
	_ =	sdelay $0x1  }
0x122: {  	s30 =	simm.s32 $0x7400  }
0x123: {  	[tilespmem:s30], [sflag:$0x1] =	stream.indirect_vreg.gather [hbm4b:s3+s2], $0x80, v4, vm0, $0xb8;
	[tilespmem:$0x10400] =	vst v63  }
0x124: {  	s10 =	simm.s32 $0x7C00  }
0x125: {  	[tilespmem:s10], [sflag:$0x1] =	stream.indirect_vreg.gather [hbm4b:s3+s2], $0x80, v3, vm0, $0xb8;
	[tilespmem:$0x10400] =	vst v63  }
0x126: {  	s30 =	rddreg [dreg:$0x4]  }
0x127: {  	[hbm4b:s30+s2] =	stream.linear.scatter [tilespmem:s23], [sflag:$0x3], $0x8000, $0x38;
	[tilespmem:$0x10400] =	vst v63  }
0x128: {  	_ =	swait.ge [sflag:s5], $0x8000  }
0x129: {  	[sflag:s5] =	ssyncset.done $0x0  }
0x12a: {  	[sflag:s5] =	ssyncadd.s32 $0xFFFF8000  }
0x12b: {  	_ =	swait.ge [sflag:s22], $0x8000  }
0x12c: {  	[sflag:s22] =	ssyncset.done $0x0  }
0x12d: {  	[sflag:s22] =	ssyncadd.s32 $0xFFFF8000  }
0x12e: {  	v3 =	vld [tilespmem:$0x180];
	_ =	sdelay $0x4  }
0x12f: {  	v24 =	vshll.u32 v3, $0x1  }
0x130: {  	v3 =	vand.u32 $0x7, v3;
	v4 =	vand.u32 $0xFFFFFFF0, v24  }
0x131: {  	v3 =	vor.u32 v3, v4  }
0x132: {  	v4 =	vperm.xlane v3, v0;
	_ =	sdelay $0x1  }
0x133: {  	v3 =	vperm.xlane v3, v2;
	v4 =	vadd.s32 v1, v4;
	_ =	sdelay $0x1  }
0x134: {  	v3 =	vadd.s32 v1, v3;
	_ =	sdelay $0x2  }
0x135: {  	[tilespmem:s23], [sflag:$0x2] =	stream.indirect_vreg.gather [hbm4b:s3+s2], $0x80, v4, vm0, $0xb8;
	[tilespmem:$0x10400] =	vst v63  }
0x136: {  	s9 =	simm.s32 $0x8C00  }
0x137: {  	[tilespmem:s9], [sflag:$0x2] =	stream.indirect_vreg.gather [hbm4b:s3+s2], $0x80, v3, vm0, $0xb8;
	[tilespmem:$0x10400] =	vst v63  }
0x138: {  	v3 =	vld [tilespmem:$0x190];
	_ =	sdelay $0x4  }
0x139: {  	v25 =	vshll.u32 v3, $0x1  }
0x13a: {  	v3 =	vand.u32 $0x7, v3;
	v4 =	vand.u32 $0xFFFFFFF0, v25  }
0x13b: {  	v3 =	vor.u32 v3, v4  }
0x13c: {  	v4 =	vperm.xlane v3, v0;
	_ =	sdelay $0x1  }
0x13d: {  	v3 =	vperm.xlane v3, v2;
	v4 =	vadd.s32 v1, v4;
	_ =	sdelay $0x1  }
0x13e: {  	v3 =	vadd.s32 v1, v3;
	_ =	sdelay $0x1  }
0x13f: {  	s1 =	simm.s32 $0x9400  }
0x140: {  	[tilespmem:s1], [sflag:$0x2] =	stream.indirect_vreg.gather [hbm4b:s3+s2], $0x80, v4, vm0, $0xb8;
	[tilespmem:$0x10400] =	vst v63  }
0x141: {  	s10 =	simm.s32 $0x9C00  }
0x142: {  	[tilespmem:s10], [sflag:$0x2] =	stream.indirect_vreg.gather [hbm4b:s3+s2], $0x80, v3, vm0, $0xb8;
	[tilespmem:$0x10400] =	vst v63  }
0x143: {  	v3 =	vld [tilespmem:$0x1A0];
	_ =	sdelay $0x4  }
0x144: {  	v26 =	vshll.u32 v3, $0x1  }
0x145: {  	v3 =	vand.u32 $0x7, v3;
	v4 =	vand.u32 $0xFFFFFFF0, v26  }
0x146: {  	v3 =	vor.u32 v3, v4  }
0x147: {  	v4 =	vperm.xlane v3, v0;
	_ =	sdelay $0x1  }
0x148: {  	v3 =	vperm.xlane v3, v2;
	v4 =	vadd.s32 v1, v4;
	_ =	sdelay $0x1  }
0x149: {  	v3 =	vadd.s32 v1, v3;
	_ =	sdelay $0x1  }
0x14a: {  	s7 =	simm.s32 $0xA400  }
0x14b: {  	[tilespmem:s7], [sflag:$0x2] =	stream.indirect_vreg.gather [hbm4b:s3+s2], $0x80, v4, vm0, $0xb8;
	[tilespmem:$0x10400] =	vst v63  }
0x14c: {  	s12 =	simm.s32 $0xAC00  }
0x14d: {  	[tilespmem:s12], [sflag:$0x2] =	stream.indirect_vreg.gather [hbm4b:s3+s2], $0x80, v3, vm0, $0xb8;
	[tilespmem:$0x10400] =	vst v63  }
0x14e: {  	v3 =	vld [tilespmem:$0x1B0];
	_ =	sdelay $0x4  }
0x14f: {  	v27 =	vshll.u32 v3, $0x1  }
0x150: {  	v3 =	vand.u32 $0x7, v3;
	v4 =	vand.u32 $0xFFFFFFF0, v27  }
0x151: {  	v3 =	vor.u32 v3, v4  }
0x152: {  	v4 =	vperm.xlane v3, v0;
	_ =	sdelay $0x1  }
0x153: {  	v3 =	vperm.xlane v3, v2;
	v4 =	vadd.s32 v1, v4;
	_ =	sdelay $0x1  }
0x154: {  	v3 =	vadd.s32 v1, v3;
	_ =	sdelay $0x1  }
0x155: {  	s8 =	simm.s32 $0xB400  }
0x156: {  	[tilespmem:s8], [sflag:$0x2] =	stream.indirect_vreg.gather [hbm4b:s3+s2], $0x80, v4, vm0, $0xb8;
	[tilespmem:$0x10400] =	vst v63  }
0x157: {  	s15 =	simm.s32 $0xBC00  }
0x158: {  	[tilespmem:s15], [sflag:$0x2] =	stream.indirect_vreg.gather [hbm4b:s3+s2], $0x80, v3, vm0, $0xb8;
	[tilespmem:$0x10400] =	vst v63  }
0x159: {  	v3 =	vld [tilespmem:$0x1C0];
	_ =	sdelay $0x4  }
0x15a: {  	v28 =	vshll.u32 v3, $0x1  }
0x15b: {  	v3 =	vand.u32 $0x7, v3;
	v4 =	vand.u32 $0xFFFFFFF0, v28  }
0x15c: {  	v3 =	vor.u32 v3, v4  }
0x15d: {  	v4 =	vperm.xlane v3, v0;
	_ =	sdelay $0x1  }
0x15e: {  	v3 =	vperm.xlane v3, v2;
	v4 =	vadd.s32 v1, v4;
	_ =	sdelay $0x1  }
0x15f: {  	v3 =	vadd.s32 v1, v3;
	_ =	sdelay $0x1  }
0x160: {  	s0 =	simm.s32 $0xC400  }
0x161: {  	[tilespmem:s0], [sflag:$0x2] =	stream.indirect_vreg.gather [hbm4b:s3+s2], $0x80, v4, vm0, $0xb8;
	[tilespmem:$0x10400] =	vst v63  }
0x162: {  	s6 =	simm.s32 $0xCC00  }
0x163: {  	[tilespmem:s6], [sflag:$0x2] =	stream.indirect_vreg.gather [hbm4b:s3+s2], $0x80, v3, vm0, $0xb8;
	[tilespmem:$0x10400] =	vst v63  }
0x164: {  	v3 =	vld [tilespmem:$0x1D0];
	_ =	sdelay $0x4  }
0x165: {  	v29 =	vshll.u32 v3, $0x1  }
0x166: {  	v3 =	vand.u32 $0x7, v3;
	v4 =	vand.u32 $0xFFFFFFF0, v29  }
0x167: {  	v3 =	vor.u32 v3, v4  }
0x168: {  	v4 =	vperm.xlane v3, v0;
	_ =	sdelay $0x1  }
0x169: {  	v3 =	vperm.xlane v3, v2;
	v4 =	vadd.s32 v1, v4;
	_ =	sdelay $0x1  }
0x16a: {  	v3 =	vadd.s32 v1, v3;
	_ =	sdelay $0x1  }
0x16b: {  	s1 =	simm.s32 $0xD400  }
0x16c: {  	[tilespmem:s1], [sflag:$0x2] =	stream.indirect_vreg.gather [hbm4b:s3+s2], $0x80, v4, vm0, $0xb8;
	[tilespmem:$0x10400] =	vst v63  }
0x16d: {  	s7 =	simm.s32 $0xDC00  }
0x16e: {  	[tilespmem:s7], [sflag:$0x2] =	stream.indirect_vreg.gather [hbm4b:s3+s2], $0x80, v3, vm0, $0xb8;
	[tilespmem:$0x10400] =	vst v63  }
0x16f: {  	v3 =	vld [tilespmem:$0x1E0];
	_ =	sdelay $0x4  }
0x170: {  	v30 =	vshll.u32 v3, $0x1  }
0x171: {  	v3 =	vand.u32 $0x7, v3;
	v4 =	vand.u32 $0xFFFFFFF0, v30  }
0x172: {  	v3 =	vor.u32 v3, v4  }
0x173: {  	v4 =	vperm.xlane v3, v0;
	_ =	sdelay $0x1  }
0x174: {  	v3 =	vperm.xlane v3, v2;
	v4 =	vadd.s32 v1, v4;
	_ =	sdelay $0x1  }
0x175: {  	v3 =	vadd.s32 v1, v3;
	_ =	sdelay $0x1  }
0x176: {  	s6 =	simm.s32 $0xE400  }
0x177: {  	[tilespmem:s6], [sflag:$0x2] =	stream.indirect_vreg.gather [hbm4b:s3+s2], $0x80, v4, vm0, $0xb8;
	[tilespmem:$0x10400] =	vst v63  }
0x178: {  	s8 =	simm.s32 $0xEC00  }
0x179: {  	[tilespmem:s8], [sflag:$0x2] =	stream.indirect_vreg.gather [hbm4b:s3+s2], $0x80, v3, vm0, $0xb8;
	[tilespmem:$0x10400] =	vst v63  }
0x17a: {  	v3 =	vld [tilespmem:$0x1F0];
	_ =	sdelay $0x4  }
0x17b: {  	v31 =	vshll.u32 v3, $0x1  }
0x17c: {  	v3 =	vand.u32 $0x7, v3;
	v4 =	vand.u32 $0xFFFFFFF0, v31  }
0x17d: {  	v3 =	vor.u32 v3, v4  }
0x17e: {  	v4 =	vperm.xlane v3, v0;
	_ =	sdelay $0x1  }
0x17f: {  	v3 =	vperm.xlane v3, v2;
	v4 =	vadd.s32 v1, v4;
	_ =	sdelay $0x1  }
0x180: {  	v3 =	vadd.s32 v1, v3;
	_ =	sdelay $0x1  }
0x181: {  	s9 =	simm.s32 $0xF400  }
0x182: {  	[tilespmem:s9], [sflag:$0x2] =	stream.indirect_vreg.gather [hbm4b:s3+s2], $0x80, v4, vm0, $0xb8;
	[tilespmem:$0x10400] =	vst v63  }
0x183: {  	s28 =	simm.s32 $0xFC00  }
0x184: {  	[tilespmem:s28], [sflag:$0x2] =	stream.indirect_vreg.gather [hbm4b:s3+s2], $0x80, v3, vm0, $0xb8;
	[tilespmem:$0x10400] =	vst v63  }
0x185: {  	s31 =	rddreg [dreg:$0x5]  }
0x186: {  	[hbm4b:s31+s2] =	stream.linear.scatter [tilespmem:s29], [sflag:$0x3], $0x8000, $0x38;
	[tilespmem:$0x10400] =	vst v63  }
0x187: {  	_ =	swait.ge [sflag:s5], $0x8000  }
0x188: {  	[sflag:s5] =	ssyncset.done $0x0  }
0x189: {  	[sflag:s5] =	ssyncadd.s32 $0xFFFF8000  }
0x18a: {  	_ =	swait.ge [sflag:s13], $0x8000  }
0x18b: {  	[sflag:s13] =	ssyncset.done $0x0  }
0x18c: {  	[sflag:s13] =	ssyncadd.s32 $0xFFFF8000  }
0x18d: {  	v3 =	vld [tilespmem:$0x200];
	_ =	sdelay $0x4  }
0x18e: {  	v32 =	vshll.u32 v3, $0x1  }
0x18f: {  	v3 =	vand.u32 $0x7, v3;
	v4 =	vand.u32 $0xFFFFFFF0, v32  }
0x190: {  	v3 =	vor.u32 v3, v4  }
0x191: {  	v4 =	vperm.xlane v3, v0;
	_ =	sdelay $0x1  }
0x192: {  	v3 =	vperm.xlane v3, v2;
	v4 =	vadd.s32 v1, v4;
	_ =	sdelay $0x1  }
0x193: {  	v3 =	vadd.s32 v1, v3;
	_ =	sdelay $0x2  }
0x194: {  	[tilespmem:s29], [sflag:$0x1] =	stream.indirect_vreg.gather [hbm4b:s3+s2], $0x80, v4, vm0, $0xb8;
	[tilespmem:$0x10400] =	vst v63  }
0x195: {  	s28 =	simm.s32 $0xC00  }
0x196: {  	[tilespmem:s28], [sflag:$0x1] =	stream.indirect_vreg.gather [hbm4b:s3+s2], $0x80, v3, vm0, $0xb8;
	[tilespmem:$0x10400] =	vst v63  }
0x197: {  	v3 =	vld [tilespmem:$0x210];
	_ =	sdelay $0x4  }
0x198: {  	v33 =	vshll.u32 v3, $0x1  }
0x199: {  	v3 =	vand.u32 $0x7, v3;
	v4 =	vand.u32 $0xFFFFFFF0, v33  }
0x19a: {  	v3 =	vor.u32 v3, v4  }
0x19b: {  	v4 =	vperm.xlane v3, v0;
	_ =	sdelay $0x1  }
0x19c: {  	v3 =	vperm.xlane v3, v2;
	v4 =	vadd.s32 v1, v4;
	_ =	sdelay $0x1  }
0x19d: {  	v3 =	vadd.s32 v1, v3;
	_ =	sdelay $0x1  }
0x19e: {  	s26 =	simm.s32 $0x1400  }
0x19f: {  	[tilespmem:s26], [sflag:$0x1] =	stream.indirect_vreg.gather [hbm4b:s3+s2], $0x80, v4, vm0, $0xb8;
	[tilespmem:$0x10400] =	vst v63  }
0x1a0: {  	s31 =	simm.s32 $0x1C00  }
0x1a1: {  	[tilespmem:s31], [sflag:$0x1] =	stream.indirect_vreg.gather [hbm4b:s3+s2], $0x80, v3, vm0, $0xb8;
	[tilespmem:$0x10400] =	vst v63  }
0x1a2: {  	v3 =	vld [tilespmem:$0x220];
	_ =	sdelay $0x4  }
0x1a3: {  	v34 =	vshll.u32 v3, $0x1  }
0x1a4: {  	v3 =	vand.u32 $0x7, v3;
	v4 =	vand.u32 $0xFFFFFFF0, v34  }
0x1a5: {  	v3 =	vor.u32 v3, v4  }
0x1a6: {  	v4 =	vperm.xlane v3, v0;
	_ =	sdelay $0x1  }
0x1a7: {  	v3 =	vperm.xlane v3, v2;
	v4 =	vadd.s32 v1, v4;
	_ =	sdelay $0x1  }
0x1a8: {  	v3 =	vadd.s32 v1, v3;
	_ =	sdelay $0x1  }
0x1a9: {  	s28 =	simm.s32 $0x2400  }
0x1aa: {  	[tilespmem:s28], [sflag:$0x1] =	stream.indirect_vreg.gather [hbm4b:s3+s2], $0x80, v4, vm0, $0xb8;
	[tilespmem:$0x10400] =	vst v63  }
0x1ab: {  	s31 =	simm.s32 $0x2C00  }
0x1ac: {  	[tilespmem:s31], [sflag:$0x1] =	stream.indirect_vreg.gather [hbm4b:s3+s2], $0x80, v3, vm0, $0xb8;
	[tilespmem:$0x10400] =	vst v63  }
0x1ad: {  	v3 =	vld [tilespmem:$0x230];
	_ =	sdelay $0x4  }
0x1ae: {  	v35 =	vshll.u32 v3, $0x1  }
0x1af: {  	v3 =	vand.u32 $0x7, v3;
	v4 =	vand.u32 $0xFFFFFFF0, v35  }
0x1b0: {  	v3 =	vor.u32 v3, v4  }
0x1b1: {  	v4 =	vperm.xlane v3, v0;
	_ =	sdelay $0x1  }
0x1b2: {  	v3 =	vperm.xlane v3, v2;
	v4 =	vadd.s32 v1, v4;
	_ =	sdelay $0x1  }
0x1b3: {  	v3 =	vadd.s32 v1, v3;
	_ =	sdelay $0x1  }
0x1b4: {  	s28 =	simm.s32 $0x3400  }
0x1b5: {  	[tilespmem:s28], [sflag:$0x1] =	stream.indirect_vreg.gather [hbm4b:s3+s2], $0x80, v4, vm0, $0xb8;
	[tilespmem:$0x10400] =	vst v63  }
0x1b6: {  	s31 =	simm.s32 $0x3C00  }
0x1b7: {  	[tilespmem:s31], [sflag:$0x1] =	stream.indirect_vreg.gather [hbm4b:s3+s2], $0x80, v3, vm0, $0xb8;
	[tilespmem:$0x10400] =	vst v63  }
0x1b8: {  	v3 =	vld [tilespmem:$0x240];
	_ =	sdelay $0x4  }
0x1b9: {  	v36 =	vshll.u32 v3, $0x1  }
0x1ba: {  	v3 =	vand.u32 $0x7, v3;
	v4 =	vand.u32 $0xFFFFFFF0, v36  }
0x1bb: {  	v3 =	vor.u32 v3, v4  }
0x1bc: {  	v4 =	vperm.xlane v3, v0;
	_ =	sdelay $0x1  }
0x1bd: {  	v3 =	vperm.xlane v3, v2;
	v4 =	vadd.s32 v1, v4;
	_ =	sdelay $0x1  }
0x1be: {  	v3 =	vadd.s32 v1, v3;
	_ =	sdelay $0x1  }
0x1bf: {  	s28 =	simm.s32 $0x4400  }
0x1c0: {  	[tilespmem:s28], [sflag:$0x1] =	stream.indirect_vreg.gather [hbm4b:s3+s2], $0x80, v4, vm0, $0xb8;
	[tilespmem:$0x10400] =	vst v63  }
0x1c1: {  	s31 =	simm.s32 $0x4C00  }
0x1c2: {  	[tilespmem:s31], [sflag:$0x1] =	stream.indirect_vreg.gather [hbm4b:s3+s2], $0x80, v3, vm0, $0xb8;
	[tilespmem:$0x10400] =	vst v63  }
0x1c3: {  	v3 =	vld [tilespmem:$0x250];
	_ =	sdelay $0x4  }
0x1c4: {  	v37 =	vshll.u32 v3, $0x1  }
0x1c5: {  	v3 =	vand.u32 $0x7, v3;
	v4 =	vand.u32 $0xFFFFFFF0, v37  }
0x1c6: {  	v3 =	vor.u32 v3, v4  }
0x1c7: {  	v4 =	vperm.xlane v3, v0;
	_ =	sdelay $0x1  }
0x1c8: {  	v3 =	vperm.xlane v3, v2;
	v4 =	vadd.s32 v1, v4;
	_ =	sdelay $0x1  }
0x1c9: {  	v3 =	vadd.s32 v1, v3;
	_ =	sdelay $0x2  }
0x1ca: {  	[tilespmem:s11], [sflag:$0x1] =	stream.indirect_vreg.gather [hbm4b:s3+s2], $0x80, v4, vm0, $0xb8;
	[tilespmem:$0x10400] =	vst v63  }
0x1cb: {  	_ = 	snop  }
0x1cc: {  	[tilespmem:s16], [sflag:$0x1] =	stream.indirect_vreg.gather [hbm4b:s3+s2], $0x80, v3, vm0, $0xb8;
	[tilespmem:$0x10400] =	vst v63  }
0x1cd: {  	v3 =	vld [tilespmem:$0x260];
	_ =	sdelay $0x4  }
0x1ce: {  	v38 =	vshll.u32 v3, $0x1  }
0x1cf: {  	v3 =	vand.u32 $0x7, v3;
	v4 =	vand.u32 $0xFFFFFFF0, v38  }
0x1d0: {  	v3 =	vor.u32 v3, v4  }
0x1d1: {  	v4 =	vperm.xlane v3, v0;
	_ =	sdelay $0x1  }
0x1d2: {  	v3 =	vperm.xlane v3, v2;
	v4 =	vadd.s32 v1, v4;
	_ =	sdelay $0x1  }
0x1d3: {  	v3 =	vadd.s32 v1, v3;
	_ =	sdelay $0x2  }
0x1d4: {  	[tilespmem:s17], [sflag:$0x1] =	stream.indirect_vreg.gather [hbm4b:s3+s2], $0x80, v4, vm0, $0xb8;
	[tilespmem:$0x10400] =	vst v63  }
0x1d5: {  	s17 =	simm.s32 $0x6C00  }
0x1d6: {  	[tilespmem:s17], [sflag:$0x1] =	stream.indirect_vreg.gather [hbm4b:s3+s2], $0x80, v3, vm0, $0xb8;
	[tilespmem:$0x10400] =	vst v63  }
0x1d7: {  	v3 =	vld [tilespmem:$0x270];
	_ =	sdelay $0x4  }
0x1d8: {  	v39 =	vshll.u32 v3, $0x1  }
0x1d9: {  	v3 =	vand.u32 $0x7, v3;
	v4 =	vand.u32 $0xFFFFFFF0, v39  }
0x1da: {  	v3 =	vor.u32 v3, v4  }
0x1db: {  	v4 =	vperm.xlane v3, v0;
	_ =	sdelay $0x1  }
0x1dc: {  	v3 =	vperm.xlane v3, v2;
	v4 =	vadd.s32 v1, v4;
	_ =	sdelay $0x1  }
0x1dd: {  	v3 =	vadd.s32 v1, v3;
	_ =	sdelay $0x1  }
0x1de: {  	s14 =	simm.s32 $0x7400  }
0x1df: {  	[tilespmem:s14], [sflag:$0x1] =	stream.indirect_vreg.gather [hbm4b:s3+s2], $0x80, v4, vm0, $0xb8;
	[tilespmem:$0x10400] =	vst v63  }
0x1e0: {  	s25 =	simm.s32 $0x7C00  }
0x1e1: {  	[tilespmem:s25], [sflag:$0x1] =	stream.indirect_vreg.gather [hbm4b:s3+s2], $0x80, v3, vm0, $0xb8;
	[tilespmem:$0x10400] =	vst v63  }
0x1e2: {  	s17 =	rddreg [dreg:$0x6]  }
0x1e3: {  	[hbm4b:s17+s2] =	stream.linear.scatter [tilespmem:s23], [sflag:$0x3], $0x8000, $0x38;
	[tilespmem:$0x10400] =	vst v63  }
0x1e4: {  	_ =	swait.ge [sflag:s5], $0x8000  }
0x1e5: {  	[sflag:s5] =	ssyncset.done $0x0  }
0x1e6: {  	[sflag:s5] =	ssyncadd.s32 $0xFFFF8000  }
0x1e7: {  	_ =	swait.ge [sflag:s22], $0x8000  }
0x1e8: {  	[sflag:s22] =	ssyncset.done $0x0  }
0x1e9: {  	[sflag:s22] =	ssyncadd.s32 $0xFFFF8000  }
0x1ea: {  	v3 =	vld [tilespmem:$0x280];
	_ =	sdelay $0x4  }
0x1eb: {  	v40 =	vshll.u32 v3, $0x1  }
0x1ec: {  	v3 =	vand.u32 $0x7, v3;
	v4 =	vand.u32 $0xFFFFFFF0, v40  }
0x1ed: {  	v3 =	vor.u32 v3, v4  }
0x1ee: {  	v4 =	vperm.xlane v3, v0;
	_ =	sdelay $0x1  }
0x1ef: {  	v3 =	vperm.xlane v3, v2;
	v4 =	vadd.s32 v1, v4;
	_ =	sdelay $0x1  }
0x1f0: {  	v3 =	vadd.s32 v1, v3;
	_ =	sdelay $0x2  }
0x1f1: {  	[tilespmem:s23], [sflag:$0x2] =	stream.indirect_vreg.gather [hbm4b:s3+s2], $0x80, v4, vm0, $0xb8;
	[tilespmem:$0x10400] =	vst v63  }
0x1f2: {  	s24 =	simm.s32 $0x8C00  }
0x1f3: {  	[tilespmem:s24], [sflag:$0x2] =	stream.indirect_vreg.gather [hbm4b:s3+s2], $0x80, v3, vm0, $0xb8;
	[tilespmem:$0x10400] =	vst v63  }
0x1f4: {  	v3 =	vld [tilespmem:$0x290];
	_ =	sdelay $0x4  }
0x1f5: {  	v41 =	vshll.u32 v3, $0x1  }
0x1f6: {  	v3 =	vand.u32 $0x7, v3;
	v4 =	vand.u32 $0xFFFFFFF0, v41  }
0x1f7: {  	v3 =	vor.u32 v3, v4  }
0x1f8: {  	v4 =	vperm.xlane v3, v0;
	_ =	sdelay $0x1  }
0x1f9: {  	v3 =	vperm.xlane v3, v2;
	v4 =	vadd.s32 v1, v4;
	_ =	sdelay $0x1  }
0x1fa: {  	v3 =	vadd.s32 v1, v3;
	_ =	sdelay $0x1  }
0x1fb: {  	s30 =	simm.s32 $0x9400  }
0x1fc: {  	[tilespmem:s30], [sflag:$0x2] =	stream.indirect_vreg.gather [hbm4b:s3+s2], $0x80, v4, vm0, $0xb8;
	[tilespmem:$0x10400] =	vst v63  }
0x1fd: {  	_ = 	snop  }
0x1fe: {  	[tilespmem:s10], [sflag:$0x2] =	stream.indirect_vreg.gather [hbm4b:s3+s2], $0x80, v3, vm0, $0xb8;
	[tilespmem:$0x10400] =	vst v63  }
0x1ff: {  	v3 =	vld [tilespmem:$0x2A0];
	_ =	sdelay $0x4  }
0x200: {  	v42 =	vshll.u32 v3, $0x1  }
0x201: {  	v3 =	vand.u32 $0x7, v3;
	v4 =	vand.u32 $0xFFFFFFF0, v42  }
0x202: {  	v3 =	vor.u32 v3, v4  }
0x203: {  	v4 =	vperm.xlane v3, v0;
	_ =	sdelay $0x1  }
0x204: {  	v3 =	vperm.xlane v3, v2;
	v4 =	vadd.s32 v1, v4;
	_ =	sdelay $0x1  }
0x205: {  	v3 =	vadd.s32 v1, v3;
	_ =	sdelay $0x1  }
0x206: {  	s19 =	simm.s32 $0xA400  }
0x207: {  	[tilespmem:s19], [sflag:$0x2] =	stream.indirect_vreg.gather [hbm4b:s3+s2], $0x80, v4, vm0, $0xb8;
	[tilespmem:$0x10400] =	vst v63  }
0x208: {  	_ = 	snop  }
0x209: {  	[tilespmem:s12], [sflag:$0x2] =	stream.indirect_vreg.gather [hbm4b:s3+s2], $0x80, v3, vm0, $0xb8;
	[tilespmem:$0x10400] =	vst v63  }
0x20a: {  	v3 =	vld [tilespmem:$0x2B0];
	_ =	sdelay $0x4  }
0x20b: {  	v43 =	vshll.u32 v3, $0x1  }
0x20c: {  	v3 =	vand.u32 $0x7, v3;
	v4 =	vand.u32 $0xFFFFFFF0, v43  }
0x20d: {  	v3 =	vor.u32 v3, v4  }
0x20e: {  	v4 =	vperm.xlane v3, v0;
	_ =	sdelay $0x1  }
0x20f: {  	v3 =	vperm.xlane v3, v2;
	v4 =	vadd.s32 v1, v4;
	_ =	sdelay $0x1  }
0x210: {  	v3 =	vadd.s32 v1, v3;
	_ =	sdelay $0x1  }
0x211: {  	s20 =	simm.s32 $0xB400  }
0x212: {  	[tilespmem:s20], [sflag:$0x2] =	stream.indirect_vreg.gather [hbm4b:s3+s2], $0x80, v4, vm0, $0xb8;
	[tilespmem:$0x10400] =	vst v63  }
0x213: {  	_ = 	snop  }
0x214: {  	[tilespmem:s15], [sflag:$0x2] =	stream.indirect_vreg.gather [hbm4b:s3+s2], $0x80, v3, vm0, $0xb8;
	[tilespmem:$0x10400] =	vst v63  }
0x215: {  	v3 =	vld [tilespmem:$0x2C0];
	_ =	sdelay $0x4  }
0x216: {  	v44 =	vshll.u32 v3, $0x1  }
0x217: {  	v3 =	vand.u32 $0x7, v3;
	v4 =	vand.u32 $0xFFFFFFF0, v44  }
0x218: {  	v3 =	vor.u32 v3, v4  }
0x219: {  	v4 =	vperm.xlane v3, v0;
	_ =	sdelay $0x1  }
0x21a: {  	v3 =	vperm.xlane v3, v2;
	v4 =	vadd.s32 v1, v4;
	_ =	sdelay $0x1  }
0x21b: {  	v3 =	vadd.s32 v1, v3;
	_ =	sdelay $0x2  }
0x21c: {  	[tilespmem:s0], [sflag:$0x2] =	stream.indirect_vreg.gather [hbm4b:s3+s2], $0x80, v4, vm0, $0xb8;
	[tilespmem:$0x10400] =	vst v63  }
0x21d: {  	s18 =	simm.s32 $0xCC00  }
0x21e: {  	[tilespmem:s18], [sflag:$0x2] =	stream.indirect_vreg.gather [hbm4b:s3+s2], $0x80, v3, vm0, $0xb8;
	[tilespmem:$0x10400] =	vst v63  }
0x21f: {  	v3 =	vld [tilespmem:$0x2D0];
	_ =	sdelay $0x4  }
0x220: {  	v45 =	vshll.u32 v3, $0x1  }
0x221: {  	v3 =	vand.u32 $0x7, v3;
	v4 =	vand.u32 $0xFFFFFFF0, v45  }
0x222: {  	v3 =	vor.u32 v3, v4  }
0x223: {  	v4 =	vperm.xlane v3, v0;
	_ =	sdelay $0x1  }
0x224: {  	v3 =	vperm.xlane v3, v2;
	v4 =	vadd.s32 v1, v4;
	_ =	sdelay $0x1  }
0x225: {  	v3 =	vadd.s32 v1, v3;
	_ =	sdelay $0x2  }
0x226: {  	[tilespmem:s1], [sflag:$0x2] =	stream.indirect_vreg.gather [hbm4b:s3+s2], $0x80, v4, vm0, $0xb8;
	[tilespmem:$0x10400] =	vst v63  }
0x227: {  	_ = 	snop  }
0x228: {  	[tilespmem:s7], [sflag:$0x2] =	stream.indirect_vreg.gather [hbm4b:s3+s2], $0x80, v3, vm0, $0xb8;
	[tilespmem:$0x10400] =	vst v63  }
0x229: {  	v3 =	vld [tilespmem:$0x2E0];
	_ =	sdelay $0x4  }
0x22a: {  	v46 =	vshll.u32 v3, $0x1  }
0x22b: {  	v3 =	vand.u32 $0x7, v3;
	v4 =	vand.u32 $0xFFFFFFF0, v46  }
0x22c: {  	v3 =	vor.u32 v3, v4  }
0x22d: {  	v4 =	vperm.xlane v3, v0;
	_ =	sdelay $0x1  }
0x22e: {  	v3 =	vperm.xlane v3, v2;
	v4 =	vadd.s32 v1, v4;
	_ =	sdelay $0x1  }
0x22f: {  	v3 =	vadd.s32 v1, v3;
	_ =	sdelay $0x2  }
0x230: {  	[tilespmem:s6], [sflag:$0x2] =	stream.indirect_vreg.gather [hbm4b:s3+s2], $0x80, v4, vm0, $0xb8;
	[tilespmem:$0x10400] =	vst v63  }
0x231: {  	_ = 	snop  }
0x232: {  	[tilespmem:s8], [sflag:$0x2] =	stream.indirect_vreg.gather [hbm4b:s3+s2], $0x80, v3, vm0, $0xb8;
	[tilespmem:$0x10400] =	vst v63  }
0x233: {  	v3 =	vld [tilespmem:$0x2F0];
	_ =	sdelay $0x4  }
0x234: {  	v47 =	vshll.u32 v3, $0x1  }
0x235: {  	v3 =	vand.u32 $0x7, v3;
	v4 =	vand.u32 $0xFFFFFFF0, v47  }
0x236: {  	v3 =	vor.u32 v3, v4  }
0x237: {  	v4 =	vperm.xlane v3, v0;
	_ =	sdelay $0x1  }
0x238: {  	v3 =	vperm.xlane v3, v2;
	v4 =	vadd.s32 v1, v4;
	_ =	sdelay $0x1  }
0x239: {  	v3 =	vadd.s32 v1, v3;
	_ =	sdelay $0x2  }
0x23a: {  	[tilespmem:s9], [sflag:$0x2] =	stream.indirect_vreg.gather [hbm4b:s3+s2], $0x80, v4, vm0, $0xb8;
	[tilespmem:$0x10400] =	vst v63  }
0x23b: {  	s21 =	simm.s32 $0xFC00  }
0x23c: {  	[tilespmem:s21], [sflag:$0x2] =	stream.indirect_vreg.gather [hbm4b:s3+s2], $0x80, v3, vm0, $0xb8;
	[tilespmem:$0x10400] =	vst v63  }
0x23d: {  	s30 =	rddreg [dreg:$0x7]  }
0x23e: {  	[hbm4b:s30+s2] =	stream.linear.scatter [tilespmem:s29], [sflag:$0x3], $0x8000, $0x38;
	[tilespmem:$0x10400] =	vst v63  }
0x23f: {  	_ =	swait.ge [sflag:s5], $0x8000  }
0x240: {  	[sflag:s5] =	ssyncset.done $0x0  }
0x241: {  	[sflag:s5] =	ssyncadd.s32 $0xFFFF8000  }
0x242: {  	_ =	swait.ge [sflag:s13], $0x8000  }
0x243: {  	[sflag:s13] =	ssyncset.done $0x0  }
0x244: {  	[sflag:s13] =	ssyncadd.s32 $0xFFFF8000  }
0x245: {  	v3 =	vld [tilespmem:$0x300];
	_ =	sdelay $0x4  }
0x246: {  	v48 =	vshll.u32 v3, $0x1  }
0x247: {  	v3 =	vand.u32 $0x7, v3;
	v4 =	vand.u32 $0xFFFFFFF0, v48  }
0x248: {  	v3 =	vor.u32 v3, v4  }
0x249: {  	v4 =	vperm.xlane v3, v0;
	_ =	sdelay $0x1  }
0x24a: {  	v3 =	vperm.xlane v3, v2;
	v4 =	vadd.s32 v1, v4;
	_ =	sdelay $0x1  }
0x24b: {  	v3 =	vadd.s32 v1, v3;
	_ =	sdelay $0x2  }
0x24c: {  	[tilespmem:s29], [sflag:$0x1] =	stream.indirect_vreg.gather [hbm4b:s3+s2], $0x80, v4, vm0, $0xb8;
	[tilespmem:$0x10400] =	vst v63  }
0x24d: {  	s21 =	simm.s32 $0xC00  }
0x24e: {  	[tilespmem:s21], [sflag:$0x1] =	stream.indirect_vreg.gather [hbm4b:s3+s2], $0x80, v3, vm0, $0xb8;
	[tilespmem:$0x10400] =	vst v63  }
0x24f: {  	v3 =	vld [tilespmem:$0x310];
	_ =	sdelay $0x4  }
0x250: {  	v49 =	vshll.u32 v3, $0x1  }
0x251: {  	v3 =	vand.u32 $0x7, v3;
	v4 =	vand.u32 $0xFFFFFFF0, v49  }
0x252: {  	v3 =	vor.u32 v3, v4  }
0x253: {  	v4 =	vperm.xlane v3, v0;
	_ =	sdelay $0x1  }
0x254: {  	v3 =	vperm.xlane v3, v2;
	v4 =	vadd.s32 v1, v4;
	_ =	sdelay $0x1  }
0x255: {  	v3 =	vadd.s32 v1, v3;
	_ =	sdelay $0x1  }
0x256: {  	s26 =	simm.s32 $0x1400  }
0x257: {  	[tilespmem:s26], [sflag:$0x1] =	stream.indirect_vreg.gather [hbm4b:s3+s2], $0x80, v4, vm0, $0xb8;
	[tilespmem:$0x10400] =	vst v63  }
0x258: {  	s30 =	simm.s32 $0x1C00  }
0x259: {  	[tilespmem:s30], [sflag:$0x1] =	stream.indirect_vreg.gather [hbm4b:s3+s2], $0x80, v3, vm0, $0xb8;
	[tilespmem:$0x10400] =	vst v63  }
0x25a: {  	v3 =	vld [tilespmem:$0x320];
	_ =	sdelay $0x4  }
0x25b: {  	v50 =	vshll.u32 v3, $0x1  }
0x25c: {  	v3 =	vand.u32 $0x7, v3;
	v4 =	vand.u32 $0xFFFFFFF0, v50  }
0x25d: {  	v3 =	vor.u32 v3, v4  }
0x25e: {  	v4 =	vperm.xlane v3, v0;
	_ =	sdelay $0x1  }
0x25f: {  	v3 =	vperm.xlane v3, v2;
	v4 =	vadd.s32 v1, v4;
	_ =	sdelay $0x1  }
0x260: {  	v3 =	vadd.s32 v1, v3;
	_ =	sdelay $0x1  }
0x261: {  	s21 =	simm.s32 $0x2400  }
0x262: {  	[tilespmem:s21], [sflag:$0x1] =	stream.indirect_vreg.gather [hbm4b:s3+s2], $0x80, v4, vm0, $0xb8;
	[tilespmem:$0x10400] =	vst v63  }
0x263: {  	s26 =	simm.s32 $0x2C00  }
0x264: {  	[tilespmem:s26], [sflag:$0x1] =	stream.indirect_vreg.gather [hbm4b:s3+s2], $0x80, v3, vm0, $0xb8;
	[tilespmem:$0x10400] =	vst v63  }
0x265: {  	v3 =	vld [tilespmem:$0x330];
	_ =	sdelay $0x4  }
0x266: {  	v51 =	vshll.u32 v3, $0x1  }
0x267: {  	v3 =	vand.u32 $0x7, v3;
	v4 =	vand.u32 $0xFFFFFFF0, v51  }
0x268: {  	v3 =	vor.u32 v3, v4  }
0x269: {  	v4 =	vperm.xlane v3, v0;
	_ =	sdelay $0x1  }
0x26a: {  	v3 =	vperm.xlane v3, v2;
	v4 =	vadd.s32 v1, v4;
	_ =	sdelay $0x1  }
0x26b: {  	v3 =	vadd.s32 v1, v3;
	_ =	sdelay $0x1  }
0x26c: {  	s30 =	simm.s32 $0x3400  }
0x26d: {  	[tilespmem:s30], [sflag:$0x1] =	stream.indirect_vreg.gather [hbm4b:s3+s2], $0x80, v4, vm0, $0xb8;
	[tilespmem:$0x10400] =	vst v63  }
0x26e: {  	s21 =	simm.s32 $0x3C00  }
0x26f: {  	[tilespmem:s21], [sflag:$0x1] =	stream.indirect_vreg.gather [hbm4b:s3+s2], $0x80, v3, vm0, $0xb8;
	[tilespmem:$0x10400] =	vst v63  }
0x270: {  	v3 =	vld [tilespmem:$0x340];
	_ =	sdelay $0x4  }
0x271: {  	v52 =	vshll.u32 v3, $0x1  }
0x272: {  	v3 =	vand.u32 $0x7, v3;
	v4 =	vand.u32 $0xFFFFFFF0, v52  }
0x273: {  	v3 =	vor.u32 v3, v4  }
0x274: {  	v4 =	vperm.xlane v3, v0;
	_ =	sdelay $0x1  }
0x275: {  	v3 =	vperm.xlane v3, v2;
	v4 =	vadd.s32 v1, v4;
	_ =	sdelay $0x1  }
0x276: {  	v3 =	vadd.s32 v1, v3;
	_ =	sdelay $0x1  }
0x277: {  	s26 =	simm.s32 $0x4400  }
0x278: {  	[tilespmem:s26], [sflag:$0x1] =	stream.indirect_vreg.gather [hbm4b:s3+s2], $0x80, v4, vm0, $0xb8;
	[tilespmem:$0x10400] =	vst v63  }
0x279: {  	s30 =	simm.s32 $0x4C00  }
0x27a: {  	[tilespmem:s30], [sflag:$0x1] =	stream.indirect_vreg.gather [hbm4b:s3+s2], $0x80, v3, vm0, $0xb8;
	[tilespmem:$0x10400] =	vst v63  }
0x27b: {  	v3 =	vld [tilespmem:$0x350];
	_ =	sdelay $0x4  }
0x27c: {  	v53 =	vshll.u32 v3, $0x1  }
0x27d: {  	v3 =	vand.u32 $0x7, v3;
	v4 =	vand.u32 $0xFFFFFFF0, v53  }
0x27e: {  	v3 =	vor.u32 v3, v4  }
0x27f: {  	v4 =	vperm.xlane v3, v0;
	_ =	sdelay $0x1  }
0x280: {  	v3 =	vperm.xlane v3, v2;
	v4 =	vadd.s32 v1, v4;
	_ =	sdelay $0x1  }
0x281: {  	v3 =	vadd.s32 v1, v3;
	_ =	sdelay $0x1  }
0x282: {  	s28 =	simm.s32 $0x5400  }
0x283: {  	[tilespmem:s28], [sflag:$0x1] =	stream.indirect_vreg.gather [hbm4b:s3+s2], $0x80, v4, vm0, $0xb8;
	[tilespmem:$0x10400] =	vst v63  }
0x284: {  	s16 =	simm.s32 $0x5C00  }
0x285: {  	[tilespmem:s16], [sflag:$0x1] =	stream.indirect_vreg.gather [hbm4b:s3+s2], $0x80, v3, vm0, $0xb8;
	[tilespmem:$0x10400] =	vst v63  }
0x286: {  	v3 =	vld [tilespmem:$0x360];
	_ =	sdelay $0x4  }
0x287: {  	v54 =	vshll.u32 v3, $0x1  }
0x288: {  	v3 =	vand.u32 $0x7, v3;
	v4 =	vand.u32 $0xFFFFFFF0, v54  }
0x289: {  	v3 =	vor.u32 v3, v4  }
0x28a: {  	v4 =	vperm.xlane v3, v0;
	_ =	sdelay $0x1  }
0x28b: {  	v3 =	vperm.xlane v3, v2;
	v4 =	vadd.s32 v1, v4;
	_ =	sdelay $0x1  }
0x28c: {  	v3 =	vadd.s32 v1, v3;
	_ =	sdelay $0x1  }
0x28d: {  	s31 =	simm.s32 $0x6400  }
0x28e: {  	[tilespmem:s31], [sflag:$0x1] =	stream.indirect_vreg.gather [hbm4b:s3+s2], $0x80, v4, vm0, $0xb8;
	[tilespmem:$0x10400] =	vst v63  }
0x28f: {  	s21 =	simm.s32 $0x6C00  }
0x290: {  	[tilespmem:s21], [sflag:$0x1] =	stream.indirect_vreg.gather [hbm4b:s3+s2], $0x80, v3, vm0, $0xb8;
	[tilespmem:$0x10400] =	vst v63  }
0x291: {  	v3 =	vld [tilespmem:$0x370];
	_ =	sdelay $0x4  }
0x292: {  	v55 =	vshll.u32 v3, $0x1  }
0x293: {  	v3 =	vand.u32 $0x7, v3;
	v4 =	vand.u32 $0xFFFFFFF0, v55  }
0x294: {  	v3 =	vor.u32 v3, v4  }
0x295: {  	v4 =	vperm.xlane v3, v0;
	_ =	sdelay $0x1  }
0x296: {  	v3 =	vperm.xlane v3, v2;
	v4 =	vadd.s32 v1, v4;
	_ =	sdelay $0x1  }
0x297: {  	v3 =	vadd.s32 v1, v3;
	_ =	sdelay $0x1  }
0x298: {  	s26 =	simm.s32 $0x7400  }
0x299: {  	[tilespmem:s26], [sflag:$0x1] =	stream.indirect_vreg.gather [hbm4b:s3+s2], $0x80, v4, vm0, $0xb8;
	[tilespmem:$0x10400] =	vst v63  }
0x29a: {  	s25 =	simm.s32 $0x7C00  }
0x29b: {  	[tilespmem:s25], [sflag:$0x1] =	stream.indirect_vreg.gather [hbm4b:s3+s2], $0x80, v3, vm0, $0xb8;
	[tilespmem:$0x10400] =	vst v63  }
0x29c: {  	s28 =	rddreg [dreg:$0x8]  }
0x29d: {  	[hbm4b:s28+s2] =	stream.linear.scatter [tilespmem:s23], [sflag:$0x3], $0x8000, $0x38;
	[tilespmem:$0x10400] =	vst v63  }
0x29e: {  	_ =	swait.ge [sflag:s5], $0x8000  }
0x29f: {  	[sflag:s5] =	ssyncset.done $0x0  }
0x2a0: {  	[sflag:s5] =	ssyncadd.s32 $0xFFFF8000  }
0x2a1: {  	_ =	swait.ge [sflag:s22], $0x8000  }
0x2a2: {  	[sflag:s22] =	ssyncset.done $0x0  }
0x2a3: {  	[sflag:s22] =	ssyncadd.s32 $0xFFFF8000  }
0x2a4: {  	v3 =	vld [tilespmem:$0x380];
	_ =	sdelay $0x4  }
0x2a5: {  	v56 =	vshll.u32 v3, $0x1  }
0x2a6: {  	v3 =	vand.u32 $0x7, v3;
	v4 =	vand.u32 $0xFFFFFFF0, v56  }
0x2a7: {  	v3 =	vor.u32 v3, v4  }
0x2a8: {  	v4 =	vperm.xlane v3, v0;
	_ =	sdelay $0x1  }
0x2a9: {  	v3 =	vperm.xlane v3, v2;
	v4 =	vadd.s32 v1, v4;
	_ =	sdelay $0x1  }
0x2aa: {  	v3 =	vadd.s32 v1, v3;
	_ =	sdelay $0x2  }
0x2ab: {  	[tilespmem:s23], [sflag:$0x2] =	stream.indirect_vreg.gather [hbm4b:s3+s2], $0x80, v4, vm0, $0xb8;
	[tilespmem:$0x10400] =	vst v63  }
0x2ac: {  	s24 =	simm.s32 $0x8C00  }
0x2ad: {  	[tilespmem:s24], [sflag:$0x2] =	stream.indirect_vreg.gather [hbm4b:s3+s2], $0x80, v3, vm0, $0xb8;
	[tilespmem:$0x10400] =	vst v63  }
0x2ae: {  	v3 =	vld [tilespmem:$0x390];
	_ =	sdelay $0x4  }
0x2af: {  	v57 =	vshll.u32 v3, $0x1  }
0x2b0: {  	v3 =	vand.u32 $0x7, v3;
	v4 =	vand.u32 $0xFFFFFFF0, v57  }
0x2b1: {  	v3 =	vor.u32 v3, v4  }
0x2b2: {  	v4 =	vperm.xlane v3, v0;
	_ =	sdelay $0x1  }
0x2b3: {  	v3 =	vperm.xlane v3, v2;
	v4 =	vadd.s32 v1, v4;
	_ =	sdelay $0x1  }
0x2b4: {  	v3 =	vadd.s32 v1, v3;
	_ =	sdelay $0x1  }
0x2b5: {  	s17 =	simm.s32 $0x9400  }
0x2b6: {  	[tilespmem:s17], [sflag:$0x2] =	stream.indirect_vreg.gather [hbm4b:s3+s2], $0x80, v4, vm0, $0xb8;
	[tilespmem:$0x10400] =	vst v63  }
0x2b7: {  	s10 =	simm.s32 $0x9C00  }
0x2b8: {  	[tilespmem:s10], [sflag:$0x2] =	stream.indirect_vreg.gather [hbm4b:s3+s2], $0x80, v3, vm0, $0xb8;
	[tilespmem:$0x10400] =	vst v63  }
0x2b9: {  	v3 =	vld [tilespmem:$0x3A0];
	_ =	sdelay $0x4  }
0x2ba: {  	v58 =	vshll.u32 v3, $0x1  }
0x2bb: {  	v3 =	vand.u32 $0x7, v3;
	v4 =	vand.u32 $0xFFFFFFF0, v58  }
0x2bc: {  	v3 =	vor.u32 v3, v4  }
0x2bd: {  	v4 =	vperm.xlane v3, v0;
	_ =	sdelay $0x1  }
0x2be: {  	v3 =	vperm.xlane v3, v2;
	v4 =	vadd.s32 v1, v4;
	_ =	sdelay $0x1  }
0x2bf: {  	v3 =	vadd.s32 v1, v3;
	_ =	sdelay $0x1  }
0x2c0: {  	s19 =	simm.s32 $0xA400  }
0x2c1: {  	[tilespmem:s19], [sflag:$0x2] =	stream.indirect_vreg.gather [hbm4b:s3+s2], $0x80, v4, vm0, $0xb8;
	[tilespmem:$0x10400] =	vst v63  }
0x2c2: {  	s11 =	simm.s32 $0xAC00  }
0x2c3: {  	[tilespmem:s11], [sflag:$0x2] =	stream.indirect_vreg.gather [hbm4b:s3+s2], $0x80, v3, vm0, $0xb8;
	[tilespmem:$0x10400] =	vst v63  }
0x2c4: {  	v3 =	vld [tilespmem:$0x3B0];
	_ =	sdelay $0x4  }
0x2c5: {  	v59 =	vshll.u32 v3, $0x1  }
0x2c6: {  	v3 =	vand.u32 $0x7, v3;
	v4 =	vand.u32 $0xFFFFFFF0, v59  }
0x2c7: {  	v3 =	vor.u32 v3, v4  }
0x2c8: {  	v4 =	vperm.xlane v3, v0;
	_ =	sdelay $0x1  }
0x2c9: {  	v3 =	vperm.xlane v3, v2;
	v4 =	vadd.s32 v1, v4;
	_ =	sdelay $0x1  }
0x2ca: {  	v3 =	vadd.s32 v1, v3;
	_ =	sdelay $0x1  }
0x2cb: {  	s20 =	simm.s32 $0xB400  }
0x2cc: {  	[tilespmem:s20], [sflag:$0x2] =	stream.indirect_vreg.gather [hbm4b:s3+s2], $0x80, v4, vm0, $0xb8;
	[tilespmem:$0x10400] =	vst v63  }
0x2cd: {  	s12 =	simm.s32 $0xBC00  }
0x2ce: {  	[tilespmem:s12], [sflag:$0x2] =	stream.indirect_vreg.gather [hbm4b:s3+s2], $0x80, v3, vm0, $0xb8;
	[tilespmem:$0x10400] =	vst v63  }
0x2cf: {  	v3 =	vld [tilespmem:$0x3C0];
	_ =	sdelay $0x4  }
0x2d0: {  	v60 =	vshll.u32 v3, $0x1  }
0x2d1: {  	v3 =	vand.u32 $0x7, v3;
	v4 =	vand.u32 $0xFFFFFFF0, v60  }
0x2d2: {  	v3 =	vor.u32 v3, v4  }
0x2d3: {  	v4 =	vperm.xlane v3, v0;
	_ =	sdelay $0x1  }
0x2d4: {  	v3 =	vperm.xlane v3, v2;
	v4 =	vadd.s32 v1, v4;
	_ =	sdelay $0x1  }
0x2d5: {  	v3 =	vadd.s32 v1, v3;
	_ =	sdelay $0x1  }
0x2d6: {  	s0 =	simm.s32 $0xC400  }
0x2d7: {  	[tilespmem:s0], [sflag:$0x2] =	stream.indirect_vreg.gather [hbm4b:s3+s2], $0x80, v4, vm0, $0xb8;
	[tilespmem:$0x10400] =	vst v63  }
0x2d8: {  	s15 =	simm.s32 $0xCC00  }
0x2d9: {  	[tilespmem:s15], [sflag:$0x2] =	stream.indirect_vreg.gather [hbm4b:s3+s2], $0x80, v3, vm0, $0xb8;
	[tilespmem:$0x10400] =	vst v63  }
0x2da: {  	v3 =	vld [tilespmem:$0x3D0];
	_ =	sdelay $0x4  }
0x2db: {  	v61 =	vshll.u32 v3, $0x1  }
0x2dc: {  	v3 =	vand.u32 $0x7, v3;
	v4 =	vand.u32 $0xFFFFFFF0, v61  }
0x2dd: {  	v3 =	vor.u32 v3, v4  }
0x2de: {  	v4 =	vperm.xlane v3, v0;
	_ =	sdelay $0x1  }
0x2df: {  	v3 =	vperm.xlane v3, v2;
	v4 =	vadd.s32 v1, v4;
	_ =	sdelay $0x1  }
0x2e0: {  	v3 =	vadd.s32 v1, v3;
	_ =	sdelay $0x1  }
0x2e1: {  	s1 =	simm.s32 $0xD400  }
0x2e2: {  	[tilespmem:s1], [sflag:$0x2] =	stream.indirect_vreg.gather [hbm4b:s3+s2], $0x80, v4, vm0, $0xb8;
	[tilespmem:$0x10400] =	vst v63  }
0x2e3: {  	s7 =	simm.s32 $0xDC00  }
0x2e4: {  	[tilespmem:s7], [sflag:$0x2] =	stream.indirect_vreg.gather [hbm4b:s3+s2], $0x80, v3, vm0, $0xb8;
	[tilespmem:$0x10400] =	vst v63  }
0x2e5: {  	v3 =	vld [tilespmem:$0x3E0];
	_ =	sdelay $0x4  }
0x2e6: {  	v62 =	vshll.u32 v3, $0x1  }
0x2e7: {  	v3 =	vand.u32 $0x7, v3;
	v4 =	vand.u32 $0xFFFFFFF0, v62  }
0x2e8: {  	v3 =	vor.u32 v3, v4  }
0x2e9: {  	v4 =	vperm.xlane v3, v0;
	_ =	sdelay $0x1  }
0x2ea: {  	v3 =	vperm.xlane v3, v2;
	v4 =	vadd.s32 v1, v4;
	_ =	sdelay $0x1  }
0x2eb: {  	v3 =	vadd.s32 v1, v3;
	_ =	sdelay $0x1  }
0x2ec: {  	s6 =	simm.s32 $0xE400  }
0x2ed: {  	[tilespmem:s6], [sflag:$0x2] =	stream.indirect_vreg.gather [hbm4b:s3+s2], $0x80, v4, vm0, $0xb8;
	[tilespmem:$0x10400] =	vst v63  }
0x2ee: {  	s8 =	simm.s32 $0xEC00  }
0x2ef: {  	[tilespmem:s8], [sflag:$0x2] =	stream.indirect_vreg.gather [hbm4b:s3+s2], $0x80, v3, vm0, $0xb8;
	[tilespmem:$0x10400] =	vst v63  }
0x2f0: {  	v3 =	vld [tilespmem:$0x3F0];
	_ =	sdelay $0x4  }
0x2f1: {  	v63 =	vshll.u32 v3, $0x1  }
0x2f2: {  	v3 =	vand.u32 $0x7, v3;
	v4 =	vand.u32 $0xFFFFFFF0, v63  }
0x2f3: {  	v3 =	vor.u32 v3, v4  }
0x2f4: {  	v4 =	vperm.xlane v3, v0;
	_ =	sdelay $0x1  }
0x2f5: {  	v3 =	vperm.xlane v3, v2;
	v4 =	vadd.s32 v1, v4;
	_ =	sdelay $0x1  }
0x2f6: {  	v3 =	vadd.s32 v1, v3;
	_ =	sdelay $0x1  }
0x2f7: {  	s9 =	simm.s32 $0xF400  }
0x2f8: {  	[tilespmem:s9], [sflag:$0x2] =	stream.indirect_vreg.gather [hbm4b:s3+s2], $0x80, v4, vm0, $0xb8;
	[tilespmem:$0x10400] =	vst v63  }
0x2f9: {  	s18 =	simm.s32 $0xFC00  }
0x2fa: {  	[tilespmem:s18], [sflag:$0x2] =	stream.indirect_vreg.gather [hbm4b:s3+s2], $0x80, v3, vm0, $0xb8;
	[tilespmem:$0x10400] =	vst v63  }
0x2fb: {  	s30 =	rddreg [dreg:$0x9]  }
0x2fc: {  	[hbm4b:s30+s2] =	stream.linear.scatter [tilespmem:s29], [sflag:$0x3], $0x8000, $0x38;
	[tilespmem:$0x10400] =	vst v63  }
0x2fd: {  	_ =	swait.ge [sflag:s5], $0x8000  }
0x2fe: {  	[sflag:s5] =	ssyncset.done $0x0  }
0x2ff: {  	[sflag:s5] =	ssyncadd.s32 $0xFFFF8000  }
0x300: {  	_ =	swait.ge [sflag:s13], $0x8000  }
0x301: {  	p0 =	sne.s32 s4, $0x1;
	[sflag:s13] =	ssyncset.done $0x0  }
.Ltmp0:
0x302: {  	s31 =	rddreg [dreg:$0xa];
	[sflag:s13] =	ssyncadd.s32 $0xFFFF8000;
	(pc) =	sbr.rel @p0 .LBB2_1-.Ltmp0, $4  }
0x303: {  	[hbm4b:s31+s2] =	stream.linear.scatter [tilespmem:s23], [sflag:$0x3], $0x8000, $0x38;
	[tilespmem:$0x10400] =	vst v63  }
0x304: {  	_ =	swait.ge [sflag:s5], $0x8000  }
0x305: {  	[sflag:s5] =	ssyncset.done $0x0  }
0x306: {  	s4 =	sadd.s32 $0xFFFFFFFF, s4;
	[sflag:s5] =	ssyncadd.s32 $0xFFFF8000  }
0x307: {  	_ =	sfence.sel $0x180000  }
0x308: {  	[bflag:$0x0] =	sbarrier.arrive $0xFFFF  }
0x309: {  	_ =	strace $0x9000004A  }
0x30a: {  	s0 =	stileid.u32;
	[bflag:$0x2] =	sbarrier.arrive $0xFFFF  }
0x30b: {  	p0 =	sne.s32 s0, $0x0;
	s0 =	rddreg [dreg:$0x1]  }
0x30c: {  	s0 =	sadd.s32 @!p0 $0x100000, s0  }
0x30d: {  	[sflag:s0] =	ssyncadd.tile.s32 @!p0 $0x1;
	_ =	shalt  }
.Lfunc_end2:
_tile_overlayer_lowered:
.L_overlay_start_2:
0x30e: {  	(tag) =	ssettag $0x2  }
0x30f: {  	s0 =	rddreg [dreg:$0x0];
	s2 =	stileid.u32  }
0x310: {  	s1 =	rddreg [dreg:$0x1];
	p0 =	sne.s32 s2, $0x0  }
0x311: {  	s3 =	rddreg [dreg:$0x2];
	[bflag:$0x3] =	sbarrier.arrive $0xFFFF;
	s2 =	simm.s32 @!p0 $0x1C03  }
0x312: {  	[timem:s3], [sflag:s2] =	dma.local @!p0 [hbm:s0], s1  }
0x313: {  	s0 =	simm.s32 @!p0 $0x3  }
0x314: {  	_ =	swait.ge @!p0 [sflag:s0], s1  }
0x315: {  	s1 =	ssub.s32 @!p0 $0x0, s1;
	[sflag:s0] =	ssyncset.done @!p0 $0x0  }
0x316: {  	[sflag:s0] =	ssyncadd.s32 @!p0 s1  }
0x317: {  	[bflag:$0x3] =	sbarrier.arrive $0xFFFF  }
0x318: {  	_ =	shalt  }

// kernel: kernel.22.cloned.1.call-start
scs
__scs_entry_jumppad:
0x0: {  	(pc) =	sbr.rel $0x88, $3  }
0x1: {  	(tag) =	ssettag $0x0;
	lr =	simm.s32 $0x1  }
0x2: {  	[smem:$0x3F90] =	sst lr;
	_ =	strace $0xD0000000  }
0x3: {  	_ = 	snop  }
0x4: {  	_ = 	snop  }
0x5: {  	_ = 	snop  }
0x6: {  	_ = 	snop  }
0x7: {  	_ = 	snop  }
__scs_overlays_trampoline_lowered:
0x8: {  	[smem:$0x3F9F] =	sst s0  }
0x9: {  	[smem:$0x3FA0] =	sst s1  }
0xa: {  	[smem:$0x3FA1] =	sst s2  }
0xb: {  	[smem:$0x3FA2] =	sst s3  }
0xc: {  	[smem:$0x3FA3] =	sst s4  }
0xd: {  	[smem:$0x3FA4] =	sst s5  }
0xe: {  	[smem:$0x3FA5] =	sst s6  }
0xf: {  	[smem:$0x3FA6] =	sst s7  }
0x10: {  	[smem:$0x3FA7] =	sst s8  }
0x11: {  	[smem:$0x3FA8] =	sst s9;
	s0 =	simm.s32 @!p0 $0x0  }
0x12: {  	s1 =	sld [smem:$0x3F8E];
	s0 =	simm.s32 @p0 $0x1  }
0x13: {  	[smem:$0x3FA9] =	sst s0;
	s0 =	simm.s32 @!p1 $0x0  }
0x14: {  	s2 =	sld [smem:$0x3F8D];
	s0 =	simm.s32 @p1 $0x1  }
0x15: {  	[smem:$0x3FAA] =	sst s0;
	s0 =	simm.s32 @!p2 $0x0  }
0x16: {  	s3 =	sld [smem:$0x3FDB];
	s0 =	simm.s32 @p2 $0x1  }
0x17: {  	s4 =	simm.s32 $0x1BF5;
	[smem:$0x3FAC] =	sst s0  }
0x18: {  	s0 =	sld [smem:$0x3F8F];
	_ =	swait.ge [sflag:s4], $0x0  }
0x19: {  	s7 =	sld [smem:$0x3F90]  }
0x1a: {  	s8 =	sadd.s32 $0xFFFFE003, lr  }
0x1b: {  	s9 =	sadd.s32 $0xFFFFFEF7, lr;
	s5 =	simm.s32 $0xFFFFFFFF;
	p2 =	slt.u32 s8, $0xFFFFF086  }
0x1c: {  	p1 =	slt.u32 s9, $0xF7A;
	s5 =	simm.s32 @!p2 $0x0  }
0x1d: {  	s5 =	simm.s32 @p1 $0x1;
	p0 =	seq.s32 s7, s2  }
0x1e: {  	s7 =	smul.u32 @!p0 $0xF7A, s2;
	p2 =	seq.s32 @!p0 s5, $0x0  }
0x1f: {  	s9 =	smul.u32 $0xF7A, s1;
	s8 =	simm.s32 @!p0 $0x1BF5;
	p2 =	por !p2, p0  }
0x20: {  	[sflag:s8] =	ssyncset.s32 @!p0 $0xFFFFF086;
	s6 =	sadd.s32 @!p0 s3, s7;
	s7 =	simm.s32 @!p0 $0x108  }
0x21: {  	s3 =	sadd.s32 s3, s9;
	s6 =	sadd.s32 @!p0 $0x88, s6;
	s7 =	simm.s32 @p2 $0x1082  }
0x22: {  	[simem:s7], [sflag:s8] =	dma.local @!p0 [hbm:s6], $0xF7A  }
0x23: {  	s9 =	sor.u32 $0xD0000000, s2;
	s6 =	simm.s32 $0x108;
	_ =	swait.ge @!p0 [sflag:s8], $0x0  }
0x24: {  	s3 =	sadd.s32 $0x88, s3;
	s6 =	simm.s32 @!p1 $0x1082;
	[sflag:s4] =	ssyncset.s32 $0xFFFFF086  }
0x25: {  	[simem:s6], [sflag:s4] =	dma.local [hbm:s3], $0xF7A  }
0x26: {  	[smem:$0x3F90] =	sst s1;
	(tag) =	ssettag s2;
	_ =	strace s9  }
0x27: {  	s1 =	sld [smem:$0x3FA0]  }
0x28: {  	s2 =	sld [smem:$0x3FA1]  }
0x29: {  	s4 =	sld [smem:$0x3FA3]  }
0x2a: {  	p0 =	seq.s32 s5, $0x0;
	s5 =	sld [smem:$0x3FA4]  }
0x2b: {  	s6 =	sld [smem:$0x3FA5]  }
0x2c: {  	s7 =	sld [smem:$0x3FA6]  }
0x2d: {  	s3 =	simm.s32 $0x108;
	s8 =	sld [smem:$0x3FA7]  }
0x2e: {  	s3 =	simm.s32 @!p0 $0x1082;
	s9 =	sld [smem:$0x3FA8]  }
0x2f: {  	lr =	sadd.s32 s0, s3;
	s0 =	sld [smem:$0x3F9F]  }
0x30: {  	s3 =	sld [smem:$0x3FA2]  }
0x31: {  	[smem:$0x3FAB] =	sst s10  }
0x32: {  	s10 =	sld [smem:$0x3FA9];
	_ =	sdelay $0x3  }
0x33: {  	p0 =	seq.s32 s10, $0x1;
	s10 =	sld [smem:$0x3FAB];
	_ =	sdelay $0x3  }
0x34: {  	[smem:$0x3FAB] =	sst s10  }
0x35: {  	s10 =	sld [smem:$0x3FAA];
	_ =	sdelay $0x3  }
0x36: {  	p1 =	seq.s32 s10, $0x1;
	s10 =	sld [smem:$0x3FAB];
	_ =	sdelay $0x3  }
0x37: {  	[smem:$0x3FAB] =	sst s10  }
0x38: {  	s10 =	sld [smem:$0x3FAC]  }
0x39: {  	_ = 	snop;
	(pc) =	sbr.ind lr, $3  }
0x3a: {  	_ = 	snop  }
0x3b: {  	_ = 	snop  }
0x3c: {  	p2 =	seq.s32 s10, $0x1;
	s10 =	sld [smem:$0x3FAB]  }
0x3d: {  	_ =	shalt  }
0x3e: {  	_ =	shalt  }
0x3f: {  	_ =	shalt  }
0x40: {  	_ =	shalt  }
0x41: {  	_ =	shalt  }
0x42: {  	_ =	shalt  }
0x43: {  	_ =	shalt  }
0x44: {  	_ =	shalt  }
0x45: {  	_ =	shalt  }
0x46: {  	_ =	shalt  }
0x47: {  	_ =	shalt  }
0x48: {  	_ =	shalt  }
0x49: {  	_ =	shalt  }
0x4a: {  	_ =	shalt  }
0x4b: {  	_ =	shalt  }
0x4c: {  	_ =	shalt  }
0x4d: {  	_ =	shalt  }
0x4e: {  	_ =	shalt  }
0x4f: {  	_ =	shalt  }
0x50: {  	_ =	shalt  }
0x51: {  	_ =	shalt  }
0x52: {  	_ =	shalt  }
0x53: {  	_ =	shalt  }
0x54: {  	_ =	shalt  }
0x55: {  	_ =	shalt  }
0x56: {  	_ =	shalt  }
0x57: {  	_ =	shalt  }
0x58: {  	_ =	shalt  }
0x59: {  	_ =	shalt  }
0x5a: {  	_ =	shalt  }
0x5b: {  	_ =	shalt  }
0x5c: {  	_ =	shalt  }
0x5d: {  	_ =	shalt  }
0x5e: {  	_ =	shalt  }
0x5f: {  	_ =	shalt  }
0x60: {  	_ =	shalt  }
0x61: {  	_ =	shalt  }
0x62: {  	_ =	shalt  }
0x63: {  	_ =	shalt  }
0x64: {  	_ =	shalt  }
0x65: {  	_ =	shalt  }
0x66: {  	_ =	shalt  }
0x67: {  	_ =	shalt  }
0x68: {  	_ =	shalt  }
0x69: {  	_ =	shalt  }
0x6a: {  	_ =	shalt  }
0x6b: {  	_ =	shalt  }
0x6c: {  	_ =	shalt  }
0x6d: {  	_ =	shalt  }
0x6e: {  	_ =	shalt  }
0x6f: {  	_ =	shalt  }
0x70: {  	_ =	shalt  }
0x71: {  	_ =	shalt  }
0x72: {  	_ =	shalt  }
0x73: {  	_ =	shalt  }
0x74: {  	_ =	shalt  }
0x75: {  	_ =	shalt  }
0x76: {  	_ =	shalt  }
0x77: {  	_ =	shalt  }
0x78: {  	_ =	shalt  }
0x79: {  	_ =	shalt  }
0x7a: {  	_ =	shalt  }
0x7b: {  	_ =	shalt  }
0x7c: {  	_ =	shalt  }
0x7d: {  	_ =	shalt  }
0x7e: {  	_ =	shalt  }
0x7f: {  	_ =	shalt  }
0x80: {  	_ =	shalt  }
0x81: {  	_ =	shalt  }
0x82: {  	_ =	shalt  }
0x83: {  	_ =	shalt  }
0x84: {  	_ =	shalt  }
0x85: {  	_ =	shalt  }
0x86: {  	_ =	shalt  }
0x87: {  	_ =	shalt  }
.Lfunc_end0:
.L_simem_size_0:
called_computation.2_lowered:
.L_overlay_start_0:
0x88: {  	s2 =	sld [smem:$0x3FD9]  }
0x89: {  	s3 =	sld [smem:$0x3FFE];
	_ =	sdelay $0x1  }
0x8a: {  	s1 =	srdreg.scid  }
0x8b: {  	s0 =	sand.u32 $0x1, s1  }
0x8c: {  	s16 =	sshll.u32 s0, $0xA;
	s2 =	sadd.s32 s3, s2  }
0x8d: {  	s2 =	sadd.s32 s2, s16  }
0x8e: {  	[smem:$0x3FB7] =	sst s2  }
0x8f: {  	_ = 	snop  }
0x90: {  	(tm) =	ssettm $0x1  }
0x91: {  	s17 =	sld [smem:$0x3FFB];
	_ =	sdelay $0x3  }
0x92: {  	_ =	strace s17  }
0x93: {  	s2 =	sld [smem:$0x3FFC];
	_ =	sdelay $0x3  }
0x94: {  	_ =	strace s2  }
0x95: {  	s2 =	sld [smem:$0x3FFD];
	_ =	sdelay $0x3  }
0x96: {  	_ =	strace s2  }
0x97: {  	_ =	strace $0x8FFFFFFF  }
0x98: {  	s18 =	sld [smem:$0x3FDB];
	_ =	sdelay $0x1  }
0x99: {  	s19 =	simm.s32 $_scs_section_size  }
0x9a: {  	s4 =	simm.s32 $_size__tile_overlayer_lowered;
	s5 =	simm.s32 $_tile_overlayer_lowered  }
0x9b: {  	s22 =	simm.s32 $0x1BFF;
	s21 =	sshll.u32 s5, $0x1;
	s2 =	sadd.s32 s19, s18  }
0x9c: {  	s6 =	simm.s32 $0x0;
	s20 =	sshll.u32 s4, $0x1;
	s4 =	sadd.s32 s21, s2  }
0x9d: {  	[timem:s6], [sflag:s22] =	dma.local [hbm:s4], s20  }
0x9e: {  	_ =	swait.ge [sflag:s22], s20  }
0x9f: {  	s3 =	ssub.s32 $0x0, s20;
	[sflag:s22] =	ssyncset.done $0x0  }
0xa0: {  	[sflag:s22] =	ssyncadd.s32 s3;
	_ =	sdelay $0x1  }
0xa1: {  	s23 =	simm.s32 $0x1B8B  }
0xa2: {  	_ =	swait.ge [sflag:s23], $0x1  }
0xa3: {  	[sflag:s23] =	ssyncset.done $0x0  }
0xa4: {  	s25 =	simm.s32 $0x1B8E;
	s24 =	sld [smem:$0x3FFE];
	[sflag:s23] =	ssyncadd.s32 $0xFFFFFFFF  }
0xa5: {  	s26 =	simm.s32 $execute0_lowered;
	[smem:$0x3FD2] =	sst s25  }
0xa6: {  	s4 =	sshll.u32 s26, $0x1;
	_ =	strace $0x8000004C;
	[dreg:$0x1] =	wrdreg $0xFFFFFFFF  }
0xa7: {  	s28 =	simm.s32 $_size_execute0_lowered;
	s2 =	sadd.s32 s2, s4;
	[dreg:$0x0] =	wrdreg $0x0  }
0xa8: {  	s4 =	sshll.u32 s28, $0x1;
	[dreg:$0x2] =	wrdreg s2  }
0xa9: {  	[dreg:$0x3] =	wrdreg s4  }
0xaa: {  	[dreg:$0x4] =	wrdreg $0xC0  }
0xab: {  	_ =	task [dreg:s6], $0x5FFFF  }
0xac: {  	[dreg:$0x1] =	wrdreg $0xFFFFFFFF  }
0xad: {  	[dreg:$0x0] =	wrdreg $0x60  }
0xae: {  	[dreg:$0x2] =	wrdreg s24  }
0xaf: {  	[dreg:$0x3] =	wrdreg $0x9  }
0xb0: {  	_ =	task.clear_ibuf [dreg:s6], $0x4FFFF;
	_ =	strace $0x9000004C  }
0xb1: {  	s29 =	simm.s32 $0x9;
	_ =	strace $0x8000004E  }
0xb2: {  	_ =	swait.ge [sflag:s29], $0x1  }
0xb3: {  	[sflag:s29] =	ssyncadd.s32 $0xFFFFFFFF  }
0xb4: {  	_ =	strace $0x9000004E  }
0xb5: {  	_ =	sfence  }
0xb6: {  	s30 =	sld [smem:$0x0];
	_ =	sdelay $0x2  }
0xb7: {  	s31 =	sshll.u32 s1, $0xD;
	s1 =	sshrl.u32 s1, $0x2  }
0xb8: {  	s3 =	sand.u32 $0x4000, s31;
	s1 =	sadd.s32 s1, s30  }
0xb9: {  	s0 =	sor.u32 s3, s0;
	s1 =	sshll.u32 s1, $0x11  }
0xba: {  	s0 =	sor.u32 s1, s0  }
0xbb: {  	s0 =	sadd.s32 $0x8F2B, s0  }
0xbc: {  	[sflag:s0] =	ssyncadd.remote.s32 $0x1  }
0xbd: {  	_ =	sfence.sel $0xFFFF  }
0xbe: {  	[dreg:$0x0] =	wrdreg $0xFFFFFFFF;
	(pc) =	sbr.abs _section_cstart, $3  }
0xbf: {  	[dreg:$0x1] =	wrdreg $0xFFFFFFFF  }
0xc0: {  	_ =	task.clear_ibuf [dreg:s6], $0x2FFFF;
	_ =	strace $0x9FFFFFFF  }
0xc1: {  	(tm) =	ssettm $0x7FFFFFFF  }
tec
execute0_lowered:
.L_overlay_start_1:
0x0: {  	(tag) =	ssettag $0x1  }
0x1: {  	s0 =	srdreg.scid  }
0x2: {  	s1 =	stileid.u32;
	s0 =	sand.u32 $0x1, s0  }
0x3: {  	s1 =	sshll.u32 s1, $0xB;
	s2 =	sshll.u32 s0, $0xA  }
0x4: {  	s1 =	sor.u32 s2, s1  }
0x5: {  	s3 =	rddreg [dreg:$0x0];
	s29 =	simm.s32 $0x400;
	s4 =	sshrl.u32 s1, $0x3  }
0x6: {  	s2 =	simm.s32 $0x0;
	s1 =	sshll.u32 s1, $0x5;
	s4 =	sadd.s32 s4, s3  }
0x7: {  	[smem:$0x7FF] =	sst s2;
	s1 =	sadd.s32 s1, s3;
	s4 =	sadd.s32 $0x14000, s4  }
0x8: {  	_ =	strace $0x8000004D;
	s23 =	sadd.s32 $0x15000, s1;
	[dreg:$0x2] =	wrdreg s4  }
0x9: {  	s22 =	simm.s32 $0x1;
	s24 =	sadd.s32 $0x16000, s1;
	[dreg:$0x3] =	wrdreg s23  }
0xa: {  	s13 =	simm.s32 $0x2;
	s25 =	sadd.s32 $0x17000, s1;
	[dreg:$0x4] =	wrdreg s24  }
0xb: {  	s0 =	ssub.s32 $0x2, s0;
	s26 =	sadd.s32 $0x18000, s1;
	[dreg:$0x5] =	wrdreg s25  }
0xc: {  	s5 =	sshrl.u32 s0, $0x1;
	s28 =	sadd.s32 $0x19000, s1;
	[dreg:$0x6] =	wrdreg s26  }
0xd: {  	s0 =	ssub.s32 s0, s5;
	s30 =	sadd.s32 $0x1A000, s1;
	[dreg:$0x7] =	wrdreg s28  }
0xe: {  	v2 =	vlaneseq.u32;
	s5 =	simm.s32 $0x3;
	s31 =	sadd.s32 $0x1B000, s1;
	[dreg:$0x8] =	wrdreg s30  }
0xf: {  	vm0 =	vmmov $0xffff;
	v1 =	vshrl.u32 v2, $0x3;
	s3 =	sadd.s32 $0x4000, s3;
	s1 =	sadd.s32 $0x1C000, s1;
	[dreg:$0x9] =	wrdreg s31  }
0x10: {  	v0 =	vand.u32 $0x7, v2;
	v2 =	vor.u32 $0x8, v2;
	v1 =	vmul.u32 $0x8, v1;
	[dreg:$0xa] =	wrdreg s1;
	s4 =	smax.u32 s0, $0x1;
	s23 =	simm.s32 $0x8400  }
.LBB2_1:
0x11: {  	s14 =	rddreg [dreg:$0x2]  }
0x12: {  	[tilespmem:s2], [sflag:$0x3] =	stream.linear.gather [hbm4b:s14+s2], $0x400, $0x38;
	[tilespmem:$0x10400] =	vst v63  }
0x13: {  	_ =	swait.ge [sflag:s5], $0x400  }
0x14: {  	[sflag:s5] =	ssyncset.done $0x0  }
0x15: {  	[sflag:s5] =	ssyncadd.s32 $0xFFFFFC00  }
0x16: {  	v3 =	vld [tilespmem:$0x0];
	_ =	sdelay $0x4  }
0x17: {  	v4 =	vshll.u32 v3, $0x1  }
0x18: {  	v3 =	vand.u32 $0x7, v3;
	v4 =	vand.u32 $0xFFFFFFF0, v4  }
0x19: {  	v3 =	vor.u32 v3, v4  }
0x1a: {  	v4 =	vperm.xlane v3, v0;
	_ =	sdelay $0x1  }
0x1b: {  	v3 =	vperm.xlane v3, v2;
	v4 =	vadd.s32 v1, v4;
	_ =	sdelay $0x1  }
0x1c: {  	v3 =	vadd.s32 v1, v3;
	_ =	sdelay $0x2  }
0x1d: {  	[tilespmem:s29], [sflag:$0x1] =	stream.indirect_vreg.gather [hbm4b:s3+s2], $0x80, v4, vm0, $0xb8;
	[tilespmem:$0x10400] =	vst v63  }
0x1e: {  	s0 =	simm.s32 $0xC00  }
0x1f: {  	[tilespmem:s0], [sflag:$0x1] =	stream.indirect_vreg.gather [hbm4b:s3+s2], $0x80, v3, vm0, $0xb8;
	[tilespmem:$0x10400] =	vst v63  }
0x20: {  	v3 =	vld [tilespmem:$0x10];
	_ =	sdelay $0x4  }
0x21: {  	v57 =	vshll.u32 v3, $0x1  }
0x22: {  	v3 =	vand.u32 $0x7, v3;
	v4 =	vand.u32 $0xFFFFFFF0, v57  }
0x23: {  	v3 =	vor.u32 v3, v4  }
0x24: {  	v4 =	vperm.xlane v3, v0;
	_ =	sdelay $0x1  }
0x25: {  	v3 =	vperm.xlane v3, v2;
	v4 =	vadd.s32 v1, v4;
	_ =	sdelay $0x1  }
0x26: {  	v3 =	vadd.s32 v1, v3;
	_ =	sdelay $0x1  }
0x27: {  	s18 =	simm.s32 $0x1400  }
0x28: {  	[tilespmem:s18], [sflag:$0x1] =	stream.indirect_vreg.gather [hbm4b:s3+s2], $0x80, v4, vm0, $0xb8;
	[tilespmem:$0x10400] =	vst v63  }
0x29: {  	s19 =	simm.s32 $0x1C00  }
0x2a: {  	[tilespmem:s19], [sflag:$0x1] =	stream.indirect_vreg.gather [hbm4b:s3+s2], $0x80, v3, vm0, $0xb8;
	[tilespmem:$0x10400] =	vst v63  }
0x2b: {  	v3 =	vld [tilespmem:$0x20];
	_ =	sdelay $0x4  }
0x2c: {  	v58 =	vshll.u32 v3, $0x1  }
0x2d: {  	v3 =	vand.u32 $0x7, v3;
	v4 =	vand.u32 $0xFFFFFFF0, v58  }
0x2e: {  	v3 =	vor.u32 v3, v4  }
0x2f: {  	v4 =	vperm.xlane v3, v0;
	_ =	sdelay $0x1  }
0x30: {  	v3 =	vperm.xlane v3, v2;
	v4 =	vadd.s32 v1, v4;
	_ =	sdelay $0x1  }
0x31: {  	v3 =	vadd.s32 v1, v3;
	_ =	sdelay $0x1  }
0x32: {  	s20 =	simm.s32 $0x2400  }
0x33: {  	[tilespmem:s20], [sflag:$0x1] =	stream.indirect_vreg.gather [hbm4b:s3+s2], $0x80, v4, vm0, $0xb8;
	[tilespmem:$0x10400] =	vst v63  }
0x34: {  	s21 =	simm.s32 $0x2C00  }
0x35: {  	[tilespmem:s21], [sflag:$0x1] =	stream.indirect_vreg.gather [hbm4b:s3+s2], $0x80, v3, vm0, $0xb8;
	[tilespmem:$0x10400] =	vst v63  }
0x36: {  	v3 =	vld [tilespmem:$0x30];
	_ =	sdelay $0x4  }
0x37: {  	v59 =	vshll.u32 v3, $0x1  }
0x38: {  	v3 =	vand.u32 $0x7, v3;
	v4 =	vand.u32 $0xFFFFFFF0, v59  }
0x39: {  	v3 =	vor.u32 v3, v4  }
0x3a: {  	v4 =	vperm.xlane v3, v0;
	_ =	sdelay $0x1  }
0x3b: {  	v3 =	vperm.xlane v3, v2;
	v4 =	vadd.s32 v1, v4;
	_ =	sdelay $0x1  }
0x3c: {  	v3 =	vadd.s32 v1, v3;
	_ =	sdelay $0x1  }
0x3d: {  	s24 =	simm.s32 $0x3400  }
0x3e: {  	[tilespmem:s24], [sflag:$0x1] =	stream.indirect_vreg.gather [hbm4b:s3+s2], $0x80, v4, vm0, $0xb8;
	[tilespmem:$0x10400] =	vst v63  }
0x3f: {  	s25 =	simm.s32 $0x3C00  }
0x40: {  	[tilespmem:s25], [sflag:$0x1] =	stream.indirect_vreg.gather [hbm4b:s3+s2], $0x80, v3, vm0, $0xb8;
	[tilespmem:$0x10400] =	vst v63  }
0x41: {  	v3 =	vld [tilespmem:$0x40];
	_ =	sdelay $0x4  }
0x42: {  	v60 =	vshll.u32 v3, $0x1  }
0x43: {  	v3 =	vand.u32 $0x7, v3;
	v4 =	vand.u32 $0xFFFFFFF0, v60  }
0x44: {  	v3 =	vor.u32 v3, v4  }
0x45: {  	v4 =	vperm.xlane v3, v0;
	_ =	sdelay $0x1  }
0x46: {  	v3 =	vperm.xlane v3, v2;
	v4 =	vadd.s32 v1, v4;
	_ =	sdelay $0x1  }
0x47: {  	v3 =	vadd.s32 v1, v3;
	_ =	sdelay $0x1  }
0x48: {  	s26 =	simm.s32 $0x4400  }
0x49: {  	[tilespmem:s26], [sflag:$0x1] =	stream.indirect_vreg.gather [hbm4b:s3+s2], $0x80, v4, vm0, $0xb8;
	[tilespmem:$0x10400] =	vst v63  }
0x4a: {  	s28 =	simm.s32 $0x4C00  }
0x4b: {  	[tilespmem:s28], [sflag:$0x1] =	stream.indirect_vreg.gather [hbm4b:s3+s2], $0x80, v3, vm0, $0xb8;
	[tilespmem:$0x10400] =	vst v63  }
0x4c: {  	v3 =	vld [tilespmem:$0x50];
	_ =	sdelay $0x4  }
0x4d: {  	v61 =	vshll.u32 v3, $0x1  }
0x4e: {  	v3 =	vand.u32 $0x7, v3;
	v4 =	vand.u32 $0xFFFFFFF0, v61  }
0x4f: {  	v3 =	vor.u32 v3, v4  }
0x50: {  	v4 =	vperm.xlane v3, v0;
	_ =	sdelay $0x1  }
0x51: {  	v3 =	vperm.xlane v3, v2;
	v4 =	vadd.s32 v1, v4;
	_ =	sdelay $0x1  }
0x52: {  	v3 =	vadd.s32 v1, v3;
	_ =	sdelay $0x1  }
0x53: {  	s30 =	simm.s32 $0x5400  }
0x54: {  	[tilespmem:s30], [sflag:$0x1] =	stream.indirect_vreg.gather [hbm4b:s3+s2], $0x80, v4, vm0, $0xb8;
	[tilespmem:$0x10400] =	vst v63  }
0x55: {  	s31 =	simm.s32 $0x5C00  }
0x56: {  	[tilespmem:s31], [sflag:$0x1] =	stream.indirect_vreg.gather [hbm4b:s3+s2], $0x80, v3, vm0, $0xb8;
	[tilespmem:$0x10400] =	vst v63  }
0x57: {  	v3 =	vld [tilespmem:$0x60];
	_ =	sdelay $0x4  }
0x58: {  	v62 =	vshll.u32 v3, $0x1  }
0x59: {  	v3 =	vand.u32 $0x7, v3;
	v4 =	vand.u32 $0xFFFFFFF0, v62  }
0x5a: {  	v3 =	vor.u32 v3, v4  }
0x5b: {  	v4 =	vperm.xlane v3, v0;
	_ =	sdelay $0x1  }
0x5c: {  	v3 =	vperm.xlane v3, v2;
	v4 =	vadd.s32 v1, v4;
	_ =	sdelay $0x1  }
0x5d: {  	v3 =	vadd.s32 v1, v3;
	_ =	sdelay $0x1  }
0x5e: {  	s1 =	simm.s32 $0x6400  }
0x5f: {  	[tilespmem:s1], [sflag:$0x1] =	stream.indirect_vreg.gather [hbm4b:s3+s2], $0x80, v4, vm0, $0xb8;
	[tilespmem:$0x10400] =	vst v63  }
0x60: {  	s6 =	simm.s32 $0x6C00  }
0x61: {  	[tilespmem:s6], [sflag:$0x1] =	stream.indirect_vreg.gather [hbm4b:s3+s2], $0x80, v3, vm0, $0xb8;
	[tilespmem:$0x10400] =	vst v63  }
0x62: {  	v3 =	vld [tilespmem:$0x70];
	_ =	sdelay $0x4  }
0x63: {  	v63 =	vshll.u32 v3, $0x1  }
0x64: {  	v3 =	vand.u32 $0x7, v3;
	v4 =	vand.u32 $0xFFFFFFF0, v63  }
0x65: {  	v3 =	vor.u32 v3, v4  }
0x66: {  	v4 =	vperm.xlane v3, v0;
	_ =	sdelay $0x1  }
0x67: {  	v3 =	vperm.xlane v3, v2;
	v4 =	vadd.s32 v1, v4;
	_ =	sdelay $0x1  }
0x68: {  	v3 =	vadd.s32 v1, v3;
	_ =	sdelay $0x1  }
0x69: {  	s7 =	simm.s32 $0x7400  }
0x6a: {  	[tilespmem:s7], [sflag:$0x1] =	stream.indirect_vreg.gather [hbm4b:s3+s2], $0x80, v4, vm0, $0xb8;
	[tilespmem:$0x10400] =	vst v63  }
0x6b: {  	s8 =	simm.s32 $0x7C00  }
0x6c: {  	[tilespmem:s8], [sflag:$0x1] =	stream.indirect_vreg.gather [hbm4b:s3+s2], $0x80, v3, vm0, $0xb8;
	[tilespmem:$0x10400] =	vst v63  }
0x6d: {  	_ =	swait.ge [sflag:s22], $0x8000  }
0x6e: {  	[sflag:s22] =	ssyncset.done $0x0  }
0x6f: {  	[sflag:s22] =	ssyncadd.s32 $0xFFFF8000  }
0x70: {  	v3 =	vld [tilespmem:$0x80];
	_ =	sdelay $0x4  }
0x71: {  	v8 =	vshll.u32 v3, $0x1  }
0x72: {  	v3 =	vand.u32 $0x7, v3;
	v4 =	vand.u32 $0xFFFFFFF0, v8  }
0x73: {  	v3 =	vor.u32 v3, v4  }
0x74: {  	v4 =	vperm.xlane v3, v0;
	_ =	sdelay $0x1  }
0x75: {  	v3 =	vperm.xlane v3, v2;
	v4 =	vadd.s32 v1, v4;
	_ =	sdelay $0x1  }
0x76: {  	v3 =	vadd.s32 v1, v3;
	_ =	sdelay $0x2  }
0x77: {  	[tilespmem:s23], [sflag:$0x2] =	stream.indirect_vreg.gather [hbm4b:s3+s2], $0x80, v4, vm0, $0xb8;
	[tilespmem:$0x10400] =	vst v63  }
0x78: {  	s9 =	simm.s32 $0x8C00  }
0x79: {  	[tilespmem:s9], [sflag:$0x2] =	stream.indirect_vreg.gather [hbm4b:s3+s2], $0x80, v3, vm0, $0xb8;
	[tilespmem:$0x10400] =	vst v63  }
0x7a: {  	v3 =	vld [tilespmem:$0x90];
	_ =	sdelay $0x4  }
0x7b: {  	v9 =	vshll.u32 v3, $0x1  }
0x7c: {  	v3 =	vand.u32 $0x7, v3;
	v4 =	vand.u32 $0xFFFFFFF0, v9  }
0x7d: {  	v3 =	vor.u32 v3, v4  }
0x7e: {  	v4 =	vperm.xlane v3, v0;
	_ =	sdelay $0x1  }
0x7f: {  	v3 =	vperm.xlane v3, v2;
	v4 =	vadd.s32 v1, v4;
	_ =	sdelay $0x1  }
0x80: {  	v3 =	vadd.s32 v1, v3;
	_ =	sdelay $0x1  }
0x81: {  	s11 =	simm.s32 $0x9400  }
0x82: {  	[tilespmem:s11], [sflag:$0x2] =	stream.indirect_vreg.gather [hbm4b:s3+s2], $0x80, v4, vm0, $0xb8;
	[tilespmem:$0x10400] =	vst v63  }
0x83: {  	s14 =	simm.s32 $0x9C00  }
0x84: {  	[tilespmem:s14], [sflag:$0x2] =	stream.indirect_vreg.gather [hbm4b:s3+s2], $0x80, v3, vm0, $0xb8;
	[tilespmem:$0x10400] =	vst v63  }
0x85: {  	v3 =	vld [tilespmem:$0xA0];
	_ =	sdelay $0x4  }
0x86: {  	v10 =	vshll.u32 v3, $0x1  }
0x87: {  	v3 =	vand.u32 $0x7, v3;
	v4 =	vand.u32 $0xFFFFFFF0, v10  }
0x88: {  	v3 =	vor.u32 v3, v4  }
0x89: {  	v4 =	vperm.xlane v3, v0;
	_ =	sdelay $0x1  }
0x8a: {  	v3 =	vperm.xlane v3, v2;
	v4 =	vadd.s32 v1, v4;
	_ =	sdelay $0x1  }
0x8b: {  	v3 =	vadd.s32 v1, v3;
	_ =	sdelay $0x1  }
0x8c: {  	s16 =	simm.s32 $0xA400  }
0x8d: {  	[tilespmem:s16], [sflag:$0x2] =	stream.indirect_vreg.gather [hbm4b:s3+s2], $0x80, v4, vm0, $0xb8;
	[tilespmem:$0x10400] =	vst v63  }
0x8e: {  	s26 =	simm.s32 $0xAC00  }
0x8f: {  	[tilespmem:s26], [sflag:$0x2] =	stream.indirect_vreg.gather [hbm4b:s3+s2], $0x80, v3, vm0, $0xb8;
	[tilespmem:$0x10400] =	vst v63  }
0x90: {  	v3 =	vld [tilespmem:$0xB0];
	_ =	sdelay $0x4  }
0x91: {  	v11 =	vshll.u32 v3, $0x1  }
0x92: {  	v3 =	vand.u32 $0x7, v3;
	v4 =	vand.u32 $0xFFFFFFF0, v11  }
0x93: {  	v3 =	vor.u32 v3, v4  }
0x94: {  	v4 =	vperm.xlane v3, v0;
	_ =	sdelay $0x1  }
0x95: {  	v3 =	vperm.xlane v3, v2;
	v4 =	vadd.s32 v1, v4;
	_ =	sdelay $0x1  }
0x96: {  	v3 =	vadd.s32 v1, v3;
	_ =	sdelay $0x1  }
0x97: {  	s28 =	simm.s32 $0xB400  }
0x98: {  	[tilespmem:s28], [sflag:$0x2] =	stream.indirect_vreg.gather [hbm4b:s3+s2], $0x80, v4, vm0, $0xb8;
	[tilespmem:$0x10400] =	vst v63  }
0x99: {  	s6 =	simm.s32 $0xBC00  }
0x9a: {  	[tilespmem:s6], [sflag:$0x2] =	stream.indirect_vreg.gather [hbm4b:s3+s2], $0x80, v3, vm0, $0xb8;
	[tilespmem:$0x10400] =	vst v63  }
0x9b: {  	v3 =	vld [tilespmem:$0xC0];
	_ =	sdelay $0x4  }
0x9c: {  	v12 =	vshll.u32 v3, $0x1  }
0x9d: {  	v3 =	vand.u32 $0x7, v3;
	v4 =	vand.u32 $0xFFFFFFF0, v12  }
0x9e: {  	v3 =	vor.u32 v3, v4  }
0x9f: {  	v4 =	vperm.xlane v3, v0;
	_ =	sdelay $0x1  }
0xa0: {  	v3 =	vperm.xlane v3, v2;
	v4 =	vadd.s32 v1, v4;
	_ =	sdelay $0x1  }
0xa1: {  	v3 =	vadd.s32 v1, v3;
	_ =	sdelay $0x1  }
0xa2: {  	s11 =	simm.s32 $0xC400  }
0xa3: {  	[tilespmem:s11], [sflag:$0x2] =	stream.indirect_vreg.gather [hbm4b:s3+s2], $0x80, v4, vm0, $0xb8;
	[tilespmem:$0x10400] =	vst v63  }
0xa4: {  	s16 =	simm.s32 $0xCC00  }
0xa5: {  	[tilespmem:s16], [sflag:$0x2] =	stream.indirect_vreg.gather [hbm4b:s3+s2], $0x80, v3, vm0, $0xb8;
	[tilespmem:$0x10400] =	vst v63  }
0xa6: {  	v3 =	vld [tilespmem:$0xD0];
	_ =	sdelay $0x4  }
0xa7: {  	v13 =	vshll.u32 v3, $0x1  }
0xa8: {  	v3 =	vand.u32 $0x7, v3;
	v4 =	vand.u32 $0xFFFFFFF0, v13  }
0xa9: {  	v3 =	vor.u32 v3, v4  }
0xaa: {  	v4 =	vperm.xlane v3, v0;
	_ =	sdelay $0x1  }
0xab: {  	v3 =	vperm.xlane v3, v2;
	v4 =	vadd.s32 v1, v4;
	_ =	sdelay $0x1  }
0xac: {  	v3 =	vadd.s32 v1, v3;
	_ =	sdelay $0x1  }
0xad: {  	s26 =	simm.s32 $0xD400  }
0xae: {  	[tilespmem:s26], [sflag:$0x2] =	stream.indirect_vreg.gather [hbm4b:s3+s2], $0x80, v4, vm0, $0xb8;
	[tilespmem:$0x10400] =	vst v63  }
0xaf: {  	s28 =	simm.s32 $0xDC00  }
0xb0: {  	[tilespmem:s28], [sflag:$0x2] =	stream.indirect_vreg.gather [hbm4b:s3+s2], $0x80, v3, vm0, $0xb8;
	[tilespmem:$0x10400] =	vst v63  }
0xb1: {  	v3 =	vld [tilespmem:$0xE0];
	_ =	sdelay $0x4  }
0xb2: {  	v14 =	vshll.u32 v3, $0x1  }
0xb3: {  	v3 =	vand.u32 $0x7, v3;
	v4 =	vand.u32 $0xFFFFFFF0, v14  }
0xb4: {  	v3 =	vor.u32 v3, v4  }
0xb5: {  	v4 =	vperm.xlane v3, v0;
	_ =	sdelay $0x1  }
0xb6: {  	v3 =	vperm.xlane v3, v2;
	v4 =	vadd.s32 v1, v4;
	_ =	sdelay $0x1  }
0xb7: {  	v3 =	vadd.s32 v1, v3;
	_ =	sdelay $0x1  }
0xb8: {  	s0 =	simm.s32 $0xE400  }
0xb9: {  	[tilespmem:s0], [sflag:$0x2] =	stream.indirect_vreg.gather [hbm4b:s3+s2], $0x80, v4, vm0, $0xb8;
	[tilespmem:$0x10400] =	vst v63  }
0xba: {  	s11 =	simm.s32 $0xEC00  }
0xbb: {  	[tilespmem:s11], [sflag:$0x2] =	stream.indirect_vreg.gather [hbm4b:s3+s2], $0x80, v3, vm0, $0xb8;
	[tilespmem:$0x10400] =	vst v63  }
0xbc: {  	v3 =	vld [tilespmem:$0xF0];
	_ =	sdelay $0x4  }
0xbd: {  	v15 =	vshll.u32 v3, $0x1  }
0xbe: {  	v3 =	vand.u32 $0x7, v3;
	v4 =	vand.u32 $0xFFFFFFF0, v15  }
0xbf: {  	v3 =	vor.u32 v3, v4  }
0xc0: {  	v4 =	vperm.xlane v3, v0;
	_ =	sdelay $0x1  }
0xc1: {  	v3 =	vperm.xlane v3, v2;
	v4 =	vadd.s32 v1, v4;
	_ =	sdelay $0x1  }
0xc2: {  	v3 =	vadd.s32 v1, v3;
	_ =	sdelay $0x1  }
0xc3: {  	s16 =	simm.s32 $0xF400  }
0xc4: {  	[tilespmem:s16], [sflag:$0x2] =	stream.indirect_vreg.gather [hbm4b:s3+s2], $0x80, v4, vm0, $0xb8;
	[tilespmem:$0x10400] =	vst v63  }
0xc5: {  	s28 =	simm.s32 $0xFC00  }
0xc6: {  	[tilespmem:s28], [sflag:$0x2] =	stream.indirect_vreg.gather [hbm4b:s3+s2], $0x80, v3, vm0, $0xb8;
	[tilespmem:$0x10400] =	vst v63  }
0xc7: {  	s26 =	rddreg [dreg:$0x3]  }
0xc8: {  	[hbm4b:s26+s2] =	stream.linear.scatter [tilespmem:s29], [sflag:$0x3], $0x8000, $0x38;
	[tilespmem:$0x10400] =	vst v63  }
0xc9: {  	_ =	swait.ge [sflag:s5], $0x8000  }
0xca: {  	[sflag:s5] =	ssyncset.done $0x0  }
0xcb: {  	[sflag:s5] =	ssyncadd.s32 $0xFFFF8000  }
0xcc: {  	_ =	swait.ge [sflag:s13], $0x8000  }
0xcd: {  	[sflag:s13] =	ssyncset.done $0x0  }
0xce: {  	[sflag:s13] =	ssyncadd.s32 $0xFFFF8000  }
0xcf: {  	v3 =	vld [tilespmem:$0x100];
	_ =	sdelay $0x4  }
0xd0: {  	v16 =	vshll.u32 v3, $0x1  }
0xd1: {  	v3 =	vand.u32 $0x7, v3;
	v4 =	vand.u32 $0xFFFFFFF0, v16  }
0xd2: {  	v3 =	vor.u32 v3, v4  }
0xd3: {  	v4 =	vperm.xlane v3, v0;
	_ =	sdelay $0x1  }
0xd4: {  	v3 =	vperm.xlane v3, v2;
	v4 =	vadd.s32 v1, v4;
	_ =	sdelay $0x1  }
0xd5: {  	v3 =	vadd.s32 v1, v3;
	_ =	sdelay $0x2  }
0xd6: {  	[tilespmem:s29], [sflag:$0x1] =	stream.indirect_vreg.gather [hbm4b:s3+s2], $0x80, v4, vm0, $0xb8;
	[tilespmem:$0x10400] =	vst v63  }
0xd7: {  	s15 =	simm.s32 $0xC00  }
0xd8: {  	[tilespmem:s15], [sflag:$0x1] =	stream.indirect_vreg.gather [hbm4b:s3+s2], $0x80, v3, vm0, $0xb8;
	[tilespmem:$0x10400] =	vst v63  }
0xd9: {  	v3 =	vld [tilespmem:$0x110];
	_ =	sdelay $0x4  }
0xda: {  	v17 =	vshll.u32 v3, $0x1  }
0xdb: {  	v3 =	vand.u32 $0x7, v3;
	v4 =	vand.u32 $0xFFFFFFF0, v17  }
0xdc: {  	v3 =	vor.u32 v3, v4  }
0xdd: {  	v4 =	vperm.xlane v3, v0;
	_ =	sdelay $0x1  }
0xde: {  	v3 =	vperm.xlane v3, v2;
	v4 =	vadd.s32 v1, v4;
	_ =	sdelay $0x1  }
0xdf: {  	v3 =	vadd.s32 v1, v3;
	_ =	sdelay $0x1  }
0xe0: {  	s12 =	simm.s32 $0x1400  }
0xe1: {  	[tilespmem:s12], [sflag:$0x1] =	stream.indirect_vreg.gather [hbm4b:s3+s2], $0x80, v4, vm0, $0xb8;
	[tilespmem:$0x10400] =	vst v63  }
0xe2: {  	s17 =	simm.s32 $0x1C00  }
0xe3: {  	[tilespmem:s17], [sflag:$0x1] =	stream.indirect_vreg.gather [hbm4b:s3+s2], $0x80, v3, vm0, $0xb8;
	[tilespmem:$0x10400] =	vst v63  }
0xe4: {  	v3 =	vld [tilespmem:$0x120];
	_ =	sdelay $0x4  }
0xe5: {  	v18 =	vshll.u32 v3, $0x1  }
0xe6: {  	v3 =	vand.u32 $0x7, v3;
	v4 =	vand.u32 $0xFFFFFFF0, v18  }
0xe7: {  	v3 =	vor.u32 v3, v4  }
0xe8: {  	v4 =	vperm.xlane v3, v0;
	_ =	sdelay $0x1  }
0xe9: {  	v3 =	vperm.xlane v3, v2;
	v4 =	vadd.s32 v1, v4;
	_ =	sdelay $0x1  }
0xea: {  	v3 =	vadd.s32 v1, v3;
	_ =	sdelay $0x1  }
0xeb: {  	s18 =	simm.s32 $0x2400  }
0xec: {  	[tilespmem:s18], [sflag:$0x1] =	stream.indirect_vreg.gather [hbm4b:s3+s2], $0x80, v4, vm0, $0xb8;
	[tilespmem:$0x10400] =	vst v63  }
0xed: {  	s19 =	simm.s32 $0x2C00  }
0xee: {  	[tilespmem:s19], [sflag:$0x1] =	stream.indirect_vreg.gather [hbm4b:s3+s2], $0x80, v3, vm0, $0xb8;
	[tilespmem:$0x10400] =	vst v63  }
0xef: {  	v3 =	vld [tilespmem:$0x130];
	_ =	sdelay $0x4  }
0xf0: {  	v19 =	vshll.u32 v3, $0x1  }
0xf1: {  	v3 =	vand.u32 $0x7, v3;
	v4 =	vand.u32 $0xFFFFFFF0, v19  }
0xf2: {  	v3 =	vor.u32 v3, v4  }
0xf3: {  	v4 =	vperm.xlane v3, v0;
	_ =	sdelay $0x1  }
0xf4: {  	v3 =	vperm.xlane v3, v2;
	v4 =	vadd.s32 v1, v4;
	_ =	sdelay $0x1  }
0xf5: {  	v3 =	vadd.s32 v1, v3;
	_ =	sdelay $0x1  }
0xf6: {  	s20 =	simm.s32 $0x3400  }
0xf7: {  	[tilespmem:s20], [sflag:$0x1] =	stream.indirect_vreg.gather [hbm4b:s3+s2], $0x80, v4, vm0, $0xb8;
	[tilespmem:$0x10400] =	vst v63  }
0xf8: {  	s21 =	simm.s32 $0x3C00  }
0xf9: {  	[tilespmem:s21], [sflag:$0x1] =	stream.indirect_vreg.gather [hbm4b:s3+s2], $0x80, v3, vm0, $0xb8;
	[tilespmem:$0x10400] =	vst v63  }
0xfa: {  	v3 =	vld [tilespmem:$0x140];
	_ =	sdelay $0x4  }
0xfb: {  	v20 =	vshll.u32 v3, $0x1  }
0xfc: {  	v3 =	vand.u32 $0x7, v3;
	v4 =	vand.u32 $0xFFFFFFF0, v20  }
0xfd: {  	v3 =	vor.u32 v3, v4  }
0xfe: {  	v4 =	vperm.xlane v3, v0;
	_ =	sdelay $0x1  }
0xff: {  	v3 =	vperm.xlane v3, v2;
	v4 =	vadd.s32 v1, v4;
	_ =	sdelay $0x1  }
0x100: {  	v3 =	vadd.s32 v1, v3;
	_ =	sdelay $0x1  }
0x101: {  	s24 =	simm.s32 $0x4400  }
0x102: {  	[tilespmem:s24], [sflag:$0x1] =	stream.indirect_vreg.gather [hbm4b:s3+s2], $0x80, v4, vm0, $0xb8;
	[tilespmem:$0x10400] =	vst v63  }
0x103: {  	s25 =	simm.s32 $0x4C00  }
0x104: {  	[tilespmem:s25], [sflag:$0x1] =	stream.indirect_vreg.gather [hbm4b:s3+s2], $0x80, v3, vm0, $0xb8;
	[tilespmem:$0x10400] =	vst v63  }
0x105: {  	v3 =	vld [tilespmem:$0x150];
	_ =	sdelay $0x4  }
0x106: {  	v21 =	vshll.u32 v3, $0x1  }
0x107: {  	v3 =	vand.u32 $0x7, v3;
	v4 =	vand.u32 $0xFFFFFFF0, v21  }
0x108: {  	v3 =	vor.u32 v3, v4  }
0x109: {  	v4 =	vperm.xlane v3, v0;
	_ =	sdelay $0x1  }
0x10a: {  	v3 =	vperm.xlane v3, v2;
	v4 =	vadd.s32 v1, v4;
	_ =	sdelay $0x1  }
0x10b: {  	v3 =	vadd.s32 v1, v3;
	_ =	sdelay $0x1  }
0x10c: {  	s11 =	simm.s32 $0x5400  }
0x10d: {  	[tilespmem:s11], [sflag:$0x1] =	stream.indirect_vreg.gather [hbm4b:s3+s2], $0x80, v4, vm0, $0xb8;
	[tilespmem:$0x10400] =	vst v63  }
0x10e: {  	s16 =	simm.s32 $0x5C00  }
0x10f: {  	[tilespmem:s16], [sflag:$0x1] =	stream.indirect_vreg.gather [hbm4b:s3+s2], $0x80, v3, vm0, $0xb8;
	[tilespmem:$0x10400] =	vst v63  }
0x110: {  	v3 =	vld [tilespmem:$0x160];
	_ =	sdelay $0x4  }
0x111: {  	v22 =	vshll.u32 v3, $0x1  }
0x112: {  	v3 =	vand.u32 $0x7, v3;
	v4 =	vand.u32 $0xFFFFFFF0, v22  }
0x113: {  	v3 =	vor.u32 v3, v4  }
0x114: {  	v4 =	vperm.xlane v3, v0;
	_ =	sdelay $0x1  }
0x115: {  	v3 =	vperm.xlane v3, v2;
	v4 =	vadd.s32 v1, v4;
	_ =	sdelay $0x1  }
0x116: {  	v3 =	vadd.s32 v1, v3;
	_ =	sdelay $0x1  }
0x117: {  	s17 =	simm.s32 $0x6400  }
0x118: {  	[tilespmem:s17], [sflag:$0x1] =	stream.indirect_vreg.gather [hbm4b:s3+s2], $0x80, v4, vm0, $0xb8;
	[tilespmem:$0x10400] =	vst v63  }
0x119: {  	s31 =	simm.s32 $0x6C00  }
0x11a: {  	[tilespmem:s31], [sflag:$0x1] =	stream.indirect_vreg.gather [hbm4b:s3+s2], $0x80, v3, vm0, $0xb8;
	[tilespmem:$0x10400] =	vst v63  }
0x11b: {  	v3 =	vld [tilespmem:$0x170];
	_ =	sdelay $0x4  }
0x11c: {  	v23 =	vshll.u32 v3, $0x1  }
0x11d: {  	v3 =	vand.u32 $0x7, v3;
	v4 =	vand.u32 $0xFFFFFFF0, v23  }
0x11e: {  	v3 =	vor.u32 v3, v4  }
0x11f: {  	v4 =	vperm.xlane v3, v0;
	_ =	sdelay $0x1  }
0x120: {  	v3 =	vperm.xlane v3, v2;
	v4 =	vadd.s32 v1, v4;
	_ =	sdelay $0x1  }
0x121: {  	v3 =	vadd.s32 v1, v3;
	_ =	sdelay $0x1  }
0x122: {  	s30 =	simm.s32 $0x7400  }
0x123: {  	[tilespmem:s30], [sflag:$0x1] =	stream.indirect_vreg.gather [hbm4b:s3+s2], $0x80, v4, vm0, $0xb8;
	[tilespmem:$0x10400] =	vst v63  }
0x124: {  	s10 =	simm.s32 $0x7C00  }
0x125: {  	[tilespmem:s10], [sflag:$0x1] =	stream.indirect_vreg.gather [hbm4b:s3+s2], $0x80, v3, vm0, $0xb8;
	[tilespmem:$0x10400] =	vst v63  }
0x126: {  	s30 =	rddreg [dreg:$0x4]  }
0x127: {  	[hbm4b:s30+s2] =	stream.linear.scatter [tilespmem:s23], [sflag:$0x3], $0x8000, $0x38;
	[tilespmem:$0x10400] =	vst v63  }
0x128: {  	_ =	swait.ge [sflag:s5], $0x8000  }
0x129: {  	[sflag:s5] =	ssyncset.done $0x0  }
0x12a: {  	[sflag:s5] =	ssyncadd.s32 $0xFFFF8000  }
0x12b: {  	_ =	swait.ge [sflag:s22], $0x8000  }
0x12c: {  	[sflag:s22] =	ssyncset.done $0x0  }
0x12d: {  	[sflag:s22] =	ssyncadd.s32 $0xFFFF8000  }
0x12e: {  	v3 =	vld [tilespmem:$0x180];
	_ =	sdelay $0x4  }
0x12f: {  	v24 =	vshll.u32 v3, $0x1  }
0x130: {  	v3 =	vand.u32 $0x7, v3;
	v4 =	vand.u32 $0xFFFFFFF0, v24  }
0x131: {  	v3 =	vor.u32 v3, v4  }
0x132: {  	v4 =	vperm.xlane v3, v0;
	_ =	sdelay $0x1  }
0x133: {  	v3 =	vperm.xlane v3, v2;
	v4 =	vadd.s32 v1, v4;
	_ =	sdelay $0x1  }
0x134: {  	v3 =	vadd.s32 v1, v3;
	_ =	sdelay $0x2  }
0x135: {  	[tilespmem:s23], [sflag:$0x2] =	stream.indirect_vreg.gather [hbm4b:s3+s2], $0x80, v4, vm0, $0xb8;
	[tilespmem:$0x10400] =	vst v63  }
0x136: {  	s9 =	simm.s32 $0x8C00  }
0x137: {  	[tilespmem:s9], [sflag:$0x2] =	stream.indirect_vreg.gather [hbm4b:s3+s2], $0x80, v3, vm0, $0xb8;
	[tilespmem:$0x10400] =	vst v63  }
0x138: {  	v3 =	vld [tilespmem:$0x190];
	_ =	sdelay $0x4  }
0x139: {  	v25 =	vshll.u32 v3, $0x1  }
0x13a: {  	v3 =	vand.u32 $0x7, v3;
	v4 =	vand.u32 $0xFFFFFFF0, v25  }
0x13b: {  	v3 =	vor.u32 v3, v4  }
0x13c: {  	v4 =	vperm.xlane v3, v0;
	_ =	sdelay $0x1  }
0x13d: {  	v3 =	vperm.xlane v3, v2;
	v4 =	vadd.s32 v1, v4;
	_ =	sdelay $0x1  }
0x13e: {  	v3 =	vadd.s32 v1, v3;
	_ =	sdelay $0x1  }
0x13f: {  	s1 =	simm.s32 $0x9400  }
0x140: {  	[tilespmem:s1], [sflag:$0x2] =	stream.indirect_vreg.gather [hbm4b:s3+s2], $0x80, v4, vm0, $0xb8;
	[tilespmem:$0x10400] =	vst v63  }
0x141: {  	s10 =	simm.s32 $0x9C00  }
0x142: {  	[tilespmem:s10], [sflag:$0x2] =	stream.indirect_vreg.gather [hbm4b:s3+s2], $0x80, v3, vm0, $0xb8;
	[tilespmem:$0x10400] =	vst v63  }
0x143: {  	v3 =	vld [tilespmem:$0x1A0];
	_ =	sdelay $0x4  }
0x144: {  	v26 =	vshll.u32 v3, $0x1  }
0x145: {  	v3 =	vand.u32 $0x7, v3;
	v4 =	vand.u32 $0xFFFFFFF0, v26  }
0x146: {  	v3 =	vor.u32 v3, v4  }
0x147: {  	v4 =	vperm.xlane v3, v0;
	_ =	sdelay $0x1  }
0x148: {  	v3 =	vperm.xlane v3, v2;
	v4 =	vadd.s32 v1, v4;
	_ =	sdelay $0x1  }
0x149: {  	v3 =	vadd.s32 v1, v3;
	_ =	sdelay $0x1  }
0x14a: {  	s7 =	simm.s32 $0xA400  }
0x14b: {  	[tilespmem:s7], [sflag:$0x2] =	stream.indirect_vreg.gather [hbm4b:s3+s2], $0x80, v4, vm0, $0xb8;
	[tilespmem:$0x10400] =	vst v63  }
0x14c: {  	s12 =	simm.s32 $0xAC00  }
0x14d: {  	[tilespmem:s12], [sflag:$0x2] =	stream.indirect_vreg.gather [hbm4b:s3+s2], $0x80, v3, vm0, $0xb8;
	[tilespmem:$0x10400] =	vst v63  }
0x14e: {  	v3 =	vld [tilespmem:$0x1B0];
	_ =	sdelay $0x4  }
0x14f: {  	v27 =	vshll.u32 v3, $0x1  }
0x150: {  	v3 =	vand.u32 $0x7, v3;
	v4 =	vand.u32 $0xFFFFFFF0, v27  }
0x151: {  	v3 =	vor.u32 v3, v4  }
0x152: {  	v4 =	vperm.xlane v3, v0;
	_ =	sdelay $0x1  }
0x153: {  	v3 =	vperm.xlane v3, v2;
	v4 =	vadd.s32 v1, v4;
	_ =	sdelay $0x1  }
0x154: {  	v3 =	vadd.s32 v1, v3;
	_ =	sdelay $0x1  }
0x155: {  	s8 =	simm.s32 $0xB400  }
0x156: {  	[tilespmem:s8], [sflag:$0x2] =	stream.indirect_vreg.gather [hbm4b:s3+s2], $0x80, v4, vm0, $0xb8;
	[tilespmem:$0x10400] =	vst v63  }
0x157: {  	s15 =	simm.s32 $0xBC00  }
0x158: {  	[tilespmem:s15], [sflag:$0x2] =	stream.indirect_vreg.gather [hbm4b:s3+s2], $0x80, v3, vm0, $0xb8;
	[tilespmem:$0x10400] =	vst v63  }
0x159: {  	v3 =	vld [tilespmem:$0x1C0];
	_ =	sdelay $0x4  }
0x15a: {  	v28 =	vshll.u32 v3, $0x1  }
0x15b: {  	v3 =	vand.u32 $0x7, v3;
	v4 =	vand.u32 $0xFFFFFFF0, v28  }
0x15c: {  	v3 =	vor.u32 v3, v4  }
0x15d: {  	v4 =	vperm.xlane v3, v0;
	_ =	sdelay $0x1  }
0x15e: {  	v3 =	vperm.xlane v3, v2;
	v4 =	vadd.s32 v1, v4;
	_ =	sdelay $0x1  }
0x15f: {  	v3 =	vadd.s32 v1, v3;
	_ =	sdelay $0x1  }
0x160: {  	s0 =	simm.s32 $0xC400  }
0x161: {  	[tilespmem:s0], [sflag:$0x2] =	stream.indirect_vreg.gather [hbm4b:s3+s2], $0x80, v4, vm0, $0xb8;
	[tilespmem:$0x10400] =	vst v63  }
0x162: {  	s6 =	simm.s32 $0xCC00  }
0x163: {  	[tilespmem:s6], [sflag:$0x2] =	stream.indirect_vreg.gather [hbm4b:s3+s2], $0x80, v3, vm0, $0xb8;
	[tilespmem:$0x10400] =	vst v63  }
0x164: {  	v3 =	vld [tilespmem:$0x1D0];
	_ =	sdelay $0x4  }
0x165: {  	v29 =	vshll.u32 v3, $0x1  }
0x166: {  	v3 =	vand.u32 $0x7, v3;
	v4 =	vand.u32 $0xFFFFFFF0, v29  }
0x167: {  	v3 =	vor.u32 v3, v4  }
0x168: {  	v4 =	vperm.xlane v3, v0;
	_ =	sdelay $0x1  }
0x169: {  	v3 =	vperm.xlane v3, v2;
	v4 =	vadd.s32 v1, v4;
	_ =	sdelay $0x1  }
0x16a: {  	v3 =	vadd.s32 v1, v3;
	_ =	sdelay $0x1  }
0x16b: {  	s1 =	simm.s32 $0xD400  }
0x16c: {  	[tilespmem:s1], [sflag:$0x2] =	stream.indirect_vreg.gather [hbm4b:s3+s2], $0x80, v4, vm0, $0xb8;
	[tilespmem:$0x10400] =	vst v63  }
0x16d: {  	s7 =	simm.s32 $0xDC00  }
0x16e: {  	[tilespmem:s7], [sflag:$0x2] =	stream.indirect_vreg.gather [hbm4b:s3+s2], $0x80, v3, vm0, $0xb8;
	[tilespmem:$0x10400] =	vst v63  }
0x16f: {  	v3 =	vld [tilespmem:$0x1E0];
	_ =	sdelay $0x4  }
0x170: {  	v30 =	vshll.u32 v3, $0x1  }
0x171: {  	v3 =	vand.u32 $0x7, v3;
	v4 =	vand.u32 $0xFFFFFFF0, v30  }
0x172: {  	v3 =	vor.u32 v3, v4  }
0x173: {  	v4 =	vperm.xlane v3, v0;
	_ =	sdelay $0x1  }
0x174: {  	v3 =	vperm.xlane v3, v2;
	v4 =	vadd.s32 v1, v4;
	_ =	sdelay $0x1  }
0x175: {  	v3 =	vadd.s32 v1, v3;
	_ =	sdelay $0x1  }
0x176: {  	s6 =	simm.s32 $0xE400  }
0x177: {  	[tilespmem:s6], [sflag:$0x2] =	stream.indirect_vreg.gather [hbm4b:s3+s2], $0x80, v4, vm0, $0xb8;
	[tilespmem:$0x10400] =	vst v63  }
0x178: {  	s8 =	simm.s32 $0xEC00  }
0x179: {  	[tilespmem:s8], [sflag:$0x2] =	stream.indirect_vreg.gather [hbm4b:s3+s2], $0x80, v3, vm0, $0xb8;
	[tilespmem:$0x10400] =	vst v63  }
0x17a: {  	v3 =	vld [tilespmem:$0x1F0];
	_ =	sdelay $0x4  }
0x17b: {  	v31 =	vshll.u32 v3, $0x1  }
0x17c: {  	v3 =	vand.u32 $0x7, v3;
	v4 =	vand.u32 $0xFFFFFFF0, v31  }
0x17d: {  	v3 =	vor.u32 v3, v4  }
0x17e: {  	v4 =	vperm.xlane v3, v0;
	_ =	sdelay $0x1  }
0x17f: {  	v3 =	vperm.xlane v3, v2;
	v4 =	vadd.s32 v1, v4;
	_ =	sdelay $0x1  }
0x180: {  	v3 =	vadd.s32 v1, v3;
	_ =	sdelay $0x1  }
0x181: {  	s9 =	simm.s32 $0xF400  }
0x182: {  	[tilespmem:s9], [sflag:$0x2] =	stream.indirect_vreg.gather [hbm4b:s3+s2], $0x80, v4, vm0, $0xb8;
	[tilespmem:$0x10400] =	vst v63  }
0x183: {  	s28 =	simm.s32 $0xFC00  }
0x184: {  	[tilespmem:s28], [sflag:$0x2] =	stream.indirect_vreg.gather [hbm4b:s3+s2], $0x80, v3, vm0, $0xb8;
	[tilespmem:$0x10400] =	vst v63  }
0x185: {  	s31 =	rddreg [dreg:$0x5]  }
0x186: {  	[hbm4b:s31+s2] =	stream.linear.scatter [tilespmem:s29], [sflag:$0x3], $0x8000, $0x38;
	[tilespmem:$0x10400] =	vst v63  }
0x187: {  	_ =	swait.ge [sflag:s5], $0x8000  }
0x188: {  	[sflag:s5] =	ssyncset.done $0x0  }
0x189: {  	[sflag:s5] =	ssyncadd.s32 $0xFFFF8000  }
0x18a: {  	_ =	swait.ge [sflag:s13], $0x8000  }
0x18b: {  	[sflag:s13] =	ssyncset.done $0x0  }
0x18c: {  	[sflag:s13] =	ssyncadd.s32 $0xFFFF8000  }
0x18d: {  	v3 =	vld [tilespmem:$0x200];
	_ =	sdelay $0x4  }
0x18e: {  	v32 =	vshll.u32 v3, $0x1  }
0x18f: {  	v3 =	vand.u32 $0x7, v3;
	v4 =	vand.u32 $0xFFFFFFF0, v32  }
0x190: {  	v3 =	vor.u32 v3, v4  }
0x191: {  	v4 =	vperm.xlane v3, v0;
	_ =	sdelay $0x1  }
0x192: {  	v3 =	vperm.xlane v3, v2;
	v4 =	vadd.s32 v1, v4;
	_ =	sdelay $0x1  }
0x193: {  	v3 =	vadd.s32 v1, v3;
	_ =	sdelay $0x2  }
0x194: {  	[tilespmem:s29], [sflag:$0x1] =	stream.indirect_vreg.gather [hbm4b:s3+s2], $0x80, v4, vm0, $0xb8;
	[tilespmem:$0x10400] =	vst v63  }
0x195: {  	s28 =	simm.s32 $0xC00  }
0x196: {  	[tilespmem:s28], [sflag:$0x1] =	stream.indirect_vreg.gather [hbm4b:s3+s2], $0x80, v3, vm0, $0xb8;
	[tilespmem:$0x10400] =	vst v63  }
0x197: {  	v3 =	vld [tilespmem:$0x210];
	_ =	sdelay $0x4  }
0x198: {  	v33 =	vshll.u32 v3, $0x1  }
0x199: {  	v3 =	vand.u32 $0x7, v3;
	v4 =	vand.u32 $0xFFFFFFF0, v33  }
0x19a: {  	v3 =	vor.u32 v3, v4  }
0x19b: {  	v4 =	vperm.xlane v3, v0;
	_ =	sdelay $0x1  }
0x19c: {  	v3 =	vperm.xlane v3, v2;
	v4 =	vadd.s32 v1, v4;
	_ =	sdelay $0x1  }
0x19d: {  	v3 =	vadd.s32 v1, v3;
	_ =	sdelay $0x1  }
0x19e: {  	s26 =	simm.s32 $0x1400  }
0x19f: {  	[tilespmem:s26], [sflag:$0x1] =	stream.indirect_vreg.gather [hbm4b:s3+s2], $0x80, v4, vm0, $0xb8;
	[tilespmem:$0x10400] =	vst v63  }
0x1a0: {  	s31 =	simm.s32 $0x1C00  }
0x1a1: {  	[tilespmem:s31], [sflag:$0x1] =	stream.indirect_vreg.gather [hbm4b:s3+s2], $0x80, v3, vm0, $0xb8;
	[tilespmem:$0x10400] =	vst v63  }
0x1a2: {  	v3 =	vld [tilespmem:$0x220];
	_ =	sdelay $0x4  }
0x1a3: {  	v34 =	vshll.u32 v3, $0x1  }
0x1a4: {  	v3 =	vand.u32 $0x7, v3;
	v4 =	vand.u32 $0xFFFFFFF0, v34  }
0x1a5: {  	v3 =	vor.u32 v3, v4  }
0x1a6: {  	v4 =	vperm.xlane v3, v0;
	_ =	sdelay $0x1  }
0x1a7: {  	v3 =	vperm.xlane v3, v2;
	v4 =	vadd.s32 v1, v4;
	_ =	sdelay $0x1  }
0x1a8: {  	v3 =	vadd.s32 v1, v3;
	_ =	sdelay $0x1  }
0x1a9: {  	s28 =	simm.s32 $0x2400  }
0x1aa: {  	[tilespmem:s28], [sflag:$0x1] =	stream.indirect_vreg.gather [hbm4b:s3+s2], $0x80, v4, vm0, $0xb8;
	[tilespmem:$0x10400] =	vst v63  }
0x1ab: {  	s31 =	simm.s32 $0x2C00  }
0x1ac: {  	[tilespmem:s31], [sflag:$0x1] =	stream.indirect_vreg.gather [hbm4b:s3+s2], $0x80, v3, vm0, $0xb8;
	[tilespmem:$0x10400] =	vst v63  }
0x1ad: {  	v3 =	vld [tilespmem:$0x230];
	_ =	sdelay $0x4  }
0x1ae: {  	v35 =	vshll.u32 v3, $0x1  }
0x1af: {  	v3 =	vand.u32 $0x7, v3;
	v4 =	vand.u32 $0xFFFFFFF0, v35  }
0x1b0: {  	v3 =	vor.u32 v3, v4  }
0x1b1: {  	v4 =	vperm.xlane v3, v0;
	_ =	sdelay $0x1  }
0x1b2: {  	v3 =	vperm.xlane v3, v2;
	v4 =	vadd.s32 v1, v4;
	_ =	sdelay $0x1  }
0x1b3: {  	v3 =	vadd.s32 v1, v3;
	_ =	sdelay $0x1  }
0x1b4: {  	s28 =	simm.s32 $0x3400  }
0x1b5: {  	[tilespmem:s28], [sflag:$0x1] =	stream.indirect_vreg.gather [hbm4b:s3+s2], $0x80, v4, vm0, $0xb8;
	[tilespmem:$0x10400] =	vst v63  }
0x1b6: {  	s31 =	simm.s32 $0x3C00  }
0x1b7: {  	[tilespmem:s31], [sflag:$0x1] =	stream.indirect_vreg.gather [hbm4b:s3+s2], $0x80, v3, vm0, $0xb8;
	[tilespmem:$0x10400] =	vst v63  }
0x1b8: {  	v3 =	vld [tilespmem:$0x240];
	_ =	sdelay $0x4  }
0x1b9: {  	v36 =	vshll.u32 v3, $0x1  }
0x1ba: {  	v3 =	vand.u32 $0x7, v3;
	v4 =	vand.u32 $0xFFFFFFF0, v36  }
0x1bb: {  	v3 =	vor.u32 v3, v4  }
0x1bc: {  	v4 =	vperm.xlane v3, v0;
	_ =	sdelay $0x1  }
0x1bd: {  	v3 =	vperm.xlane v3, v2;
	v4 =	vadd.s32 v1, v4;
	_ =	sdelay $0x1  }
0x1be: {  	v3 =	vadd.s32 v1, v3;
	_ =	sdelay $0x1  }
0x1bf: {  	s28 =	simm.s32 $0x4400  }
0x1c0: {  	[tilespmem:s28], [sflag:$0x1] =	stream.indirect_vreg.gather [hbm4b:s3+s2], $0x80, v4, vm0, $0xb8;
	[tilespmem:$0x10400] =	vst v63  }
0x1c1: {  	s31 =	simm.s32 $0x4C00  }
0x1c2: {  	[tilespmem:s31], [sflag:$0x1] =	stream.indirect_vreg.gather [hbm4b:s3+s2], $0x80, v3, vm0, $0xb8;
	[tilespmem:$0x10400] =	vst v63  }
0x1c3: {  	v3 =	vld [tilespmem:$0x250];
	_ =	sdelay $0x4  }
0x1c4: {  	v37 =	vshll.u32 v3, $0x1  }
0x1c5: {  	v3 =	vand.u32 $0x7, v3;
	v4 =	vand.u32 $0xFFFFFFF0, v37  }
0x1c6: {  	v3 =	vor.u32 v3, v4  }
0x1c7: {  	v4 =	vperm.xlane v3, v0;
	_ =	sdelay $0x1  }
0x1c8: {  	v3 =	vperm.xlane v3, v2;
	v4 =	vadd.s32 v1, v4;
	_ =	sdelay $0x1  }
0x1c9: {  	v3 =	vadd.s32 v1, v3;
	_ =	sdelay $0x2  }
0x1ca: {  	[tilespmem:s11], [sflag:$0x1] =	stream.indirect_vreg.gather [hbm4b:s3+s2], $0x80, v4, vm0, $0xb8;
	[tilespmem:$0x10400] =	vst v63  }
0x1cb: {  	_ = 	snop  }
0x1cc: {  	[tilespmem:s16], [sflag:$0x1] =	stream.indirect_vreg.gather [hbm4b:s3+s2], $0x80, v3, vm0, $0xb8;
	[tilespmem:$0x10400] =	vst v63  }
0x1cd: {  	v3 =	vld [tilespmem:$0x260];
	_ =	sdelay $0x4  }
0x1ce: {  	v38 =	vshll.u32 v3, $0x1  }
0x1cf: {  	v3 =	vand.u32 $0x7, v3;
	v4 =	vand.u32 $0xFFFFFFF0, v38  }
0x1d0: {  	v3 =	vor.u32 v3, v4  }
0x1d1: {  	v4 =	vperm.xlane v3, v0;
	_ =	sdelay $0x1  }
0x1d2: {  	v3 =	vperm.xlane v3, v2;
	v4 =	vadd.s32 v1, v4;
	_ =	sdelay $0x1  }
0x1d3: {  	v3 =	vadd.s32 v1, v3;
	_ =	sdelay $0x2  }
0x1d4: {  	[tilespmem:s17], [sflag:$0x1] =	stream.indirect_vreg.gather [hbm4b:s3+s2], $0x80, v4, vm0, $0xb8;
	[tilespmem:$0x10400] =	vst v63  }
0x1d5: {  	s17 =	simm.s32 $0x6C00  }
0x1d6: {  	[tilespmem:s17], [sflag:$0x1] =	stream.indirect_vreg.gather [hbm4b:s3+s2], $0x80, v3, vm0, $0xb8;
	[tilespmem:$0x10400] =	vst v63  }
0x1d7: {  	v3 =	vld [tilespmem:$0x270];
	_ =	sdelay $0x4  }
0x1d8: {  	v39 =	vshll.u32 v3, $0x1  }
0x1d9: {  	v3 =	vand.u32 $0x7, v3;
	v4 =	vand.u32 $0xFFFFFFF0, v39  }
0x1da: {  	v3 =	vor.u32 v3, v4  }
0x1db: {  	v4 =	vperm.xlane v3, v0;
	_ =	sdelay $0x1  }
0x1dc: {  	v3 =	vperm.xlane v3, v2;
	v4 =	vadd.s32 v1, v4;
	_ =	sdelay $0x1  }
0x1dd: {  	v3 =	vadd.s32 v1, v3;
	_ =	sdelay $0x1  }
0x1de: {  	s14 =	simm.s32 $0x7400  }
0x1df: {  	[tilespmem:s14], [sflag:$0x1] =	stream.indirect_vreg.gather [hbm4b:s3+s2], $0x80, v4, vm0, $0xb8;
	[tilespmem:$0x10400] =	vst v63  }
0x1e0: {  	s25 =	simm.s32 $0x7C00  }
0x1e1: {  	[tilespmem:s25], [sflag:$0x1] =	stream.indirect_vreg.gather [hbm4b:s3+s2], $0x80, v3, vm0, $0xb8;
	[tilespmem:$0x10400] =	vst v63  }
0x1e2: {  	s17 =	rddreg [dreg:$0x6]  }
0x1e3: {  	[hbm4b:s17+s2] =	stream.linear.scatter [tilespmem:s23], [sflag:$0x3], $0x8000, $0x38;
	[tilespmem:$0x10400] =	vst v63  }
0x1e4: {  	_ =	swait.ge [sflag:s5], $0x8000  }
0x1e5: {  	[sflag:s5] =	ssyncset.done $0x0  }
0x1e6: {  	[sflag:s5] =	ssyncadd.s32 $0xFFFF8000  }
0x1e7: {  	_ =	swait.ge [sflag:s22], $0x8000  }
0x1e8: {  	[sflag:s22] =	ssyncset.done $0x0  }
0x1e9: {  	[sflag:s22] =	ssyncadd.s32 $0xFFFF8000  }
0x1ea: {  	v3 =	vld [tilespmem:$0x280];
	_ =	sdelay $0x4  }
0x1eb: {  	v40 =	vshll.u32 v3, $0x1  }
0x1ec: {  	v3 =	vand.u32 $0x7, v3;
	v4 =	vand.u32 $0xFFFFFFF0, v40  }
0x1ed: {  	v3 =	vor.u32 v3, v4  }
0x1ee: {  	v4 =	vperm.xlane v3, v0;
	_ =	sdelay $0x1  }
0x1ef: {  	v3 =	vperm.xlane v3, v2;
	v4 =	vadd.s32 v1, v4;
	_ =	sdelay $0x1  }
0x1f0: {  	v3 =	vadd.s32 v1, v3;
	_ =	sdelay $0x2  }
0x1f1: {  	[tilespmem:s23], [sflag:$0x2] =	stream.indirect_vreg.gather [hbm4b:s3+s2], $0x80, v4, vm0, $0xb8;
	[tilespmem:$0x10400] =	vst v63  }
0x1f2: {  	s24 =	simm.s32 $0x8C00  }
0x1f3: {  	[tilespmem:s24], [sflag:$0x2] =	stream.indirect_vreg.gather [hbm4b:s3+s2], $0x80, v3, vm0, $0xb8;
	[tilespmem:$0x10400] =	vst v63  }
0x1f4: {  	v3 =	vld [tilespmem:$0x290];
	_ =	sdelay $0x4  }
0x1f5: {  	v41 =	vshll.u32 v3, $0x1  }
0x1f6: {  	v3 =	vand.u32 $0x7, v3;
	v4 =	vand.u32 $0xFFFFFFF0, v41  }
0x1f7: {  	v3 =	vor.u32 v3, v4  }
0x1f8: {  	v4 =	vperm.xlane v3, v0;
	_ =	sdelay $0x1  }
0x1f9: {  	v3 =	vperm.xlane v3, v2;
	v4 =	vadd.s32 v1, v4;
	_ =	sdelay $0x1  }
0x1fa: {  	v3 =	vadd.s32 v1, v3;
	_ =	sdelay $0x1  }
0x1fb: {  	s30 =	simm.s32 $0x9400  }
0x1fc: {  	[tilespmem:s30], [sflag:$0x2] =	stream.indirect_vreg.gather [hbm4b:s3+s2], $0x80, v4, vm0, $0xb8;
	[tilespmem:$0x10400] =	vst v63  }
0x1fd: {  	_ = 	snop  }
0x1fe: {  	[tilespmem:s10], [sflag:$0x2] =	stream.indirect_vreg.gather [hbm4b:s3+s2], $0x80, v3, vm0, $0xb8;
	[tilespmem:$0x10400] =	vst v63  }
0x1ff: {  	v3 =	vld [tilespmem:$0x2A0];
	_ =	sdelay $0x4  }
0x200: {  	v42 =	vshll.u32 v3, $0x1  }
0x201: {  	v3 =	vand.u32 $0x7, v3;
	v4 =	vand.u32 $0xFFFFFFF0, v42  }
0x202: {  	v3 =	vor.u32 v3, v4  }
0x203: {  	v4 =	vperm.xlane v3, v0;
	_ =	sdelay $0x1  }
0x204: {  	v3 =	vperm.xlane v3, v2;
	v4 =	vadd.s32 v1, v4;
	_ =	sdelay $0x1  }
0x205: {  	v3 =	vadd.s32 v1, v3;
	_ =	sdelay $0x1  }
0x206: {  	s19 =	simm.s32 $0xA400  }
0x207: {  	[tilespmem:s19], [sflag:$0x2] =	stream.indirect_vreg.gather [hbm4b:s3+s2], $0x80, v4, vm0, $0xb8;
	[tilespmem:$0x10400] =	vst v63  }
0x208: {  	_ = 	snop  }
0x209: {  	[tilespmem:s12], [sflag:$0x2] =	stream.indirect_vreg.gather [hbm4b:s3+s2], $0x80, v3, vm0, $0xb8;
	[tilespmem:$0x10400] =	vst v63  }
0x20a: {  	v3 =	vld [tilespmem:$0x2B0];
	_ =	sdelay $0x4  }
0x20b: {  	v43 =	vshll.u32 v3, $0x1  }
0x20c: {  	v3 =	vand.u32 $0x7, v3;
	v4 =	vand.u32 $0xFFFFFFF0, v43  }
0x20d: {  	v3 =	vor.u32 v3, v4  }
0x20e: {  	v4 =	vperm.xlane v3, v0;
	_ =	sdelay $0x1  }
0x20f: {  	v3 =	vperm.xlane v3, v2;
	v4 =	vadd.s32 v1, v4;
	_ =	sdelay $0x1  }
0x210: {  	v3 =	vadd.s32 v1, v3;
	_ =	sdelay $0x1  }
0x211: {  	s20 =	simm.s32 $0xB400  }
0x212: {  	[tilespmem:s20], [sflag:$0x2] =	stream.indirect_vreg.gather [hbm4b:s3+s2], $0x80, v4, vm0, $0xb8;
	[tilespmem:$0x10400] =	vst v63  }
0x213: {  	_ = 	snop  }
0x214: {  	[tilespmem:s15], [sflag:$0x2] =	stream.indirect_vreg.gather [hbm4b:s3+s2], $0x80, v3, vm0, $0xb8;
	[tilespmem:$0x10400] =	vst v63  }
0x215: {  	v3 =	vld [tilespmem:$0x2C0];
	_ =	sdelay $0x4  }
0x216: {  	v44 =	vshll.u32 v3, $0x1  }
0x217: {  	v3 =	vand.u32 $0x7, v3;
	v4 =	vand.u32 $0xFFFFFFF0, v44  }
0x218: {  	v3 =	vor.u32 v3, v4  }
0x219: {  	v4 =	vperm.xlane v3, v0;
	_ =	sdelay $0x1  }
0x21a: {  	v3 =	vperm.xlane v3, v2;
	v4 =	vadd.s32 v1, v4;
	_ =	sdelay $0x1  }
0x21b: {  	v3 =	vadd.s32 v1, v3;
	_ =	sdelay $0x2  }
0x21c: {  	[tilespmem:s0], [sflag:$0x2] =	stream.indirect_vreg.gather [hbm4b:s3+s2], $0x80, v4, vm0, $0xb8;
	[tilespmem:$0x10400] =	vst v63  }
0x21d: {  	s18 =	simm.s32 $0xCC00  }
0x21e: {  	[tilespmem:s18], [sflag:$0x2] =	stream.indirect_vreg.gather [hbm4b:s3+s2], $0x80, v3, vm0, $0xb8;
	[tilespmem:$0x10400] =	vst v63  }
0x21f: {  	v3 =	vld [tilespmem:$0x2D0];
	_ =	sdelay $0x4  }
0x220: {  	v45 =	vshll.u32 v3, $0x1  }
0x221: {  	v3 =	vand.u32 $0x7, v3;
	v4 =	vand.u32 $0xFFFFFFF0, v45  }
0x222: {  	v3 =	vor.u32 v3, v4  }
0x223: {  	v4 =	vperm.xlane v3, v0;
	_ =	sdelay $0x1  }
0x224: {  	v3 =	vperm.xlane v3, v2;
	v4 =	vadd.s32 v1, v4;
	_ =	sdelay $0x1  }
0x225: {  	v3 =	vadd.s32 v1, v3;
	_ =	sdelay $0x2  }
0x226: {  	[tilespmem:s1], [sflag:$0x2] =	stream.indirect_vreg.gather [hbm4b:s3+s2], $0x80, v4, vm0, $0xb8;
	[tilespmem:$0x10400] =	vst v63  }
0x227: {  	_ = 	snop  }
0x228: {  	[tilespmem:s7], [sflag:$0x2] =	stream.indirect_vreg.gather [hbm4b:s3+s2], $0x80, v3, vm0, $0xb8;
	[tilespmem:$0x10400] =	vst v63  }
0x229: {  	v3 =	vld [tilespmem:$0x2E0];
	_ =	sdelay $0x4  }
0x22a: {  	v46 =	vshll.u32 v3, $0x1  }
0x22b: {  	v3 =	vand.u32 $0x7, v3;
	v4 =	vand.u32 $0xFFFFFFF0, v46  }
0x22c: {  	v3 =	vor.u32 v3, v4  }
0x22d: {  	v4 =	vperm.xlane v3, v0;
	_ =	sdelay $0x1  }
0x22e: {  	v3 =	vperm.xlane v3, v2;
	v4 =	vadd.s32 v1, v4;
	_ =	sdelay $0x1  }
0x22f: {  	v3 =	vadd.s32 v1, v3;
	_ =	sdelay $0x2  }
0x230: {  	[tilespmem:s6], [sflag:$0x2] =	stream.indirect_vreg.gather [hbm4b:s3+s2], $0x80, v4, vm0, $0xb8;
	[tilespmem:$0x10400] =	vst v63  }
0x231: {  	_ = 	snop  }
0x232: {  	[tilespmem:s8], [sflag:$0x2] =	stream.indirect_vreg.gather [hbm4b:s3+s2], $0x80, v3, vm0, $0xb8;
	[tilespmem:$0x10400] =	vst v63  }
0x233: {  	v3 =	vld [tilespmem:$0x2F0];
	_ =	sdelay $0x4  }
0x234: {  	v47 =	vshll.u32 v3, $0x1  }
0x235: {  	v3 =	vand.u32 $0x7, v3;
	v4 =	vand.u32 $0xFFFFFFF0, v47  }
0x236: {  	v3 =	vor.u32 v3, v4  }
0x237: {  	v4 =	vperm.xlane v3, v0;
	_ =	sdelay $0x1  }
0x238: {  	v3 =	vperm.xlane v3, v2;
	v4 =	vadd.s32 v1, v4;
	_ =	sdelay $0x1  }
0x239: {  	v3 =	vadd.s32 v1, v3;
	_ =	sdelay $0x2  }
0x23a: {  	[tilespmem:s9], [sflag:$0x2] =	stream.indirect_vreg.gather [hbm4b:s3+s2], $0x80, v4, vm0, $0xb8;
	[tilespmem:$0x10400] =	vst v63  }
0x23b: {  	s21 =	simm.s32 $0xFC00  }
0x23c: {  	[tilespmem:s21], [sflag:$0x2] =	stream.indirect_vreg.gather [hbm4b:s3+s2], $0x80, v3, vm0, $0xb8;
	[tilespmem:$0x10400] =	vst v63  }
0x23d: {  	s30 =	rddreg [dreg:$0x7]  }
0x23e: {  	[hbm4b:s30+s2] =	stream.linear.scatter [tilespmem:s29], [sflag:$0x3], $0x8000, $0x38;
	[tilespmem:$0x10400] =	vst v63  }
0x23f: {  	_ =	swait.ge [sflag:s5], $0x8000  }
0x240: {  	[sflag:s5] =	ssyncset.done $0x0  }
0x241: {  	[sflag:s5] =	ssyncadd.s32 $0xFFFF8000  }
0x242: {  	_ =	swait.ge [sflag:s13], $0x8000  }
0x243: {  	[sflag:s13] =	ssyncset.done $0x0  }
0x244: {  	[sflag:s13] =	ssyncadd.s32 $0xFFFF8000  }
0x245: {  	v3 =	vld [tilespmem:$0x300];
	_ =	sdelay $0x4  }
0x246: {  	v48 =	vshll.u32 v3, $0x1  }
0x247: {  	v3 =	vand.u32 $0x7, v3;
	v4 =	vand.u32 $0xFFFFFFF0, v48  }
0x248: {  	v3 =	vor.u32 v3, v4  }
0x249: {  	v4 =	vperm.xlane v3, v0;
	_ =	sdelay $0x1  }
0x24a: {  	v3 =	vperm.xlane v3, v2;
	v4 =	vadd.s32 v1, v4;
	_ =	sdelay $0x1  }
0x24b: {  	v3 =	vadd.s32 v1, v3;
	_ =	sdelay $0x2  }
0x24c: {  	[tilespmem:s29], [sflag:$0x1] =	stream.indirect_vreg.gather [hbm4b:s3+s2], $0x80, v4, vm0, $0xb8;
	[tilespmem:$0x10400] =	vst v63  }
0x24d: {  	s21 =	simm.s32 $0xC00  }
0x24e: {  	[tilespmem:s21], [sflag:$0x1] =	stream.indirect_vreg.gather [hbm4b:s3+s2], $0x80, v3, vm0, $0xb8;
	[tilespmem:$0x10400] =	vst v63  }
0x24f: {  	v3 =	vld [tilespmem:$0x310];
	_ =	sdelay $0x4  }
0x250: {  	v49 =	vshll.u32 v3, $0x1  }
0x251: {  	v3 =	vand.u32 $0x7, v3;
	v4 =	vand.u32 $0xFFFFFFF0, v49  }
0x252: {  	v3 =	vor.u32 v3, v4  }
0x253: {  	v4 =	vperm.xlane v3, v0;
	_ =	sdelay $0x1  }
0x254: {  	v3 =	vperm.xlane v3, v2;
	v4 =	vadd.s32 v1, v4;
	_ =	sdelay $0x1  }
0x255: {  	v3 =	vadd.s32 v1, v3;
	_ =	sdelay $0x1  }
0x256: {  	s26 =	simm.s32 $0x1400  }
0x257: {  	[tilespmem:s26], [sflag:$0x1] =	stream.indirect_vreg.gather [hbm4b:s3+s2], $0x80, v4, vm0, $0xb8;
	[tilespmem:$0x10400] =	vst v63  }
0x258: {  	s30 =	simm.s32 $0x1C00  }
0x259: {  	[tilespmem:s30], [sflag:$0x1] =	stream.indirect_vreg.gather [hbm4b:s3+s2], $0x80, v3, vm0, $0xb8;
	[tilespmem:$0x10400] =	vst v63  }
0x25a: {  	v3 =	vld [tilespmem:$0x320];
	_ =	sdelay $0x4  }
0x25b: {  	v50 =	vshll.u32 v3, $0x1  }
0x25c: {  	v3 =	vand.u32 $0x7, v3;
	v4 =	vand.u32 $0xFFFFFFF0, v50  }
0x25d: {  	v3 =	vor.u32 v3, v4  }
0x25e: {  	v4 =	vperm.xlane v3, v0;
	_ =	sdelay $0x1  }
0x25f: {  	v3 =	vperm.xlane v3, v2;
	v4 =	vadd.s32 v1, v4;
	_ =	sdelay $0x1  }
0x260: {  	v3 =	vadd.s32 v1, v3;
	_ =	sdelay $0x1  }
0x261: {  	s21 =	simm.s32 $0x2400  }
0x262: {  	[tilespmem:s21], [sflag:$0x1] =	stream.indirect_vreg.gather [hbm4b:s3+s2], $0x80, v4, vm0, $0xb8;
	[tilespmem:$0x10400] =	vst v63  }
0x263: {  	s26 =	simm.s32 $0x2C00  }
0x264: {  	[tilespmem:s26], [sflag:$0x1] =	stream.indirect_vreg.gather [hbm4b:s3+s2], $0x80, v3, vm0, $0xb8;
	[tilespmem:$0x10400] =	vst v63  }
0x265: {  	v3 =	vld [tilespmem:$0x330];
	_ =	sdelay $0x4  }
0x266: {  	v51 =	vshll.u32 v3, $0x1  }
0x267: {  	v3 =	vand.u32 $0x7, v3;
	v4 =	vand.u32 $0xFFFFFFF0, v51  }
0x268: {  	v3 =	vor.u32 v3, v4  }
0x269: {  	v4 =	vperm.xlane v3, v0;
	_ =	sdelay $0x1  }
0x26a: {  	v3 =	vperm.xlane v3, v2;
	v4 =	vadd.s32 v1, v4;
	_ =	sdelay $0x1  }
0x26b: {  	v3 =	vadd.s32 v1, v3;
	_ =	sdelay $0x1  }
0x26c: {  	s30 =	simm.s32 $0x3400  }
0x26d: {  	[tilespmem:s30], [sflag:$0x1] =	stream.indirect_vreg.gather [hbm4b:s3+s2], $0x80, v4, vm0, $0xb8;
	[tilespmem:$0x10400] =	vst v63  }
0x26e: {  	s21 =	simm.s32 $0x3C00  }
0x26f: {  	[tilespmem:s21], [sflag:$0x1] =	stream.indirect_vreg.gather [hbm4b:s3+s2], $0x80, v3, vm0, $0xb8;
	[tilespmem:$0x10400] =	vst v63  }
0x270: {  	v3 =	vld [tilespmem:$0x340];
	_ =	sdelay $0x4  }
0x271: {  	v52 =	vshll.u32 v3, $0x1  }
0x272: {  	v3 =	vand.u32 $0x7, v3;
	v4 =	vand.u32 $0xFFFFFFF0, v52  }
0x273: {  	v3 =	vor.u32 v3, v4  }
0x274: {  	v4 =	vperm.xlane v3, v0;
	_ =	sdelay $0x1  }
0x275: {  	v3 =	vperm.xlane v3, v2;
	v4 =	vadd.s32 v1, v4;
	_ =	sdelay $0x1  }
0x276: {  	v3 =	vadd.s32 v1, v3;
	_ =	sdelay $0x1  }
0x277: {  	s26 =	simm.s32 $0x4400  }
0x278: {  	[tilespmem:s26], [sflag:$0x1] =	stream.indirect_vreg.gather [hbm4b:s3+s2], $0x80, v4, vm0, $0xb8;
	[tilespmem:$0x10400] =	vst v63  }
0x279: {  	s30 =	simm.s32 $0x4C00  }
0x27a: {  	[tilespmem:s30], [sflag:$0x1] =	stream.indirect_vreg.gather [hbm4b:s3+s2], $0x80, v3, vm0, $0xb8;
	[tilespmem:$0x10400] =	vst v63  }
0x27b: {  	v3 =	vld [tilespmem:$0x350];
	_ =	sdelay $0x4  }
0x27c: {  	v53 =	vshll.u32 v3, $0x1  }
0x27d: {  	v3 =	vand.u32 $0x7, v3;
	v4 =	vand.u32 $0xFFFFFFF0, v53  }
0x27e: {  	v3 =	vor.u32 v3, v4  }
0x27f: {  	v4 =	vperm.xlane v3, v0;
	_ =	sdelay $0x1  }
0x280: {  	v3 =	vperm.xlane v3, v2;
	v4 =	vadd.s32 v1, v4;
	_ =	sdelay $0x1  }
0x281: {  	v3 =	vadd.s32 v1, v3;
	_ =	sdelay $0x1  }
0x282: {  	s28 =	simm.s32 $0x5400  }
0x283: {  	[tilespmem:s28], [sflag:$0x1] =	stream.indirect_vreg.gather [hbm4b:s3+s2], $0x80, v4, vm0, $0xb8;
	[tilespmem:$0x10400] =	vst v63  }
0x284: {  	s16 =	simm.s32 $0x5C00  }
0x285: {  	[tilespmem:s16], [sflag:$0x1] =	stream.indirect_vreg.gather [hbm4b:s3+s2], $0x80, v3, vm0, $0xb8;
	[tilespmem:$0x10400] =	vst v63  }
0x286: {  	v3 =	vld [tilespmem:$0x360];
	_ =	sdelay $0x4  }
0x287: {  	v54 =	vshll.u32 v3, $0x1  }
0x288: {  	v3 =	vand.u32 $0x7, v3;
	v4 =	vand.u32 $0xFFFFFFF0, v54  }
0x289: {  	v3 =	vor.u32 v3, v4  }
0x28a: {  	v4 =	vperm.xlane v3, v0;
	_ =	sdelay $0x1  }
0x28b: {  	v3 =	vperm.xlane v3, v2;
	v4 =	vadd.s32 v1, v4;
	_ =	sdelay $0x1  }
0x28c: {  	v3 =	vadd.s32 v1, v3;
	_ =	sdelay $0x1  }
0x28d: {  	s31 =	simm.s32 $0x6400  }
0x28e: {  	[tilespmem:s31], [sflag:$0x1] =	stream.indirect_vreg.gather [hbm4b:s3+s2], $0x80, v4, vm0, $0xb8;
	[tilespmem:$0x10400] =	vst v63  }
0x28f: {  	s21 =	simm.s32 $0x6C00  }
0x290: {  	[tilespmem:s21], [sflag:$0x1] =	stream.indirect_vreg.gather [hbm4b:s3+s2], $0x80, v3, vm0, $0xb8;
	[tilespmem:$0x10400] =	vst v63  }
0x291: {  	v3 =	vld [tilespmem:$0x370];
	_ =	sdelay $0x4  }
0x292: {  	v55 =	vshll.u32 v3, $0x1  }
0x293: {  	v3 =	vand.u32 $0x7, v3;
	v4 =	vand.u32 $0xFFFFFFF0, v55  }
0x294: {  	v3 =	vor.u32 v3, v4  }
0x295: {  	v4 =	vperm.xlane v3, v0;
	_ =	sdelay $0x1  }
0x296: {  	v3 =	vperm.xlane v3, v2;
	v4 =	vadd.s32 v1, v4;
	_ =	sdelay $0x1  }
0x297: {  	v3 =	vadd.s32 v1, v3;
	_ =	sdelay $0x1  }
0x298: {  	s26 =	simm.s32 $0x7400  }
0x299: {  	[tilespmem:s26], [sflag:$0x1] =	stream.indirect_vreg.gather [hbm4b:s3+s2], $0x80, v4, vm0, $0xb8;
	[tilespmem:$0x10400] =	vst v63  }
0x29a: {  	s25 =	simm.s32 $0x7C00  }
0x29b: {  	[tilespmem:s25], [sflag:$0x1] =	stream.indirect_vreg.gather [hbm4b:s3+s2], $0x80, v3, vm0, $0xb8;
	[tilespmem:$0x10400] =	vst v63  }
0x29c: {  	s28 =	rddreg [dreg:$0x8]  }
0x29d: {  	[hbm4b:s28+s2] =	stream.linear.scatter [tilespmem:s23], [sflag:$0x3], $0x8000, $0x38;
	[tilespmem:$0x10400] =	vst v63  }
0x29e: {  	_ =	swait.ge [sflag:s5], $0x8000  }
0x29f: {  	[sflag:s5] =	ssyncset.done $0x0  }
0x2a0: {  	[sflag:s5] =	ssyncadd.s32 $0xFFFF8000  }
0x2a1: {  	_ =	swait.ge [sflag:s22], $0x8000  }
0x2a2: {  	[sflag:s22] =	ssyncset.done $0x0  }
0x2a3: {  	[sflag:s22] =	ssyncadd.s32 $0xFFFF8000  }
0x2a4: {  	v3 =	vld [tilespmem:$0x380];
	_ =	sdelay $0x4  }
0x2a5: {  	v56 =	vshll.u32 v3, $0x1  }
0x2a6: {  	v3 =	vand.u32 $0x7, v3;
	v4 =	vand.u32 $0xFFFFFFF0, v56  }
0x2a7: {  	v3 =	vor.u32 v3, v4  }
0x2a8: {  	v4 =	vperm.xlane v3, v0;
	_ =	sdelay $0x1  }
0x2a9: {  	v3 =	vperm.xlane v3, v2;
	v4 =	vadd.s32 v1, v4;
	_ =	sdelay $0x1  }
0x2aa: {  	v3 =	vadd.s32 v1, v3;
	_ =	sdelay $0x2  }
0x2ab: {  	[tilespmem:s23], [sflag:$0x2] =	stream.indirect_vreg.gather [hbm4b:s3+s2], $0x80, v4, vm0, $0xb8;
	[tilespmem:$0x10400] =	vst v63  }
0x2ac: {  	s24 =	simm.s32 $0x8C00  }
0x2ad: {  	[tilespmem:s24], [sflag:$0x2] =	stream.indirect_vreg.gather [hbm4b:s3+s2], $0x80, v3, vm0, $0xb8;
	[tilespmem:$0x10400] =	vst v63  }
0x2ae: {  	v3 =	vld [tilespmem:$0x390];
	_ =	sdelay $0x4  }
0x2af: {  	v57 =	vshll.u32 v3, $0x1  }
0x2b0: {  	v3 =	vand.u32 $0x7, v3;
	v4 =	vand.u32 $0xFFFFFFF0, v57  }
0x2b1: {  	v3 =	vor.u32 v3, v4  }
0x2b2: {  	v4 =	vperm.xlane v3, v0;
	_ =	sdelay $0x1  }
0x2b3: {  	v3 =	vperm.xlane v3, v2;
	v4 =	vadd.s32 v1, v4;
	_ =	sdelay $0x1  }
0x2b4: {  	v3 =	vadd.s32 v1, v3;
	_ =	sdelay $0x1  }
0x2b5: {  	s17 =	simm.s32 $0x9400  }
0x2b6: {  	[tilespmem:s17], [sflag:$0x2] =	stream.indirect_vreg.gather [hbm4b:s3+s2], $0x80, v4, vm0, $0xb8;
	[tilespmem:$0x10400] =	vst v63  }
0x2b7: {  	s10 =	simm.s32 $0x9C00  }
0x2b8: {  	[tilespmem:s10], [sflag:$0x2] =	stream.indirect_vreg.gather [hbm4b:s3+s2], $0x80, v3, vm0, $0xb8;
	[tilespmem:$0x10400] =	vst v63  }
0x2b9: {  	v3 =	vld [tilespmem:$0x3A0];
	_ =	sdelay $0x4  }
0x2ba: {  	v58 =	vshll.u32 v3, $0x1  }
0x2bb: {  	v3 =	vand.u32 $0x7, v3;
	v4 =	vand.u32 $0xFFFFFFF0, v58  }
0x2bc: {  	v3 =	vor.u32 v3, v4  }
0x2bd: {  	v4 =	vperm.xlane v3, v0;
	_ =	sdelay $0x1  }
0x2be: {  	v3 =	vperm.xlane v3, v2;
	v4 =	vadd.s32 v1, v4;
	_ =	sdelay $0x1  }
0x2bf: {  	v3 =	vadd.s32 v1, v3;
	_ =	sdelay $0x1  }
0x2c0: {  	s19 =	simm.s32 $0xA400  }
0x2c1: {  	[tilespmem:s19], [sflag:$0x2] =	stream.indirect_vreg.gather [hbm4b:s3+s2], $0x80, v4, vm0, $0xb8;
	[tilespmem:$0x10400] =	vst v63  }
0x2c2: {  	s11 =	simm.s32 $0xAC00  }
0x2c3: {  	[tilespmem:s11], [sflag:$0x2] =	stream.indirect_vreg.gather [hbm4b:s3+s2], $0x80, v3, vm0, $0xb8;
	[tilespmem:$0x10400] =	vst v63  }
0x2c4: {  	v3 =	vld [tilespmem:$0x3B0];
	_ =	sdelay $0x4  }
0x2c5: {  	v59 =	vshll.u32 v3, $0x1  }
0x2c6: {  	v3 =	vand.u32 $0x7, v3;
	v4 =	vand.u32 $0xFFFFFFF0, v59  }
0x2c7: {  	v3 =	vor.u32 v3, v4  }
0x2c8: {  	v4 =	vperm.xlane v3, v0;
	_ =	sdelay $0x1  }
0x2c9: {  	v3 =	vperm.xlane v3, v2;
	v4 =	vadd.s32 v1, v4;
	_ =	sdelay $0x1  }
0x2ca: {  	v3 =	vadd.s32 v1, v3;
	_ =	sdelay $0x1  }
0x2cb: {  	s20 =	simm.s32 $0xB400  }
0x2cc: {  	[tilespmem:s20], [sflag:$0x2] =	stream.indirect_vreg.gather [hbm4b:s3+s2], $0x80, v4, vm0, $0xb8;
	[tilespmem:$0x10400] =	vst v63  }
0x2cd: {  	s12 =	simm.s32 $0xBC00  }
0x2ce: {  	[tilespmem:s12], [sflag:$0x2] =	stream.indirect_vreg.gather [hbm4b:s3+s2], $0x80, v3, vm0, $0xb8;
	[tilespmem:$0x10400] =	vst v63  }
0x2cf: {  	v3 =	vld [tilespmem:$0x3C0];
	_ =	sdelay $0x4  }
0x2d0: {  	v60 =	vshll.u32 v3, $0x1  }
0x2d1: {  	v3 =	vand.u32 $0x7, v3;
	v4 =	vand.u32 $0xFFFFFFF0, v60  }
0x2d2: {  	v3 =	vor.u32 v3, v4  }
0x2d3: {  	v4 =	vperm.xlane v3, v0;
	_ =	sdelay $0x1  }
0x2d4: {  	v3 =	vperm.xlane v3, v2;
	v4 =	vadd.s32 v1, v4;
	_ =	sdelay $0x1  }
0x2d5: {  	v3 =	vadd.s32 v1, v3;
	_ =	sdelay $0x1  }
0x2d6: {  	s0 =	simm.s32 $0xC400  }
0x2d7: {  	[tilespmem:s0], [sflag:$0x2] =	stream.indirect_vreg.gather [hbm4b:s3+s2], $0x80, v4, vm0, $0xb8;
	[tilespmem:$0x10400] =	vst v63  }
0x2d8: {  	s15 =	simm.s32 $0xCC00  }
0x2d9: {  	[tilespmem:s15], [sflag:$0x2] =	stream.indirect_vreg.gather [hbm4b:s3+s2], $0x80, v3, vm0, $0xb8;
	[tilespmem:$0x10400] =	vst v63  }
0x2da: {  	v3 =	vld [tilespmem:$0x3D0];
	_ =	sdelay $0x4  }
0x2db: {  	v61 =	vshll.u32 v3, $0x1  }
0x2dc: {  	v3 =	vand.u32 $0x7, v3;
	v4 =	vand.u32 $0xFFFFFFF0, v61  }
0x2dd: {  	v3 =	vor.u32 v3, v4  }
0x2de: {  	v4 =	vperm.xlane v3, v0;
	_ =	sdelay $0x1  }
0x2df: {  	v3 =	vperm.xlane v3, v2;
	v4 =	vadd.s32 v1, v4;
	_ =	sdelay $0x1  }
0x2e0: {  	v3 =	vadd.s32 v1, v3;
	_ =	sdelay $0x1  }
0x2e1: {  	s1 =	simm.s32 $0xD400  }
0x2e2: {  	[tilespmem:s1], [sflag:$0x2] =	stream.indirect_vreg.gather [hbm4b:s3+s2], $0x80, v4, vm0, $0xb8;
	[tilespmem:$0x10400] =	vst v63  }
0x2e3: {  	s7 =	simm.s32 $0xDC00  }
0x2e4: {  	[tilespmem:s7], [sflag:$0x2] =	stream.indirect_vreg.gather [hbm4b:s3+s2], $0x80, v3, vm0, $0xb8;
	[tilespmem:$0x10400] =	vst v63  }
0x2e5: {  	v3 =	vld [tilespmem:$0x3E0];
	_ =	sdelay $0x4  }
0x2e6: {  	v62 =	vshll.u32 v3, $0x1  }
0x2e7: {  	v3 =	vand.u32 $0x7, v3;
	v4 =	vand.u32 $0xFFFFFFF0, v62  }
0x2e8: {  	v3 =	vor.u32 v3, v4  }
0x2e9: {  	v4 =	vperm.xlane v3, v0;
	_ =	sdelay $0x1  }
0x2ea: {  	v3 =	vperm.xlane v3, v2;
	v4 =	vadd.s32 v1, v4;
	_ =	sdelay $0x1  }
0x2eb: {  	v3 =	vadd.s32 v1, v3;
	_ =	sdelay $0x1  }
0x2ec: {  	s6 =	simm.s32 $0xE400  }
0x2ed: {  	[tilespmem:s6], [sflag:$0x2] =	stream.indirect_vreg.gather [hbm4b:s3+s2], $0x80, v4, vm0, $0xb8;
	[tilespmem:$0x10400] =	vst v63  }
0x2ee: {  	s8 =	simm.s32 $0xEC00  }
0x2ef: {  	[tilespmem:s8], [sflag:$0x2] =	stream.indirect_vreg.gather [hbm4b:s3+s2], $0x80, v3, vm0, $0xb8;
	[tilespmem:$0x10400] =	vst v63  }
0x2f0: {  	v3 =	vld [tilespmem:$0x3F0];
	_ =	sdelay $0x4  }
0x2f1: {  	v63 =	vshll.u32 v3, $0x1  }
0x2f2: {  	v3 =	vand.u32 $0x7, v3;
	v4 =	vand.u32 $0xFFFFFFF0, v63  }
0x2f3: {  	v3 =	vor.u32 v3, v4  }
0x2f4: {  	v4 =	vperm.xlane v3, v0;
	_ =	sdelay $0x1  }
0x2f5: {  	v3 =	vperm.xlane v3, v2;
	v4 =	vadd.s32 v1, v4;
	_ =	sdelay $0x1  }
0x2f6: {  	v3 =	vadd.s32 v1, v3;
	_ =	sdelay $0x1  }
0x2f7: {  	s9 =	simm.s32 $0xF400  }
0x2f8: {  	[tilespmem:s9], [sflag:$0x2] =	stream.indirect_vreg.gather [hbm4b:s3+s2], $0x80, v4, vm0, $0xb8;
	[tilespmem:$0x10400] =	vst v63  }
0x2f9: {  	s18 =	simm.s32 $0xFC00  }
0x2fa: {  	[tilespmem:s18], [sflag:$0x2] =	stream.indirect_vreg.gather [hbm4b:s3+s2], $0x80, v3, vm0, $0xb8;
	[tilespmem:$0x10400] =	vst v63  }
0x2fb: {  	s30 =	rddreg [dreg:$0x9]  }
0x2fc: {  	[hbm4b:s30+s2] =	stream.linear.scatter [tilespmem:s29], [sflag:$0x3], $0x8000, $0x38;
	[tilespmem:$0x10400] =	vst v63  }
0x2fd: {  	_ =	swait.ge [sflag:s5], $0x8000  }
0x2fe: {  	[sflag:s5] =	ssyncset.done $0x0  }
0x2ff: {  	[sflag:s5] =	ssyncadd.s32 $0xFFFF8000  }
0x300: {  	_ =	swait.ge [sflag:s13], $0x8000  }
0x301: {  	p0 =	sne.s32 s4, $0x1;
	[sflag:s13] =	ssyncset.done $0x0  }
.Ltmp0:
0x302: {  	s31 =	rddreg [dreg:$0xa];
	[sflag:s13] =	ssyncadd.s32 $0xFFFF8000;
	(pc) =	sbr.rel @p0 .LBB2_1-.Ltmp0, $4  }
0x303: {  	[hbm4b:s31+s2] =	stream.linear.scatter [tilespmem:s23], [sflag:$0x3], $0x8000, $0x38;
	[tilespmem:$0x10400] =	vst v63  }
0x304: {  	_ =	swait.ge [sflag:s5], $0x8000  }
0x305: {  	[sflag:s5] =	ssyncset.done $0x0  }
0x306: {  	s4 =	sadd.s32 $0xFFFFFFFF, s4;
	[sflag:s5] =	ssyncadd.s32 $0xFFFF8000  }
0x307: {  	_ =	sfence.sel $0x180000  }
0x308: {  	[bflag:$0x0] =	sbarrier.arrive $0xFFFF  }
0x309: {  	_ =	strace $0x9000004D  }
0x30a: {  	s0 =	stileid.u32;
	[bflag:$0x2] =	sbarrier.arrive $0xFFFF  }
0x30b: {  	p0 =	sne.s32 s0, $0x0;
	s0 =	rddreg [dreg:$0x1]  }
0x30c: {  	s0 =	sadd.s32 @!p0 $0x100000, s0  }
0x30d: {  	[sflag:s0] =	ssyncadd.tile.s32 @!p0 $0x1;
	_ =	shalt  }
.Lfunc_end2:
_tile_overlayer_lowered:
.L_overlay_start_2:
0x30e: {  	(tag) =	ssettag $0x2  }
0x30f: {  	s0 =	rddreg [dreg:$0x0];
	s2 =	stileid.u32  }
0x310: {  	s1 =	rddreg [dreg:$0x1];
	p0 =	sne.s32 s2, $0x0  }
0x311: {  	s3 =	rddreg [dreg:$0x2];
	[bflag:$0x3] =	sbarrier.arrive $0xFFFF;
	s2 =	simm.s32 @!p0 $0x1C03  }
0x312: {  	[timem:s3], [sflag:s2] =	dma.local @!p0 [hbm:s0], s1  }
0x313: {  	s0 =	simm.s32 @!p0 $0x3  }
0x314: {  	_ =	swait.ge @!p0 [sflag:s0], s1  }
0x315: {  	s1 =	ssub.s32 @!p0 $0x0, s1;
	[sflag:s0] =	ssyncset.done @!p0 $0x0  }
0x316: {  	[sflag:s0] =	ssyncadd.s32 @!p0 s1  }
0x317: {  	[bflag:$0x3] =	sbarrier.arrive $0xFFFF  }
0x318: {  	_ =	shalt  }

</sc_bundles>
